<compile_context>
chip_gen: v7x
topology: tpu7x:2x2x1
jax: 0.10.2.dev20260603
libtpu: 0.0.44.dev20260713+nightly
codegen_flags: <defaults>
</compile_context>

<pallas_src>
import functools

import jax
import jax.numpy as jnp
from jax import lax
from jax.experimental import pallas as pl
from jax.experimental.pallas import tpu as pltpu
from jax.experimental.pallas import tpu_sc as plsc

B = 4096
V = 100000
D = 128
CTX = 10
NEG = 20

NC = 2
NS = 16
NW = NC * NS
ROWS_W = B // NW
CB = 8
NCHUNK = ROWS_W // CB
L = 16
DK = D // L
NSCORE = NEG + 1
NCOMB = CB * (NEG + 1)
HCOMB = NCOMB // 2


def _sc_scores_kernel(ctx_idx_hbm, comb_idx_hbm,
                      in_emb_hbm, out_emb_hbm, out_hbm,
                      ctx_idx_v, comb_idx_v,
                      ctx_rows_0, comb_rows_0,
                      ctx_rows_1, comb_rows_1,
                      part_0, part_1, sem0, sem1, semw0, semw1):
    wid = lax.axis_index("s") * NC + lax.axis_index("c")
    base = wid * ROWS_W

    bufs0 = (ctx_rows_0, comb_rows_0)
    bufs1 = (ctx_rows_1, comb_rows_1)

    pltpu.sync_copy(ctx_idx_hbm.at[pl.ds(wid * NCHUNK, NCHUNK)], ctx_idx_v)
    pltpu.sync_copy(comb_idx_hbm.at[pl.ds(wid * 2 * NCHUNK, 2 * NCHUNK)],
                    comb_idx_v)

    def fire(i, bufs, sem):
        ctx_rows, comb_rows = bufs
        pltpu.async_copy(in_emb_hbm.at[ctx_idx_v.at[i]], ctx_rows, sem)
        pltpu.async_copy(out_emb_hbm.at[comb_idx_v.at[2 * i]],
                         comb_rows.at[pl.ds(0, HCOMB)], sem)
        pltpu.async_copy(out_emb_hbm.at[comb_idx_v.at[2 * i + 1]],
                         comb_rows.at[pl.ds(HCOMB, HCOMB)], sem)

    def drain(i, bufs, sem):
        ctx_rows, comb_rows = bufs
        pltpu.make_async_copy(in_emb_hbm.at[ctx_idx_v.at[i]], ctx_rows,
                              sem).wait()
        pltpu.make_async_copy(out_emb_hbm.at[comb_idx_v.at[2 * i]],
                              comb_rows.at[pl.ds(0, HCOMB)], sem).wait()
        pltpu.make_async_copy(out_emb_hbm.at[comb_idx_v.at[2 * i + 1]],
                              comb_rows.at[pl.ds(HCOMB, HCOMB)], sem).wait()

    def compute(i, bufs, part_v, semw, have_prev_wb):
        ctx_rows, comb_rows = bufs

        @pl.when(have_prev_wb)
        def _():
            pltpu.make_async_copy(part_v, out_hbm.at[pl.ds(base, CB)],
                                  semw).wait()

        def row_body(b, carry):
            cvec = []
            for k in range(DK):
                acc = ctx_rows[b * CTX, pl.ds(k * L, L)]
                for j in range(1, CTX):
                    acc = acc + ctx_rows[b * CTX + j, pl.ds(k * L, L)]
                cvec.append(acc)
            p = cvec[0] * comb_rows[b, pl.ds(0, L)]
            for k in range(1, DK):
                p = p + cvec[k] * comb_rows[b, pl.ds(k * L, L)]
            part_v[b, pl.ds(0, L)] = p
            for n in range(NEG):
                r = CB + b * NEG + n
                q = cvec[0] * comb_rows[r, pl.ds(0, L)]
                for k in range(1, DK):
                    q = q + cvec[k] * comb_rows[r, pl.ds(k * L, L)]
                part_v[b, pl.ds((n + 1) * L, L)] = q
            return carry

        lax.fori_loop(0, CB, row_body, 0)
        pltpu.async_copy(part_v, out_hbm.at[pl.ds(base + i * CB, CB)], semw)

    fire(0, bufs0, sem0)

    def chunk_pair(j, carry):
        i0 = 2 * j
        i1 = 2 * j + 1
        fire(i1, bufs1, sem1)
        drain(i0, bufs0, sem0)
        compute(i0, bufs0, part_0, semw0, j > 0)

        @pl.when(i0 + 2 < NCHUNK)
        def _():
            fire(i0 + 2, bufs0, sem0)

        drain(i1, bufs1, sem1)
        compute(i1, bufs1, part_1, semw1, j > 0)
        return carry

    lax.fori_loop(0, NCHUNK // 2, chunk_pair, 0)

    pltpu.make_async_copy(part_0, out_hbm.at[pl.ds(base, CB)], semw0).wait()
    pltpu.make_async_copy(part_1, out_hbm.at[pl.ds(base, CB)], semw1).wait()


def _sc_scores(ctx_idx, comb_idx, in_emb, out_emb):
    mesh = plsc.VectorSubcoreMesh(core_axis_name="c", subcore_axis_name="s")
    kern = functools.partial(
        pl.kernel,
        mesh=mesh,
        out_type=jax.ShapeDtypeStruct((B, NSCORE * L), jnp.float32),
        scratch_types=[
            pltpu.VMEM((NCHUNK, CB * CTX), jnp.int32),
            pltpu.VMEM((2 * NCHUNK, HCOMB), jnp.int32),
            pltpu.VMEM((CB * CTX, D), jnp.float32),
            pltpu.VMEM((NCOMB, D), jnp.float32),
            pltpu.VMEM((CB * CTX, D), jnp.float32),
            pltpu.VMEM((NCOMB, D), jnp.float32),
            pltpu.VMEM((CB, NSCORE * L), jnp.float32),
            pltpu.VMEM((CB, NSCORE * L), jnp.float32),
            pltpu.SemaphoreType.DMA,
            pltpu.SemaphoreType.DMA,
            pltpu.SemaphoreType.DMA,
            pltpu.SemaphoreType.DMA,
        ],
    )(_sc_scores_kernel)
    return kern(ctx_idx, comb_idx, in_emb, out_emb)


def _tc_loss_kernel(part_ref, out_ref):
    x = part_ref[:]
    col = jax.lax.broadcasted_iota(jnp.int32, (NSCORE * L, NSCORE), 0) // L
    grp = jax.lax.broadcasted_iota(jnp.int32, (NSCORE * L, NSCORE), 1)
    sgn = jnp.where(grp == 0, 1.0 / CTX, -1.0 / CTX).astype(jnp.float32)
    w = jnp.where(col == grp, sgn, 0.0).astype(jnp.float32)
    y = jax.lax.dot_general(x, w, (((1,), (0,)), ((), ())),
                            preferred_element_type=jnp.float32,
                            precision=jax.lax.Precision.HIGHEST)
    l = jnp.log(1.0 / (1.0 + jnp.exp(-y)) + 1e-10)
    out_ref[0, 0] = -jnp.sum(l) / B


def _tc_loss(partials):
    return pl.pallas_call(
        _tc_loss_kernel,
        out_shape=jax.ShapeDtypeStruct((1, 1), jnp.float32),
        out_specs=pl.BlockSpec(memory_space=pltpu.SMEM),
    )(partials)


def kernel(context_words, target_words, negative_words, input_emb, output_emb):
    ctx_idx = context_words.astype(jnp.int32).reshape(NW * NCHUNK, CB * CTX)
    tgt2 = target_words.astype(jnp.int32).reshape(NW * NCHUNK, CB)
    neg2 = negative_words.astype(jnp.int32).reshape(NW * NCHUNK, CB * NEG)
    comb_idx = jnp.concatenate([tgt2, neg2], axis=1).reshape(
        NW * 2 * NCHUNK, HCOMB)
    partials = _sc_scores(ctx_idx, comb_idx, input_emb, output_emb)
    loss = _tc_loss(partials)
    return loss[0, 0]

# --- scband reference (transcript-rebuilt; emitter-appended) ---
"""Pipeline reference for scband-cbowmodel-2980707303486 (READ-ONLY COPY).

The authoritative reference and input builder live on the scoring server;
editing this copy changes nothing except your own understanding.
"""

import jax, jax.numpy as jnp
import numpy as np

B = 4096
V = 100000
D = 128
CTX = 10
NEG = 20


def setup_inputs(seed: int = 0) -> dict:
    key = jax.random.key(seed)
    k1, k2, k3, k4, k5 = jax.random.split(key, 5)
    context_words = jax.random.randint(k1, (B, CTX), 0, V, dtype=jnp.int64 if jax.config.jax_enable_x64 else jnp.int32)
    target_words = jax.random.randint(k2, (B,), 0, V, dtype=jnp.int64 if jax.config.jax_enable_x64 else jnp.int32)
    negative_words = jax.random.randint(k3, (B, NEG), 0, V, dtype=jnp.int64 if jax.config.jax_enable_x64 else jnp.int32)
    # xavier_uniform-like init: bound = sqrt(6 / (fan_in + fan_out))
    bound = float(np.sqrt(6.0 / (V + D)))
    input_emb = jax.random.uniform(k4, (V, D), dtype=jnp.float32, minval=-bound, maxval=bound)
    output_emb = jax.random.uniform(k5, (V, D), dtype=jnp.float32, minval=-bound, maxval=bound)
    return {
        "context_words": context_words,
        "target_words": target_words,
        "negative_words": negative_words,
        "input_emb": input_emb,
        "output_emb": output_emb,
    }


def reference(context_words, target_words, negative_words, input_emb, output_emb):
    # context embeddings: gather + mean over context window
    context_embeds = jnp.take(input_emb, context_words, axis=0)  # [B, CTX, D]
    context_embeds = jnp.mean(context_embeds, axis=1)            # [B, D]
    # positive score
    target_embeds = jnp.take(output_emb, target_words, axis=0)   # [B, D]
    pos_score = jnp.sum(context_embeds * target_embeds, axis=1)  # [B]
    pos_loss = jnp.log(jax.nn.sigmoid(pos_score) + 1e-10)
    # negative scores via batched matmul
    neg_embeds = jnp.take(output_emb, negative_words, axis=0)    # [B, NEG, D]
    neg_score = jnp.einsum("bnd,bd->bn", neg_embeds, context_embeds)  # [B, NEG]
    neg_loss = jnp.sum(jnp.log(jax.nn.sigmoid(-neg_score) + 1e-10), axis=1)
    loss = -(pos_loss + neg_loss)
    return loss.mean()

if __name__ == "__main__":
    import jax
    _d = setup_inputs()
    print(jax.jit(kernel)(*tuple(_d.values())))

</pallas_src>

<mosaic_0001>
#map = affine_map<(d0, d1) -> (0, 0)>
module attributes {stable_mosaic.version = 14 : i64} {
  func.func @_sc_scores_kernel(%arg0: i32, %arg1: i32, %arg2: memref<512x80xi32, #tpu.memory_space<hbm>>, %arg3: memref<1024x84xi32, #tpu.memory_space<hbm>>, %arg4: memref<100000x128xf32, #tpu.memory_space<hbm>>, %arg5: memref<100000x128xf32, #tpu.memory_space<hbm>>, %arg6: memref<4096x336xf32, #tpu.memory_space<hbm>>, %arg7: memref<16x80xi32, #tpu.memory_space<vmem>>, %arg8: memref<32x84xi32, #tpu.memory_space<vmem>>, %arg9: memref<80x128xf32, #tpu.memory_space<vmem>>, %arg10: memref<168x128xf32, #tpu.memory_space<vmem>>, %arg11: memref<80x128xf32, #tpu.memory_space<vmem>>, %arg12: memref<168x128xf32, #tpu.memory_space<vmem>>, %arg13: memref<8x336xf32, #tpu.memory_space<vmem>>, %arg14: memref<8x336xf32, #tpu.memory_space<vmem>>, %arg15: memref<!tpu.dma_semaphore, #tpu.memory_space<semaphore_mem>>, %arg16: memref<!tpu.dma_semaphore, #tpu.memory_space<semaphore_mem>>, %arg17: memref<!tpu.dma_semaphore, #tpu.memory_space<semaphore_mem>>, %arg18: memref<!tpu.dma_semaphore, #tpu.memory_space<semaphore_mem>>) attributes {dimension_semantics = [#tpu.dimension_semantics<core_parallel>, #tpu.dimension_semantics<subcore_parallel>], iteration_bounds = array<i64: 2, 16>, scalar_prefetch = 0 : i64, scratch_operands = 12 : i64, tpu.core_type = #tpu.core_type<sc_vector_subcore>, window_params = [{transform_indices = #map}, {transform_indices = #map}, {transform_indices = #map}, {transform_indices = #map}, {transform_indices = #map}]} {
    %mul3A = arith.constant 2 : i32
    %mul3A_0 = arith.muli %arg1, %mul3A : i32
    %add3A = arith.addi %mul3A_0, %arg0 : i32
    %mul3A_1 = arith.constant 128 : i32
    %mul3A_2 = arith.muli %add3A, %mul3A_1 : i32
    %mul3A_3 = arith.constant 16 : i32
    %mul3A_4 = arith.muli %add3A, %mul3A_3 : i32
    "tpu.region"() ({
      %run_scoped3A = tpu.sem_alloc : memref<!tpu.dma_semaphore, #tpu.memory_space<semaphore_mem>>
      %dma_start3A_47 = arith.constant 0 : i32
      %dma_start3A_48 = tpu.memref_slice %arg2[%mul3A_4, %dma_start3A_47] : memref<512x80xi32, #tpu.memory_space<hbm>> -> memref<16x80xi32, #tpu.memory_space<hbm>>
      %dma_start3A_49 = arith.constant 0 : i32
      %dma_start3A_50 = tpu.memref_slice %arg2[%mul3A_4, %dma_start3A_49] : memref<512x80xi32, #tpu.memory_space<hbm>> -> memref<16x80xi32, #tpu.memory_space<hbm>>
      tpu.enqueue_dma source(%dma_start3A_50 : memref<16x80xi32, #tpu.memory_space<hbm>>) target(%arg7 : memref<16x80xi32, #tpu.memory_space<vmem>>) target_semaphore(%run_scoped3A : memref<!tpu.dma_semaphore, #tpu.memory_space<semaphore_mem>>)
      %dma_wait3A_51 = arith.constant 0 : i32
      %dma_wait3A_52 = tpu.memref_slice %arg2[%mul3A_4, %dma_wait3A_51] : memref<512x80xi32, #tpu.memory_space<hbm>> -> memref<16x80xi32, #tpu.memory_space<hbm>>
      %dma_wait3A_53 = arith.constant 0 : i32
      %dma_wait3A_54 = tpu.memref_slice %arg2[%mul3A_4, %dma_wait3A_53] : memref<512x80xi32, #tpu.memory_space<hbm>> -> memref<16x80xi32, #tpu.memory_space<hbm>>
      tpu.wait_dma2 semaphore(%run_scoped3A : memref<!tpu.dma_semaphore, #tpu.memory_space<semaphore_mem>>) src(%dma_wait3A_54 : memref<16x80xi32, #tpu.memory_space<hbm>>) dst(%arg7 : memref<16x80xi32, #tpu.memory_space<vmem>>)
      tpu.yield
    }) : () -> ()
    %mul3A_5 = arith.constant 2 : i32
    %mul3A_6 = arith.muli %add3A, %mul3A_5 : i32
    %mul3A_7 = arith.constant 16 : i32
    %mul3A_8 = arith.muli %mul3A_6, %mul3A_7 : i32
    "tpu.region"() ({
      %run_scoped3A = tpu.sem_alloc : memref<!tpu.dma_semaphore, #tpu.memory_space<semaphore_mem>>
      %dma_start3A_47 = arith.constant 0 : i32
      %dma_start3A_48 = tpu.memref_slice %arg3[%mul3A_8, %dma_start3A_47] : memref<1024x84xi32, #tpu.memory_space<hbm>> -> memref<32x84xi32, #tpu.memory_space<hbm>>
      %dma_start3A_49 = arith.constant 0 : i32
      %dma_start3A_50 = tpu.memref_slice %arg3[%mul3A_8, %dma_start3A_49] : memref<1024x84xi32, #tpu.memory_space<hbm>> -> memref<32x84xi32, #tpu.memory_space<hbm>>
      tpu.enqueue_dma source(%dma_start3A_50 : memref<32x84xi32, #tpu.memory_space<hbm>>) target(%arg8 : memref<32x84xi32, #tpu.memory_space<vmem>>) target_semaphore(%run_scoped3A : memref<!tpu.dma_semaphore, #tpu.memory_space<semaphore_mem>>)
      %dma_wait3A_51 = arith.constant 0 : i32
      %dma_wait3A_52 = tpu.memref_slice %arg3[%mul3A_8, %dma_wait3A_51] : memref<1024x84xi32, #tpu.memory_space<hbm>> -> memref<32x84xi32, #tpu.memory_space<hbm>>
      %dma_wait3A_53 = arith.constant 0 : i32
      %dma_wait3A_54 = tpu.memref_slice %arg3[%mul3A_8, %dma_wait3A_53] : memref<1024x84xi32, #tpu.memory_space<hbm>> -> memref<32x84xi32, #tpu.memory_space<hbm>>
      tpu.wait_dma2 semaphore(%run_scoped3A : memref<!tpu.dma_semaphore, #tpu.memory_space<semaphore_mem>>) src(%dma_wait3A_54 : memref<32x84xi32, #tpu.memory_space<hbm>>) dst(%arg8 : memref<32x84xi32, #tpu.memory_space<vmem>>)
      tpu.yield
    }) : () -> ()
    %dma_start3A = arith.constant 0 : i32
    %dma_start3A_9 = arith.constant 0 : i32
    %dma_start3A_10 = tpu.memref_slice %arg7[%dma_start3A, %dma_start3A_9] : memref<16x80xi32, #tpu.memory_space<vmem>> -> memref<1x80xi32, #tpu.memory_space<vmem>>
    %dma_start3A_11 = tpu.memref_squeeze %dma_start3A_10 : memref<1x80xi32, #tpu.memory_space<vmem>> -> memref<80xi32, #tpu.memory_space<vmem>>
    %dma_start3A_12 = arith.constant 0 : i32
    %dma_start3A_13 = arith.constant 0 : i32
    %dma_start3A_14 = tpu.memref_slice %arg4[%dma_start3A_12, %dma_start3A_13] : memref<100000x128xf32, #tpu.memory_space<hbm>> -> memref<100000x128xf32, #tpu.memory_space<hbm>>
    tpu.enqueue_indirect_dma source(%dma_start3A_14 : memref<100000x128xf32, #tpu.memory_space<hbm>>) target(%arg9 : memref<80x128xf32, #tpu.memory_space<vmem>>) offsets(%dma_start3A_11 : memref<80xi32, #tpu.memory_space<vmem>>) semaphore(%arg15 : memref<!tpu.dma_semaphore, #tpu.memory_space<semaphore_mem>>)
    %dma_start3A_15 = arith.constant 0 : i32
    %dma_start3A_16 = arith.constant 0 : i32
    %dma_start3A_17 = arith.constant 0 : i32
    %dma_start3A_18 = tpu.memref_slice %arg10[%dma_start3A_16, %dma_start3A_17] : memref<168x128xf32, #tpu.memory_space<vmem>> -> memref<84x128xf32, #tpu.memory_space<vmem>>
    %dma_start3A_19 = arith.constant 0 : i32
    %dma_start3A_20 = tpu.memref_slice %arg8[%dma_start3A_15, %dma_start3A_19] : memref<32x84xi32, #tpu.memory_space<vmem>> -> memref<1x84xi32, #tpu.memory_space<vmem>>
    %dma_start3A_21 = tpu.memref_squeeze %dma_start3A_20 : memref<1x84xi32, #tpu.memory_space<vmem>> -> memref<84xi32, #tpu.memory_space<vmem>>
    %dma_start3A_22 = arith.constant 0 : i32
    %dma_start3A_23 = arith.constant 0 : i32
    %dma_start3A_24 = tpu.memref_slice %arg5[%dma_start3A_22, %dma_start3A_23] : memref<100000x128xf32, #tpu.memory_space<hbm>> -> memref<100000x128xf32, #tpu.memory_space<hbm>>
    tpu.enqueue_indirect_dma source(%dma_start3A_24 : memref<100000x128xf32, #tpu.memory_space<hbm>>) target(%dma_start3A_18 : memref<84x128xf32, #tpu.memory_space<vmem>>) offsets(%dma_start3A_21 : memref<84xi32, #tpu.memory_space<vmem>>) semaphore(%arg15 : memref<!tpu.dma_semaphore, #tpu.memory_space<semaphore_mem>>)
    %dma_start3A_25 = arith.constant 1 : i32
    %dma_start3A_26 = arith.constant 84 : i32
    %dma_start3A_27 = arith.constant 0 : i32
    %dma_start3A_28 = tpu.memref_slice %arg10[%dma_start3A_26, %dma_start3A_27] : memref<168x128xf32, #tpu.memory_space<vmem>> -> memref<84x128xf32, #tpu.memory_space<vmem>>
    %dma_start3A_29 = arith.constant 0 : i32
    %dma_start3A_30 = tpu.memref_slice %arg8[%dma_start3A_25, %dma_start3A_29] : memref<32x84xi32, #tpu.memory_space<vmem>> -> memref<1x84xi32, #tpu.memory_space<vmem>>
    %dma_start3A_31 = tpu.memref_squeeze %dma_start3A_30 : memref<1x84xi32, #tpu.memory_space<vmem>> -> memref<84xi32, #tpu.memory_space<vmem>>
    %dma_start3A_32 = arith.constant 0 : i32
    %dma_start3A_33 = arith.constant 0 : i32
    %dma_start3A_34 = tpu.memref_slice %arg5[%dma_start3A_32, %dma_start3A_33] : memref<100000x128xf32, #tpu.memory_space<hbm>> -> memref<100000x128xf32, #tpu.memory_space<hbm>>
    tpu.enqueue_indirect_dma source(%dma_start3A_34 : memref<100000x128xf32, #tpu.memory_space<hbm>>) target(%dma_start3A_28 : memref<84x128xf32, #tpu.memory_space<vmem>>) offsets(%dma_start3A_31 : memref<84xi32, #tpu.memory_space<vmem>>) semaphore(%arg15 : memref<!tpu.dma_semaphore, #tpu.memory_space<semaphore_mem>>)
    %scan3A = arith.constant 0 : i32
    %scan3A_35 = arith.constant 0 : i32
    %scan3A_36 = arith.constant 8 : i32
    %scan3A_37 = arith.addi %scan3A_35, %scan3A_36 : i32
    %scan3A_38 = arith.constant 1 : i32
    scf.for %scan3A_47 = %scan3A_35 to %scan3A_37 step %scan3A_38  : i32 {
      %mul3A_48 = arith.constant 2 : i32
      %mul3A_49 = arith.muli %mul3A_48, %scan3A_47 : i32
      %mul3A_50 = arith.constant 2 : i32
      %mul3A_51 = arith.muli %mul3A_50, %scan3A_47 : i32
      %add3A_52 = arith.constant 1 : i32
      %add3A_53 = arith.addi %mul3A_51, %add3A_52 : i32
      %dma_start3A_54 = arith.constant 0 : i32
      %dma_start3A_55 = tpu.memref_slice %arg7[%add3A_53, %dma_start3A_54] : memref<16x80xi32, #tpu.memory_space<vmem>> -> memref<1x80xi32, #tpu.memory_space<vmem>>
      %dma_start3A_56 = tpu.memref_squeeze %dma_start3A_55 : memref<1x80xi32, #tpu.memory_space<vmem>> -> memref<80xi32, #tpu.memory_space<vmem>>
      %dma_start3A_57 = arith.constant 0 : i32
      %dma_start3A_58 = arith.constant 0 : i32
      %dma_start3A_59 = tpu.memref_slice %arg4[%dma_start3A_57, %dma_start3A_58] : memref<100000x128xf32, #tpu.memory_space<hbm>> -> memref<100000x128xf32, #tpu.memory_space<hbm>>
      tpu.enqueue_indirect_dma source(%dma_start3A_59 : memref<100000x128xf32, #tpu.memory_space<hbm>>) target(%arg11 : memref<80x128xf32, #tpu.memory_space<vmem>>) offsets(%dma_start3A_56 : memref<80xi32, #tpu.memory_space<vmem>>) semaphore(%arg16 : memref<!tpu.dma_semaphore, #tpu.memory_space<semaphore_mem>>)
      %mul3A_60 = arith.constant 2 : i32
      %mul3A_61 = arith.muli %mul3A_60, %add3A_53 : i32
      %dma_start3A_62 = arith.constant 0 : i32
      %dma_start3A_63 = arith.constant 0 : i32
      %dma_start3A_64 = tpu.memref_slice %arg12[%dma_start3A_62, %dma_start3A_63] : memref<168x128xf32, #tpu.memory_space<vmem>> -> memref<84x128xf32, #tpu.memory_space<vmem>>
      %dma_start3A_65 = arith.constant 0 : i32
      %dma_start3A_66 = tpu.memref_slice %arg8[%mul3A_61, %dma_start3A_65] : memref<32x84xi32, #tpu.memory_space<vmem>> -> memref<1x84xi32, #tpu.memory_space<vmem>>
      %dma_start3A_67 = tpu.memref_squeeze %dma_start3A_66 : memref<1x84xi32, #tpu.memory_space<vmem>> -> memref<84xi32, #tpu.memory_space<vmem>>
      %dma_start3A_68 = arith.constant 0 : i32
      %dma_start3A_69 = arith.constant 0 : i32
      %dma_start3A_70 = tpu.memref_slice %arg5[%dma_start3A_68, %dma_start3A_69] : memref<100000x128xf32, #tpu.memory_space<hbm>> -> memref<100000x128xf32, #tpu.memory_space<hbm>>
      tpu.enqueue_indirect_dma source(%dma_start3A_70 : memref<100000x128xf32, #tpu.memory_space<hbm>>) target(%dma_start3A_64 : memref<84x128xf32, #tpu.memory_space<vmem>>) offsets(%dma_start3A_67 : memref<84xi32, #tpu.memory_space<vmem>>) semaphore(%arg16 : memref<!tpu.dma_semaphore, #tpu.memory_space<semaphore_mem>>)
      %mul3A_71 = arith.constant 2 : i32
      %mul3A_72 = arith.muli %mul3A_71, %add3A_53 : i32
      %add3A_73 = arith.constant 1 : i32
      %add3A_74 = arith.addi %mul3A_72, %add3A_73 : i32
      %dma_start3A_75 = arith.constant 84 : i32
      %dma_start3A_76 = arith.constant 0 : i32
      %dma_start3A_77 = tpu.memref_slice %arg12[%dma_start3A_75, %dma_start3A_76] : memref<168x128xf32, #tpu.memory_space<vmem>> -> memref<84x128xf32, #tpu.memory_space<vmem>>
      %dma_start3A_78 = arith.constant 0 : i32
      %dma_start3A_79 = tpu.memref_slice %arg8[%add3A_74, %dma_start3A_78] : memref<32x84xi32, #tpu.memory_space<vmem>> -> memref<1x84xi32, #tpu.memory_space<vmem>>
      %dma_start3A_80 = tpu.memref_squeeze %dma_start3A_79 : memref<1x84xi32, #tpu.memory_space<vmem>> -> memref<84xi32, #tpu.memory_space<vmem>>
      %dma_start3A_81 = arith.constant 0 : i32
      %dma_start3A_82 = arith.constant 0 : i32
      %dma_start3A_83 = tpu.memref_slice %arg5[%dma_start3A_81, %dma_start3A_82] : memref<100000x128xf32, #tpu.memory_space<hbm>> -> memref<100000x128xf32, #tpu.memory_space<hbm>>
      tpu.enqueue_indirect_dma source(%dma_start3A_83 : memref<100000x128xf32, #tpu.memory_space<hbm>>) target(%dma_start3A_77 : memref<84x128xf32, #tpu.memory_space<vmem>>) offsets(%dma_start3A_80 : memref<84xi32, #tpu.memory_space<vmem>>) semaphore(%arg16 : memref<!tpu.dma_semaphore, #tpu.memory_space<semaphore_mem>>)
      %dma_wait3A_84 = arith.constant 0 : i32
      %dma_wait3A_85 = tpu.memref_slice %arg7[%mul3A_49, %dma_wait3A_84] : memref<16x80xi32, #tpu.memory_space<vmem>> -> memref<1x80xi32, #tpu.memory_space<vmem>>
      %dma_wait3A_86 = tpu.memref_squeeze %dma_wait3A_85 : memref<1x80xi32, #tpu.memory_space<vmem>> -> memref<80xi32, #tpu.memory_space<vmem>>
      %dma_wait3A_87 = arith.constant 0 : i32
      %dma_wait3A_88 = arith.constant 0 : i32
      %dma_wait3A_89 = tpu.memref_slice %arg4[%dma_wait3A_87, %dma_wait3A_88] : memref<100000x128xf32, #tpu.memory_space<hbm>> -> memref<100000x128xf32, #tpu.memory_space<hbm>>
      tpu.wait_indirect_dma semaphore(%arg15 : memref<!tpu.dma_semaphore, #tpu.memory_space<semaphore_mem>>) src(%dma_wait3A_89 : memref<100000x128xf32, #tpu.memory_space<hbm>>) dst(%arg9 : memref<80x128xf32, #tpu.memory_space<vmem>>)
      %mul3A_90 = arith.constant 2 : i32
      %mul3A_91 = arith.muli %mul3A_90, %mul3A_49 : i32
      %dma_wait3A_92 = arith.constant 0 : i32
      %dma_wait3A_93 = arith.constant 0 : i32
      %dma_wait3A_94 = tpu.memref_slice %arg10[%dma_wait3A_92, %dma_wait3A_93] : memref<168x128xf32, #tpu.memory_space<vmem>> -> memref<84x128xf32, #tpu.memory_space<vmem>>
      %dma_wait3A_95 = arith.constant 0 : i32
      %dma_wait3A_96 = tpu.memref_slice %arg8[%mul3A_91, %dma_wait3A_95] : memref<32x84xi32, #tpu.memory_space<vmem>> -> memref<1x84xi32, #tpu.memory_space<vmem>>
      %dma_wait3A_97 = tpu.memref_squeeze %dma_wait3A_96 : memref<1x84xi32, #tpu.memory_space<vmem>> -> memref<84xi32, #tpu.memory_space<vmem>>
      %dma_wait3A_98 = arith.constant 0 : i32
      %dma_wait3A_99 = arith.constant 0 : i32
      %dma_wait3A_100 = tpu.memref_slice %arg5[%dma_wait3A_98, %dma_wait3A_99] : memref<100000x128xf32, #tpu.memory_space<hbm>> -> memref<100000x128xf32, #tpu.memory_space<hbm>>
      tpu.wait_indirect_dma semaphore(%arg15 : memref<!tpu.dma_semaphore, #tpu.memory_space<semaphore_mem>>) src(%dma_wait3A_100 : memref<100000x128xf32, #tpu.memory_space<hbm>>) dst(%dma_wait3A_94 : memref<84x128xf32, #tpu.memory_space<vmem>>)
      %mul3A_101 = arith.constant 2 : i32
      %mul3A_102 = arith.muli %mul3A_101, %mul3A_49 : i32
      %add3A_103 = arith.constant 1 : i32
      %add3A_104 = arith.addi %mul3A_102, %add3A_103 : i32
      %dma_wait3A_105 = arith.constant 84 : i32
      %dma_wait3A_106 = arith.constant 0 : i32
      %dma_wait3A_107 = tpu.memref_slice %arg10[%dma_wait3A_105, %dma_wait3A_106] : memref<168x128xf32, #tpu.memory_space<vmem>> -> memref<84x128xf32, #tpu.memory_space<vmem>>
      %dma_wait3A_108 = arith.constant 0 : i32
      %dma_wait3A_109 = tpu.memref_slice %arg8[%add3A_104, %dma_wait3A_108] : memref<32x84xi32, #tpu.memory_space<vmem>> -> memref<1x84xi32, #tpu.memory_space<vmem>>
      %dma_wait3A_110 = tpu.memref_squeeze %dma_wait3A_109 : memref<1x84xi32, #tpu.memory_space<vmem>> -> memref<84xi32, #tpu.memory_space<vmem>>
      %dma_wait3A_111 = arith.constant 0 : i32
      %dma_wait3A_112 = arith.constant 0 : i32
      %dma_wait3A_113 = tpu.memref_slice %arg5[%dma_wait3A_111, %dma_wait3A_112] : memref<100000x128xf32, #tpu.memory_space<hbm>> -> memref<100000x128xf32, #tpu.memory_space<hbm>>
      tpu.wait_indirect_dma semaphore(%arg15 : memref<!tpu.dma_semaphore, #tpu.memory_space<semaphore_mem>>) src(%dma_wait3A_113 : memref<100000x128xf32, #tpu.memory_space<hbm>>) dst(%dma_wait3A_107 : memref<84x128xf32, #tpu.memory_space<vmem>>)
      %gt3A = arith.constant 0 : i32
      %gt3A_114 = arith.cmpi sgt, %scan3A_47, %gt3A : i32
      %convert_element_type3A = arith.extui %gt3A_114 : i1 to i32
      %cond3A = arith.constant 0 : i32
      %cond3A_115 = arith.cmpi ne, %convert_element_type3A, %cond3A : i32
      scf.if %cond3A_115 {
        %dma_wait3A_183 = arith.constant 0 : i32
        %dma_wait3A_184 = tpu.memref_slice %arg6[%mul3A_2, %dma_wait3A_183] : memref<4096x336xf32, #tpu.memory_space<hbm>> -> memref<8x336xf32, #tpu.memory_space<hbm>>
        %dma_wait3A_185 = arith.constant 0 : i32
        %dma_wait3A_186 = tpu.memref_slice %arg6[%mul3A_2, %dma_wait3A_185] : memref<4096x336xf32, #tpu.memory_space<hbm>> -> memref<8x336xf32, #tpu.memory_space<hbm>>
        tpu.wait_dma2 semaphore(%arg17 : memref<!tpu.dma_semaphore, #tpu.memory_space<semaphore_mem>>) src(%arg13 : memref<8x336xf32, #tpu.memory_space<vmem>>) dst(%dma_wait3A_186 : memref<8x336xf32, #tpu.memory_space<hbm>>)
      } else {
      }
      %scan3A_116 = arith.constant 0 : i32
      %scan3A_117 = arith.constant 0 : i32
      %scan3A_118 = arith.constant 8 : i32
      %scan3A_119 = arith.addi %scan3A_117, %scan3A_118 : i32
      %scan3A_120 = arith.constant 1 : i32
      scf.for %scan3A_183 = %scan3A_117 to %scan3A_119 step %scan3A_120  : i32 {
        %mul3A_184 = arith.constant 10 : i32
        %mul3A_185 = arith.muli %scan3A_183, %mul3A_184 : i32
        %get3A = arith.index_cast %mul3A_185 : i32 to index
        %get3A_186 = arith.constant 0 : index
        %get3A_187 = tpu.vector_load %arg9[%get3A, %get3A_186] {strides = array<i32>} : memref<80x128xf32, #tpu.memory_space<vmem>>, vector<1x16xf32>,
        %get3A_188 = vector.shape_cast %get3A_187 : vector<1x16xf32> to vector<16xf32>
        %mul3A_189 = arith.constant 10 : i32
        %mul3A_190 = arith.muli %scan3A_183, %mul3A_189 : i32
        %add3A_191 = arith.constant 1 : i32
        %add3A_192 = arith.addi %mul3A_190, %add3A_191 : i32
        %get3A_193 = arith.index_cast %add3A_192 : i32 to index
        %get3A_194 = arith.constant 0 : index
        %get3A_195 = tpu.vector_load %arg9[%get3A_193, %get3A_194] {strides = array<i32>} : memref<80x128xf32, #tpu.memory_space<vmem>>, vector<1x16xf32>,
        %get3A_196 = vector.shape_cast %get3A_195 : vector<1x16xf32> to vector<16xf32>
        %add3A_197 = arith.addf %get3A_188, %get3A_196 : vector<16xf32>
        %mul3A_198 = arith.constant 10 : i32
        %mul3A_199 = arith.muli %scan3A_183, %mul3A_198 : i32
        %add3A_200 = arith.constant 2 : i32
        %add3A_201 = arith.addi %mul3A_199, %add3A_200 : i32
        %get3A_202 = arith.index_cast %add3A_201 : i32 to index
        %get3A_203 = arith.constant 0 : index
        %get3A_204 = tpu.vector_load %arg9[%get3A_202, %get3A_203] {strides = array<i32>} : memref<80x128xf32, #tpu.memory_space<vmem>>, vector<1x16xf32>,
        %get3A_205 = vector.shape_cast %get3A_204 : vector<1x16xf32> to vector<16xf32>
        %add3A_206 = arith.addf %add3A_197, %get3A_205 : vector<16xf32>
        %mul3A_207 = arith.constant 10 : i32
        %mul3A_208 = arith.muli %scan3A_183, %mul3A_207 : i32
        %add3A_209 = arith.constant 3 : i32
        %add3A_210 = arith.addi %mul3A_208, %add3A_209 : i32
        %get3A_211 = arith.index_cast %add3A_210 : i32 to index
        %get3A_212 = arith.constant 0 : index
        %get3A_213 = tpu.vector_load %arg9[%get3A_211, %get3A_212] {strides = array<i32>} : memref<80x128xf32, #tpu.memory_space<vmem>>, vector<1x16xf32>,
        %get3A_214 = vector.shape_cast %get3A_213 : vector<1x16xf32> to vector<16xf32>
        %add3A_215 = arith.addf %add3A_206, %get3A_214 : vector<16xf32>
        %mul3A_216 = arith.constant 10 : i32
        %mul3A_217 = arith.muli %scan3A_183, %mul3A_216 : i32
        %add3A_218 = arith.constant 4 : i32
        %add3A_219 = arith.addi %mul3A_217, %add3A_218 : i32
        %get3A_220 = arith.index_cast %add3A_219 : i32 to index
        %get3A_221 = arith.constant 0 : index
        %get3A_222 = tpu.vector_load %arg9[%get3A_220, %get3A_221] {strides = array<i32>} : memref<80x128xf32, #tpu.memory_space<vmem>>, vector<1x16xf32>,
        %get3A_223 = vector.shape_cast %get3A_222 : vector<1x16xf32> to vector<16xf32>
        %add3A_224 = arith.addf %add3A_215, %get3A_223 : vector<16xf32>
        %mul3A_225 = arith.constant 10 : i32
        %mul3A_226 = arith.muli %scan3A_183, %mul3A_225 : i32
        %add3A_227 = arith.constant 5 : i32
        %add3A_228 = arith.addi %mul3A_226, %add3A_227 : i32
        %get3A_229 = arith.index_cast %add3A_228 : i32 to index
        %get3A_230 = arith.constant 0 : index
        %get3A_231 = tpu.vector_load %arg9[%get3A_229, %get3A_230] {strides = array<i32>} : memref<80x128xf32, #tpu.memory_space<vmem>>, vector<1x16xf32>,
        %get3A_232 = vector.shape_cast %get3A_231 : vector<1x16xf32> to vector<16xf32>
        %add3A_233 = arith.addf %add3A_224, %get3A_232 : vector<16xf32>
        %mul3A_234 = arith.constant 10 : i32
        %mul3A_235 = arith.muli %scan3A_183, %mul3A_234 : i32
        %add3A_236 = arith.constant 6 : i32
        %add3A_237 = arith.addi %mul3A_235, %add3A_236 : i32
        %get3A_238 = arith.index_cast %add3A_237 : i32 to index
        %get3A_239 = arith.constant 0 : index
        %get3A_240 = tpu.vector_load %arg9[%get3A_238, %get3A_239] {strides = array<i32>} : memref<80x128xf32, #tpu.memory_space<vmem>>, vector<1x16xf32>,
        %get3A_241 = vector.shape_cast %get3A_240 : vector<1x16xf32> to vector<16xf32>
        %add3A_242 = arith.addf %add3A_233, %get3A_241 : vector<16xf32>
        %mul3A_243 = arith.constant 10 : i32
        %mul3A_244 = arith.muli %scan3A_183, %mul3A_243 : i32
        %add3A_245 = arith.constant 7 : i32
        %add3A_246 = arith.addi %mul3A_244, %add3A_245 : i32
        %get3A_247 = arith.index_cast %add3A_246 : i32 to index
        %get3A_248 = arith.constant 0 : index
        %get3A_249 = tpu.vector_load %arg9[%get3A_247, %get3A_248] {strides = array<i32>} : memref<80x128xf32, #tpu.memory_space<vmem>>, vector<1x16xf32>,
        %get3A_250 = vector.shape_cast %get3A_249 : vector<1x16xf32> to vector<16xf32>
        %add3A_251 = arith.addf %add3A_242, %get3A_250 : vector<16xf32>
        %mul3A_252 = arith.constant 10 : i32
        %mul3A_253 = arith.muli %scan3A_183, %mul3A_252 : i32
        %add3A_254 = arith.constant 8 : i32
        %add3A_255 = arith.addi %mul3A_253, %add3A_254 : i32
        %get3A_256 = arith.index_cast %add3A_255 : i32 to index
        %get3A_257 = arith.constant 0 : index
        %get3A_258 = tpu.vector_load %arg9[%get3A_256, %get3A_257] {strides = array<i32>} : memref<80x128xf32, #tpu.memory_space<vmem>>, vector<1x16xf32>,
        %get3A_259 = vector.shape_cast %get3A_258 : vector<1x16xf32> to vector<16xf32>
        %add3A_260 = arith.addf %add3A_251, %get3A_259 : vector<16xf32>
        %mul3A_261 = arith.constant 10 : i32
        %mul3A_262 = arith.muli %scan3A_183, %mul3A_261 : i32
        %add3A_263 = arith.constant 9 : i32
        %add3A_264 = arith.addi %mul3A_262, %add3A_263 : i32
        %get3A_265 = arith.index_cast %add3A_264 : i32 to index
        %get3A_266 = arith.constant 0 : index
        %get3A_267 = tpu.vector_load %arg9[%get3A_265, %get3A_266] {strides = array<i32>} : memref<80x128xf32, #tpu.memory_space<vmem>>, vector<1x16xf32>,
        %get3A_268 = vector.shape_cast %get3A_267 : vector<1x16xf32> to vector<16xf32>
        %add3A_269 = arith.addf %add3A_260, %get3A_268 : vector<16xf32>
        %mul3A_270 = arith.constant 10 : i32
        %mul3A_271 = arith.muli %scan3A_183, %mul3A_270 : i32
        %get3A_272 = arith.index_cast %mul3A_271 : i32 to index
        %get3A_273 = arith.constant 16 : index
        %get3A_274 = tpu.vector_load %arg9[%get3A_272, %get3A_273] {strides = array<i32>} : memref<80x128xf32, #tpu.memory_space<vmem>>, vector<1x16xf32>,
        %get3A_275 = vector.shape_cast %get3A_274 : vector<1x16xf32> to vector<16xf32>
        %mul3A_276 = arith.constant 10 : i32
        %mul3A_277 = arith.muli %scan3A_183, %mul3A_276 : i32
        %add3A_278 = arith.constant 1 : i32
        %add3A_279 = arith.addi %mul3A_277, %add3A_278 : i32
        %get3A_280 = arith.index_cast %add3A_279 : i32 to index
        %get3A_281 = arith.constant 16 : index
        %get3A_282 = tpu.vector_load %arg9[%get3A_280, %get3A_281] {strides = array<i32>} : memref<80x128xf32, #tpu.memory_space<vmem>>, vector<1x16xf32>,
        %get3A_283 = vector.shape_cast %get3A_282 : vector<1x16xf32> to vector<16xf32>
        %add3A_284 = arith.addf %get3A_275, %get3A_283 : vector<16xf32>
        %mul3A_285 = arith.constant 10 : i32
        %mul3A_286 = arith.muli %scan3A_183, %mul3A_285 : i32
        %add3A_287 = arith.constant 2 : i32
        %add3A_288 = arith.addi %mul3A_286, %add3A_287 : i32
        %get3A_289 = arith.index_cast %add3A_288 : i32 to index
        %get3A_290 = arith.constant 16 : index
        %get3A_291 = tpu.vector_load %arg9[%get3A_289, %get3A_290] {strides = array<i32>} : memref<80x128xf32, #tpu.memory_space<vmem>>, vector<1x16xf32>,
        %get3A_292 = vector.shape_cast %get3A_291 : vector<1x16xf32> to vector<16xf32>
        %add3A_293 = arith.addf %add3A_284, %get3A_292 : vector<16xf32>
        %mul3A_294 = arith.constant 10 : i32
        %mul3A_295 = arith.muli %scan3A_183, %mul3A_294 : i32
        %add3A_296 = arith.constant 3 : i32
        %add3A_297 = arith.addi %mul3A_295, %add3A_296 : i32
        %get3A_298 = arith.index_cast %add3A_297 : i32 to index
        %get3A_299 = arith.constant 16 : index
        %get3A_300 = tpu.vector_load %arg9[%get3A_298, %get3A_299] {strides = array<i32>} : memref<80x128xf32, #tpu.memory_space<vmem>>, vector<1x16xf32>,
        %get3A_301 = vector.shape_cast %get3A_300 : vector<1x16xf32> to vector<16xf32>
        %add3A_302 = arith.addf %add3A_293, %get3A_301 : vector<16xf32>
        %mul3A_303 = arith.constant 10 : i32
        %mul3A_304 = arith.muli %scan3A_183, %mul3A_303 : i32
        %add3A_305 = arith.constant 4 : i32
        %add3A_306 = arith.addi %mul3A_304, %add3A_305 : i32
        %get3A_307 = arith.index_cast %add3A_306 : i32 to index
        %get3A_308 = arith.constant 16 : index
        %get3A_309 = tpu.vector_load %arg9[%get3A_307, %get3A_308] {strides = array<i32>} : memref<80x128xf32, #tpu.memory_space<vmem>>, vector<1x16xf32>,
        %get3A_310 = vector.shape_cast %get3A_309 : vector<1x16xf32> to vector<16xf32>
        %add3A_311 = arith.addf %add3A_302, %get3A_310 : vector<16xf32>
        %mul3A_312 = arith.constant 10 : i32
        %mul3A_313 = arith.muli %scan3A_183, %mul3A_312 : i32
        %add3A_314 = arith.constant 5 : i32
        %add3A_315 = arith.addi %mul3A_313, %add3A_314 : i32
        %get3A_316 = arith.index_cast %add3A_315 : i32 to index
        %get3A_317 = arith.constant 16 : index
        %get3A_318 = tpu.vector_load %arg9[%get3A_316, %get3A_317] {strides = array<i32>} : memref<80x128xf32, #tpu.memory_space<vmem>>, vector<1x16xf32>,
        %get3A_319 = vector.shape_cast %get3A_318 : vector<1x16xf32> to vector<16xf32>
        %add3A_320 = arith.addf %add3A_311, %get3A_319 : vector<16xf32>
        %mul3A_321 = arith.constant 10 : i32
        %mul3A_322 = arith.muli %scan3A_183, %mul3A_321 : i32
        %add3A_323 = arith.constant 6 : i32
        %add3A_324 = arith.addi %mul3A_322, %add3A_323 : i32
        %get3A_325 = arith.index_cast %add3A_324 : i32 to index
        %get3A_326 = arith.constant 16 : index
        %get3A_327 = tpu.vector_load %arg9[%get3A_325, %get3A_326] {strides = array<i32>} : memref<80x128xf32, #tpu.memory_space<vmem>>, vector<1x16xf32>,
        %get3A_328 = vector.shape_cast %get3A_327 : vector<1x16xf32> to vector<16xf32>
        %add3A_329 = arith.addf %add3A_320, %get3A_328 : vector<16xf32>
        %mul3A_330 = arith.constant 10 : i32
        %mul3A_331 = arith.muli %scan3A_183, %mul3A_330 : i32
        %add3A_332 = arith.constant 7 : i32
        %add3A_333 = arith.addi %mul3A_331, %add3A_332 : i32
        %get3A_334 = arith.index_cast %add3A_333 : i32 to index
        %get3A_335 = arith.constant 16 : index
        %get3A_336 = tpu.vector_load %arg9[%get3A_334, %get3A_335] {strides = array<i32>} : memref<80x128xf32, #tpu.memory_space<vmem>>, vector<1x16xf32>,
        %get3A_337 = vector.shape_cast %get3A_336 : vector<1x16xf32> to vector<16xf32>
        %add3A_338 = arith.addf %add3A_329, %get3A_337 : vector<16xf32>
        %mul3A_339 = arith.constant 10 : i32
        %mul3A_340 = arith.muli %scan3A_183, %mul3A_339 : i32
        %add3A_341 = arith.constant 8 : i32
        %add3A_342 = arith.addi %mul3A_340, %add3A_341 : i32
        %get3A_343 = arith.index_cast %add3A_342 : i32 to index
        %get3A_344 = arith.constant 16 : index
        %get3A_345 = tpu.vector_load %arg9[%get3A_343, %get3A_344] {strides = array<i32>} : memref<80x128xf32, #tpu.memory_space<vmem>>, vector<1x16xf32>,
        %get3A_346 = vector.shape_cast %get3A_345 : vector<1x16xf32> to vector<16xf32>
        %add3A_347 = arith.addf %add3A_338, %get3A_346 : vector<16xf32>
        %mul3A_348 = arith.constant 10 : i32
        %mul3A_349 = arith.muli %scan3A_183, %mul3A_348 : i32
        %add3A_350 = arith.constant 9 : i32
        %add3A_351 = arith.addi %mul3A_349, %add3A_350 : i32
        %get3A_352 = arith.index_cast %add3A_351 : i32 to index
        %get3A_353 = arith.constant 16 : index
        %get3A_354 = tpu.vector_load %arg9[%get3A_352, %get3A_353] {strides = array<i32>} : memref<80x128xf32, #tpu.memory_space<vmem>>, vector<1x16xf32>,
        %get3A_355 = vector.shape_cast %get3A_354 : vector<1x16xf32> to vector<16xf32>
        %add3A_356 = arith.addf %add3A_347, %get3A_355 : vector<16xf32>
        %mul3A_357 = arith.constant 10 : i32
        %mul3A_358 = arith.muli %scan3A_183, %mul3A_357 : i32
        %get3A_359 = arith.index_cast %mul3A_358 : i32 to index
        %get3A_360 = arith.constant 32 : index
        %get3A_361 = tpu.vector_load %arg9[%get3A_359, %get3A_360] {strides = array<i32>} : memref<80x128xf32, #tpu.memory_space<vmem>>, vector<1x16xf32>,
        %get3A_362 = vector.shape_cast %get3A_361 : vector<1x16xf32> to vector<16xf32>
        %mul3A_363 = arith.constant 10 : i32
        %mul3A_364 = arith.muli %scan3A_183, %mul3A_363 : i32
        %add3A_365 = arith.constant 1 : i32
        %add3A_366 = arith.addi %mul3A_364, %add3A_365 : i32
        %get3A_367 = arith.index_cast %add3A_366 : i32 to index
        %get3A_368 = arith.constant 32 : index
        %get3A_369 = tpu.vector_load %arg9[%get3A_367, %get3A_368] {strides = array<i32>} : memref<80x128xf32, #tpu.memory_space<vmem>>, vector<1x16xf32>,
        %get3A_370 = vector.shape_cast %get3A_369 : vector<1x16xf32> to vector<16xf32>
        %add3A_371 = arith.addf %get3A_362, %get3A_370 : vector<16xf32>
        %mul3A_372 = arith.constant 10 : i32
        %mul3A_373 = arith.muli %scan3A_183, %mul3A_372 : i32
        %add3A_374 = arith.constant 2 : i32
        %add3A_375 = arith.addi %mul3A_373, %add3A_374 : i32
        %get3A_376 = arith.index_cast %add3A_375 : i32 to index
        %get3A_377 = arith.constant 32 : index
        %get3A_378 = tpu.vector_load %arg9[%get3A_376, %get3A_377] {strides = array<i32>} : memref<80x128xf32, #tpu.memory_space<vmem>>, vector<1x16xf32>,
        %get3A_379 = vector.shape_cast %get3A_378 : vector<1x16xf32> to vector<16xf32>
        %add3A_380 = arith.addf %add3A_371, %get3A_379 : vector<16xf32>
        %mul3A_381 = arith.constant 10 : i32
        %mul3A_382 = arith.muli %scan3A_183, %mul3A_381 : i32
        %add3A_383 = arith.constant 3 : i32
        %add3A_384 = arith.addi %mul3A_382, %add3A_383 : i32
        %get3A_385 = arith.index_cast %add3A_384 : i32 to index
        %get3A_386 = arith.constant 32 : index
        %get3A_387 = tpu.vector_load %arg9[%get3A_385, %get3A_386] {strides = array<i32>} : memref<80x128xf32, #tpu.memory_space<vmem>>, vector<1x16xf32>,
        %get3A_388 = vector.shape_cast %get3A_387 : vector<1x16xf32> to vector<16xf32>
        %add3A_389 = arith.addf %add3A_380, %get3A_388 : vector<16xf32>
        %mul3A_390 = arith.constant 10 : i32
        %mul3A_391 = arith.muli %scan3A_183, %mul3A_390 : i32
        %add3A_392 = arith.constant 4 : i32
        %add3A_393 = arith.addi %mul3A_391, %add3A_392 : i32
        %get3A_394 = arith.index_cast %add3A_393 : i32 to index
        %get3A_395 = arith.constant 32 : index
        %get3A_396 = tpu.vector_load %arg9[%get3A_394, %get3A_395] {strides = array<i32>} : memref<80x128xf32, #tpu.memory_space<vmem>>, vector<1x16xf32>,
        %get3A_397 = vector.shape_cast %get3A_396 : vector<1x16xf32> to vector<16xf32>
        %add3A_398 = arith.addf %add3A_389, %get3A_397 : vector<16xf32>
        %mul3A_399 = arith.constant 10 : i32
        %mul3A_400 = arith.muli %scan3A_183, %mul3A_399 : i32
        %add3A_401 = arith.constant 5 : i32
        %add3A_402 = arith.addi %mul3A_400, %add3A_401 : i32
        %get3A_403 = arith.index_cast %add3A_402 : i32 to index
        %get3A_404 = arith.constant 32 : index
        %get3A_405 = tpu.vector_load %arg9[%get3A_403, %get3A_404] {strides = array<i32>} : memref<80x128xf32, #tpu.memory_space<vmem>>, vector<1x16xf32>,
        %get3A_406 = vector.shape_cast %get3A_405 : vector<1x16xf32> to vector<16xf32>
        %add3A_407 = arith.addf %add3A_398, %get3A_406 : vector<16xf32>
        %mul3A_408 = arith.constant 10 : i32
        %mul3A_409 = arith.muli %scan3A_183, %mul3A_408 : i32
        %add3A_410 = arith.constant 6 : i32
        %add3A_411 = arith.addi %mul3A_409, %add3A_410 : i32
        %get3A_412 = arith.index_cast %add3A_411 : i32 to index
        %get3A_413 = arith.constant 32 : index
        %get3A_414 = tpu.vector_load %arg9[%get3A_412, %get3A_413] {strides = array<i32>} : memref<80x128xf32, #tpu.memory_space<vmem>>, vector<1x16xf32>,
        %get3A_415 = vector.shape_cast %get3A_414 : vector<1x16xf32> to vector<16xf32>
        %add3A_416 = arith.addf %add3A_407, %get3A_415 : vector<16xf32>
        %mul3A_417 = arith.constant 10 : i32
        %mul3A_418 = arith.muli %scan3A_183, %mul3A_417 : i32
        %add3A_419 = arith.constant 7 : i32
        %add3A_420 = arith.addi %mul3A_418, %add3A_419 : i32
        %get3A_421 = arith.index_cast %add3A_420 : i32 to index
        %get3A_422 = arith.constant 32 : index
        %get3A_423 = tpu.vector_load %arg9[%get3A_421, %get3A_422] {strides = array<i32>} : memref<80x128xf32, #tpu.memory_space<vmem>>, vector<1x16xf32>,
        %get3A_424 = vector.shape_cast %get3A_423 : vector<1x16xf32> to vector<16xf32>
        %add3A_425 = arith.addf %add3A_416, %get3A_424 : vector<16xf32>
        %mul3A_426 = arith.constant 10 : i32
        %mul3A_427 = arith.muli %scan3A_183, %mul3A_426 : i32
        %add3A_428 = arith.constant 8 : i32
        %add3A_429 = arith.addi %mul3A_427, %add3A_428 : i32
        %get3A_430 = arith.index_cast %add3A_429 : i32 to index
        %get3A_431 = arith.constant 32 : index
        %get3A_432 = tpu.vector_load %arg9[%get3A_430, %get3A_431] {strides = array<i32>} : memref<80x128xf32, #tpu.memory_space<vmem>>, vector<1x16xf32>,
        %get3A_433 = vector.shape_cast %get3A_432 : vector<1x16xf32> to vector<16xf32>
        %add3A_434 = arith.addf %add3A_425, %get3A_433 : vector<16xf32>
        %mul3A_435 = arith.constant 10 : i32
        %mul3A_436 = arith.muli %scan3A_183, %mul3A_435 : i32
        %add3A_437 = arith.constant 9 : i32
        %add3A_438 = arith.addi %mul3A_436, %add3A_437 : i32
        %get3A_439 = arith.index_cast %add3A_438 : i32 to index
        %get3A_440 = arith.constant 32 : index
        %get3A_441 = tpu.vector_load %arg9[%get3A_439, %get3A_440] {strides = array<i32>} : memref<80x128xf32, #tpu.memory_space<vmem>>, vector<1x16xf32>,
        %get3A_442 = vector.shape_cast %get3A_441 : vector<1x16xf32> to vector<16xf32>
        %add3A_443 = arith.addf %add3A_434, %get3A_442 : vector<16xf32>
        %mul3A_444 = arith.constant 10 : i32
        %mul3A_445 = arith.muli %scan3A_183, %mul3A_444 : i32
        %get3A_446 = arith.index_cast %mul3A_445 : i32 to index
        %get3A_447 = arith.constant 48 : index
        %get3A_448 = tpu.vector_load %arg9[%get3A_446, %get3A_447] {strides = array<i32>} : memref<80x128xf32, #tpu.memory_space<vmem>>, vector<1x16xf32>,
        %get3A_449 = vector.shape_cast %get3A_448 : vector<1x16xf32> to vector<16xf32>
        %mul3A_450 = arith.constant 10 : i32
        %mul3A_451 = arith.muli %scan3A_183, %mul3A_450 : i32
        %add3A_452 = arith.constant 1 : i32
        %add3A_453 = arith.addi %mul3A_451, %add3A_452 : i32
        %get3A_454 = arith.index_cast %add3A_453 : i32 to index
        %get3A_455 = arith.constant 48 : index
        %get3A_456 = tpu.vector_load %arg9[%get3A_454, %get3A_455] {strides = array<i32>} : memref<80x128xf32, #tpu.memory_space<vmem>>, vector<1x16xf32>,
        %get3A_457 = vector.shape_cast %get3A_456 : vector<1x16xf32> to vector<16xf32>
        %add3A_458 = arith.addf %get3A_449, %get3A_457 : vector<16xf32>
        %mul3A_459 = arith.constant 10 : i32
        %mul3A_460 = arith.muli %scan3A_183, %mul3A_459 : i32
        %add3A_461 = arith.constant 2 : i32
        %add3A_462 = arith.addi %mul3A_460, %add3A_461 : i32
        %get3A_463 = arith.index_cast %add3A_462 : i32 to index
        %get3A_464 = arith.constant 48 : index
        %get3A_465 = tpu.vector_load %arg9[%get3A_463, %get3A_464] {strides = array<i32>} : memref<80x128xf32, #tpu.memory_space<vmem>>, vector<1x16xf32>,
        %get3A_466 = vector.shape_cast %get3A_465 : vector<1x16xf32> to vector<16xf32>
        %add3A_467 = arith.addf %add3A_458, %get3A_466 : vector<16xf32>
        %mul3A_468 = arith.constant 10 : i32
        %mul3A_469 = arith.muli %scan3A_183, %mul3A_468 : i32
        %add3A_470 = arith.constant 3 : i32
        %add3A_471 = arith.addi %mul3A_469, %add3A_470 : i32
        %get3A_472 = arith.index_cast %add3A_471 : i32 to index
        %get3A_473 = arith.constant 48 : index
        %get3A_474 = tpu.vector_load %arg9[%get3A_472, %get3A_473] {strides = array<i32>} : memref<80x128xf32, #tpu.memory_space<vmem>>, vector<1x16xf32>,
        %get3A_475 = vector.shape_cast %get3A_474 : vector<1x16xf32> to vector<16xf32>
        %add3A_476 = arith.addf %add3A_467, %get3A_475 : vector<16xf32>
        %mul3A_477 = arith.constant 10 : i32
        %mul3A_478 = arith.muli %scan3A_183, %mul3A_477 : i32
        %add3A_479 = arith.constant 4 : i32
        %add3A_480 = arith.addi %mul3A_478, %add3A_479 : i32
        %get3A_481 = arith.index_cast %add3A_480 : i32 to index
        %get3A_482 = arith.constant 48 : index
        %get3A_483 = tpu.vector_load %arg9[%get3A_481, %get3A_482] {strides = array<i32>} : memref<80x128xf32, #tpu.memory_space<vmem>>, vector<1x16xf32>,
        %get3A_484 = vector.shape_cast %get3A_483 : vector<1x16xf32> to vector<16xf32>
        %add3A_485 = arith.addf %add3A_476, %get3A_484 : vector<16xf32>
        %mul3A_486 = arith.constant 10 : i32
        %mul3A_487 = arith.muli %scan3A_183, %mul3A_486 : i32
        %add3A_488 = arith.constant 5 : i32
        %add3A_489 = arith.addi %mul3A_487, %add3A_488 : i32
        %get3A_490 = arith.index_cast %add3A_489 : i32 to index
        %get3A_491 = arith.constant 48 : index
        %get3A_492 = tpu.vector_load %arg9[%get3A_490, %get3A_491] {strides = array<i32>} : memref<80x128xf32, #tpu.memory_space<vmem>>, vector<1x16xf32>,
        %get3A_493 = vector.shape_cast %get3A_492 : vector<1x16xf32> to vector<16xf32>
        %add3A_494 = arith.addf %add3A_485, %get3A_493 : vector<16xf32>
        %mul3A_495 = arith.constant 10 : i32
        %mul3A_496 = arith.muli %scan3A_183, %mul3A_495 : i32
        %add3A_497 = arith.constant 6 : i32
        %add3A_498 = arith.addi %mul3A_496, %add3A_497 : i32
        %get3A_499 = arith.index_cast %add3A_498 : i32 to index
        %get3A_500 = arith.constant 48 : index
        %get3A_501 = tpu.vector_load %arg9[%get3A_499, %get3A_500] {strides = array<i32>} : memref<80x128xf32, #tpu.memory_space<vmem>>, vector<1x16xf32>,
        %get3A_502 = vector.shape_cast %get3A_501 : vector<1x16xf32> to vector<16xf32>
        %add3A_503 = arith.addf %add3A_494, %get3A_502 : vector<16xf32>
        %mul3A_504 = arith.constant 10 : i32
        %mul3A_505 = arith.muli %scan3A_183, %mul3A_504 : i32
        %add3A_506 = arith.constant 7 : i32
        %add3A_507 = arith.addi %mul3A_505, %add3A_506 : i32
        %get3A_508 = arith.index_cast %add3A_507 : i32 to index
        %get3A_509 = arith.constant 48 : index
        %get3A_510 = tpu.vector_load %arg9[%get3A_508, %get3A_509] {strides = array<i32>} : memref<80x128xf32, #tpu.memory_space<vmem>>, vector<1x16xf32>,
        %get3A_511 = vector.shape_cast %get3A_510 : vector<1x16xf32> to vector<16xf32>
        %add3A_512 = arith.addf %add3A_503, %get3A_511 : vector<16xf32>
        %mul3A_513 = arith.constant 10 : i32
        %mul3A_514 = arith.muli %scan3A_183, %mul3A_513 : i32
        %add3A_515 = arith.constant 8 : i32
        %add3A_516 = arith.addi %mul3A_514, %add3A_515 : i32
        %get3A_517 = arith.index_cast %add3A_516 : i32 to index
        %get3A_518 = arith.constant 48 : index
        %get3A_519 = tpu.vector_load %arg9[%get3A_517, %get3A_518] {strides = array<i32>} : memref<80x128xf32, #tpu.memory_space<vmem>>, vector<1x16xf32>,
        %get3A_520 = vector.shape_cast %get3A_519 : vector<1x16xf32> to vector<16xf32>
        %add3A_521 = arith.addf %add3A_512, %get3A_520 : vector<16xf32>
        %mul3A_522 = arith.constant 10 : i32
        %mul3A_523 = arith.muli %scan3A_183, %mul3A_522 : i32
        %add3A_524 = arith.constant 9 : i32
        %add3A_525 = arith.addi %mul3A_523, %add3A_524 : i32
        %get3A_526 = arith.index_cast %add3A_525 : i32 to index
        %get3A_527 = arith.constant 48 : index
        %get3A_528 = tpu.vector_load %arg9[%get3A_526, %get3A_527] {strides = array<i32>} : memref<80x128xf32, #tpu.memory_space<vmem>>, vector<1x16xf32>,
        %get3A_529 = vector.shape_cast %get3A_528 : vector<1x16xf32> to vector<16xf32>
        %add3A_530 = arith.addf %add3A_521, %get3A_529 : vector<16xf32>
        %mul3A_531 = arith.constant 10 : i32
        %mul3A_532 = arith.muli %scan3A_183, %mul3A_531 : i32
        %get3A_533 = arith.index_cast %mul3A_532 : i32 to index
        %get3A_534 = arith.constant 64 : index
        %get3A_535 = tpu.vector_load %arg9[%get3A_533, %get3A_534] {strides = array<i32>} : memref<80x128xf32, #tpu.memory_space<vmem>>, vector<1x16xf32>,
        %get3A_536 = vector.shape_cast %get3A_535 : vector<1x16xf32> to vector<16xf32>
        %mul3A_537 = arith.constant 10 : i32
        %mul3A_538 = arith.muli %scan3A_183, %mul3A_537 : i32
        %add3A_539 = arith.constant 1 : i32
        %add3A_540 = arith.addi %mul3A_538, %add3A_539 : i32
        %get3A_541 = arith.index_cast %add3A_540 : i32 to index
        %get3A_542 = arith.constant 64 : index
        %get3A_543 = tpu.vector_load %arg9[%get3A_541, %get3A_542] {strides = array<i32>} : memref<80x128xf32, #tpu.memory_space<vmem>>, vector<1x16xf32>,
        %get3A_544 = vector.shape_cast %get3A_543 : vector<1x16xf32> to vector<16xf32>
        %add3A_545 = arith.addf %get3A_536, %get3A_544 : vector<16xf32>
        %mul3A_546 = arith.constant 10 : i32
        %mul3A_547 = arith.muli %scan3A_183, %mul3A_546 : i32
        %add3A_548 = arith.constant 2 : i32
        %add3A_549 = arith.addi %mul3A_547, %add3A_548 : i32
        %get3A_550 = arith.index_cast %add3A_549 : i32 to index
        %get3A_551 = arith.constant 64 : index
        %get3A_552 = tpu.vector_load %arg9[%get3A_550, %get3A_551] {strides = array<i32>} : memref<80x128xf32, #tpu.memory_space<vmem>>, vector<1x16xf32>,
        %get3A_553 = vector.shape_cast %get3A_552 : vector<1x16xf32> to vector<16xf32>
        %add3A_554 = arith.addf %add3A_545, %get3A_553 : vector<16xf32>
        %mul3A_555 = arith.constant 10 : i32
        %mul3A_556 = arith.muli %scan3A_183, %mul3A_555 : i32
        %add3A_557 = arith.constant 3 : i32
        %add3A_558 = arith.addi %mul3A_556, %add3A_557 : i32
        %get3A_559 = arith.index_cast %add3A_558 : i32 to index
        %get3A_560 = arith.constant 64 : index
        %get3A_561 = tpu.vector_load %arg9[%get3A_559, %get3A_560] {strides = array<i32>} : memref<80x128xf32, #tpu.memory_space<vmem>>, vector<1x16xf32>,
        %get3A_562 = vector.shape_cast %get3A_561 : vector<1x16xf32> to vector<16xf32>
        %add3A_563 = arith.addf %add3A_554, %get3A_562 : vector<16xf32>
        %mul3A_564 = arith.constant 10 : i32
        %mul3A_565 = arith.muli %scan3A_183, %mul3A_564 : i32
        %add3A_566 = arith.constant 4 : i32
        %add3A_567 = arith.addi %mul3A_565, %add3A_566 : i32
        %get3A_568 = arith.index_cast %add3A_567 : i32 to index
        %get3A_569 = arith.constant 64 : index
        %get3A_570 = tpu.vector_load %arg9[%get3A_568, %get3A_569] {strides = array<i32>} : memref<80x128xf32, #tpu.memory_space<vmem>>, vector<1x16xf32>,
        %get3A_571 = vector.shape_cast %get3A_570 : vector<1x16xf32> to vector<16xf32>
        %add3A_572 = arith.addf %add3A_563, %get3A_571 : vector<16xf32>
        %mul3A_573 = arith.constant 10 : i32
        %mul3A_574 = arith.muli %scan3A_183, %mul3A_573 : i32
        %add3A_575 = arith.constant 5 : i32
        %add3A_576 = arith.addi %mul3A_574, %add3A_575 : i32
        %get3A_577 = arith.index_cast %add3A_576 : i32 to index
        %get3A_578 = arith.constant 64 : index
        %get3A_579 = tpu.vector_load %arg9[%get3A_577, %get3A_578] {strides = array<i32>} : memref<80x128xf32, #tpu.memory_space<vmem>>, vector<1x16xf32>,
        %get3A_580 = vector.shape_cast %get3A_579 : vector<1x16xf32> to vector<16xf32>
        %add3A_581 = arith.addf %add3A_572, %get3A_580 : vector<16xf32>
        %mul3A_582 = arith.constant 10 : i32
        %mul3A_583 = arith.muli %scan3A_183, %mul3A_582 : i32
        %add3A_584 = arith.constant 6 : i32
        %add3A_585 = arith.addi %mul3A_583, %add3A_584 : i32
        %get3A_586 = arith.index_cast %add3A_585 : i32 to index
        %get3A_587 = arith.constant 64 : index
        %get3A_588 = tpu.vector_load %arg9[%get3A_586, %get3A_587] {strides = array<i32>} : memref<80x128xf32, #tpu.memory_space<vmem>>, vector<1x16xf32>,
        %get3A_589 = vector.shape_cast %get3A_588 : vector<1x16xf32> to vector<16xf32>
        %add3A_590 = arith.addf %add3A_581, %get3A_589 : vector<16xf32>
        %mul3A_591 = arith.constant 10 : i32
        %mul3A_592 = arith.muli %scan3A_183, %mul3A_591 : i32
        %add3A_593 = arith.constant 7 : i32
        %add3A_594 = arith.addi %mul3A_592, %add3A_593 : i32
        %get3A_595 = arith.index_cast %add3A_594 : i32 to index
        %get3A_596 = arith.constant 64 : index
        %get3A_597 = tpu.vector_load %arg9[%get3A_595, %get3A_596] {strides = array<i32>} : memref<80x128xf32, #tpu.memory_space<vmem>>, vector<1x16xf32>,
        %get3A_598 = vector.shape_cast %get3A_597 : vector<1x16xf32> to vector<16xf32>
        %add3A_599 = arith.addf %add3A_590, %get3A_598 : vector<16xf32>
        %mul3A_600 = arith.constant 10 : i32
        %mul3A_601 = arith.muli %scan3A_183, %mul3A_600 : i32
        %add3A_602 = arith.constant 8 : i32
        %add3A_603 = arith.addi %mul3A_601, %add3A_602 : i32
        %get3A_604 = arith.index_cast %add3A_603 : i32 to index
        %get3A_605 = arith.constant 64 : index
        %get3A_606 = tpu.vector_load %arg9[%get3A_604, %get3A_605] {strides = array<i32>} : memref<80x128xf32, #tpu.memory_space<vmem>>, vector<1x16xf32>,
        %get3A_607 = vector.shape_cast %get3A_606 : vector<1x16xf32> to vector<16xf32>
        %add3A_608 = arith.addf %add3A_599, %get3A_607 : vector<16xf32>
        %mul3A_609 = arith.constant 10 : i32
        %mul3A_610 = arith.muli %scan3A_183, %mul3A_609 : i32
        %add3A_611 = arith.constant 9 : i32
        %add3A_612 = arith.addi %mul3A_610, %add3A_611 : i32
        %get3A_613 = arith.index_cast %add3A_612 : i32 to index
        %get3A_614 = arith.constant 64 : index
        %get3A_615 = tpu.vector_load %arg9[%get3A_613, %get3A_614] {strides = array<i32>} : memref<80x128xf32, #tpu.memory_space<vmem>>, vector<1x16xf32>,
        %get3A_616 = vector.shape_cast %get3A_615 : vector<1x16xf32> to vector<16xf32>
        %add3A_617 = arith.addf %add3A_608, %get3A_616 : vector<16xf32>
        %mul3A_618 = arith.constant 10 : i32
        %mul3A_619 = arith.muli %scan3A_183, %mul3A_618 : i32
        %get3A_620 = arith.index_cast %mul3A_619 : i32 to index
        %get3A_621 = arith.constant 80 : index
        %get3A_622 = tpu.vector_load %arg9[%get3A_620, %get3A_621] {strides = array<i32>} : memref<80x128xf32, #tpu.memory_space<vmem>>, vector<1x16xf32>,
        %get3A_623 = vector.shape_cast %get3A_622 : vector<1x16xf32> to vector<16xf32>
        %mul3A_624 = arith.constant 10 : i32
        %mul3A_625 = arith.muli %scan3A_183, %mul3A_624 : i32
        %add3A_626 = arith.constant 1 : i32
        %add3A_627 = arith.addi %mul3A_625, %add3A_626 : i32
        %get3A_628 = arith.index_cast %add3A_627 : i32 to index
        %get3A_629 = arith.constant 80 : index
        %get3A_630 = tpu.vector_load %arg9[%get3A_628, %get3A_629] {strides = array<i32>} : memref<80x128xf32, #tpu.memory_space<vmem>>, vector<1x16xf32>,
        %get3A_631 = vector.shape_cast %get3A_630 : vector<1x16xf32> to vector<16xf32>
        %add3A_632 = arith.addf %get3A_623, %get3A_631 : vector<16xf32>
        %mul3A_633 = arith.constant 10 : i32
        %mul3A_634 = arith.muli %scan3A_183, %mul3A_633 : i32
        %add3A_635 = arith.constant 2 : i32
        %add3A_636 = arith.addi %mul3A_634, %add3A_635 : i32
        %get3A_637 = arith.index_cast %add3A_636 : i32 to index
        %get3A_638 = arith.constant 80 : index
        %get3A_639 = tpu.vector_load %arg9[%get3A_637, %get3A_638] {strides = array<i32>} : memref<80x128xf32, #tpu.memory_space<vmem>>, vector<1x16xf32>,
        %get3A_640 = vector.shape_cast %get3A_639 : vector<1x16xf32> to vector<16xf32>
        %add3A_641 = arith.addf %add3A_632, %get3A_640 : vector<16xf32>
        %mul3A_642 = arith.constant 10 : i32
        %mul3A_643 = arith.muli %scan3A_183, %mul3A_642 : i32
        %add3A_644 = arith.constant 3 : i32
        %add3A_645 = arith.addi %mul3A_643, %add3A_644 : i32
        %get3A_646 = arith.index_cast %add3A_645 : i32 to index
        %get3A_647 = arith.constant 80 : index
        %get3A_648 = tpu.vector_load %arg9[%get3A_646, %get3A_647] {strides = array<i32>} : memref<80x128xf32, #tpu.memory_space<vmem>>, vector<1x16xf32>,
        %get3A_649 = vector.shape_cast %get3A_648 : vector<1x16xf32> to vector<16xf32>
        %add3A_650 = arith.addf %add3A_641, %get3A_649 : vector<16xf32>
        %mul3A_651 = arith.constant 10 : i32
        %mul3A_652 = arith.muli %scan3A_183, %mul3A_651 : i32
        %add3A_653 = arith.constant 4 : i32
        %add3A_654 = arith.addi %mul3A_652, %add3A_653 : i32
        %get3A_655 = arith.index_cast %add3A_654 : i32 to index
        %get3A_656 = arith.constant 80 : index
        %get3A_657 = tpu.vector_load %arg9[%get3A_655, %get3A_656] {strides = array<i32>} : memref<80x128xf32, #tpu.memory_space<vmem>>, vector<1x16xf32>,
        %get3A_658 = vector.shape_cast %get3A_657 : vector<1x16xf32> to vector<16xf32>
        %add3A_659 = arith.addf %add3A_650, %get3A_658 : vector<16xf32>
        %mul3A_660 = arith.constant 10 : i32
        %mul3A_661 = arith.muli %scan3A_183, %mul3A_660 : i32
        %add3A_662 = arith.constant 5 : i32
        %add3A_663 = arith.addi %mul3A_661, %add3A_662 : i32
        %get3A_664 = arith.index_cast %add3A_663 : i32 to index
        %get3A_665 = arith.constant 80 : index
        %get3A_666 = tpu.vector_load %arg9[%get3A_664, %get3A_665] {strides = array<i32>} : memref<80x128xf32, #tpu.memory_space<vmem>>, vector<1x16xf32>,
        %get3A_667 = vector.shape_cast %get3A_666 : vector<1x16xf32> to vector<16xf32>
        %add3A_668 = arith.addf %add3A_659, %get3A_667 : vector<16xf32>
        %mul3A_669 = arith.constant 10 : i32
        %mul3A_670 = arith.muli %scan3A_183, %mul3A_669 : i32
        %add3A_671 = arith.constant 6 : i32
        %add3A_672 = arith.addi %mul3A_670, %add3A_671 : i32
        %get3A_673 = arith.index_cast %add3A_672 : i32 to index
        %get3A_674 = arith.constant 80 : index
        %get3A_675 = tpu.vector_load %arg9[%get3A_673, %get3A_674] {strides = array<i32>} : memref<80x128xf32, #tpu.memory_space<vmem>>, vector<1x16xf32>,
        %get3A_676 = vector.shape_cast %get3A_675 : vector<1x16xf32> to vector<16xf32>
        %add3A_677 = arith.addf %add3A_668, %get3A_676 : vector<16xf32>
        %mul3A_678 = arith.constant 10 : i32
        %mul3A_679 = arith.muli %scan3A_183, %mul3A_678 : i32
        %add3A_680 = arith.constant 7 : i32
        %add3A_681 = arith.addi %mul3A_679, %add3A_680 : i32
        %get3A_682 = arith.index_cast %add3A_681 : i32 to index
        %get3A_683 = arith.constant 80 : index
        %get3A_684 = tpu.vector_load %arg9[%get3A_682, %get3A_683] {strides = array<i32>} : memref<80x128xf32, #tpu.memory_space<vmem>>, vector<1x16xf32>,
        %get3A_685 = vector.shape_cast %get3A_684 : vector<1x16xf32> to vector<16xf32>
        %add3A_686 = arith.addf %add3A_677, %get3A_685 : vector<16xf32>
        %mul3A_687 = arith.constant 10 : i32
        %mul3A_688 = arith.muli %scan3A_183, %mul3A_687 : i32
        %add3A_689 = arith.constant 8 : i32
        %add3A_690 = arith.addi %mul3A_688, %add3A_689 : i32
        %get3A_691 = arith.index_cast %add3A_690 : i32 to index
        %get3A_692 = arith.constant 80 : index
        %get3A_693 = tpu.vector_load %arg9[%get3A_691, %get3A_692] {strides = array<i32>} : memref<80x128xf32, #tpu.memory_space<vmem>>, vector<1x16xf32>,
        %get3A_694 = vector.shape_cast %get3A_693 : vector<1x16xf32> to vector<16xf32>
        %add3A_695 = arith.addf %add3A_686, %get3A_694 : vector<16xf32>
        %mul3A_696 = arith.constant 10 : i32
        %mul3A_697 = arith.muli %scan3A_183, %mul3A_696 : i32
        %add3A_698 = arith.constant 9 : i32
        %add3A_699 = arith.addi %mul3A_697, %add3A_698 : i32
        %get3A_700 = arith.index_cast %add3A_699 : i32 to index
        %get3A_701 = arith.constant 80 : index
        %get3A_702 = tpu.vector_load %arg9[%get3A_700, %get3A_701] {strides = array<i32>} : memref<80x128xf32, #tpu.memory_space<vmem>>, vector<1x16xf32>,
        %get3A_703 = vector.shape_cast %get3A_702 : vector<1x16xf32> to vector<16xf32>
        %add3A_704 = arith.addf %add3A_695, %get3A_703 : vector<16xf32>
        %mul3A_705 = arith.constant 10 : i32
        %mul3A_706 = arith.muli %scan3A_183, %mul3A_705 : i32
        %get3A_707 = arith.index_cast %mul3A_706 : i32 to index
        %get3A_708 = arith.constant 96 : index
        %get3A_709 = tpu.vector_load %arg9[%get3A_707, %get3A_708] {strides = array<i32>} : memref<80x128xf32, #tpu.memory_space<vmem>>, vector<1x16xf32>,
        %get3A_710 = vector.shape_cast %get3A_709 : vector<1x16xf32> to vector<16xf32>
        %mul3A_711 = arith.constant 10 : i32
        %mul3A_712 = arith.muli %scan3A_183, %mul3A_711 : i32
        %add3A_713 = arith.constant 1 : i32
        %add3A_714 = arith.addi %mul3A_712, %add3A_713 : i32
        %get3A_715 = arith.index_cast %add3A_714 : i32 to index
        %get3A_716 = arith.constant 96 : index
        %get3A_717 = tpu.vector_load %arg9[%get3A_715, %get3A_716] {strides = array<i32>} : memref<80x128xf32, #tpu.memory_space<vmem>>, vector<1x16xf32>,
        %get3A_718 = vector.shape_cast %get3A_717 : vector<1x16xf32> to vector<16xf32>
        %add3A_719 = arith.addf %get3A_710, %get3A_718 : vector<16xf32>
        %mul3A_720 = arith.constant 10 : i32
        %mul3A_721 = arith.muli %scan3A_183, %mul3A_720 : i32
        %add3A_722 = arith.constant 2 : i32
        %add3A_723 = arith.addi %mul3A_721, %add3A_722 : i32
        %get3A_724 = arith.index_cast %add3A_723 : i32 to index
        %get3A_725 = arith.constant 96 : index
        %get3A_726 = tpu.vector_load %arg9[%get3A_724, %get3A_725] {strides = array<i32>} : memref<80x128xf32, #tpu.memory_space<vmem>>, vector<1x16xf32>,
        %get3A_727 = vector.shape_cast %get3A_726 : vector<1x16xf32> to vector<16xf32>
        %add3A_728 = arith.addf %add3A_719, %get3A_727 : vector<16xf32>
        %mul3A_729 = arith.constant 10 : i32
        %mul3A_730 = arith.muli %scan3A_183, %mul3A_729 : i32
        %add3A_731 = arith.constant 3 : i32
        %add3A_732 = arith.addi %mul3A_730, %add3A_731 : i32
        %get3A_733 = arith.index_cast %add3A_732 : i32 to index
        %get3A_734 = arith.constant 96 : index
        %get3A_735 = tpu.vector_load %arg9[%get3A_733, %get3A_734] {strides = array<i32>} : memref<80x128xf32, #tpu.memory_space<vmem>>, vector<1x16xf32>,
        %get3A_736 = vector.shape_cast %get3A_735 : vector<1x16xf32> to vector<16xf32>
        %add3A_737 = arith.addf %add3A_728, %get3A_736 : vector<16xf32>
        %mul3A_738 = arith.constant 10 : i32
        %mul3A_739 = arith.muli %scan3A_183, %mul3A_738 : i32
        %add3A_740 = arith.constant 4 : i32
        %add3A_741 = arith.addi %mul3A_739, %add3A_740 : i32
        %get3A_742 = arith.index_cast %add3A_741 : i32 to index
        %get3A_743 = arith.constant 96 : index
        %get3A_744 = tpu.vector_load %arg9[%get3A_742, %get3A_743] {strides = array<i32>} : memref<80x128xf32, #tpu.memory_space<vmem>>, vector<1x16xf32>,
        %get3A_745 = vector.shape_cast %get3A_744 : vector<1x16xf32> to vector<16xf32>
        %add3A_746 = arith.addf %add3A_737, %get3A_745 : vector<16xf32>
        %mul3A_747 = arith.constant 10 : i32
        %mul3A_748 = arith.muli %scan3A_183, %mul3A_747 : i32
        %add3A_749 = arith.constant 5 : i32
        %add3A_750 = arith.addi %mul3A_748, %add3A_749 : i32
        %get3A_751 = arith.index_cast %add3A_750 : i32 to index
        %get3A_752 = arith.constant 96 : index
        %get3A_753 = tpu.vector_load %arg9[%get3A_751, %get3A_752] {strides = array<i32>} : memref<80x128xf32, #tpu.memory_space<vmem>>, vector<1x16xf32>,
        %get3A_754 = vector.shape_cast %get3A_753 : vector<1x16xf32> to vector<16xf32>
        %add3A_755 = arith.addf %add3A_746, %get3A_754 : vector<16xf32>
        %mul3A_756 = arith.constant 10 : i32
        %mul3A_757 = arith.muli %scan3A_183, %mul3A_756 : i32
        %add3A_758 = arith.constant 6 : i32
        %add3A_759 = arith.addi %mul3A_757, %add3A_758 : i32
        %get3A_760 = arith.index_cast %add3A_759 : i32 to index
        %get3A_761 = arith.constant 96 : index
        %get3A_762 = tpu.vector_load %arg9[%get3A_760, %get3A_761] {strides = array<i32>} : memref<80x128xf32, #tpu.memory_space<vmem>>, vector<1x16xf32>,
        %get3A_763 = vector.shape_cast %get3A_762 : vector<1x16xf32> to vector<16xf32>
        %add3A_764 = arith.addf %add3A_755, %get3A_763 : vector<16xf32>
        %mul3A_765 = arith.constant 10 : i32
        %mul3A_766 = arith.muli %scan3A_183, %mul3A_765 : i32
        %add3A_767 = arith.constant 7 : i32
        %add3A_768 = arith.addi %mul3A_766, %add3A_767 : i32
        %get3A_769 = arith.index_cast %add3A_768 : i32 to index
        %get3A_770 = arith.constant 96 : index
        %get3A_771 = tpu.vector_load %arg9[%get3A_769, %get3A_770] {strides = array<i32>} : memref<80x128xf32, #tpu.memory_space<vmem>>, vector<1x16xf32>,
        %get3A_772 = vector.shape_cast %get3A_771 : vector<1x16xf32> to vector<16xf32>
        %add3A_773 = arith.addf %add3A_764, %get3A_772 : vector<16xf32>
        %mul3A_774 = arith.constant 10 : i32
        %mul3A_775 = arith.muli %scan3A_183, %mul3A_774 : i32
        %add3A_776 = arith.constant 8 : i32
        %add3A_777 = arith.addi %mul3A_775, %add3A_776 : i32
        %get3A_778 = arith.index_cast %add3A_777 : i32 to index
        %get3A_779 = arith.constant 96 : index
        %get3A_780 = tpu.vector_load %arg9[%get3A_778, %get3A_779] {strides = array<i32>} : memref<80x128xf32, #tpu.memory_space<vmem>>, vector<1x16xf32>,
        %get3A_781 = vector.shape_cast %get3A_780 : vector<1x16xf32> to vector<16xf32>
        %add3A_782 = arith.addf %add3A_773, %get3A_781 : vector<16xf32>
        %mul3A_783 = arith.constant 10 : i32
        %mul3A_784 = arith.muli %scan3A_183, %mul3A_783 : i32
        %add3A_785 = arith.constant 9 : i32
        %add3A_786 = arith.addi %mul3A_784, %add3A_785 : i32
        %get3A_787 = arith.index_cast %add3A_786 : i32 to index
        %get3A_788 = arith.constant 96 : index
        %get3A_789 = tpu.vector_load %arg9[%get3A_787, %get3A_788] {strides = array<i32>} : memref<80x128xf32, #tpu.memory_space<vmem>>, vector<1x16xf32>,
        %get3A_790 = vector.shape_cast %get3A_789 : vector<1x16xf32> to vector<16xf32>
        %add3A_791 = arith.addf %add3A_782, %get3A_790 : vector<16xf32>
        %mul3A_792 = arith.constant 10 : i32
        %mul3A_793 = arith.muli %scan3A_183, %mul3A_792 : i32
        %get3A_794 = arith.index_cast %mul3A_793 : i32 to index
        %get3A_795 = arith.constant 112 : index
        %get3A_796 = tpu.vector_load %arg9[%get3A_794, %get3A_795] {strides = array<i32>} : memref<80x128xf32, #tpu.memory_space<vmem>>, vector<1x16xf32>,
        %get3A_797 = vector.shape_cast %get3A_796 : vector<1x16xf32> to vector<16xf32>
        %mul3A_798 = arith.constant 10 : i32
        %mul3A_799 = arith.muli %scan3A_183, %mul3A_798 : i32
        %add3A_800 = arith.constant 1 : i32
        %add3A_801 = arith.addi %mul3A_799, %add3A_800 : i32
        %get3A_802 = arith.index_cast %add3A_801 : i32 to index
        %get3A_803 = arith.constant 112 : index
        %get3A_804 = tpu.vector_load %arg9[%get3A_802, %get3A_803] {strides = array<i32>} : memref<80x128xf32, #tpu.memory_space<vmem>>, vector<1x16xf32>,
        %get3A_805 = vector.shape_cast %get3A_804 : vector<1x16xf32> to vector<16xf32>
        %add3A_806 = arith.addf %get3A_797, %get3A_805 : vector<16xf32>
        %mul3A_807 = arith.constant 10 : i32
        %mul3A_808 = arith.muli %scan3A_183, %mul3A_807 : i32
        %add3A_809 = arith.constant 2 : i32
        %add3A_810 = arith.addi %mul3A_808, %add3A_809 : i32
        %get3A_811 = arith.index_cast %add3A_810 : i32 to index
        %get3A_812 = arith.constant 112 : index
        %get3A_813 = tpu.vector_load %arg9[%get3A_811, %get3A_812] {strides = array<i32>} : memref<80x128xf32, #tpu.memory_space<vmem>>, vector<1x16xf32>,
        %get3A_814 = vector.shape_cast %get3A_813 : vector<1x16xf32> to vector<16xf32>
        %add3A_815 = arith.addf %add3A_806, %get3A_814 : vector<16xf32>
        %mul3A_816 = arith.constant 10 : i32
        %mul3A_817 = arith.muli %scan3A_183, %mul3A_816 : i32
        %add3A_818 = arith.constant 3 : i32
        %add3A_819 = arith.addi %mul3A_817, %add3A_818 : i32
        %get3A_820 = arith.index_cast %add3A_819 : i32 to index
        %get3A_821 = arith.constant 112 : index
        %get3A_822 = tpu.vector_load %arg9[%get3A_820, %get3A_821] {strides = array<i32>} : memref<80x128xf32, #tpu.memory_space<vmem>>, vector<1x16xf32>,
        %get3A_823 = vector.shape_cast %get3A_822 : vector<1x16xf32> to vector<16xf32>
        %add3A_824 = arith.addf %add3A_815, %get3A_823 : vector<16xf32>
        %mul3A_825 = arith.constant 10 : i32
        %mul3A_826 = arith.muli %scan3A_183, %mul3A_825 : i32
        %add3A_827 = arith.constant 4 : i32
        %add3A_828 = arith.addi %mul3A_826, %add3A_827 : i32
        %get3A_829 = arith.index_cast %add3A_828 : i32 to index
        %get3A_830 = arith.constant 112 : index
        %get3A_831 = tpu.vector_load %arg9[%get3A_829, %get3A_830] {strides = array<i32>} : memref<80x128xf32, #tpu.memory_space<vmem>>, vector<1x16xf32>,
        %get3A_832 = vector.shape_cast %get3A_831 : vector<1x16xf32> to vector<16xf32>
        %add3A_833 = arith.addf %add3A_824, %get3A_832 : vector<16xf32>
        %mul3A_834 = arith.constant 10 : i32
        %mul3A_835 = arith.muli %scan3A_183, %mul3A_834 : i32
        %add3A_836 = arith.constant 5 : i32
        %add3A_837 = arith.addi %mul3A_835, %add3A_836 : i32
        %get3A_838 = arith.index_cast %add3A_837 : i32 to index
        %get3A_839 = arith.constant 112 : index
        %get3A_840 = tpu.vector_load %arg9[%get3A_838, %get3A_839] {strides = array<i32>} : memref<80x128xf32, #tpu.memory_space<vmem>>, vector<1x16xf32>,
        %get3A_841 = vector.shape_cast %get3A_840 : vector<1x16xf32> to vector<16xf32>
        %add3A_842 = arith.addf %add3A_833, %get3A_841 : vector<16xf32>
        %mul3A_843 = arith.constant 10 : i32
        %mul3A_844 = arith.muli %scan3A_183, %mul3A_843 : i32
        %add3A_845 = arith.constant 6 : i32
        %add3A_846 = arith.addi %mul3A_844, %add3A_845 : i32
        %get3A_847 = arith.index_cast %add3A_846 : i32 to index
        %get3A_848 = arith.constant 112 : index
        %get3A_849 = tpu.vector_load %arg9[%get3A_847, %get3A_848] {strides = array<i32>} : memref<80x128xf32, #tpu.memory_space<vmem>>, vector<1x16xf32>,
        %get3A_850 = vector.shape_cast %get3A_849 : vector<1x16xf32> to vector<16xf32>
        %add3A_851 = arith.addf %add3A_842, %get3A_850 : vector<16xf32>
        %mul3A_852 = arith.constant 10 : i32
        %mul3A_853 = arith.muli %scan3A_183, %mul3A_852 : i32
        %add3A_854 = arith.constant 7 : i32
        %add3A_855 = arith.addi %mul3A_853, %add3A_854 : i32
        %get3A_856 = arith.index_cast %add3A_855 : i32 to index
        %get3A_857 = arith.constant 112 : index
        %get3A_858 = tpu.vector_load %arg9[%get3A_856, %get3A_857] {strides = array<i32>} : memref<80x128xf32, #tpu.memory_space<vmem>>, vector<1x16xf32>,
        %get3A_859 = vector.shape_cast %get3A_858 : vector<1x16xf32> to vector<16xf32>
        %add3A_860 = arith.addf %add3A_851, %get3A_859 : vector<16xf32>
        %mul3A_861 = arith.constant 10 : i32
        %mul3A_862 = arith.muli %scan3A_183, %mul3A_861 : i32
        %add3A_863 = arith.constant 8 : i32
        %add3A_864 = arith.addi %mul3A_862, %add3A_863 : i32
        %get3A_865 = arith.index_cast %add3A_864 : i32 to index
        %get3A_866 = arith.constant 112 : index
        %get3A_867 = tpu.vector_load %arg9[%get3A_865, %get3A_866] {strides = array<i32>} : memref<80x128xf32, #tpu.memory_space<vmem>>, vector<1x16xf32>,
        %get3A_868 = vector.shape_cast %get3A_867 : vector<1x16xf32> to vector<16xf32>
        %add3A_869 = arith.addf %add3A_860, %get3A_868 : vector<16xf32>
        %mul3A_870 = arith.constant 10 : i32
        %mul3A_871 = arith.muli %scan3A_183, %mul3A_870 : i32
        %add3A_872 = arith.constant 9 : i32
        %add3A_873 = arith.addi %mul3A_871, %add3A_872 : i32
        %get3A_874 = arith.index_cast %add3A_873 : i32 to index
        %get3A_875 = arith.constant 112 : index
        %get3A_876 = tpu.vector_load %arg9[%get3A_874, %get3A_875] {strides = array<i32>} : memref<80x128xf32, #tpu.memory_space<vmem>>, vector<1x16xf32>,
        %get3A_877 = vector.shape_cast %get3A_876 : vector<1x16xf32> to vector<16xf32>
        %add3A_878 = arith.addf %add3A_869, %get3A_877 : vector<16xf32>
        %get3A_879 = arith.index_cast %scan3A_183 : i32 to index
        %get3A_880 = arith.constant 0 : index
        %get3A_881 = tpu.vector_load %arg10[%get3A_879, %get3A_880] {strides = array<i32>} : memref<168x128xf32, #tpu.memory_space<vmem>>, vector<1x16xf32>,
        %get3A_882 = vector.shape_cast %get3A_881 : vector<1x16xf32> to vector<16xf32>
        %mul3A_883 = arith.mulf %add3A_269, %get3A_882 : vector<16xf32>
        %get3A_884 = arith.index_cast %scan3A_183 : i32 to index
        %get3A_885 = arith.constant 16 : index
        %get3A_886 = tpu.vector_load %arg10[%get3A_884, %get3A_885] {strides = array<i32>} : memref<168x128xf32, #tpu.memory_space<vmem>>, vector<1x16xf32>,
        %get3A_887 = vector.shape_cast %get3A_886 : vector<1x16xf32> to vector<16xf32>
        %mul3A_888 = arith.mulf %add3A_356, %get3A_887 : vector<16xf32>
        %add3A_889 = arith.addf %mul3A_883, %mul3A_888 : vector<16xf32>
        %get3A_890 = arith.index_cast %scan3A_183 : i32 to index
        %get3A_891 = arith.constant 32 : index
        %get3A_892 = tpu.vector_load %arg10[%get3A_890, %get3A_891] {strides = array<i32>} : memref<168x128xf32, #tpu.memory_space<vmem>>, vector<1x16xf32>,
        %get3A_893 = vector.shape_cast %get3A_892 : vector<1x16xf32> to vector<16xf32>
        %mul3A_894 = arith.mulf %add3A_443, %get3A_893 : vector<16xf32>
        %add3A_895 = arith.addf %add3A_889, %mul3A_894 : vector<16xf32>
        %get3A_896 = arith.index_cast %scan3A_183 : i32 to index
        %get3A_897 = arith.constant 48 : index
        %get3A_898 = tpu.vector_load %arg10[%get3A_896, %get3A_897] {strides = array<i32>} : memref<168x128xf32, #tpu.memory_space<vmem>>, vector<1x16xf32>,
        %get3A_899 = vector.shape_cast %get3A_898 : vector<1x16xf32> to vector<16xf32>
        %mul3A_900 = arith.mulf %add3A_530, %get3A_899 : vector<16xf32>
        %add3A_901 = arith.addf %add3A_895, %mul3A_900 : vector<16xf32>
        %get3A_902 = arith.index_cast %scan3A_183 : i32 to index
        %get3A_903 = arith.constant 64 : index
        %get3A_904 = tpu.vector_load %arg10[%get3A_902, %get3A_903] {strides = array<i32>} : memref<168x128xf32, #tpu.memory_space<vmem>>, vector<1x16xf32>,
        %get3A_905 = vector.shape_cast %get3A_904 : vector<1x16xf32> to vector<16xf32>
        %mul3A_906 = arith.mulf %add3A_617, %get3A_905 : vector<16xf32>
        %add3A_907 = arith.addf %add3A_901, %mul3A_906 : vector<16xf32>
        %get3A_908 = arith.index_cast %scan3A_183 : i32 to index
        %get3A_909 = arith.constant 80 : index
        %get3A_910 = tpu.vector_load %arg10[%get3A_908, %get3A_909] {strides = array<i32>} : memref<168x128xf32, #tpu.memory_space<vmem>>, vector<1x16xf32>,
        %get3A_911 = vector.shape_cast %get3A_910 : vector<1x16xf32> to vector<16xf32>
        %mul3A_912 = arith.mulf %add3A_704, %get3A_911 : vector<16xf32>
        %add3A_913 = arith.addf %add3A_907, %mul3A_912 : vector<16xf32>
        %get3A_914 = arith.index_cast %scan3A_183 : i32 to index
        %get3A_915 = arith.constant 96 : index
        %get3A_916 = tpu.vector_load %arg10[%get3A_914, %get3A_915] {strides = array<i32>} : memref<168x128xf32, #tpu.memory_space<vmem>>, vector<1x16xf32>,
        %get3A_917 = vector.shape_cast %get3A_916 : vector<1x16xf32> to vector<16xf32>
        %mul3A_918 = arith.mulf %add3A_791, %get3A_917 : vector<16xf32>
        %add3A_919 = arith.addf %add3A_913, %mul3A_918 : vector<16xf32>
        %get3A_920 = arith.index_cast %scan3A_183 : i32 to index
        %get3A_921 = arith.constant 112 : index
        %get3A_922 = tpu.vector_load %arg10[%get3A_920, %get3A_921] {strides = array<i32>} : memref<168x128xf32, #tpu.memory_space<vmem>>, vector<1x16xf32>,
        %get3A_923 = vector.shape_cast %get3A_922 : vector<1x16xf32> to vector<16xf32>
        %mul3A_924 = arith.mulf %add3A_878, %get3A_923 : vector<16xf32>
        %add3A_925 = arith.addf %add3A_919, %mul3A_924 : vector<16xf32>
        %swap3A = arith.index_cast %scan3A_183 : i32 to index
        %swap3A_926 = arith.constant 0 : index
        %swap3A_927 = tpu.vector_load %arg13[%swap3A, %swap3A_926] {strides = array<i32>} : memref<8x336xf32, #tpu.memory_space<vmem>>, vector<1x16xf32>,
        %swap3A_928 = vector.shape_cast %swap3A_927 : vector<1x16xf32> to vector<16xf32>
        %swap3A_929 = vector.shape_cast %add3A_925 : vector<16xf32> to vector<1x16xf32>
        tpu.vector_store %arg13[%swap3A, %swap3A_926], %swap3A_929 {strides = array<i32>} : memref<8x336xf32, #tpu.memory_space<vmem>>, vector<1x16xf32>,
        %mul3A_930 = arith.constant 20 : i32
        %mul3A_931 = arith.muli %scan3A_183, %mul3A_930 : i32
        %add3A_932 = arith.constant 8 : i32
        %add3A_933 = arith.addi %add3A_932, %mul3A_931 : i32
        %add3A_934 = arith.constant 0 : i32
        %add3A_935 = arith.addi %add3A_933, %add3A_934 : i32
        %get3A_936 = arith.index_cast %add3A_935 : i32 to index
        %get3A_937 = arith.constant 0 : index
        %get3A_938 = tpu.vector_load %arg10[%get3A_936, %get3A_937] {strides = array<i32>} : memref<168x128xf32, #tpu.memory_space<vmem>>, vector<1x16xf32>,
        %get3A_939 = vector.shape_cast %get3A_938 : vector<1x16xf32> to vector<16xf32>
        %mul3A_940 = arith.mulf %add3A_269, %get3A_939 : vector<16xf32>
        %get3A_941 = arith.index_cast %add3A_935 : i32 to index
        %get3A_942 = arith.constant 16 : index
        %get3A_943 = tpu.vector_load %arg10[%get3A_941, %get3A_942] {strides = array<i32>} : memref<168x128xf32, #tpu.memory_space<vmem>>, vector<1x16xf32>,
        %get3A_944 = vector.shape_cast %get3A_943 : vector<1x16xf32> to vector<16xf32>
        %mul3A_945 = arith.mulf %add3A_356, %get3A_944 : vector<16xf32>
        %add3A_946 = arith.addf %mul3A_940, %mul3A_945 : vector<16xf32>
        %get3A_947 = arith.index_cast %add3A_935 : i32 to index
        %get3A_948 = arith.constant 32 : index
        %get3A_949 = tpu.vector_load %arg10[%get3A_947, %get3A_948] {strides = array<i32>} : memref<168x128xf32, #tpu.memory_space<vmem>>, vector<1x16xf32>,
        %get3A_950 = vector.shape_cast %get3A_949 : vector<1x16xf32> to vector<16xf32>
        %mul3A_951 = arith.mulf %add3A_443, %get3A_950 : vector<16xf32>
        %add3A_952 = arith.addf %add3A_946, %mul3A_951 : vector<16xf32>
        %get3A_953 = arith.index_cast %add3A_935 : i32 to index
        %get3A_954 = arith.constant 48 : index
        %get3A_955 = tpu.vector_load %arg10[%get3A_953, %get3A_954] {strides = array<i32>} : memref<168x128xf32, #tpu.memory_space<vmem>>, vector<1x16xf32>,
        %get3A_956 = vector.shape_cast %get3A_955 : vector<1x16xf32> to vector<16xf32>
        %mul3A_957 = arith.mulf %add3A_530, %get3A_956 : vector<16xf32>
        %add3A_958 = arith.addf %add3A_952, %mul3A_957 : vector<16xf32>
        %get3A_959 = arith.index_cast %add3A_935 : i32 to index
        %get3A_960 = arith.constant 64 : index
        %get3A_961 = tpu.vector_load %arg10[%get3A_959, %get3A_960] {strides = array<i32>} : memref<168x128xf32, #tpu.memory_space<vmem>>, vector<1x16xf32>,
        %get3A_962 = vector.shape_cast %get3A_961 : vector<1x16xf32> to vector<16xf32>
        %mul3A_963 = arith.mulf %add3A_617, %get3A_962 : vector<16xf32>
        %add3A_964 = arith.addf %add3A_958, %mul3A_963 : vector<16xf32>
        %get3A_965 = arith.index_cast %add3A_935 : i32 to index
        %get3A_966 = arith.constant 80 : index
        %get3A_967 = tpu.vector_load %arg10[%get3A_965, %get3A_966] {strides = array<i32>} : memref<168x128xf32, #tpu.memory_space<vmem>>, vector<1x16xf32>,
        %get3A_968 = vector.shape_cast %get3A_967 : vector<1x16xf32> to vector<16xf32>
        %mul3A_969 = arith.mulf %add3A_704, %get3A_968 : vector<16xf32>
        %add3A_970 = arith.addf %add3A_964, %mul3A_969 : vector<16xf32>
        %get3A_971 = arith.index_cast %add3A_935 : i32 to index
        %get3A_972 = arith.constant 96 : index
        %get3A_973 = tpu.vector_load %arg10[%get3A_971, %get3A_972] {strides = array<i32>} : memref<168x128xf32, #tpu.memory_space<vmem>>, vector<1x16xf32>,
        %get3A_974 = vector.shape_cast %get3A_973 : vector<1x16xf32> to vector<16xf32>
        %mul3A_975 = arith.mulf %add3A_791, %get3A_974 : vector<16xf32>
        %add3A_976 = arith.addf %add3A_970, %mul3A_975 : vector<16xf32>
        %get3A_977 = arith.index_cast %add3A_935 : i32 to index
        %get3A_978 = arith.constant 112 : index
        %get3A_979 = tpu.vector_load %arg10[%get3A_977, %get3A_978] {strides = array<i32>} : memref<168x128xf32, #tpu.memory_space<vmem>>, vector<1x16xf32>,
        %get3A_980 = vector.shape_cast %get3A_979 : vector<1x16xf32> to vector<16xf32>
        %mul3A_981 = arith.mulf %add3A_878, %get3A_980 : vector<16xf32>
        %add3A_982 = arith.addf %add3A_976, %mul3A_981 : vector<16xf32>
        %swap3A_983 = arith.index_cast %scan3A_183 : i32 to index
        %swap3A_984 = arith.constant 16 : index
        %swap3A_985 = tpu.vector_load %arg13[%swap3A_983, %swap3A_984] {strides = array<i32>} : memref<8x336xf32, #tpu.memory_space<vmem>>, vector<1x16xf32>,
        %swap3A_986 = vector.shape_cast %swap3A_985 : vector<1x16xf32> to vector<16xf32>
        %swap3A_987 = vector.shape_cast %add3A_982 : vector<16xf32> to vector<1x16xf32>
        tpu.vector_store %arg13[%swap3A_983, %swap3A_984], %swap3A_987 {strides = array<i32>} : memref<8x336xf32, #tpu.memory_space<vmem>>, vector<1x16xf32>,
        %mul3A_988 = arith.constant 20 : i32
        %mul3A_989 = arith.muli %scan3A_183, %mul3A_988 : i32
        %add3A_990 = arith.constant 8 : i32
        %add3A_991 = arith.addi %add3A_990, %mul3A_989 : i32
        %add3A_992 = arith.constant 1 : i32
        %add3A_993 = arith.addi %add3A_991, %add3A_992 : i32
        %get3A_994 = arith.index_cast %add3A_993 : i32 to index
        %get3A_995 = arith.constant 0 : index
        %get3A_996 = tpu.vector_load %arg10[%get3A_994, %get3A_995] {strides = array<i32>} : memref<168x128xf32, #tpu.memory_space<vmem>>, vector<1x16xf32>,
        %get3A_997 = vector.shape_cast %get3A_996 : vector<1x16xf32> to vector<16xf32>
        %mul3A_998 = arith.mulf %add3A_269, %get3A_997 : vector<16xf32>
        %get3A_999 = arith.index_cast %add3A_993 : i32 to index
        %get3A_1000 = arith.constant 16 : index
        %get3A_1001 = tpu.vector_load %arg10[%get3A_999, %get3A_1000] {strides = array<i32>} : memref<168x128xf32, #tpu.memory_space<vmem>>, vector<1x16xf32>,
        %get3A_1002 = vector.shape_cast %get3A_1001 : vector<1x16xf32> to vector<16xf32>
        %mul3A_1003 = arith.mulf %add3A_356, %get3A_1002 : vector<16xf32>
        %add3A_1004 = arith.addf %mul3A_998, %mul3A_1003 : vector<16xf32>
        %get3A_1005 = arith.index_cast %add3A_993 : i32 to index
        %get3A_1006 = arith.constant 32 : index
        %get3A_1007 = tpu.vector_load %arg10[%get3A_1005, %get3A_1006] {strides = array<i32>} : memref<168x128xf32, #tpu.memory_space<vmem>>, vector<1x16xf32>,
        %get3A_1008 = vector.shape_cast %get3A_1007 : vector<1x16xf32> to vector<16xf32>
        %mul3A_1009 = arith.mulf %add3A_443, %get3A_1008 : vector<16xf32>
        %add3A_1010 = arith.addf %add3A_1004, %mul3A_1009 : vector<16xf32>
        %get3A_1011 = arith.index_cast %add3A_993 : i32 to index
        %get3A_1012 = arith.constant 48 : index
        %get3A_1013 = tpu.vector_load %arg10[%get3A_1011, %get3A_1012] {strides = array<i32>} : memref<168x128xf32, #tpu.memory_space<vmem>>, vector<1x16xf32>,
        %get3A_1014 = vector.shape_cast %get3A_1013 : vector<1x16xf32> to vector<16xf32>
        %mul3A_1015 = arith.mulf %add3A_530, %get3A_1014 : vector<16xf32>
        %add3A_1016 = arith.addf %add3A_1010, %mul3A_1015 : vector<16xf32>
        %get3A_1017 = arith.index_cast %add3A_993 : i32 to index
        %get3A_1018 = arith.constant 64 : index
        %get3A_1019 = tpu.vector_load %arg10[%get3A_1017, %get3A_1018] {strides = array<i32>} : memref<168x128xf32, #tpu.memory_space<vmem>>, vector<1x16xf32>,
        %get3A_1020 = vector.shape_cast %get3A_1019 : vector<1x16xf32> to vector<16xf32>
        %mul3A_1021 = arith.mulf %add3A_617, %get3A_1020 : vector<16xf32>
        %add3A_1022 = arith.addf %add3A_1016, %mul3A_1021 : vector<16xf32>
        %get3A_1023 = arith.index_cast %add3A_993 : i32 to index
        %get3A_1024 = arith.constant 80 : index
        %get3A_1025 = tpu.vector_load %arg10[%get3A_1023, %get3A_1024] {strides = array<i32>} : memref<168x128xf32, #tpu.memory_space<vmem>>, vector<1x16xf32>,
        %get3A_1026 = vector.shape_cast %get3A_1025 : vector<1x16xf32> to vector<16xf32>
        %mul3A_1027 = arith.mulf %add3A_704, %get3A_1026 : vector<16xf32>
        %add3A_1028 = arith.addf %add3A_1022, %mul3A_1027 : vector<16xf32>
        %get3A_1029 = arith.index_cast %add3A_993 : i32 to index
        %get3A_1030 = arith.constant 96 : index
        %get3A_1031 = tpu.vector_load %arg10[%get3A_1029, %get3A_1030] {strides = array<i32>} : memref<168x128xf32, #tpu.memory_space<vmem>>, vector<1x16xf32>,
        %get3A_1032 = vector.shape_cast %get3A_1031 : vector<1x16xf32> to vector<16xf32>
        %mul3A_1033 = arith.mulf %add3A_791, %get3A_1032 : vector<16xf32>
        %add3A_1034 = arith.addf %add3A_1028, %mul3A_1033 : vector<16xf32>
        %get3A_1035 = arith.index_cast %add3A_993 : i32 to index
        %get3A_1036 = arith.constant 112 : index
        %get3A_1037 = tpu.vector_load %arg10[%get3A_1035, %get3A_1036] {strides = array<i32>} : memref<168x128xf32, #tpu.memory_space<vmem>>, vector<1x16xf32>,
        %get3A_1038 = vector.shape_cast %get3A_1037 : vector<1x16xf32> to vector<16xf32>
        %mul3A_1039 = arith.mulf %add3A_878, %get3A_1038 : vector<16xf32>
        %add3A_1040 = arith.addf %add3A_1034, %mul3A_1039 : vector<16xf32>
        %swap3A_1041 = arith.index_cast %scan3A_183 : i32 to index
        %swap3A_1042 = arith.constant 32 : index
        %swap3A_1043 = tpu.vector_load %arg13[%swap3A_1041, %swap3A_1042] {strides = array<i32>} : memref<8x336xf32, #tpu.memory_space<vmem>>, vector<1x16xf32>,
        %swap3A_1044 = vector.shape_cast %swap3A_1043 : vector<1x16xf32> to vector<16xf32>
        %swap3A_1045 = vector.shape_cast %add3A_1040 : vector<16xf32> to vector<1x16xf32>
        tpu.vector_store %arg13[%swap3A_1041, %swap3A_1042], %swap3A_1045 {strides = array<i32>} : memref<8x336xf32, #tpu.memory_space<vmem>>, vector<1x16xf32>,
        %mul3A_1046 = arith.constant 20 : i32
        %mul3A_1047 = arith.muli %scan3A_183, %mul3A_1046 : i32
        %add3A_1048 = arith.constant 8 : i32
        %add3A_1049 = arith.addi %add3A_1048, %mul3A_1047 : i32
        %add3A_1050 = arith.constant 2 : i32
        %add3A_1051 = arith.addi %add3A_1049, %add3A_1050 : i32
        %get3A_1052 = arith.index_cast %add3A_1051 : i32 to index
        %get3A_1053 = arith.constant 0 : index
        %get3A_1054 = tpu.vector_load %arg10[%get3A_1052, %get3A_1053] {strides = array<i32>} : memref<168x128xf32, #tpu.memory_space<vmem>>, vector<1x16xf32>,
        %get3A_1055 = vector.shape_cast %get3A_1054 : vector<1x16xf32> to vector<16xf32>
        %mul3A_1056 = arith.mulf %add3A_269, %get3A_1055 : vector<16xf32>
        %get3A_1057 = arith.index_cast %add3A_1051 : i32 to index
        %get3A_1058 = arith.constant 16 : index
        %get3A_1059 = tpu.vector_load %arg10[%get3A_1057, %get3A_1058] {strides = array<i32>} : memref<168x128xf32, #tpu.memory_space<vmem>>, vector<1x16xf32>,
        %get3A_1060 = vector.shape_cast %get3A_1059 : vector<1x16xf32> to vector<16xf32>
        %mul3A_1061 = arith.mulf %add3A_356, %get3A_1060 : vector<16xf32>
        %add3A_1062 = arith.addf %mul3A_1056, %mul3A_1061 : vector<16xf32>
        %get3A_1063 = arith.index_cast %add3A_1051 : i32 to index
        %get3A_1064 = arith.constant 32 : index
        %get3A_1065 = tpu.vector_load %arg10[%get3A_1063, %get3A_1064] {strides = array<i32>} : memref<168x128xf32, #tpu.memory_space<vmem>>, vector<1x16xf32>,
        %get3A_1066 = vector.shape_cast %get3A_1065 : vector<1x16xf32> to vector<16xf32>
        %mul3A_1067 = arith.mulf %add3A_443, %get3A_1066 : vector<16xf32>
        %add3A_1068 = arith.addf %add3A_1062, %mul3A_1067 : vector<16xf32>
        %get3A_1069 = arith.index_cast %add3A_1051 : i32 to index
        %get3A_1070 = arith.constant 48 : index
        %get3A_1071 = tpu.vector_load %arg10[%get3A_1069, %get3A_1070] {strides = array<i32>} : memref<168x128xf32, #tpu.memory_space<vmem>>, vector<1x16xf32>,
        %get3A_1072 = vector.shape_cast %get3A_1071 : vector<1x16xf32> to vector<16xf32>
        %mul3A_1073 = arith.mulf %add3A_530, %get3A_1072 : vector<16xf32>
        %add3A_1074 = arith.addf %add3A_1068, %mul3A_1073 : vector<16xf32>
        %get3A_1075 = arith.index_cast %add3A_1051 : i32 to index
        %get3A_1076 = arith.constant 64 : index
        %get3A_1077 = tpu.vector_load %arg10[%get3A_1075, %get3A_1076] {strides = array<i32>} : memref<168x128xf32, #tpu.memory_space<vmem>>, vector<1x16xf32>,
        %get3A_1078 = vector.shape_cast %get3A_1077 : vector<1x16xf32> to vector<16xf32>
        %mul3A_1079 = arith.mulf %add3A_617, %get3A_1078 : vector<16xf32>
        %add3A_1080 = arith.addf %add3A_1074, %mul3A_1079 : vector<16xf32>
        %get3A_1081 = arith.index_cast %add3A_1051 : i32 to index
        %get3A_1082 = arith.constant 80 : index
        %get3A_1083 = tpu.vector_load %arg10[%get3A_1081, %get3A_1082] {strides = array<i32>} : memref<168x128xf32, #tpu.memory_space<vmem>>, vector<1x16xf32>,
        %get3A_1084 = vector.shape_cast %get3A_1083 : vector<1x16xf32> to vector<16xf32>
        %mul3A_1085 = arith.mulf %add3A_704, %get3A_1084 : vector<16xf32>
        %add3A_1086 = arith.addf %add3A_1080, %mul3A_1085 : vector<16xf32>
        %get3A_1087 = arith.index_cast %add3A_1051 : i32 to index
        %get3A_1088 = arith.constant 96 : index
        %get3A_1089 = tpu.vector_load %arg10[%get3A_1087, %get3A_1088] {strides = array<i32>} : memref<168x128xf32, #tpu.memory_space<vmem>>, vector<1x16xf32>,
        %get3A_1090 = vector.shape_cast %get3A_1089 : vector<1x16xf32> to vector<16xf32>
        %mul3A_1091 = arith.mulf %add3A_791, %get3A_1090 : vector<16xf32>
        %add3A_1092 = arith.addf %add3A_1086, %mul3A_1091 : vector<16xf32>
        %get3A_1093 = arith.index_cast %add3A_1051 : i32 to index
        %get3A_1094 = arith.constant 112 : index
        %get3A_1095 = tpu.vector_load %arg10[%get3A_1093, %get3A_1094] {strides = array<i32>} : memref<168x128xf32, #tpu.memory_space<vmem>>, vector<1x16xf32>,
        %get3A_1096 = vector.shape_cast %get3A_1095 : vector<1x16xf32> to vector<16xf32>
        %mul3A_1097 = arith.mulf %add3A_878, %get3A_1096 : vector<16xf32>
        %add3A_1098 = arith.addf %add3A_1092, %mul3A_1097 : vector<16xf32>
        %swap3A_1099 = arith.index_cast %scan3A_183 : i32 to index
        %swap3A_1100 = arith.constant 48 : index
        %swap3A_1101 = tpu.vector_load %arg13[%swap3A_1099, %swap3A_1100] {strides = array<i32>} : memref<8x336xf32, #tpu.memory_space<vmem>>, vector<1x16xf32>,
        %swap3A_1102 = vector.shape_cast %swap3A_1101 : vector<1x16xf32> to vector<16xf32>
        %swap3A_1103 = vector.shape_cast %add3A_1098 : vector<16xf32> to vector<1x16xf32>
        tpu.vector_store %arg13[%swap3A_1099, %swap3A_1100], %swap3A_1103 {strides = array<i32>} : memref<8x336xf32, #tpu.memory_space<vmem>>, vector<1x16xf32>,
        %mul3A_1104 = arith.constant 20 : i32
        %mul3A_1105 = arith.muli %scan3A_183, %mul3A_1104 : i32
        %add3A_1106 = arith.constant 8 : i32
        %add3A_1107 = arith.addi %add3A_1106, %mul3A_1105 : i32
        %add3A_1108 = arith.constant 3 : i32
        %add3A_1109 = arith.addi %add3A_1107, %add3A_1108 : i32
        %get3A_1110 = arith.index_cast %add3A_1109 : i32 to index
        %get3A_1111 = arith.constant 0 : index
        %get3A_1112 = tpu.vector_load %arg10[%get3A_1110, %get3A_1111] {strides = array<i32>} : memref<168x128xf32, #tpu.memory_space<vmem>>, vector<1x16xf32>,
        %get3A_1113 = vector.shape_cast %get3A_1112 : vector<1x16xf32> to vector<16xf32>
        %mul3A_1114 = arith.mulf %add3A_269, %get3A_1113 : vector<16xf32>
        %get3A_1115 = arith.index_cast %add3A_1109 : i32 to index
        %get3A_1116 = arith.constant 16 : index
        %get3A_1117 = tpu.vector_load %arg10[%get3A_1115, %get3A_1116] {strides = array<i32>} : memref<168x128xf32, #tpu.memory_space<vmem>>, vector<1x16xf32>,
        %get3A_1118 = vector.shape_cast %get3A_1117 : vector<1x16xf32> to vector<16xf32>
        %mul3A_1119 = arith.mulf %add3A_356, %get3A_1118 : vector<16xf32>
        %add3A_1120 = arith.addf %mul3A_1114, %mul3A_1119 : vector<16xf32>
        %get3A_1121 = arith.index_cast %add3A_1109 : i32 to index
        %get3A_1122 = arith.constant 32 : index
        %get3A_1123 = tpu.vector_load %arg10[%get3A_1121, %get3A_1122] {strides = array<i32>} : memref<168x128xf32, #tpu.memory_space<vmem>>, vector<1x16xf32>,
        %get3A_1124 = vector.shape_cast %get3A_1123 : vector<1x16xf32> to vector<16xf32>
        %mul3A_1125 = arith.mulf %add3A_443, %get3A_1124 : vector<16xf32>
        %add3A_1126 = arith.addf %add3A_1120, %mul3A_1125 : vector<16xf32>
        %get3A_1127 = arith.index_cast %add3A_1109 : i32 to index
        %get3A_1128 = arith.constant 48 : index
        %get3A_1129 = tpu.vector_load %arg10[%get3A_1127, %get3A_1128] {strides = array<i32>} : memref<168x128xf32, #tpu.memory_space<vmem>>, vector<1x16xf32>,
        %get3A_1130 = vector.shape_cast %get3A_1129 : vector<1x16xf32> to vector<16xf32>
        %mul3A_1131 = arith.mulf %add3A_530, %get3A_1130 : vector<16xf32>
        %add3A_1132 = arith.addf %add3A_1126, %mul3A_1131 : vector<16xf32>
        %get3A_1133 = arith.index_cast %add3A_1109 : i32 to index
        %get3A_1134 = arith.constant 64 : index
        %get3A_1135 = tpu.vector_load %arg10[%get3A_1133, %get3A_1134] {strides = array<i32>} : memref<168x128xf32, #tpu.memory_space<vmem>>, vector<1x16xf32>,
        %get3A_1136 = vector.shape_cast %get3A_1135 : vector<1x16xf32> to vector<16xf32>
        %mul3A_1137 = arith.mulf %add3A_617, %get3A_1136 : vector<16xf32>
        %add3A_1138 = arith.addf %add3A_1132, %mul3A_1137 : vector<16xf32>
        %get3A_1139 = arith.index_cast %add3A_1109 : i32 to index
        %get3A_1140 = arith.constant 80 : index
        %get3A_1141 = tpu.vector_load %arg10[%get3A_1139, %get3A_1140] {strides = array<i32>} : memref<168x128xf32, #tpu.memory_space<vmem>>, vector<1x16xf32>,
        %get3A_1142 = vector.shape_cast %get3A_1141 : vector<1x16xf32> to vector<16xf32>
        %mul3A_1143 = arith.mulf %add3A_704, %get3A_1142 : vector<16xf32>
        %add3A_1144 = arith.addf %add3A_1138, %mul3A_1143 : vector<16xf32>
        %get3A_1145 = arith.index_cast %add3A_1109 : i32 to index
        %get3A_1146 = arith.constant 96 : index
        %get3A_1147 = tpu.vector_load %arg10[%get3A_1145, %get3A_1146] {strides = array<i32>} : memref<168x128xf32, #tpu.memory_space<vmem>>, vector<1x16xf32>,
        %get3A_1148 = vector.shape_cast %get3A_1147 : vector<1x16xf32> to vector<16xf32>
        %mul3A_1149 = arith.mulf %add3A_791, %get3A_1148 : vector<16xf32>
        %add3A_1150 = arith.addf %add3A_1144, %mul3A_1149 : vector<16xf32>
        %get3A_1151 = arith.index_cast %add3A_1109 : i32 to index
        %get3A_1152 = arith.constant 112 : index
        %get3A_1153 = tpu.vector_load %arg10[%get3A_1151, %get3A_1152] {strides = array<i32>} : memref<168x128xf32, #tpu.memory_space<vmem>>, vector<1x16xf32>,
        %get3A_1154 = vector.shape_cast %get3A_1153 : vector<1x16xf32> to vector<16xf32>
        %mul3A_1155 = arith.mulf %add3A_878, %get3A_1154 : vector<16xf32>
        %add3A_1156 = arith.addf %add3A_1150, %mul3A_1155 : vector<16xf32>
        %swap3A_1157 = arith.index_cast %scan3A_183 : i32 to index
        %swap3A_1158 = arith.constant 64 : index
        %swap3A_1159 = tpu.vector_load %arg13[%swap3A_1157, %swap3A_1158] {strides = array<i32>} : memref<8x336xf32, #tpu.memory_space<vmem>>, vector<1x16xf32>,
        %swap3A_1160 = vector.shape_cast %swap3A_1159 : vector<1x16xf32> to vector<16xf32>
        %swap3A_1161 = vector.shape_cast %add3A_1156 : vector<16xf32> to vector<1x16xf32>
        tpu.vector_store %arg13[%swap3A_1157, %swap3A_1158], %swap3A_1161 {strides = array<i32>} : memref<8x336xf32, #tpu.memory_space<vmem>>, vector<1x16xf32>,
        %mul3A_1162 = arith.constant 20 : i32
        %mul3A_1163 = arith.muli %scan3A_183, %mul3A_1162 : i32
        %add3A_1164 = arith.constant 8 : i32
        %add3A_1165 = arith.addi %add3A_1164, %mul3A_1163 : i32
        %add3A_1166 = arith.constant 4 : i32
        %add3A_1167 = arith.addi %add3A_1165, %add3A_1166 : i32
        %get3A_1168 = arith.index_cast %add3A_1167 : i32 to index
        %get3A_1169 = arith.constant 0 : index
        %get3A_1170 = tpu.vector_load %arg10[%get3A_1168, %get3A_1169] {strides = array<i32>} : memref<168x128xf32, #tpu.memory_space<vmem>>, vector<1x16xf32>,
        %get3A_1171 = vector.shape_cast %get3A_1170 : vector<1x16xf32> to vector<16xf32>
        %mul3A_1172 = arith.mulf %add3A_269, %get3A_1171 : vector<16xf32>
        %get3A_1173 = arith.index_cast %add3A_1167 : i32 to index
        %get3A_1174 = arith.constant 16 : index
        %get3A_1175 = tpu.vector_load %arg10[%get3A_1173, %get3A_1174] {strides = array<i32>} : memref<168x128xf32, #tpu.memory_space<vmem>>, vector<1x16xf32>,
        %get3A_1176 = vector.shape_cast %get3A_1175 : vector<1x16xf32> to vector<16xf32>
        %mul3A_1177 = arith.mulf %add3A_356, %get3A_1176 : vector<16xf32>
        %add3A_1178 = arith.addf %mul3A_1172, %mul3A_1177 : vector<16xf32>
        %get3A_1179 = arith.index_cast %add3A_1167 : i32 to index
        %get3A_1180 = arith.constant 32 : index
        %get3A_1181 = tpu.vector_load %arg10[%get3A_1179, %get3A_1180] {strides = array<i32>} : memref<168x128xf32, #tpu.memory_space<vmem>>, vector<1x16xf32>,
        %get3A_1182 = vector.shape_cast %get3A_1181 : vector<1x16xf32> to vector<16xf32>
        %mul3A_1183 = arith.mulf %add3A_443, %get3A_1182 : vector<16xf32>
        %add3A_1184 = arith.addf %add3A_1178, %mul3A_1183 : vector<16xf32>
        %get3A_1185 = arith.index_cast %add3A_1167 : i32 to index
        %get3A_1186 = arith.constant 48 : index
        %get3A_1187 = tpu.vector_load %arg10[%get3A_1185, %get3A_1186] {strides = array<i32>} : memref<168x128xf32, #tpu.memory_space<vmem>>, vector<1x16xf32>,
        %get3A_1188 = vector.shape_cast %get3A_1187 : vector<1x16xf32> to vector<16xf32>
        %mul3A_1189 = arith.mulf %add3A_530, %get3A_1188 : vector<16xf32>
        %add3A_1190 = arith.addf %add3A_1184, %mul3A_1189 : vector<16xf32>
        %get3A_1191 = arith.index_cast %add3A_1167 : i32 to index
        %get3A_1192 = arith.constant 64 : index
        %get3A_1193 = tpu.vector_load %arg10[%get3A_1191, %get3A_1192] {strides = array<i32>} : memref<168x128xf32, #tpu.memory_space<vmem>>, vector<1x16xf32>,
        %get3A_1194 = vector.shape_cast %get3A_1193 : vector<1x16xf32> to vector<16xf32>
        %mul3A_1195 = arith.mulf %add3A_617, %get3A_1194 : vector<16xf32>
        %add3A_1196 = arith.addf %add3A_1190, %mul3A_1195 : vector<16xf32>
        %get3A_1197 = arith.index_cast %add3A_1167 : i32 to index
        %get3A_1198 = arith.constant 80 : index
        %get3A_1199 = tpu.vector_load %arg10[%get3A_1197, %get3A_1198] {strides = array<i32>} : memref<168x128xf32, #tpu.memory_space<vmem>>, vector<1x16xf32>,
        %get3A_1200 = vector.shape_cast %get3A_1199 : vector<1x16xf32> to vector<16xf32>
        %mul3A_1201 = arith.mulf %add3A_704, %get3A_1200 : vector<16xf32>
        %add3A_1202 = arith.addf %add3A_1196, %mul3A_1201 : vector<16xf32>
        %get3A_1203 = arith.index_cast %add3A_1167 : i32 to index
        %get3A_1204 = arith.constant 96 : index
        %get3A_1205 = tpu.vector_load %arg10[%get3A_1203, %get3A_1204] {strides = array<i32>} : memref<168x128xf32, #tpu.memory_space<vmem>>, vector<1x16xf32>,
        %get3A_1206 = vector.shape_cast %get3A_1205 : vector<1x16xf32> to vector<16xf32>
        %mul3A_1207 = arith.mulf %add3A_791, %get3A_1206 : vector<16xf32>
        %add3A_1208 = arith.addf %add3A_1202, %mul3A_1207 : vector<16xf32>
        %get3A_1209 = arith.index_cast %add3A_1167 : i32 to index
        %get3A_1210 = arith.constant 112 : index
        %get3A_1211 = tpu.vector_load %arg10[%get3A_1209, %get3A_1210] {strides = array<i32>} : memref<168x128xf32, #tpu.memory_space<vmem>>, vector<1x16xf32>,
        %get3A_1212 = vector.shape_cast %get3A_1211 : vector<1x16xf32> to vector<16xf32>
        %mul3A_1213 = arith.mulf %add3A_878, %get3A_1212 : vector<16xf32>
        %add3A_1214 = arith.addf %add3A_1208, %mul3A_1213 : vector<16xf32>
        %swap3A_1215 = arith.index_cast %scan3A_183 : i32 to index
        %swap3A_1216 = arith.constant 80 : index
        %swap3A_1217 = tpu.vector_load %arg13[%swap3A_1215, %swap3A_1216] {strides = array<i32>} : memref<8x336xf32, #tpu.memory_space<vmem>>, vector<1x16xf32>,
        %swap3A_1218 = vector.shape_cast %swap3A_1217 : vector<1x16xf32> to vector<16xf32>
        %swap3A_1219 = vector.shape_cast %add3A_1214 : vector<16xf32> to vector<1x16xf32>
        tpu.vector_store %arg13[%swap3A_1215, %swap3A_1216], %swap3A_1219 {strides = array<i32>} : memref<8x336xf32, #tpu.memory_space<vmem>>, vector<1x16xf32>,
        %mul3A_1220 = arith.constant 20 : i32
        %mul3A_1221 = arith.muli %scan3A_183, %mul3A_1220 : i32
        %add3A_1222 = arith.constant 8 : i32
        %add3A_1223 = arith.addi %add3A_1222, %mul3A_1221 : i32
        %add3A_1224 = arith.constant 5 : i32
        %add3A_1225 = arith.addi %add3A_1223, %add3A_1224 : i32
        %get3A_1226 = arith.index_cast %add3A_1225 : i32 to index
        %get3A_1227 = arith.constant 0 : index
        %get3A_1228 = tpu.vector_load %arg10[%get3A_1226, %get3A_1227] {strides = array<i32>} : memref<168x128xf32, #tpu.memory_space<vmem>>, vector<1x16xf32>,
        %get3A_1229 = vector.shape_cast %get3A_1228 : vector<1x16xf32> to vector<16xf32>
        %mul3A_1230 = arith.mulf %add3A_269, %get3A_1229 : vector<16xf32>
        %get3A_1231 = arith.index_cast %add3A_1225 : i32 to index
        %get3A_1232 = arith.constant 16 : index
        %get3A_1233 = tpu.vector_load %arg10[%get3A_1231, %get3A_1232] {strides = array<i32>} : memref<168x128xf32, #tpu.memory_space<vmem>>, vector<1x16xf32>,
        %get3A_1234 = vector.shape_cast %get3A_1233 : vector<1x16xf32> to vector<16xf32>
        %mul3A_1235 = arith.mulf %add3A_356, %get3A_1234 : vector<16xf32>
        %add3A_1236 = arith.addf %mul3A_1230, %mul3A_1235 : vector<16xf32>
        %get3A_1237 = arith.index_cast %add3A_1225 : i32 to index
        %get3A_1238 = arith.constant 32 : index
        %get3A_1239 = tpu.vector_load %arg10[%get3A_1237, %get3A_1238] {strides = array<i32>} : memref<168x128xf32, #tpu.memory_space<vmem>>, vector<1x16xf32>,
        %get3A_1240 = vector.shape_cast %get3A_1239 : vector<1x16xf32> to vector<16xf32>
        %mul3A_1241 = arith.mulf %add3A_443, %get3A_1240 : vector<16xf32>
        %add3A_1242 = arith.addf %add3A_1236, %mul3A_1241 : vector<16xf32>
        %get3A_1243 = arith.index_cast %add3A_1225 : i32 to index
        %get3A_1244 = arith.constant 48 : index
        %get3A_1245 = tpu.vector_load %arg10[%get3A_1243, %get3A_1244] {strides = array<i32>} : memref<168x128xf32, #tpu.memory_space<vmem>>, vector<1x16xf32>,
        %get3A_1246 = vector.shape_cast %get3A_1245 : vector<1x16xf32> to vector<16xf32>
        %mul3A_1247 = arith.mulf %add3A_530, %get3A_1246 : vector<16xf32>
        %add3A_1248 = arith.addf %add3A_1242, %mul3A_1247 : vector<16xf32>
        %get3A_1249 = arith.index_cast %add3A_1225 : i32 to index
        %get3A_1250 = arith.constant 64 : index
        %get3A_1251 = tpu.vector_load %arg10[%get3A_1249, %get3A_1250] {strides = array<i32>} : memref<168x128xf32, #tpu.memory_space<vmem>>, vector<1x16xf32>,
        %get3A_1252 = vector.shape_cast %get3A_1251 : vector<1x16xf32> to vector<16xf32>
        %mul3A_1253 = arith.mulf %add3A_617, %get3A_1252 : vector<16xf32>
        %add3A_1254 = arith.addf %add3A_1248, %mul3A_1253 : vector<16xf32>
        %get3A_1255 = arith.index_cast %add3A_1225 : i32 to index
        %get3A_1256 = arith.constant 80 : index
        %get3A_1257 = tpu.vector_load %arg10[%get3A_1255, %get3A_1256] {strides = array<i32>} : memref<168x128xf32, #tpu.memory_space<vmem>>, vector<1x16xf32>,
        %get3A_1258 = vector.shape_cast %get3A_1257 : vector<1x16xf32> to vector<16xf32>
        %mul3A_1259 = arith.mulf %add3A_704, %get3A_1258 : vector<16xf32>
        %add3A_1260 = arith.addf %add3A_1254, %mul3A_1259 : vector<16xf32>
        %get3A_1261 = arith.index_cast %add3A_1225 : i32 to index
        %get3A_1262 = arith.constant 96 : index
        %get3A_1263 = tpu.vector_load %arg10[%get3A_1261, %get3A_1262] {strides = array<i32>} : memref<168x128xf32, #tpu.memory_space<vmem>>, vector<1x16xf32>,
        %get3A_1264 = vector.shape_cast %get3A_1263 : vector<1x16xf32> to vector<16xf32>
        %mul3A_1265 = arith.mulf %add3A_791, %get3A_1264 : vector<16xf32>
        %add3A_1266 = arith.addf %add3A_1260, %mul3A_1265 : vector<16xf32>
        %get3A_1267 = arith.index_cast %add3A_1225 : i32 to index
        %get3A_1268 = arith.constant 112 : index
        %get3A_1269 = tpu.vector_load %arg10[%get3A_1267, %get3A_1268] {strides = array<i32>} : memref<168x128xf32, #tpu.memory_space<vmem>>, vector<1x16xf32>,
        %get3A_1270 = vector.shape_cast %get3A_1269 : vector<1x16xf32> to vector<16xf32>
        %mul3A_1271 = arith.mulf %add3A_878, %get3A_1270 : vector<16xf32>
        %add3A_1272 = arith.addf %add3A_1266, %mul3A_1271 : vector<16xf32>
        %swap3A_1273 = arith.index_cast %scan3A_183 : i32 to index
        %swap3A_1274 = arith.constant 96 : index
        %swap3A_1275 = tpu.vector_load %arg13[%swap3A_1273, %swap3A_1274] {strides = array<i32>} : memref<8x336xf32, #tpu.memory_space<vmem>>, vector<1x16xf32>,
        %swap3A_1276 = vector.shape_cast %swap3A_1275 : vector<1x16xf32> to vector<16xf32>
        %swap3A_1277 = vector.shape_cast %add3A_1272 : vector<16xf32> to vector<1x16xf32>
        tpu.vector_store %arg13[%swap3A_1273, %swap3A_1274], %swap3A_1277 {strides = array<i32>} : memref<8x336xf32, #tpu.memory_space<vmem>>, vector<1x16xf32>,
        %mul3A_1278 = arith.constant 20 : i32
        %mul3A_1279 = arith.muli %scan3A_183, %mul3A_1278 : i32
        %add3A_1280 = arith.constant 8 : i32
        %add3A_1281 = arith.addi %add3A_1280, %mul3A_1279 : i32
        %add3A_1282 = arith.constant 6 : i32
        %add3A_1283 = arith.addi %add3A_1281, %add3A_1282 : i32
        %get3A_1284 = arith.index_cast %add3A_1283 : i32 to index
        %get3A_1285 = arith.constant 0 : index
        %get3A_1286 = tpu.vector_load %arg10[%get3A_1284, %get3A_1285] {strides = array<i32>} : memref<168x128xf32, #tpu.memory_space<vmem>>, vector<1x16xf32>,
        %get3A_1287 = vector.shape_cast %get3A_1286 : vector<1x16xf32> to vector<16xf32>
        %mul3A_1288 = arith.mulf %add3A_269, %get3A_1287 : vector<16xf32>
        %get3A_1289 = arith.index_cast %add3A_1283 : i32 to index
        %get3A_1290 = arith.constant 16 : index
        %get3A_1291 = tpu.vector_load %arg10[%get3A_1289, %get3A_1290] {strides = array<i32>} : memref<168x128xf32, #tpu.memory_space<vmem>>, vector<1x16xf32>,
        %get3A_1292 = vector.shape_cast %get3A_1291 : vector<1x16xf32> to vector<16xf32>
        %mul3A_1293 = arith.mulf %add3A_356, %get3A_1292 : vector<16xf32>
        %add3A_1294 = arith.addf %mul3A_1288, %mul3A_1293 : vector<16xf32>
        %get3A_1295 = arith.index_cast %add3A_1283 : i32 to index
        %get3A_1296 = arith.constant 32 : index
        %get3A_1297 = tpu.vector_load %arg10[%get3A_1295, %get3A_1296] {strides = array<i32>} : memref<168x128xf32, #tpu.memory_space<vmem>>, vector<1x16xf32>,
        %get3A_1298 = vector.shape_cast %get3A_1297 : vector<1x16xf32> to vector<16xf32>
        %mul3A_1299 = arith.mulf %add3A_443, %get3A_1298 : vector<16xf32>
        %add3A_1300 = arith.addf %add3A_1294, %mul3A_1299 : vector<16xf32>
        %get3A_1301 = arith.index_cast %add3A_1283 : i32 to index
        %get3A_1302 = arith.constant 48 : index
        %get3A_1303 = tpu.vector_load %arg10[%get3A_1301, %get3A_1302] {strides = array<i32>} : memref<168x128xf32, #tpu.memory_space<vmem>>, vector<1x16xf32>,
        %get3A_1304 = vector.shape_cast %get3A_1303 : vector<1x16xf32> to vector<16xf32>
        %mul3A_1305 = arith.mulf %add3A_530, %get3A_1304 : vector<16xf32>
        %add3A_1306 = arith.addf %add3A_1300, %mul3A_1305 : vector<16xf32>
        %get3A_1307 = arith.index_cast %add3A_1283 : i32 to index
        %get3A_1308 = arith.constant 64 : index
        %get3A_1309 = tpu.vector_load %arg10[%get3A_1307, %get3A_1308] {strides = array<i32>} : memref<168x128xf32, #tpu.memory_space<vmem>>, vector<1x16xf32>,
        %get3A_1310 = vector.shape_cast %get3A_1309 : vector<1x16xf32> to vector<16xf32>
        %mul3A_1311 = arith.mulf %add3A_617, %get3A_1310 : vector<16xf32>
        %add3A_1312 = arith.addf %add3A_1306, %mul3A_1311 : vector<16xf32>
        %get3A_1313 = arith.index_cast %add3A_1283 : i32 to index
        %get3A_1314 = arith.constant 80 : index
        %get3A_1315 = tpu.vector_load %arg10[%get3A_1313, %get3A_1314] {strides = array<i32>} : memref<168x128xf32, #tpu.memory_space<vmem>>, vector<1x16xf32>,
        %get3A_1316 = vector.shape_cast %get3A_1315 : vector<1x16xf32> to vector<16xf32>
        %mul3A_1317 = arith.mulf %add3A_704, %get3A_1316 : vector<16xf32>
        %add3A_1318 = arith.addf %add3A_1312, %mul3A_1317 : vector<16xf32>
        %get3A_1319 = arith.index_cast %add3A_1283 : i32 to index
        %get3A_1320 = arith.constant 96 : index
        %get3A_1321 = tpu.vector_load %arg10[%get3A_1319, %get3A_1320] {strides = array<i32>} : memref<168x128xf32, #tpu.memory_space<vmem>>, vector<1x16xf32>,
        %get3A_1322 = vector.shape_cast %get3A_1321 : vector<1x16xf32> to vector<16xf32>
        %mul3A_1323 = arith.mulf %add3A_791, %get3A_1322 : vector<16xf32>
        %add3A_1324 = arith.addf %add3A_1318, %mul3A_1323 : vector<16xf32>
        %get3A_1325 = arith.index_cast %add3A_1283 : i32 to index
        %get3A_1326 = arith.constant 112 : index
        %get3A_1327 = tpu.vector_load %arg10[%get3A_1325, %get3A_1326] {strides = array<i32>} : memref<168x128xf32, #tpu.memory_space<vmem>>, vector<1x16xf32>,
        %get3A_1328 = vector.shape_cast %get3A_1327 : vector<1x16xf32> to vector<16xf32>
        %mul3A_1329 = arith.mulf %add3A_878, %get3A_1328 : vector<16xf32>
        %add3A_1330 = arith.addf %add3A_1324, %mul3A_1329 : vector<16xf32>
        %swap3A_1331 = arith.index_cast %scan3A_183 : i32 to index
        %swap3A_1332 = arith.constant 112 : index
        %swap3A_1333 = tpu.vector_load %arg13[%swap3A_1331, %swap3A_1332] {strides = array<i32>} : memref<8x336xf32, #tpu.memory_space<vmem>>, vector<1x16xf32>,
        %swap3A_1334 = vector.shape_cast %swap3A_1333 : vector<1x16xf32> to vector<16xf32>
        %swap3A_1335 = vector.shape_cast %add3A_1330 : vector<16xf32> to vector<1x16xf32>
        tpu.vector_store %arg13[%swap3A_1331, %swap3A_1332], %swap3A_1335 {strides = array<i32>} : memref<8x336xf32, #tpu.memory_space<vmem>>, vector<1x16xf32>,
        %mul3A_1336 = arith.constant 20 : i32
        %mul3A_1337 = arith.muli %scan3A_183, %mul3A_1336 : i32
        %add3A_1338 = arith.constant 8 : i32
        %add3A_1339 = arith.addi %add3A_1338, %mul3A_1337 : i32
        %add3A_1340 = arith.constant 7 : i32
        %add3A_1341 = arith.addi %add3A_1339, %add3A_1340 : i32
        %get3A_1342 = arith.index_cast %add3A_1341 : i32 to index
        %get3A_1343 = arith.constant 0 : index
        %get3A_1344 = tpu.vector_load %arg10[%get3A_1342, %get3A_1343] {strides = array<i32>} : memref<168x128xf32, #tpu.memory_space<vmem>>, vector<1x16xf32>,
        %get3A_1345 = vector.shape_cast %get3A_1344 : vector<1x16xf32> to vector<16xf32>
        %mul3A_1346 = arith.mulf %add3A_269, %get3A_1345 : vector<16xf32>
        %get3A_1347 = arith.index_cast %add3A_1341 : i32 to index
        %get3A_1348 = arith.constant 16 : index
        %get3A_1349 = tpu.vector_load %arg10[%get3A_1347, %get3A_1348] {strides = array<i32>} : memref<168x128xf32, #tpu.memory_space<vmem>>, vector<1x16xf32>,
        %get3A_1350 = vector.shape_cast %get3A_1349 : vector<1x16xf32> to vector<16xf32>
        %mul3A_1351 = arith.mulf %add3A_356, %get3A_1350 : vector<16xf32>
        %add3A_1352 = arith.addf %mul3A_1346, %mul3A_1351 : vector<16xf32>
        %get3A_1353 = arith.index_cast %add3A_1341 : i32 to index
        %get3A_1354 = arith.constant 32 : index
        %get3A_1355 = tpu.vector_load %arg10[%get3A_1353, %get3A_1354] {strides = array<i32>} : memref<168x128xf32, #tpu.memory_space<vmem>>, vector<1x16xf32>,
        %get3A_1356 = vector.shape_cast %get3A_1355 : vector<1x16xf32> to vector<16xf32>
        %mul3A_1357 = arith.mulf %add3A_443, %get3A_1356 : vector<16xf32>
        %add3A_1358 = arith.addf %add3A_1352, %mul3A_1357 : vector<16xf32>
        %get3A_1359 = arith.index_cast %add3A_1341 : i32 to index
        %get3A_1360 = arith.constant 48 : index
        %get3A_1361 = tpu.vector_load %arg10[%get3A_1359, %get3A_1360] {strides = array<i32>} : memref<168x128xf32, #tpu.memory_space<vmem>>, vector<1x16xf32>,
        %get3A_1362 = vector.shape_cast %get3A_1361 : vector<1x16xf32> to vector<16xf32>
        %mul3A_1363 = arith.mulf %add3A_530, %get3A_1362 : vector<16xf32>
        %add3A_1364 = arith.addf %add3A_1358, %mul3A_1363 : vector<16xf32>
        %get3A_1365 = arith.index_cast %add3A_1341 : i32 to index
        %get3A_1366 = arith.constant 64 : index
        %get3A_1367 = tpu.vector_load %arg10[%get3A_1365, %get3A_1366] {strides = array<i32>} : memref<168x128xf32, #tpu.memory_space<vmem>>, vector<1x16xf32>,
        %get3A_1368 = vector.shape_cast %get3A_1367 : vector<1x16xf32> to vector<16xf32>
        %mul3A_1369 = arith.mulf %add3A_617, %get3A_1368 : vector<16xf32>
        %add3A_1370 = arith.addf %add3A_1364, %mul3A_1369 : vector<16xf32>
        %get3A_1371 = arith.index_cast %add3A_1341 : i32 to index
        %get3A_1372 = arith.constant 80 : index
        %get3A_1373 = tpu.vector_load %arg10[%get3A_1371, %get3A_1372] {strides = array<i32>} : memref<168x128xf32, #tpu.memory_space<vmem>>, vector<1x16xf32>,
        %get3A_1374 = vector.shape_cast %get3A_1373 : vector<1x16xf32> to vector<16xf32>
        %mul3A_1375 = arith.mulf %add3A_704, %get3A_1374 : vector<16xf32>
        %add3A_1376 = arith.addf %add3A_1370, %mul3A_1375 : vector<16xf32>
        %get3A_1377 = arith.index_cast %add3A_1341 : i32 to index
        %get3A_1378 = arith.constant 96 : index
        %get3A_1379 = tpu.vector_load %arg10[%get3A_1377, %get3A_1378] {strides = array<i32>} : memref<168x128xf32, #tpu.memory_space<vmem>>, vector<1x16xf32>,
        %get3A_1380 = vector.shape_cast %get3A_1379 : vector<1x16xf32> to vector<16xf32>
        %mul3A_1381 = arith.mulf %add3A_791, %get3A_1380 : vector<16xf32>
        %add3A_1382 = arith.addf %add3A_1376, %mul3A_1381 : vector<16xf32>
        %get3A_1383 = arith.index_cast %add3A_1341 : i32 to index
        %get3A_1384 = arith.constant 112 : index
        %get3A_1385 = tpu.vector_load %arg10[%get3A_1383, %get3A_1384] {strides = array<i32>} : memref<168x128xf32, #tpu.memory_space<vmem>>, vector<1x16xf32>,
        %get3A_1386 = vector.shape_cast %get3A_1385 : vector<1x16xf32> to vector<16xf32>
        %mul3A_1387 = arith.mulf %add3A_878, %get3A_1386 : vector<16xf32>
        %add3A_1388 = arith.addf %add3A_1382, %mul3A_1387 : vector<16xf32>
        %swap3A_1389 = arith.index_cast %scan3A_183 : i32 to index
        %swap3A_1390 = arith.constant 128 : index
        %swap3A_1391 = tpu.vector_load %arg13[%swap3A_1389, %swap3A_1390] {strides = array<i32>} : memref<8x336xf32, #tpu.memory_space<vmem>>, vector<1x16xf32>,
        %swap3A_1392 = vector.shape_cast %swap3A_1391 : vector<1x16xf32> to vector<16xf32>
        %swap3A_1393 = vector.shape_cast %add3A_1388 : vector<16xf32> to vector<1x16xf32>
        tpu.vector_store %arg13[%swap3A_1389, %swap3A_1390], %swap3A_1393 {strides = array<i32>} : memref<8x336xf32, #tpu.memory_space<vmem>>, vector<1x16xf32>,
        %mul3A_1394 = arith.constant 20 : i32
        %mul3A_1395 = arith.muli %scan3A_183, %mul3A_1394 : i32
        %add3A_1396 = arith.constant 8 : i32
        %add3A_1397 = arith.addi %add3A_1396, %mul3A_1395 : i32
        %add3A_1398 = arith.constant 8 : i32
        %add3A_1399 = arith.addi %add3A_1397, %add3A_1398 : i32
        %get3A_1400 = arith.index_cast %add3A_1399 : i32 to index
        %get3A_1401 = arith.constant 0 : index
        %get3A_1402 = tpu.vector_load %arg10[%get3A_1400, %get3A_1401] {strides = array<i32>} : memref<168x128xf32, #tpu.memory_space<vmem>>, vector<1x16xf32>,
        %get3A_1403 = vector.shape_cast %get3A_1402 : vector<1x16xf32> to vector<16xf32>
        %mul3A_1404 = arith.mulf %add3A_269, %get3A_1403 : vector<16xf32>
        %get3A_1405 = arith.index_cast %add3A_1399 : i32 to index
        %get3A_1406 = arith.constant 16 : index
        %get3A_1407 = tpu.vector_load %arg10[%get3A_1405, %get3A_1406] {strides = array<i32>} : memref<168x128xf32, #tpu.memory_space<vmem>>, vector<1x16xf32>,
        %get3A_1408 = vector.shape_cast %get3A_1407 : vector<1x16xf32> to vector<16xf32>
        %mul3A_1409 = arith.mulf %add3A_356, %get3A_1408 : vector<16xf32>
        %add3A_1410 = arith.addf %mul3A_1404, %mul3A_1409 : vector<16xf32>
        %get3A_1411 = arith.index_cast %add3A_1399 : i32 to index
        %get3A_1412 = arith.constant 32 : index
        %get3A_1413 = tpu.vector_load %arg10[%get3A_1411, %get3A_1412] {strides = array<i32>} : memref<168x128xf32, #tpu.memory_space<vmem>>, vector<1x16xf32>,
        %get3A_1414 = vector.shape_cast %get3A_1413 : vector<1x16xf32> to vector<16xf32>
        %mul3A_1415 = arith.mulf %add3A_443, %get3A_1414 : vector<16xf32>
        %add3A_1416 = arith.addf %add3A_1410, %mul3A_1415 : vector<16xf32>
        %get3A_1417 = arith.index_cast %add3A_1399 : i32 to index
        %get3A_1418 = arith.constant 48 : index
        %get3A_1419 = tpu.vector_load %arg10[%get3A_1417, %get3A_1418] {strides = array<i32>} : memref<168x128xf32, #tpu.memory_space<vmem>>, vector<1x16xf32>,
        %get3A_1420 = vector.shape_cast %get3A_1419 : vector<1x16xf32> to vector<16xf32>
        %mul3A_1421 = arith.mulf %add3A_530, %get3A_1420 : vector<16xf32>
        %add3A_1422 = arith.addf %add3A_1416, %mul3A_1421 : vector<16xf32>
        %get3A_1423 = arith.index_cast %add3A_1399 : i32 to index
        %get3A_1424 = arith.constant 64 : index
        %get3A_1425 = tpu.vector_load %arg10[%get3A_1423, %get3A_1424] {strides = array<i32>} : memref<168x128xf32, #tpu.memory_space<vmem>>, vector<1x16xf32>,
        %get3A_1426 = vector.shape_cast %get3A_1425 : vector<1x16xf32> to vector<16xf32>
        %mul3A_1427 = arith.mulf %add3A_617, %get3A_1426 : vector<16xf32>
        %add3A_1428 = arith.addf %add3A_1422, %mul3A_1427 : vector<16xf32>
        %get3A_1429 = arith.index_cast %add3A_1399 : i32 to index
        %get3A_1430 = arith.constant 80 : index
        %get3A_1431 = tpu.vector_load %arg10[%get3A_1429, %get3A_1430] {strides = array<i32>} : memref<168x128xf32, #tpu.memory_space<vmem>>, vector<1x16xf32>,
        %get3A_1432 = vector.shape_cast %get3A_1431 : vector<1x16xf32> to vector<16xf32>
        %mul3A_1433 = arith.mulf %add3A_704, %get3A_1432 : vector<16xf32>
        %add3A_1434 = arith.addf %add3A_1428, %mul3A_1433 : vector<16xf32>
        %get3A_1435 = arith.index_cast %add3A_1399 : i32 to index
        %get3A_1436 = arith.constant 96 : index
        %get3A_1437 = tpu.vector_load %arg10[%get3A_1435, %get3A_1436] {strides = array<i32>} : memref<168x128xf32, #tpu.memory_space<vmem>>, vector<1x16xf32>,
        %get3A_1438 = vector.shape_cast %get3A_1437 : vector<1x16xf32> to vector<16xf32>
        %mul3A_1439 = arith.mulf %add3A_791, %get3A_1438 : vector<16xf32>
        %add3A_1440 = arith.addf %add3A_1434, %mul3A_1439 : vector<16xf32>
        %get3A_1441 = arith.index_cast %add3A_1399 : i32 to index
        %get3A_1442 = arith.constant 112 : index
        %get3A_1443 = tpu.vector_load %arg10[%get3A_1441, %get3A_1442] {strides = array<i32>} : memref<168x128xf32, #tpu.memory_space<vmem>>, vector<1x16xf32>,
        %get3A_1444 = vector.shape_cast %get3A_1443 : vector<1x16xf32> to vector<16xf32>
        %mul3A_1445 = arith.mulf %add3A_878, %get3A_1444 : vector<16xf32>
        %add3A_1446 = arith.addf %add3A_1440, %mul3A_1445 : vector<16xf32>
        %swap3A_1447 = arith.index_cast %scan3A_183 : i32 to index
        %swap3A_1448 = arith.constant 144 : index
        %swap3A_1449 = tpu.vector_load %arg13[%swap3A_1447, %swap3A_1448] {strides = array<i32>} : memref<8x336xf32, #tpu.memory_space<vmem>>, vector<1x16xf32>,
        %swap3A_1450 = vector.shape_cast %swap3A_1449 : vector<1x16xf32> to vector<16xf32>
        %swap3A_1451 = vector.shape_cast %add3A_1446 : vector<16xf32> to vector<1x16xf32>
        tpu.vector_store %arg13[%swap3A_1447, %swap3A_1448], %swap3A_1451 {strides = array<i32>} : memref<8x336xf32, #tpu.memory_space<vmem>>, vector<1x16xf32>,
        %mul3A_1452 = arith.constant 20 : i32
        %mul3A_1453 = arith.muli %scan3A_183, %mul3A_1452 : i32
        %add3A_1454 = arith.constant 8 : i32
        %add3A_1455 = arith.addi %add3A_1454, %mul3A_1453 : i32
        %add3A_1456 = arith.constant 9 : i32
        %add3A_1457 = arith.addi %add3A_1455, %add3A_1456 : i32
        %get3A_1458 = arith.index_cast %add3A_1457 : i32 to index
        %get3A_1459 = arith.constant 0 : index
        %get3A_1460 = tpu.vector_load %arg10[%get3A_1458, %get3A_1459] {strides = array<i32>} : memref<168x128xf32, #tpu.memory_space<vmem>>, vector<1x16xf32>,
        %get3A_1461 = vector.shape_cast %get3A_1460 : vector<1x16xf32> to vector<16xf32>
        %mul3A_1462 = arith.mulf %add3A_269, %get3A_1461 : vector<16xf32>
        %get3A_1463 = arith.index_cast %add3A_1457 : i32 to index
        %get3A_1464 = arith.constant 16 : index
        %get3A_1465 = tpu.vector_load %arg10[%get3A_1463, %get3A_1464] {strides = array<i32>} : memref<168x128xf32, #tpu.memory_space<vmem>>, vector<1x16xf32>,
        %get3A_1466 = vector.shape_cast %get3A_1465 : vector<1x16xf32> to vector<16xf32>
        %mul3A_1467 = arith.mulf %add3A_356, %get3A_1466 : vector<16xf32>
        %add3A_1468 = arith.addf %mul3A_1462, %mul3A_1467 : vector<16xf32>
        %get3A_1469 = arith.index_cast %add3A_1457 : i32 to index
        %get3A_1470 = arith.constant 32 : index
        %get3A_1471 = tpu.vector_load %arg10[%get3A_1469, %get3A_1470] {strides = array<i32>} : memref<168x128xf32, #tpu.memory_space<vmem>>, vector<1x16xf32>,
        %get3A_1472 = vector.shape_cast %get3A_1471 : vector<1x16xf32> to vector<16xf32>
        %mul3A_1473 = arith.mulf %add3A_443, %get3A_1472 : vector<16xf32>
        %add3A_1474 = arith.addf %add3A_1468, %mul3A_1473 : vector<16xf32>
        %get3A_1475 = arith.index_cast %add3A_1457 : i32 to index
        %get3A_1476 = arith.constant 48 : index
        %get3A_1477 = tpu.vector_load %arg10[%get3A_1475, %get3A_1476] {strides = array<i32>} : memref<168x128xf32, #tpu.memory_space<vmem>>, vector<1x16xf32>,
        %get3A_1478 = vector.shape_cast %get3A_1477 : vector<1x16xf32> to vector<16xf32>
        %mul3A_1479 = arith.mulf %add3A_530, %get3A_1478 : vector<16xf32>
        %add3A_1480 = arith.addf %add3A_1474, %mul3A_1479 : vector<16xf32>
        %get3A_1481 = arith.index_cast %add3A_1457 : i32 to index
        %get3A_1482 = arith.constant 64 : index
        %get3A_1483 = tpu.vector_load %arg10[%get3A_1481, %get3A_1482] {strides = array<i32>} : memref<168x128xf32, #tpu.memory_space<vmem>>, vector<1x16xf32>,
        %get3A_1484 = vector.shape_cast %get3A_1483 : vector<1x16xf32> to vector<16xf32>
        %mul3A_1485 = arith.mulf %add3A_617, %get3A_1484 : vector<16xf32>
        %add3A_1486 = arith.addf %add3A_1480, %mul3A_1485 : vector<16xf32>
        %get3A_1487 = arith.index_cast %add3A_1457 : i32 to index
        %get3A_1488 = arith.constant 80 : index
        %get3A_1489 = tpu.vector_load %arg10[%get3A_1487, %get3A_1488] {strides = array<i32>} : memref<168x128xf32, #tpu.memory_space<vmem>>, vector<1x16xf32>,
        %get3A_1490 = vector.shape_cast %get3A_1489 : vector<1x16xf32> to vector<16xf32>
        %mul3A_1491 = arith.mulf %add3A_704, %get3A_1490 : vector<16xf32>
        %add3A_1492 = arith.addf %add3A_1486, %mul3A_1491 : vector<16xf32>
        %get3A_1493 = arith.index_cast %add3A_1457 : i32 to index
        %get3A_1494 = arith.constant 96 : index
        %get3A_1495 = tpu.vector_load %arg10[%get3A_1493, %get3A_1494] {strides = array<i32>} : memref<168x128xf32, #tpu.memory_space<vmem>>, vector<1x16xf32>,
        %get3A_1496 = vector.shape_cast %get3A_1495 : vector<1x16xf32> to vector<16xf32>
        %mul3A_1497 = arith.mulf %add3A_791, %get3A_1496 : vector<16xf32>
        %add3A_1498 = arith.addf %add3A_1492, %mul3A_1497 : vector<16xf32>
        %get3A_1499 = arith.index_cast %add3A_1457 : i32 to index
        %get3A_1500 = arith.constant 112 : index
        %get3A_1501 = tpu.vector_load %arg10[%get3A_1499, %get3A_1500] {strides = array<i32>} : memref<168x128xf32, #tpu.memory_space<vmem>>, vector<1x16xf32>,
        %get3A_1502 = vector.shape_cast %get3A_1501 : vector<1x16xf32> to vector<16xf32>
        %mul3A_1503 = arith.mulf %add3A_878, %get3A_1502 : vector<16xf32>
        %add3A_1504 = arith.addf %add3A_1498, %mul3A_1503 : vector<16xf32>
        %swap3A_1505 = arith.index_cast %scan3A_183 : i32 to index
        %swap3A_1506 = arith.constant 160 : index
        %swap3A_1507 = tpu.vector_load %arg13[%swap3A_1505, %swap3A_1506] {strides = array<i32>} : memref<8x336xf32, #tpu.memory_space<vmem>>, vector<1x16xf32>,
        %swap3A_1508 = vector.shape_cast %swap3A_1507 : vector<1x16xf32> to vector<16xf32>
        %swap3A_1509 = vector.shape_cast %add3A_1504 : vector<16xf32> to vector<1x16xf32>
        tpu.vector_store %arg13[%swap3A_1505, %swap3A_1506], %swap3A_1509 {strides = array<i32>} : memref<8x336xf32, #tpu.memory_space<vmem>>, vector<1x16xf32>,
        %mul3A_1510 = arith.constant 20 : i32
        %mul3A_1511 = arith.muli %scan3A_183, %mul3A_1510 : i32
        %add3A_1512 = arith.constant 8 : i32
        %add3A_1513 = arith.addi %add3A_1512, %mul3A_1511 : i32
        %add3A_1514 = arith.constant 10 : i32
        %add3A_1515 = arith.addi %add3A_1513, %add3A_1514 : i32
        %get3A_1516 = arith.index_cast %add3A_1515 : i32 to index
        %get3A_1517 = arith.constant 0 : index
        %get3A_1518 = tpu.vector_load %arg10[%get3A_1516, %get3A_1517] {strides = array<i32>} : memref<168x128xf32, #tpu.memory_space<vmem>>, vector<1x16xf32>,
        %get3A_1519 = vector.shape_cast %get3A_1518 : vector<1x16xf32> to vector<16xf32>
        %mul3A_1520 = arith.mulf %add3A_269, %get3A_1519 : vector<16xf32>
        %get3A_1521 = arith.index_cast %add3A_1515 : i32 to index
        %get3A_1522 = arith.constant 16 : index
        %get3A_1523 = tpu.vector_load %arg10[%get3A_1521, %get3A_1522] {strides = array<i32>} : memref<168x128xf32, #tpu.memory_space<vmem>>, vector<1x16xf32>,
        %get3A_1524 = vector.shape_cast %get3A_1523 : vector<1x16xf32> to vector<16xf32>
        %mul3A_1525 = arith.mulf %add3A_356, %get3A_1524 : vector<16xf32>
        %add3A_1526 = arith.addf %mul3A_1520, %mul3A_1525 : vector<16xf32>
        %get3A_1527 = arith.index_cast %add3A_1515 : i32 to index
        %get3A_1528 = arith.constant 32 : index
        %get3A_1529 = tpu.vector_load %arg10[%get3A_1527, %get3A_1528] {strides = array<i32>} : memref<168x128xf32, #tpu.memory_space<vmem>>, vector<1x16xf32>,
        %get3A_1530 = vector.shape_cast %get3A_1529 : vector<1x16xf32> to vector<16xf32>
        %mul3A_1531 = arith.mulf %add3A_443, %get3A_1530 : vector<16xf32>
        %add3A_1532 = arith.addf %add3A_1526, %mul3A_1531 : vector<16xf32>
        %get3A_1533 = arith.index_cast %add3A_1515 : i32 to index
        %get3A_1534 = arith.constant 48 : index
        %get3A_1535 = tpu.vector_load %arg10[%get3A_1533, %get3A_1534] {strides = array<i32>} : memref<168x128xf32, #tpu.memory_space<vmem>>, vector<1x16xf32>,
        %get3A_1536 = vector.shape_cast %get3A_1535 : vector<1x16xf32> to vector<16xf32>
        %mul3A_1537 = arith.mulf %add3A_530, %get3A_1536 : vector<16xf32>
        %add3A_1538 = arith.addf %add3A_1532, %mul3A_1537 : vector<16xf32>
        %get3A_1539 = arith.index_cast %add3A_1515 : i32 to index
        %get3A_1540 = arith.constant 64 : index
        %get3A_1541 = tpu.vector_load %arg10[%get3A_1539, %get3A_1540] {strides = array<i32>} : memref<168x128xf32, #tpu.memory_space<vmem>>, vector<1x16xf32>,
        %get3A_1542 = vector.shape_cast %get3A_1541 : vector<1x16xf32> to vector<16xf32>
        %mul3A_1543 = arith.mulf %add3A_617, %get3A_1542 : vector<16xf32>
        %add3A_1544 = arith.addf %add3A_1538, %mul3A_1543 : vector<16xf32>
        %get3A_1545 = arith.index_cast %add3A_1515 : i32 to index
        %get3A_1546 = arith.constant 80 : index
        %get3A_1547 = tpu.vector_load %arg10[%get3A_1545, %get3A_1546] {strides = array<i32>} : memref<168x128xf32, #tpu.memory_space<vmem>>, vector<1x16xf32>,
        %get3A_1548 = vector.shape_cast %get3A_1547 : vector<1x16xf32> to vector<16xf32>
        %mul3A_1549 = arith.mulf %add3A_704, %get3A_1548 : vector<16xf32>
        %add3A_1550 = arith.addf %add3A_1544, %mul3A_1549 : vector<16xf32>
        %get3A_1551 = arith.index_cast %add3A_1515 : i32 to index
        %get3A_1552 = arith.constant 96 : index
        %get3A_1553 = tpu.vector_load %arg10[%get3A_1551, %get3A_1552] {strides = array<i32>} : memref<168x128xf32, #tpu.memory_space<vmem>>, vector<1x16xf32>,
        %get3A_1554 = vector.shape_cast %get3A_1553 : vector<1x16xf32> to vector<16xf32>
        %mul3A_1555 = arith.mulf %add3A_791, %get3A_1554 : vector<16xf32>
        %add3A_1556 = arith.addf %add3A_1550, %mul3A_1555 : vector<16xf32>
        %get3A_1557 = arith.index_cast %add3A_1515 : i32 to index
        %get3A_1558 = arith.constant 112 : index
        %get3A_1559 = tpu.vector_load %arg10[%get3A_1557, %get3A_1558] {strides = array<i32>} : memref<168x128xf32, #tpu.memory_space<vmem>>, vector<1x16xf32>,
        %get3A_1560 = vector.shape_cast %get3A_1559 : vector<1x16xf32> to vector<16xf32>
        %mul3A_1561 = arith.mulf %add3A_878, %get3A_1560 : vector<16xf32>
        %add3A_1562 = arith.addf %add3A_1556, %mul3A_1561 : vector<16xf32>
        %swap3A_1563 = arith.index_cast %scan3A_183 : i32 to index
        %swap3A_1564 = arith.constant 176 : index
        %swap3A_1565 = tpu.vector_load %arg13[%swap3A_1563, %swap3A_1564] {strides = array<i32>} : memref<8x336xf32, #tpu.memory_space<vmem>>, vector<1x16xf32>,
        %swap3A_1566 = vector.shape_cast %swap3A_1565 : vector<1x16xf32> to vector<16xf32>
        %swap3A_1567 = vector.shape_cast %add3A_1562 : vector<16xf32> to vector<1x16xf32>
        tpu.vector_store %arg13[%swap3A_1563, %swap3A_1564], %swap3A_1567 {strides = array<i32>} : memref<8x336xf32, #tpu.memory_space<vmem>>, vector<1x16xf32>,
        %mul3A_1568 = arith.constant 20 : i32
        %mul3A_1569 = arith.muli %scan3A_183, %mul3A_1568 : i32
        %add3A_1570 = arith.constant 8 : i32
        %add3A_1571 = arith.addi %add3A_1570, %mul3A_1569 : i32
        %add3A_1572 = arith.constant 11 : i32
        %add3A_1573 = arith.addi %add3A_1571, %add3A_1572 : i32
        %get3A_1574 = arith.index_cast %add3A_1573 : i32 to index
        %get3A_1575 = arith.constant 0 : index
        %get3A_1576 = tpu.vector_load %arg10[%get3A_1574, %get3A_1575] {strides = array<i32>} : memref<168x128xf32, #tpu.memory_space<vmem>>, vector<1x16xf32>,
        %get3A_1577 = vector.shape_cast %get3A_1576 : vector<1x16xf32> to vector<16xf32>
        %mul3A_1578 = arith.mulf %add3A_269, %get3A_1577 : vector<16xf32>
        %get3A_1579 = arith.index_cast %add3A_1573 : i32 to index
        %get3A_1580 = arith.constant 16 : index
        %get3A_1581 = tpu.vector_load %arg10[%get3A_1579, %get3A_1580] {strides = array<i32>} : memref<168x128xf32, #tpu.memory_space<vmem>>, vector<1x16xf32>,
        %get3A_1582 = vector.shape_cast %get3A_1581 : vector<1x16xf32> to vector<16xf32>
        %mul3A_1583 = arith.mulf %add3A_356, %get3A_1582 : vector<16xf32>
        %add3A_1584 = arith.addf %mul3A_1578, %mul3A_1583 : vector<16xf32>
        %get3A_1585 = arith.index_cast %add3A_1573 : i32 to index
        %get3A_1586 = arith.constant 32 : index
        %get3A_1587 = tpu.vector_load %arg10[%get3A_1585, %get3A_1586] {strides = array<i32>} : memref<168x128xf32, #tpu.memory_space<vmem>>, vector<1x16xf32>,
        %get3A_1588 = vector.shape_cast %get3A_1587 : vector<1x16xf32> to vector<16xf32>
        %mul3A_1589 = arith.mulf %add3A_443, %get3A_1588 : vector<16xf32>
        %add3A_1590 = arith.addf %add3A_1584, %mul3A_1589 : vector<16xf32>
        %get3A_1591 = arith.index_cast %add3A_1573 : i32 to index
        %get3A_1592 = arith.constant 48 : index
        %get3A_1593 = tpu.vector_load %arg10[%get3A_1591, %get3A_1592] {strides = array<i32>} : memref<168x128xf32, #tpu.memory_space<vmem>>, vector<1x16xf32>,
        %get3A_1594 = vector.shape_cast %get3A_1593 : vector<1x16xf32> to vector<16xf32>
        %mul3A_1595 = arith.mulf %add3A_530, %get3A_1594 : vector<16xf32>
        %add3A_1596 = arith.addf %add3A_1590, %mul3A_1595 : vector<16xf32>
        %get3A_1597 = arith.index_cast %add3A_1573 : i32 to index
        %get3A_1598 = arith.constant 64 : index
        %get3A_1599 = tpu.vector_load %arg10[%get3A_1597, %get3A_1598] {strides = array<i32>} : memref<168x128xf32, #tpu.memory_space<vmem>>, vector<1x16xf32>,
        %get3A_1600 = vector.shape_cast %get3A_1599 : vector<1x16xf32> to vector<16xf32>
        %mul3A_1601 = arith.mulf %add3A_617, %get3A_1600 : vector<16xf32>
        %add3A_1602 = arith.addf %add3A_1596, %mul3A_1601 : vector<16xf32>
        %get3A_1603 = arith.index_cast %add3A_1573 : i32 to index
        %get3A_1604 = arith.constant 80 : index
        %get3A_1605 = tpu.vector_load %arg10[%get3A_1603, %get3A_1604] {strides = array<i32>} : memref<168x128xf32, #tpu.memory_space<vmem>>, vector<1x16xf32>,
        %get3A_1606 = vector.shape_cast %get3A_1605 : vector<1x16xf32> to vector<16xf32>
        %mul3A_1607 = arith.mulf %add3A_704, %get3A_1606 : vector<16xf32>
        %add3A_1608 = arith.addf %add3A_1602, %mul3A_1607 : vector<16xf32>
        %get3A_1609 = arith.index_cast %add3A_1573 : i32 to index
        %get3A_1610 = arith.constant 96 : index
        %get3A_1611 = tpu.vector_load %arg10[%get3A_1609, %get3A_1610] {strides = array<i32>} : memref<168x128xf32, #tpu.memory_space<vmem>>, vector<1x16xf32>,
        %get3A_1612 = vector.shape_cast %get3A_1611 : vector<1x16xf32> to vector<16xf32>
        %mul3A_1613 = arith.mulf %add3A_791, %get3A_1612 : vector<16xf32>
        %add3A_1614 = arith.addf %add3A_1608, %mul3A_1613 : vector<16xf32>
        %get3A_1615 = arith.index_cast %add3A_1573 : i32 to index
        %get3A_1616 = arith.constant 112 : index
        %get3A_1617 = tpu.vector_load %arg10[%get3A_1615, %get3A_1616] {strides = array<i32>} : memref<168x128xf32, #tpu.memory_space<vmem>>, vector<1x16xf32>,
        %get3A_1618 = vector.shape_cast %get3A_1617 : vector<1x16xf32> to vector<16xf32>
        %mul3A_1619 = arith.mulf %add3A_878, %get3A_1618 : vector<16xf32>
        %add3A_1620 = arith.addf %add3A_1614, %mul3A_1619 : vector<16xf32>
        %swap3A_1621 = arith.index_cast %scan3A_183 : i32 to index
        %swap3A_1622 = arith.constant 192 : index
        %swap3A_1623 = tpu.vector_load %arg13[%swap3A_1621, %swap3A_1622] {strides = array<i32>} : memref<8x336xf32, #tpu.memory_space<vmem>>, vector<1x16xf32>,
        %swap3A_1624 = vector.shape_cast %swap3A_1623 : vector<1x16xf32> to vector<16xf32>
        %swap3A_1625 = vector.shape_cast %add3A_1620 : vector<16xf32> to vector<1x16xf32>
        tpu.vector_store %arg13[%swap3A_1621, %swap3A_1622], %swap3A_1625 {strides = array<i32>} : memref<8x336xf32, #tpu.memory_space<vmem>>, vector<1x16xf32>,
        %mul3A_1626 = arith.constant 20 : i32
        %mul3A_1627 = arith.muli %scan3A_183, %mul3A_1626 : i32
        %add3A_1628 = arith.constant 8 : i32
        %add3A_1629 = arith.addi %add3A_1628, %mul3A_1627 : i32
        %add3A_1630 = arith.constant 12 : i32
        %add3A_1631 = arith.addi %add3A_1629, %add3A_1630 : i32
        %get3A_1632 = arith.index_cast %add3A_1631 : i32 to index
        %get3A_1633 = arith.constant 0 : index
        %get3A_1634 = tpu.vector_load %arg10[%get3A_1632, %get3A_1633] {strides = array<i32>} : memref<168x128xf32, #tpu.memory_space<vmem>>, vector<1x16xf32>,
        %get3A_1635 = vector.shape_cast %get3A_1634 : vector<1x16xf32> to vector<16xf32>
        %mul3A_1636 = arith.mulf %add3A_269, %get3A_1635 : vector<16xf32>
        %get3A_1637 = arith.index_cast %add3A_1631 : i32 to index
        %get3A_1638 = arith.constant 16 : index
        %get3A_1639 = tpu.vector_load %arg10[%get3A_1637, %get3A_1638] {strides = array<i32>} : memref<168x128xf32, #tpu.memory_space<vmem>>, vector<1x16xf32>,
        %get3A_1640 = vector.shape_cast %get3A_1639 : vector<1x16xf32> to vector<16xf32>
        %mul3A_1641 = arith.mulf %add3A_356, %get3A_1640 : vector<16xf32>
        %add3A_1642 = arith.addf %mul3A_1636, %mul3A_1641 : vector<16xf32>
        %get3A_1643 = arith.index_cast %add3A_1631 : i32 to index
        %get3A_1644 = arith.constant 32 : index
        %get3A_1645 = tpu.vector_load %arg10[%get3A_1643, %get3A_1644] {strides = array<i32>} : memref<168x128xf32, #tpu.memory_space<vmem>>, vector<1x16xf32>,
        %get3A_1646 = vector.shape_cast %get3A_1645 : vector<1x16xf32> to vector<16xf32>
        %mul3A_1647 = arith.mulf %add3A_443, %get3A_1646 : vector<16xf32>
        %add3A_1648 = arith.addf %add3A_1642, %mul3A_1647 : vector<16xf32>
        %get3A_1649 = arith.index_cast %add3A_1631 : i32 to index
        %get3A_1650 = arith.constant 48 : index
        %get3A_1651 = tpu.vector_load %arg10[%get3A_1649, %get3A_1650] {strides = array<i32>} : memref<168x128xf32, #tpu.memory_space<vmem>>, vector<1x16xf32>,
        %get3A_1652 = vector.shape_cast %get3A_1651 : vector<1x16xf32> to vector<16xf32>
        %mul3A_1653 = arith.mulf %add3A_530, %get3A_1652 : vector<16xf32>
        %add3A_1654 = arith.addf %add3A_1648, %mul3A_1653 : vector<16xf32>
        %get3A_1655 = arith.index_cast %add3A_1631 : i32 to index
        %get3A_1656 = arith.constant 64 : index
        %get3A_1657 = tpu.vector_load %arg10[%get3A_1655, %get3A_1656] {strides = array<i32>} : memref<168x128xf32, #tpu.memory_space<vmem>>, vector<1x16xf32>,
        %get3A_1658 = vector.shape_cast %get3A_1657 : vector<1x16xf32> to vector<16xf32>
        %mul3A_1659 = arith.mulf %add3A_617, %get3A_1658 : vector<16xf32>
        %add3A_1660 = arith.addf %add3A_1654, %mul3A_1659 : vector<16xf32>
        %get3A_1661 = arith.index_cast %add3A_1631 : i32 to index
        %get3A_1662 = arith.constant 80 : index
        %get3A_1663 = tpu.vector_load %arg10[%get3A_1661, %get3A_1662] {strides = array<i32>} : memref<168x128xf32, #tpu.memory_space<vmem>>, vector<1x16xf32>,
        %get3A_1664 = vector.shape_cast %get3A_1663 : vector<1x16xf32> to vector<16xf32>
        %mul3A_1665 = arith.mulf %add3A_704, %get3A_1664 : vector<16xf32>
        %add3A_1666 = arith.addf %add3A_1660, %mul3A_1665 : vector<16xf32>
        %get3A_1667 = arith.index_cast %add3A_1631 : i32 to index
        %get3A_1668 = arith.constant 96 : index
        %get3A_1669 = tpu.vector_load %arg10[%get3A_1667, %get3A_1668] {strides = array<i32>} : memref<168x128xf32, #tpu.memory_space<vmem>>, vector<1x16xf32>,
        %get3A_1670 = vector.shape_cast %get3A_1669 : vector<1x16xf32> to vector<16xf32>
        %mul3A_1671 = arith.mulf %add3A_791, %get3A_1670 : vector<16xf32>
        %add3A_1672 = arith.addf %add3A_1666, %mul3A_1671 : vector<16xf32>
        %get3A_1673 = arith.index_cast %add3A_1631 : i32 to index
        %get3A_1674 = arith.constant 112 : index
        %get3A_1675 = tpu.vector_load %arg10[%get3A_1673, %get3A_1674] {strides = array<i32>} : memref<168x128xf32, #tpu.memory_space<vmem>>, vector<1x16xf32>,
        %get3A_1676 = vector.shape_cast %get3A_1675 : vector<1x16xf32> to vector<16xf32>
        %mul3A_1677 = arith.mulf %add3A_878, %get3A_1676 : vector<16xf32>
        %add3A_1678 = arith.addf %add3A_1672, %mul3A_1677 : vector<16xf32>
        %swap3A_1679 = arith.index_cast %scan3A_183 : i32 to index
        %swap3A_1680 = arith.constant 208 : index
        %swap3A_1681 = tpu.vector_load %arg13[%swap3A_1679, %swap3A_1680] {strides = array<i32>} : memref<8x336xf32, #tpu.memory_space<vmem>>, vector<1x16xf32>,
        %swap3A_1682 = vector.shape_cast %swap3A_1681 : vector<1x16xf32> to vector<16xf32>
        %swap3A_1683 = vector.shape_cast %add3A_1678 : vector<16xf32> to vector<1x16xf32>
        tpu.vector_store %arg13[%swap3A_1679, %swap3A_1680], %swap3A_1683 {strides = array<i32>} : memref<8x336xf32, #tpu.memory_space<vmem>>, vector<1x16xf32>,
        %mul3A_1684 = arith.constant 20 : i32
        %mul3A_1685 = arith.muli %scan3A_183, %mul3A_1684 : i32
        %add3A_1686 = arith.constant 8 : i32
        %add3A_1687 = arith.addi %add3A_1686, %mul3A_1685 : i32
        %add3A_1688 = arith.constant 13 : i32
        %add3A_1689 = arith.addi %add3A_1687, %add3A_1688 : i32
        %get3A_1690 = arith.index_cast %add3A_1689 : i32 to index
        %get3A_1691 = arith.constant 0 : index
        %get3A_1692 = tpu.vector_load %arg10[%get3A_1690, %get3A_1691] {strides = array<i32>} : memref<168x128xf32, #tpu.memory_space<vmem>>, vector<1x16xf32>,
        %get3A_1693 = vector.shape_cast %get3A_1692 : vector<1x16xf32> to vector<16xf32>
        %mul3A_1694 = arith.mulf %add3A_269, %get3A_1693 : vector<16xf32>
        %get3A_1695 = arith.index_cast %add3A_1689 : i32 to index
        %get3A_1696 = arith.constant 16 : index
        %get3A_1697 = tpu.vector_load %arg10[%get3A_1695, %get3A_1696] {strides = array<i32>} : memref<168x128xf32, #tpu.memory_space<vmem>>, vector<1x16xf32>,
        %get3A_1698 = vector.shape_cast %get3A_1697 : vector<1x16xf32> to vector<16xf32>
        %mul3A_1699 = arith.mulf %add3A_356, %get3A_1698 : vector<16xf32>
        %add3A_1700 = arith.addf %mul3A_1694, %mul3A_1699 : vector<16xf32>
        %get3A_1701 = arith.index_cast %add3A_1689 : i32 to index
        %get3A_1702 = arith.constant 32 : index
        %get3A_1703 = tpu.vector_load %arg10[%get3A_1701, %get3A_1702] {strides = array<i32>} : memref<168x128xf32, #tpu.memory_space<vmem>>, vector<1x16xf32>,
        %get3A_1704 = vector.shape_cast %get3A_1703 : vector<1x16xf32> to vector<16xf32>
        %mul3A_1705 = arith.mulf %add3A_443, %get3A_1704 : vector<16xf32>
        %add3A_1706 = arith.addf %add3A_1700, %mul3A_1705 : vector<16xf32>
        %get3A_1707 = arith.index_cast %add3A_1689 : i32 to index
        %get3A_1708 = arith.constant 48 : index
        %get3A_1709 = tpu.vector_load %arg10[%get3A_1707, %get3A_1708] {strides = array<i32>} : memref<168x128xf32, #tpu.memory_space<vmem>>, vector<1x16xf32>,
        %get3A_1710 = vector.shape_cast %get3A_1709 : vector<1x16xf32> to vector<16xf32>
        %mul3A_1711 = arith.mulf %add3A_530, %get3A_1710 : vector<16xf32>
        %add3A_1712 = arith.addf %add3A_1706, %mul3A_1711 : vector<16xf32>
        %get3A_1713 = arith.index_cast %add3A_1689 : i32 to index
        %get3A_1714 = arith.constant 64 : index
        %get3A_1715 = tpu.vector_load %arg10[%get3A_1713, %get3A_1714] {strides = array<i32>} : memref<168x128xf32, #tpu.memory_space<vmem>>, vector<1x16xf32>,
        %get3A_1716 = vector.shape_cast %get3A_1715 : vector<1x16xf32> to vector<16xf32>
        %mul3A_1717 = arith.mulf %add3A_617, %get3A_1716 : vector<16xf32>
        %add3A_1718 = arith.addf %add3A_1712, %mul3A_1717 : vector<16xf32>
        %get3A_1719 = arith.index_cast %add3A_1689 : i32 to index
        %get3A_1720 = arith.constant 80 : index
        %get3A_1721 = tpu.vector_load %arg10[%get3A_1719, %get3A_1720] {strides = array<i32>} : memref<168x128xf32, #tpu.memory_space<vmem>>, vector<1x16xf32>,
        %get3A_1722 = vector.shape_cast %get3A_1721 : vector<1x16xf32> to vector<16xf32>
        %mul3A_1723 = arith.mulf %add3A_704, %get3A_1722 : vector<16xf32>
        %add3A_1724 = arith.addf %add3A_1718, %mul3A_1723 : vector<16xf32>
        %get3A_1725 = arith.index_cast %add3A_1689 : i32 to index
        %get3A_1726 = arith.constant 96 : index
        %get3A_1727 = tpu.vector_load %arg10[%get3A_1725, %get3A_1726] {strides = array<i32>} : memref<168x128xf32, #tpu.memory_space<vmem>>, vector<1x16xf32>,
        %get3A_1728 = vector.shape_cast %get3A_1727 : vector<1x16xf32> to vector<16xf32>
        %mul3A_1729 = arith.mulf %add3A_791, %get3A_1728 : vector<16xf32>
        %add3A_1730 = arith.addf %add3A_1724, %mul3A_1729 : vector<16xf32>
        %get3A_1731 = arith.index_cast %add3A_1689 : i32 to index
        %get3A_1732 = arith.constant 112 : index
        %get3A_1733 = tpu.vector_load %arg10[%get3A_1731, %get3A_1732] {strides = array<i32>} : memref<168x128xf32, #tpu.memory_space<vmem>>, vector<1x16xf32>,
        %get3A_1734 = vector.shape_cast %get3A_1733 : vector<1x16xf32> to vector<16xf32>
        %mul3A_1735 = arith.mulf %add3A_878, %get3A_1734 : vector<16xf32>
        %add3A_1736 = arith.addf %add3A_1730, %mul3A_1735 : vector<16xf32>
        %swap3A_1737 = arith.index_cast %scan3A_183 : i32 to index
        %swap3A_1738 = arith.constant 224 : index
        %swap3A_1739 = tpu.vector_load %arg13[%swap3A_1737, %swap3A_1738] {strides = array<i32>} : memref<8x336xf32, #tpu.memory_space<vmem>>, vector<1x16xf32>,
        %swap3A_1740 = vector.shape_cast %swap3A_1739 : vector<1x16xf32> to vector<16xf32>
        %swap3A_1741 = vector.shape_cast %add3A_1736 : vector<16xf32> to vector<1x16xf32>
        tpu.vector_store %arg13[%swap3A_1737, %swap3A_1738], %swap3A_1741 {strides = array<i32>} : memref<8x336xf32, #tpu.memory_space<vmem>>, vector<1x16xf32>,
        %mul3A_1742 = arith.constant 20 : i32
        %mul3A_1743 = arith.muli %scan3A_183, %mul3A_1742 : i32
        %add3A_1744 = arith.constant 8 : i32
        %add3A_1745 = arith.addi %add3A_1744, %mul3A_1743 : i32
        %add3A_1746 = arith.constant 14 : i32
        %add3A_1747 = arith.addi %add3A_1745, %add3A_1746 : i32
        %get3A_1748 = arith.index_cast %add3A_1747 : i32 to index
        %get3A_1749 = arith.constant 0 : index
        %get3A_1750 = tpu.vector_load %arg10[%get3A_1748, %get3A_1749] {strides = array<i32>} : memref<168x128xf32, #tpu.memory_space<vmem>>, vector<1x16xf32>,
        %get3A_1751 = vector.shape_cast %get3A_1750 : vector<1x16xf32> to vector<16xf32>
        %mul3A_1752 = arith.mulf %add3A_269, %get3A_1751 : vector<16xf32>
        %get3A_1753 = arith.index_cast %add3A_1747 : i32 to index
        %get3A_1754 = arith.constant 16 : index
        %get3A_1755 = tpu.vector_load %arg10[%get3A_1753, %get3A_1754] {strides = array<i32>} : memref<168x128xf32, #tpu.memory_space<vmem>>, vector<1x16xf32>,
        %get3A_1756 = vector.shape_cast %get3A_1755 : vector<1x16xf32> to vector<16xf32>
        %mul3A_1757 = arith.mulf %add3A_356, %get3A_1756 : vector<16xf32>
        %add3A_1758 = arith.addf %mul3A_1752, %mul3A_1757 : vector<16xf32>
        %get3A_1759 = arith.index_cast %add3A_1747 : i32 to index
        %get3A_1760 = arith.constant 32 : index
        %get3A_1761 = tpu.vector_load %arg10[%get3A_1759, %get3A_1760] {strides = array<i32>} : memref<168x128xf32, #tpu.memory_space<vmem>>, vector<1x16xf32>,
        %get3A_1762 = vector.shape_cast %get3A_1761 : vector<1x16xf32> to vector<16xf32>
        %mul3A_1763 = arith.mulf %add3A_443, %get3A_1762 : vector<16xf32>
        %add3A_1764 = arith.addf %add3A_1758, %mul3A_1763 : vector<16xf32>
        %get3A_1765 = arith.index_cast %add3A_1747 : i32 to index
        %get3A_1766 = arith.constant 48 : index
        %get3A_1767 = tpu.vector_load %arg10[%get3A_1765, %get3A_1766] {strides = array<i32>} : memref<168x128xf32, #tpu.memory_space<vmem>>, vector<1x16xf32>,
        %get3A_1768 = vector.shape_cast %get3A_1767 : vector<1x16xf32> to vector<16xf32>
        %mul3A_1769 = arith.mulf %add3A_530, %get3A_1768 : vector<16xf32>
        %add3A_1770 = arith.addf %add3A_1764, %mul3A_1769 : vector<16xf32>
        %get3A_1771 = arith.index_cast %add3A_1747 : i32 to index
        %get3A_1772 = arith.constant 64 : index
        %get3A_1773 = tpu.vector_load %arg10[%get3A_1771, %get3A_1772] {strides = array<i32>} : memref<168x128xf32, #tpu.memory_space<vmem>>, vector<1x16xf32>,
        %get3A_1774 = vector.shape_cast %get3A_1773 : vector<1x16xf32> to vector<16xf32>
        %mul3A_1775 = arith.mulf %add3A_617, %get3A_1774 : vector<16xf32>
        %add3A_1776 = arith.addf %add3A_1770, %mul3A_1775 : vector<16xf32>
        %get3A_1777 = arith.index_cast %add3A_1747 : i32 to index
        %get3A_1778 = arith.constant 80 : index
        %get3A_1779 = tpu.vector_load %arg10[%get3A_1777, %get3A_1778] {strides = array<i32>} : memref<168x128xf32, #tpu.memory_space<vmem>>, vector<1x16xf32>,
        %get3A_1780 = vector.shape_cast %get3A_1779 : vector<1x16xf32> to vector<16xf32>
        %mul3A_1781 = arith.mulf %add3A_704, %get3A_1780 : vector<16xf32>
        %add3A_1782 = arith.addf %add3A_1776, %mul3A_1781 : vector<16xf32>
        %get3A_1783 = arith.index_cast %add3A_1747 : i32 to index
        %get3A_1784 = arith.constant 96 : index
        %get3A_1785 = tpu.vector_load %arg10[%get3A_1783, %get3A_1784] {strides = array<i32>} : memref<168x128xf32, #tpu.memory_space<vmem>>, vector<1x16xf32>,
        %get3A_1786 = vector.shape_cast %get3A_1785 : vector<1x16xf32> to vector<16xf32>
        %mul3A_1787 = arith.mulf %add3A_791, %get3A_1786 : vector<16xf32>
        %add3A_1788 = arith.addf %add3A_1782, %mul3A_1787 : vector<16xf32>
        %get3A_1789 = arith.index_cast %add3A_1747 : i32 to index
        %get3A_1790 = arith.constant 112 : index
        %get3A_1791 = tpu.vector_load %arg10[%get3A_1789, %get3A_1790] {strides = array<i32>} : memref<168x128xf32, #tpu.memory_space<vmem>>, vector<1x16xf32>,
        %get3A_1792 = vector.shape_cast %get3A_1791 : vector<1x16xf32> to vector<16xf32>
        %mul3A_1793 = arith.mulf %add3A_878, %get3A_1792 : vector<16xf32>
        %add3A_1794 = arith.addf %add3A_1788, %mul3A_1793 : vector<16xf32>
        %swap3A_1795 = arith.index_cast %scan3A_183 : i32 to index
        %swap3A_1796 = arith.constant 240 : index
        %swap3A_1797 = tpu.vector_load %arg13[%swap3A_1795, %swap3A_1796] {strides = array<i32>} : memref<8x336xf32, #tpu.memory_space<vmem>>, vector<1x16xf32>,
        %swap3A_1798 = vector.shape_cast %swap3A_1797 : vector<1x16xf32> to vector<16xf32>
        %swap3A_1799 = vector.shape_cast %add3A_1794 : vector<16xf32> to vector<1x16xf32>
        tpu.vector_store %arg13[%swap3A_1795, %swap3A_1796], %swap3A_1799 {strides = array<i32>} : memref<8x336xf32, #tpu.memory_space<vmem>>, vector<1x16xf32>,
        %mul3A_1800 = arith.constant 20 : i32
        %mul3A_1801 = arith.muli %scan3A_183, %mul3A_1800 : i32
        %add3A_1802 = arith.constant 8 : i32
        %add3A_1803 = arith.addi %add3A_1802, %mul3A_1801 : i32
        %add3A_1804 = arith.constant 15 : i32
        %add3A_1805 = arith.addi %add3A_1803, %add3A_1804 : i32
        %get3A_1806 = arith.index_cast %add3A_1805 : i32 to index
        %get3A_1807 = arith.constant 0 : index
        %get3A_1808 = tpu.vector_load %arg10[%get3A_1806, %get3A_1807] {strides = array<i32>} : memref<168x128xf32, #tpu.memory_space<vmem>>, vector<1x16xf32>,
        %get3A_1809 = vector.shape_cast %get3A_1808 : vector<1x16xf32> to vector<16xf32>
        %mul3A_1810 = arith.mulf %add3A_269, %get3A_1809 : vector<16xf32>
        %get3A_1811 = arith.index_cast %add3A_1805 : i32 to index
        %get3A_1812 = arith.constant 16 : index
        %get3A_1813 = tpu.vector_load %arg10[%get3A_1811, %get3A_1812] {strides = array<i32>} : memref<168x128xf32, #tpu.memory_space<vmem>>, vector<1x16xf32>,
        %get3A_1814 = vector.shape_cast %get3A_1813 : vector<1x16xf32> to vector<16xf32>
        %mul3A_1815 = arith.mulf %add3A_356, %get3A_1814 : vector<16xf32>
        %add3A_1816 = arith.addf %mul3A_1810, %mul3A_1815 : vector<16xf32>
        %get3A_1817 = arith.index_cast %add3A_1805 : i32 to index
        %get3A_1818 = arith.constant 32 : index
        %get3A_1819 = tpu.vector_load %arg10[%get3A_1817, %get3A_1818] {strides = array<i32>} : memref<168x128xf32, #tpu.memory_space<vmem>>, vector<1x16xf32>,
        %get3A_1820 = vector.shape_cast %get3A_1819 : vector<1x16xf32> to vector<16xf32>
        %mul3A_1821 = arith.mulf %add3A_443, %get3A_1820 : vector<16xf32>
        %add3A_1822 = arith.addf %add3A_1816, %mul3A_1821 : vector<16xf32>
        %get3A_1823 = arith.index_cast %add3A_1805 : i32 to index
        %get3A_1824 = arith.constant 48 : index
        %get3A_1825 = tpu.vector_load %arg10[%get3A_1823, %get3A_1824] {strides = array<i32>} : memref<168x128xf32, #tpu.memory_space<vmem>>, vector<1x16xf32>,
        %get3A_1826 = vector.shape_cast %get3A_1825 : vector<1x16xf32> to vector<16xf32>
        %mul3A_1827 = arith.mulf %add3A_530, %get3A_1826 : vector<16xf32>
        %add3A_1828 = arith.addf %add3A_1822, %mul3A_1827 : vector<16xf32>
        %get3A_1829 = arith.index_cast %add3A_1805 : i32 to index
        %get3A_1830 = arith.constant 64 : index
        %get3A_1831 = tpu.vector_load %arg10[%get3A_1829, %get3A_1830] {strides = array<i32>} : memref<168x128xf32, #tpu.memory_space<vmem>>, vector<1x16xf32>,
        %get3A_1832 = vector.shape_cast %get3A_1831 : vector<1x16xf32> to vector<16xf32>
        %mul3A_1833 = arith.mulf %add3A_617, %get3A_1832 : vector<16xf32>
        %add3A_1834 = arith.addf %add3A_1828, %mul3A_1833 : vector<16xf32>
        %get3A_1835 = arith.index_cast %add3A_1805 : i32 to index
        %get3A_1836 = arith.constant 80 : index
        %get3A_1837 = tpu.vector_load %arg10[%get3A_1835, %get3A_1836] {strides = array<i32>} : memref<168x128xf32, #tpu.memory_space<vmem>>, vector<1x16xf32>,
        %get3A_1838 = vector.shape_cast %get3A_1837 : vector<1x16xf32> to vector<16xf32>
        %mul3A_1839 = arith.mulf %add3A_704, %get3A_1838 : vector<16xf32>
        %add3A_1840 = arith.addf %add3A_1834, %mul3A_1839 : vector<16xf32>
        %get3A_1841 = arith.index_cast %add3A_1805 : i32 to index
        %get3A_1842 = arith.constant 96 : index
        %get3A_1843 = tpu.vector_load %arg10[%get3A_1841, %get3A_1842] {strides = array<i32>} : memref<168x128xf32, #tpu.memory_space<vmem>>, vector<1x16xf32>,
        %get3A_1844 = vector.shape_cast %get3A_1843 : vector<1x16xf32> to vector<16xf32>
        %mul3A_1845 = arith.mulf %add3A_791, %get3A_1844 : vector<16xf32>
        %add3A_1846 = arith.addf %add3A_1840, %mul3A_1845 : vector<16xf32>
        %get3A_1847 = arith.index_cast %add3A_1805 : i32 to index
        %get3A_1848 = arith.constant 112 : index
        %get3A_1849 = tpu.vector_load %arg10[%get3A_1847, %get3A_1848] {strides = array<i32>} : memref<168x128xf32, #tpu.memory_space<vmem>>, vector<1x16xf32>,
        %get3A_1850 = vector.shape_cast %get3A_1849 : vector<1x16xf32> to vector<16xf32>
        %mul3A_1851 = arith.mulf %add3A_878, %get3A_1850 : vector<16xf32>
        %add3A_1852 = arith.addf %add3A_1846, %mul3A_1851 : vector<16xf32>
        %swap3A_1853 = arith.index_cast %scan3A_183 : i32 to index
        %swap3A_1854 = arith.constant 256 : index
        %swap3A_1855 = tpu.vector_load %arg13[%swap3A_1853, %swap3A_1854] {strides = array<i32>} : memref<8x336xf32, #tpu.memory_space<vmem>>, vector<1x16xf32>,
        %swap3A_1856 = vector.shape_cast %swap3A_1855 : vector<1x16xf32> to vector<16xf32>
        %swap3A_1857 = vector.shape_cast %add3A_1852 : vector<16xf32> to vector<1x16xf32>
        tpu.vector_store %arg13[%swap3A_1853, %swap3A_1854], %swap3A_1857 {strides = array<i32>} : memref<8x336xf32, #tpu.memory_space<vmem>>, vector<1x16xf32>,
        %mul3A_1858 = arith.constant 20 : i32
        %mul3A_1859 = arith.muli %scan3A_183, %mul3A_1858 : i32
        %add3A_1860 = arith.constant 8 : i32
        %add3A_1861 = arith.addi %add3A_1860, %mul3A_1859 : i32
        %add3A_1862 = arith.constant 16 : i32
        %add3A_1863 = arith.addi %add3A_1861, %add3A_1862 : i32
        %get3A_1864 = arith.index_cast %add3A_1863 : i32 to index
        %get3A_1865 = arith.constant 0 : index
        %get3A_1866 = tpu.vector_load %arg10[%get3A_1864, %get3A_1865] {strides = array<i32>} : memref<168x128xf32, #tpu.memory_space<vmem>>, vector<1x16xf32>,
        %get3A_1867 = vector.shape_cast %get3A_1866 : vector<1x16xf32> to vector<16xf32>
        %mul3A_1868 = arith.mulf %add3A_269, %get3A_1867 : vector<16xf32>
        %get3A_1869 = arith.index_cast %add3A_1863 : i32 to index
        %get3A_1870 = arith.constant 16 : index
        %get3A_1871 = tpu.vector_load %arg10[%get3A_1869, %get3A_1870] {strides = array<i32>} : memref<168x128xf32, #tpu.memory_space<vmem>>, vector<1x16xf32>,
        %get3A_1872 = vector.shape_cast %get3A_1871 : vector<1x16xf32> to vector<16xf32>
        %mul3A_1873 = arith.mulf %add3A_356, %get3A_1872 : vector<16xf32>
        %add3A_1874 = arith.addf %mul3A_1868, %mul3A_1873 : vector<16xf32>
        %get3A_1875 = arith.index_cast %add3A_1863 : i32 to index
        %get3A_1876 = arith.constant 32 : index
        %get3A_1877 = tpu.vector_load %arg10[%get3A_1875, %get3A_1876] {strides = array<i32>} : memref<168x128xf32, #tpu.memory_space<vmem>>, vector<1x16xf32>,
        %get3A_1878 = vector.shape_cast %get3A_1877 : vector<1x16xf32> to vector<16xf32>
        %mul3A_1879 = arith.mulf %add3A_443, %get3A_1878 : vector<16xf32>
        %add3A_1880 = arith.addf %add3A_1874, %mul3A_1879 : vector<16xf32>
        %get3A_1881 = arith.index_cast %add3A_1863 : i32 to index
        %get3A_1882 = arith.constant 48 : index
        %get3A_1883 = tpu.vector_load %arg10[%get3A_1881, %get3A_1882] {strides = array<i32>} : memref<168x128xf32, #tpu.memory_space<vmem>>, vector<1x16xf32>,
        %get3A_1884 = vector.shape_cast %get3A_1883 : vector<1x16xf32> to vector<16xf32>
        %mul3A_1885 = arith.mulf %add3A_530, %get3A_1884 : vector<16xf32>
        %add3A_1886 = arith.addf %add3A_1880, %mul3A_1885 : vector<16xf32>
        %get3A_1887 = arith.index_cast %add3A_1863 : i32 to index
        %get3A_1888 = arith.constant 64 : index
        %get3A_1889 = tpu.vector_load %arg10[%get3A_1887, %get3A_1888] {strides = array<i32>} : memref<168x128xf32, #tpu.memory_space<vmem>>, vector<1x16xf32>,
        %get3A_1890 = vector.shape_cast %get3A_1889 : vector<1x16xf32> to vector<16xf32>
        %mul3A_1891 = arith.mulf %add3A_617, %get3A_1890 : vector<16xf32>
        %add3A_1892 = arith.addf %add3A_1886, %mul3A_1891 : vector<16xf32>
        %get3A_1893 = arith.index_cast %add3A_1863 : i32 to index
        %get3A_1894 = arith.constant 80 : index
        %get3A_1895 = tpu.vector_load %arg10[%get3A_1893, %get3A_1894] {strides = array<i32>} : memref<168x128xf32, #tpu.memory_space<vmem>>, vector<1x16xf32>,
        %get3A_1896 = vector.shape_cast %get3A_1895 : vector<1x16xf32> to vector<16xf32>
        %mul3A_1897 = arith.mulf %add3A_704, %get3A_1896 : vector<16xf32>
        %add3A_1898 = arith.addf %add3A_1892, %mul3A_1897 : vector<16xf32>
        %get3A_1899 = arith.index_cast %add3A_1863 : i32 to index
        %get3A_1900 = arith.constant 96 : index
        %get3A_1901 = tpu.vector_load %arg10[%get3A_1899, %get3A_1900] {strides = array<i32>} : memref<168x128xf32, #tpu.memory_space<vmem>>, vector<1x16xf32>,
        %get3A_1902 = vector.shape_cast %get3A_1901 : vector<1x16xf32> to vector<16xf32>
        %mul3A_1903 = arith.mulf %add3A_791, %get3A_1902 : vector<16xf32>
        %add3A_1904 = arith.addf %add3A_1898, %mul3A_1903 : vector<16xf32>
        %get3A_1905 = arith.index_cast %add3A_1863 : i32 to index
        %get3A_1906 = arith.constant 112 : index
        %get3A_1907 = tpu.vector_load %arg10[%get3A_1905, %get3A_1906] {strides = array<i32>} : memref<168x128xf32, #tpu.memory_space<vmem>>, vector<1x16xf32>,
        %get3A_1908 = vector.shape_cast %get3A_1907 : vector<1x16xf32> to vector<16xf32>
        %mul3A_1909 = arith.mulf %add3A_878, %get3A_1908 : vector<16xf32>
        %add3A_1910 = arith.addf %add3A_1904, %mul3A_1909 : vector<16xf32>
        %swap3A_1911 = arith.index_cast %scan3A_183 : i32 to index
        %swap3A_1912 = arith.constant 272 : index
        %swap3A_1913 = tpu.vector_load %arg13[%swap3A_1911, %swap3A_1912] {strides = array<i32>} : memref<8x336xf32, #tpu.memory_space<vmem>>, vector<1x16xf32>,
        %swap3A_1914 = vector.shape_cast %swap3A_1913 : vector<1x16xf32> to vector<16xf32>
        %swap3A_1915 = vector.shape_cast %add3A_1910 : vector<16xf32> to vector<1x16xf32>
        tpu.vector_store %arg13[%swap3A_1911, %swap3A_1912], %swap3A_1915 {strides = array<i32>} : memref<8x336xf32, #tpu.memory_space<vmem>>, vector<1x16xf32>,
        %mul3A_1916 = arith.constant 20 : i32
        %mul3A_1917 = arith.muli %scan3A_183, %mul3A_1916 : i32
        %add3A_1918 = arith.constant 8 : i32
        %add3A_1919 = arith.addi %add3A_1918, %mul3A_1917 : i32
        %add3A_1920 = arith.constant 17 : i32
        %add3A_1921 = arith.addi %add3A_1919, %add3A_1920 : i32
        %get3A_1922 = arith.index_cast %add3A_1921 : i32 to index
        %get3A_1923 = arith.constant 0 : index
        %get3A_1924 = tpu.vector_load %arg10[%get3A_1922, %get3A_1923] {strides = array<i32>} : memref<168x128xf32, #tpu.memory_space<vmem>>, vector<1x16xf32>,
        %get3A_1925 = vector.shape_cast %get3A_1924 : vector<1x16xf32> to vector<16xf32>
        %mul3A_1926 = arith.mulf %add3A_269, %get3A_1925 : vector<16xf32>
        %get3A_1927 = arith.index_cast %add3A_1921 : i32 to index
        %get3A_1928 = arith.constant 16 : index
        %get3A_1929 = tpu.vector_load %arg10[%get3A_1927, %get3A_1928] {strides = array<i32>} : memref<168x128xf32, #tpu.memory_space<vmem>>, vector<1x16xf32>,
        %get3A_1930 = vector.shape_cast %get3A_1929 : vector<1x16xf32> to vector<16xf32>
        %mul3A_1931 = arith.mulf %add3A_356, %get3A_1930 : vector<16xf32>
        %add3A_1932 = arith.addf %mul3A_1926, %mul3A_1931 : vector<16xf32>
        %get3A_1933 = arith.index_cast %add3A_1921 : i32 to index
        %get3A_1934 = arith.constant 32 : index
        %get3A_1935 = tpu.vector_load %arg10[%get3A_1933, %get3A_1934] {strides = array<i32>} : memref<168x128xf32, #tpu.memory_space<vmem>>, vector<1x16xf32>,
        %get3A_1936 = vector.shape_cast %get3A_1935 : vector<1x16xf32> to vector<16xf32>
        %mul3A_1937 = arith.mulf %add3A_443, %get3A_1936 : vector<16xf32>
        %add3A_1938 = arith.addf %add3A_1932, %mul3A_1937 : vector<16xf32>
        %get3A_1939 = arith.index_cast %add3A_1921 : i32 to index
        %get3A_1940 = arith.constant 48 : index
        %get3A_1941 = tpu.vector_load %arg10[%get3A_1939, %get3A_1940] {strides = array<i32>} : memref<168x128xf32, #tpu.memory_space<vmem>>, vector<1x16xf32>,
        %get3A_1942 = vector.shape_cast %get3A_1941 : vector<1x16xf32> to vector<16xf32>
        %mul3A_1943 = arith.mulf %add3A_530, %get3A_1942 : vector<16xf32>
        %add3A_1944 = arith.addf %add3A_1938, %mul3A_1943 : vector<16xf32>
        %get3A_1945 = arith.index_cast %add3A_1921 : i32 to index
        %get3A_1946 = arith.constant 64 : index
        %get3A_1947 = tpu.vector_load %arg10[%get3A_1945, %get3A_1946] {strides = array<i32>} : memref<168x128xf32, #tpu.memory_space<vmem>>, vector<1x16xf32>,
        %get3A_1948 = vector.shape_cast %get3A_1947 : vector<1x16xf32> to vector<16xf32>
        %mul3A_1949 = arith.mulf %add3A_617, %get3A_1948 : vector<16xf32>
        %add3A_1950 = arith.addf %add3A_1944, %mul3A_1949 : vector<16xf32>
        %get3A_1951 = arith.index_cast %add3A_1921 : i32 to index
        %get3A_1952 = arith.constant 80 : index
        %get3A_1953 = tpu.vector_load %arg10[%get3A_1951, %get3A_1952] {strides = array<i32>} : memref<168x128xf32, #tpu.memory_space<vmem>>, vector<1x16xf32>,
        %get3A_1954 = vector.shape_cast %get3A_1953 : vector<1x16xf32> to vector<16xf32>
        %mul3A_1955 = arith.mulf %add3A_704, %get3A_1954 : vector<16xf32>
        %add3A_1956 = arith.addf %add3A_1950, %mul3A_1955 : vector<16xf32>
        %get3A_1957 = arith.index_cast %add3A_1921 : i32 to index
        %get3A_1958 = arith.constant 96 : index
        %get3A_1959 = tpu.vector_load %arg10[%get3A_1957, %get3A_1958] {strides = array<i32>} : memref<168x128xf32, #tpu.memory_space<vmem>>, vector<1x16xf32>,
        %get3A_1960 = vector.shape_cast %get3A_1959 : vector<1x16xf32> to vector<16xf32>
        %mul3A_1961 = arith.mulf %add3A_791, %get3A_1960 : vector<16xf32>
        %add3A_1962 = arith.addf %add3A_1956, %mul3A_1961 : vector<16xf32>
        %get3A_1963 = arith.index_cast %add3A_1921 : i32 to index
        %get3A_1964 = arith.constant 112 : index
        %get3A_1965 = tpu.vector_load %arg10[%get3A_1963, %get3A_1964] {strides = array<i32>} : memref<168x128xf32, #tpu.memory_space<vmem>>, vector<1x16xf32>,
        %get3A_1966 = vector.shape_cast %get3A_1965 : vector<1x16xf32> to vector<16xf32>
        %mul3A_1967 = arith.mulf %add3A_878, %get3A_1966 : vector<16xf32>
        %add3A_1968 = arith.addf %add3A_1962, %mul3A_1967 : vector<16xf32>
        %swap3A_1969 = arith.index_cast %scan3A_183 : i32 to index
        %swap3A_1970 = arith.constant 288 : index
        %swap3A_1971 = tpu.vector_load %arg13[%swap3A_1969, %swap3A_1970] {strides = array<i32>} : memref<8x336xf32, #tpu.memory_space<vmem>>, vector<1x16xf32>,
        %swap3A_1972 = vector.shape_cast %swap3A_1971 : vector<1x16xf32> to vector<16xf32>
        %swap3A_1973 = vector.shape_cast %add3A_1968 : vector<16xf32> to vector<1x16xf32>
        tpu.vector_store %arg13[%swap3A_1969, %swap3A_1970], %swap3A_1973 {strides = array<i32>} : memref<8x336xf32, #tpu.memory_space<vmem>>, vector<1x16xf32>,
        %mul3A_1974 = arith.constant 20 : i32
        %mul3A_1975 = arith.muli %scan3A_183, %mul3A_1974 : i32
        %add3A_1976 = arith.constant 8 : i32
        %add3A_1977 = arith.addi %add3A_1976, %mul3A_1975 : i32
        %add3A_1978 = arith.constant 18 : i32
        %add3A_1979 = arith.addi %add3A_1977, %add3A_1978 : i32
        %get3A_1980 = arith.index_cast %add3A_1979 : i32 to index
        %get3A_1981 = arith.constant 0 : index
        %get3A_1982 = tpu.vector_load %arg10[%get3A_1980, %get3A_1981] {strides = array<i32>} : memref<168x128xf32, #tpu.memory_space<vmem>>, vector<1x16xf32>,
        %get3A_1983 = vector.shape_cast %get3A_1982 : vector<1x16xf32> to vector<16xf32>
        %mul3A_1984 = arith.mulf %add3A_269, %get3A_1983 : vector<16xf32>
        %get3A_1985 = arith.index_cast %add3A_1979 : i32 to index
        %get3A_1986 = arith.constant 16 : index
        %get3A_1987 = tpu.vector_load %arg10[%get3A_1985, %get3A_1986] {strides = array<i32>} : memref<168x128xf32, #tpu.memory_space<vmem>>, vector<1x16xf32>,
        %get3A_1988 = vector.shape_cast %get3A_1987 : vector<1x16xf32> to vector<16xf32>
        %mul3A_1989 = arith.mulf %add3A_356, %get3A_1988 : vector<16xf32>
        %add3A_1990 = arith.addf %mul3A_1984, %mul3A_1989 : vector<16xf32>
        %get3A_1991 = arith.index_cast %add3A_1979 : i32 to index
        %get3A_1992 = arith.constant 32 : index
        %get3A_1993 = tpu.vector_load %arg10[%get3A_1991, %get3A_1992] {strides = array<i32>} : memref<168x128xf32, #tpu.memory_space<vmem>>, vector<1x16xf32>,
        %get3A_1994 = vector.shape_cast %get3A_1993 : vector<1x16xf32> to vector<16xf32>
        %mul3A_1995 = arith.mulf %add3A_443, %get3A_1994 : vector<16xf32>
        %add3A_1996 = arith.addf %add3A_1990, %mul3A_1995 : vector<16xf32>
        %get3A_1997 = arith.index_cast %add3A_1979 : i32 to index
        %get3A_1998 = arith.constant 48 : index
        %get3A_1999 = tpu.vector_load %arg10[%get3A_1997, %get3A_1998] {strides = array<i32>} : memref<168x128xf32, #tpu.memory_space<vmem>>, vector<1x16xf32>,
        %get3A_2000 = vector.shape_cast %get3A_1999 : vector<1x16xf32> to vector<16xf32>
        %mul3A_2001 = arith.mulf %add3A_530, %get3A_2000 : vector<16xf32>
        %add3A_2002 = arith.addf %add3A_1996, %mul3A_2001 : vector<16xf32>
        %get3A_2003 = arith.index_cast %add3A_1979 : i32 to index
        %get3A_2004 = arith.constant 64 : index
        %get3A_2005 = tpu.vector_load %arg10[%get3A_2003, %get3A_2004] {strides = array<i32>} : memref<168x128xf32, #tpu.memory_space<vmem>>, vector<1x16xf32>,
        %get3A_2006 = vector.shape_cast %get3A_2005 : vector<1x16xf32> to vector<16xf32>
        %mul3A_2007 = arith.mulf %add3A_617, %get3A_2006 : vector<16xf32>
        %add3A_2008 = arith.addf %add3A_2002, %mul3A_2007 : vector<16xf32>
        %get3A_2009 = arith.index_cast %add3A_1979 : i32 to index
        %get3A_2010 = arith.constant 80 : index
        %get3A_2011 = tpu.vector_load %arg10[%get3A_2009, %get3A_2010] {strides = array<i32>} : memref<168x128xf32, #tpu.memory_space<vmem>>, vector<1x16xf32>,
        %get3A_2012 = vector.shape_cast %get3A_2011 : vector<1x16xf32> to vector<16xf32>
        %mul3A_2013 = arith.mulf %add3A_704, %get3A_2012 : vector<16xf32>
        %add3A_2014 = arith.addf %add3A_2008, %mul3A_2013 : vector<16xf32>
        %get3A_2015 = arith.index_cast %add3A_1979 : i32 to index
        %get3A_2016 = arith.constant 96 : index
        %get3A_2017 = tpu.vector_load %arg10[%get3A_2015, %get3A_2016] {strides = array<i32>} : memref<168x128xf32, #tpu.memory_space<vmem>>, vector<1x16xf32>,
        %get3A_2018 = vector.shape_cast %get3A_2017 : vector<1x16xf32> to vector<16xf32>
        %mul3A_2019 = arith.mulf %add3A_791, %get3A_2018 : vector<16xf32>
        %add3A_2020 = arith.addf %add3A_2014, %mul3A_2019 : vector<16xf32>
        %get3A_2021 = arith.index_cast %add3A_1979 : i32 to index
        %get3A_2022 = arith.constant 112 : index
        %get3A_2023 = tpu.vector_load %arg10[%get3A_2021, %get3A_2022] {strides = array<i32>} : memref<168x128xf32, #tpu.memory_space<vmem>>, vector<1x16xf32>,
        %get3A_2024 = vector.shape_cast %get3A_2023 : vector<1x16xf32> to vector<16xf32>
        %mul3A_2025 = arith.mulf %add3A_878, %get3A_2024 : vector<16xf32>
        %add3A_2026 = arith.addf %add3A_2020, %mul3A_2025 : vector<16xf32>
        %swap3A_2027 = arith.index_cast %scan3A_183 : i32 to index
        %swap3A_2028 = arith.constant 304 : index
        %swap3A_2029 = tpu.vector_load %arg13[%swap3A_2027, %swap3A_2028] {strides = array<i32>} : memref<8x336xf32, #tpu.memory_space<vmem>>, vector<1x16xf32>,
        %swap3A_2030 = vector.shape_cast %swap3A_2029 : vector<1x16xf32> to vector<16xf32>
        %swap3A_2031 = vector.shape_cast %add3A_2026 : vector<16xf32> to vector<1x16xf32>
        tpu.vector_store %arg13[%swap3A_2027, %swap3A_2028], %swap3A_2031 {strides = array<i32>} : memref<8x336xf32, #tpu.memory_space<vmem>>, vector<1x16xf32>,
        %mul3A_2032 = arith.constant 20 : i32
        %mul3A_2033 = arith.muli %scan3A_183, %mul3A_2032 : i32
        %add3A_2034 = arith.constant 8 : i32
        %add3A_2035 = arith.addi %add3A_2034, %mul3A_2033 : i32
        %add3A_2036 = arith.constant 19 : i32
        %add3A_2037 = arith.addi %add3A_2035, %add3A_2036 : i32
        %get3A_2038 = arith.index_cast %add3A_2037 : i32 to index
        %get3A_2039 = arith.constant 0 : index
        %get3A_2040 = tpu.vector_load %arg10[%get3A_2038, %get3A_2039] {strides = array<i32>} : memref<168x128xf32, #tpu.memory_space<vmem>>, vector<1x16xf32>,
        %get3A_2041 = vector.shape_cast %get3A_2040 : vector<1x16xf32> to vector<16xf32>
        %mul3A_2042 = arith.mulf %add3A_269, %get3A_2041 : vector<16xf32>
        %get3A_2043 = arith.index_cast %add3A_2037 : i32 to index
        %get3A_2044 = arith.constant 16 : index
        %get3A_2045 = tpu.vector_load %arg10[%get3A_2043, %get3A_2044] {strides = array<i32>} : memref<168x128xf32, #tpu.memory_space<vmem>>, vector<1x16xf32>,
        %get3A_2046 = vector.shape_cast %get3A_2045 : vector<1x16xf32> to vector<16xf32>
        %mul3A_2047 = arith.mulf %add3A_356, %get3A_2046 : vector<16xf32>
        %add3A_2048 = arith.addf %mul3A_2042, %mul3A_2047 : vector<16xf32>
        %get3A_2049 = arith.index_cast %add3A_2037 : i32 to index
        %get3A_2050 = arith.constant 32 : index
        %get3A_2051 = tpu.vector_load %arg10[%get3A_2049, %get3A_2050] {strides = array<i32>} : memref<168x128xf32, #tpu.memory_space<vmem>>, vector<1x16xf32>,
        %get3A_2052 = vector.shape_cast %get3A_2051 : vector<1x16xf32> to vector<16xf32>
        %mul3A_2053 = arith.mulf %add3A_443, %get3A_2052 : vector<16xf32>
        %add3A_2054 = arith.addf %add3A_2048, %mul3A_2053 : vector<16xf32>
        %get3A_2055 = arith.index_cast %add3A_2037 : i32 to index
        %get3A_2056 = arith.constant 48 : index
        %get3A_2057 = tpu.vector_load %arg10[%get3A_2055, %get3A_2056] {strides = array<i32>} : memref<168x128xf32, #tpu.memory_space<vmem>>, vector<1x16xf32>,
        %get3A_2058 = vector.shape_cast %get3A_2057 : vector<1x16xf32> to vector<16xf32>
        %mul3A_2059 = arith.mulf %add3A_530, %get3A_2058 : vector<16xf32>
        %add3A_2060 = arith.addf %add3A_2054, %mul3A_2059 : vector<16xf32>
        %get3A_2061 = arith.index_cast %add3A_2037 : i32 to index
        %get3A_2062 = arith.constant 64 : index
        %get3A_2063 = tpu.vector_load %arg10[%get3A_2061, %get3A_2062] {strides = array<i32>} : memref<168x128xf32, #tpu.memory_space<vmem>>, vector<1x16xf32>,
        %get3A_2064 = vector.shape_cast %get3A_2063 : vector<1x16xf32> to vector<16xf32>
        %mul3A_2065 = arith.mulf %add3A_617, %get3A_2064 : vector<16xf32>
        %add3A_2066 = arith.addf %add3A_2060, %mul3A_2065 : vector<16xf32>
        %get3A_2067 = arith.index_cast %add3A_2037 : i32 to index
        %get3A_2068 = arith.constant 80 : index
        %get3A_2069 = tpu.vector_load %arg10[%get3A_2067, %get3A_2068] {strides = array<i32>} : memref<168x128xf32, #tpu.memory_space<vmem>>, vector<1x16xf32>,
        %get3A_2070 = vector.shape_cast %get3A_2069 : vector<1x16xf32> to vector<16xf32>
        %mul3A_2071 = arith.mulf %add3A_704, %get3A_2070 : vector<16xf32>
        %add3A_2072 = arith.addf %add3A_2066, %mul3A_2071 : vector<16xf32>
        %get3A_2073 = arith.index_cast %add3A_2037 : i32 to index
        %get3A_2074 = arith.constant 96 : index
        %get3A_2075 = tpu.vector_load %arg10[%get3A_2073, %get3A_2074] {strides = array<i32>} : memref<168x128xf32, #tpu.memory_space<vmem>>, vector<1x16xf32>,
        %get3A_2076 = vector.shape_cast %get3A_2075 : vector<1x16xf32> to vector<16xf32>
        %mul3A_2077 = arith.mulf %add3A_791, %get3A_2076 : vector<16xf32>
        %add3A_2078 = arith.addf %add3A_2072, %mul3A_2077 : vector<16xf32>
        %get3A_2079 = arith.index_cast %add3A_2037 : i32 to index
        %get3A_2080 = arith.constant 112 : index
        %get3A_2081 = tpu.vector_load %arg10[%get3A_2079, %get3A_2080] {strides = array<i32>} : memref<168x128xf32, #tpu.memory_space<vmem>>, vector<1x16xf32>,
        %get3A_2082 = vector.shape_cast %get3A_2081 : vector<1x16xf32> to vector<16xf32>
        %mul3A_2083 = arith.mulf %add3A_878, %get3A_2082 : vector<16xf32>
        %add3A_2084 = arith.addf %add3A_2078, %mul3A_2083 : vector<16xf32>
        %swap3A_2085 = arith.index_cast %scan3A_183 : i32 to index
        %swap3A_2086 = arith.constant 320 : index
        %swap3A_2087 = tpu.vector_load %arg13[%swap3A_2085, %swap3A_2086] {strides = array<i32>} : memref<8x336xf32, #tpu.memory_space<vmem>>, vector<1x16xf32>,
        %swap3A_2088 = vector.shape_cast %swap3A_2087 : vector<1x16xf32> to vector<16xf32>
        %swap3A_2089 = vector.shape_cast %add3A_2084 : vector<16xf32> to vector<1x16xf32>
        tpu.vector_store %arg13[%swap3A_2085, %swap3A_2086], %swap3A_2089 {strides = array<i32>} : memref<8x336xf32, #tpu.memory_space<vmem>>, vector<1x16xf32>,
      }
      %scan3A_121 = arith.constant 8 : i32
      %mul3A_122 = arith.constant 8 : i32
      %mul3A_123 = arith.muli %mul3A_49, %mul3A_122 : i32
      %add3A_124 = arith.addi %mul3A_2, %mul3A_123 : i32
      %dma_start3A_125 = arith.constant 0 : i32
      %dma_start3A_126 = tpu.memref_slice %arg6[%add3A_124, %dma_start3A_125] : memref<4096x336xf32, #tpu.memory_space<hbm>> -> memref<8x336xf32, #tpu.memory_space<hbm>>
      %dma_start3A_127 = arith.constant 0 : i32
      %dma_start3A_128 = tpu.memref_slice %arg6[%add3A_124, %dma_start3A_127] : memref<4096x336xf32, #tpu.memory_space<hbm>> -> memref<8x336xf32, #tpu.memory_space<hbm>>
      tpu.enqueue_dma source(%arg13 : memref<8x336xf32, #tpu.memory_space<vmem>>) target(%dma_start3A_128 : memref<8x336xf32, #tpu.memory_space<hbm>>) target_semaphore(%arg17 : memref<!tpu.dma_semaphore, #tpu.memory_space<semaphore_mem>>)
      %add3A_129 = arith.constant 2 : i32
      %add3A_130 = arith.addi %mul3A_49, %add3A_129 : i32
      %lt3A = arith.constant 16 : i32
      %lt3A_131 = arith.cmpi slt, %add3A_130, %lt3A : i32
      %convert_element_type3A_132 = arith.extui %lt3A_131 : i1 to i32
      %cond3A_133 = arith.constant 0 : i32
      %cond3A_134 = arith.cmpi ne, %convert_element_type3A_132, %cond3A_133 : i32
      scf.if %cond3A_134 {
        %add3A_183 = arith.constant 2 : i32
        %add3A_184 = arith.addi %mul3A_49, %add3A_183 : i32
        %dma_start3A_185 = arith.constant 0 : i32
        %dma_start3A_186 = tpu.memref_slice %arg7[%add3A_184, %dma_start3A_185] : memref<16x80xi32, #tpu.memory_space<vmem>> -> memref<1x80xi32, #tpu.memory_space<vmem>>
        %dma_start3A_187 = tpu.memref_squeeze %dma_start3A_186 : memref<1x80xi32, #tpu.memory_space<vmem>> -> memref<80xi32, #tpu.memory_space<vmem>>
        %dma_start3A_188 = arith.constant 0 : i32
        %dma_start3A_189 = arith.constant 0 : i32
        %dma_start3A_190 = tpu.memref_slice %arg4[%dma_start3A_188, %dma_start3A_189] : memref<100000x128xf32, #tpu.memory_space<hbm>> -> memref<100000x128xf32, #tpu.memory_space<hbm>>
        tpu.enqueue_indirect_dma source(%dma_start3A_190 : memref<100000x128xf32, #tpu.memory_space<hbm>>) target(%arg9 : memref<80x128xf32, #tpu.memory_space<vmem>>) offsets(%dma_start3A_187 : memref<80xi32, #tpu.memory_space<vmem>>) semaphore(%arg15 : memref<!tpu.dma_semaphore, #tpu.memory_space<semaphore_mem>>)
        %mul3A_191 = arith.constant 2 : i32
        %mul3A_192 = arith.muli %mul3A_191, %add3A_184 : i32
        %dma_start3A_193 = arith.constant 0 : i32
        %dma_start3A_194 = arith.constant 0 : i32
        %dma_start3A_195 = tpu.memref_slice %arg10[%dma_start3A_193, %dma_start3A_194] : memref<168x128xf32, #tpu.memory_space<vmem>> -> memref<84x128xf32, #tpu.memory_space<vmem>>
        %dma_start3A_196 = arith.constant 0 : i32
        %dma_start3A_197 = tpu.memref_slice %arg8[%mul3A_192, %dma_start3A_196] : memref<32x84xi32, #tpu.memory_space<vmem>> -> memref<1x84xi32, #tpu.memory_space<vmem>>
        %dma_start3A_198 = tpu.memref_squeeze %dma_start3A_197 : memref<1x84xi32, #tpu.memory_space<vmem>> -> memref<84xi32, #tpu.memory_space<vmem>>
        %dma_start3A_199 = arith.constant 0 : i32
        %dma_start3A_200 = arith.constant 0 : i32
        %dma_start3A_201 = tpu.memref_slice %arg5[%dma_start3A_199, %dma_start3A_200] : memref<100000x128xf32, #tpu.memory_space<hbm>> -> memref<100000x128xf32, #tpu.memory_space<hbm>>
        tpu.enqueue_indirect_dma source(%dma_start3A_201 : memref<100000x128xf32, #tpu.memory_space<hbm>>) target(%dma_start3A_195 : memref<84x128xf32, #tpu.memory_space<vmem>>) offsets(%dma_start3A_198 : memref<84xi32, #tpu.memory_space<vmem>>) semaphore(%arg15 : memref<!tpu.dma_semaphore, #tpu.memory_space<semaphore_mem>>)
        %mul3A_202 = arith.constant 2 : i32
        %mul3A_203 = arith.muli %mul3A_202, %add3A_184 : i32
        %add3A_204 = arith.constant 1 : i32
        %add3A_205 = arith.addi %mul3A_203, %add3A_204 : i32
        %dma_start3A_206 = arith.constant 84 : i32
        %dma_start3A_207 = arith.constant 0 : i32
        %dma_start3A_208 = tpu.memref_slice %arg10[%dma_start3A_206, %dma_start3A_207] : memref<168x128xf32, #tpu.memory_space<vmem>> -> memref<84x128xf32, #tpu.memory_space<vmem>>
        %dma_start3A_209 = arith.constant 0 : i32
        %dma_start3A_210 = tpu.memref_slice %arg8[%add3A_205, %dma_start3A_209] : memref<32x84xi32, #tpu.memory_space<vmem>> -> memref<1x84xi32, #tpu.memory_space<vmem>>
        %dma_start3A_211 = tpu.memref_squeeze %dma_start3A_210 : memref<1x84xi32, #tpu.memory_space<vmem>> -> memref<84xi32, #tpu.memory_space<vmem>>
        %dma_start3A_212 = arith.constant 0 : i32
        %dma_start3A_213 = arith.constant 0 : i32
        %dma_start3A_214 = tpu.memref_slice %arg5[%dma_start3A_212, %dma_start3A_213] : memref<100000x128xf32, #tpu.memory_space<hbm>> -> memref<100000x128xf32, #tpu.memory_space<hbm>>
        tpu.enqueue_indirect_dma source(%dma_start3A_214 : memref<100000x128xf32, #tpu.memory_space<hbm>>) target(%dma_start3A_208 : memref<84x128xf32, #tpu.memory_space<vmem>>) offsets(%dma_start3A_211 : memref<84xi32, #tpu.memory_space<vmem>>) semaphore(%arg15 : memref<!tpu.dma_semaphore, #tpu.memory_space<semaphore_mem>>)
      } else {
      }
      %dma_wait3A_135 = arith.constant 0 : i32
      %dma_wait3A_136 = tpu.memref_slice %arg7[%add3A_53, %dma_wait3A_135] : memref<16x80xi32, #tpu.memory_space<vmem>> -> memref<1x80xi32, #tpu.memory_space<vmem>>
      %dma_wait3A_137 = tpu.memref_squeeze %dma_wait3A_136 : memref<1x80xi32, #tpu.memory_space<vmem>> -> memref<80xi32, #tpu.memory_space<vmem>>
      %dma_wait3A_138 = arith.constant 0 : i32
      %dma_wait3A_139 = arith.constant 0 : i32
      %dma_wait3A_140 = tpu.memref_slice %arg4[%dma_wait3A_138, %dma_wait3A_139] : memref<100000x128xf32, #tpu.memory_space<hbm>> -> memref<100000x128xf32, #tpu.memory_space<hbm>>
      tpu.wait_indirect_dma semaphore(%arg16 : memref<!tpu.dma_semaphore, #tpu.memory_space<semaphore_mem>>) src(%dma_wait3A_140 : memref<100000x128xf32, #tpu.memory_space<hbm>>) dst(%arg11 : memref<80x128xf32, #tpu.memory_space<vmem>>)
      %mul3A_141 = arith.constant 2 : i32
      %mul3A_142 = arith.muli %mul3A_141, %add3A_53 : i32
      %dma_wait3A_143 = arith.constant 0 : i32
      %dma_wait3A_144 = arith.constant 0 : i32
      %dma_wait3A_145 = tpu.memref_slice %arg12[%dma_wait3A_143, %dma_wait3A_144] : memref<168x128xf32, #tpu.memory_space<vmem>> -> memref<84x128xf32, #tpu.memory_space<vmem>>
      %dma_wait3A_146 = arith.constant 0 : i32
      %dma_wait3A_147 = tpu.memref_slice %arg8[%mul3A_142, %dma_wait3A_146] : memref<32x84xi32, #tpu.memory_space<vmem>> -> memref<1x84xi32, #tpu.memory_space<vmem>>
      %dma_wait3A_148 = tpu.memref_squeeze %dma_wait3A_147 : memref<1x84xi32, #tpu.memory_space<vmem>> -> memref<84xi32, #tpu.memory_space<vmem>>
      %dma_wait3A_149 = arith.constant 0 : i32
      %dma_wait3A_150 = arith.constant 0 : i32
      %dma_wait3A_151 = tpu.memref_slice %arg5[%dma_wait3A_149, %dma_wait3A_150] : memref<100000x128xf32, #tpu.memory_space<hbm>> -> memref<100000x128xf32, #tpu.memory_space<hbm>>
      tpu.wait_indirect_dma semaphore(%arg16 : memref<!tpu.dma_semaphore, #tpu.memory_space<semaphore_mem>>) src(%dma_wait3A_151 : memref<100000x128xf32, #tpu.memory_space<hbm>>) dst(%dma_wait3A_145 : memref<84x128xf32, #tpu.memory_space<vmem>>)
      %mul3A_152 = arith.constant 2 : i32
      %mul3A_153 = arith.muli %mul3A_152, %add3A_53 : i32
      %add3A_154 = arith.constant 1 : i32
      %add3A_155 = arith.addi %mul3A_153, %add3A_154 : i32
      %dma_wait3A_156 = arith.constant 84 : i32
      %dma_wait3A_157 = arith.constant 0 : i32
      %dma_wait3A_158 = tpu.memref_slice %arg12[%dma_wait3A_156, %dma_wait3A_157] : memref<168x128xf32, #tpu.memory_space<vmem>> -> memref<84x128xf32, #tpu.memory_space<vmem>>
      %dma_wait3A_159 = arith.constant 0 : i32
      %dma_wait3A_160 = tpu.memref_slice %arg8[%add3A_155, %dma_wait3A_159] : memref<32x84xi32, #tpu.memory_space<vmem>> -> memref<1x84xi32, #tpu.memory_space<vmem>>
      %dma_wait3A_161 = tpu.memref_squeeze %dma_wait3A_160 : memref<1x84xi32, #tpu.memory_space<vmem>> -> memref<84xi32, #tpu.memory_space<vmem>>
      %dma_wait3A_162 = arith.constant 0 : i32
      %dma_wait3A_163 = arith.constant 0 : i32
      %dma_wait3A_164 = tpu.memref_slice %arg5[%dma_wait3A_162, %dma_wait3A_163] : memref<100000x128xf32, #tpu.memory_space<hbm>> -> memref<100000x128xf32, #tpu.memory_space<hbm>>
      tpu.wait_indirect_dma semaphore(%arg16 : memref<!tpu.dma_semaphore, #tpu.memory_space<semaphore_mem>>) src(%dma_wait3A_164 : memref<100000x128xf32, #tpu.memory_space<hbm>>) dst(%dma_wait3A_158 : memref<84x128xf32, #tpu.memory_space<vmem>>)
      %gt3A_165 = arith.constant 0 : i32
      %gt3A_166 = arith.cmpi sgt, %scan3A_47, %gt3A_165 : i32
      %convert_element_type3A_167 = arith.extui %gt3A_166 : i1 to i32
      %cond3A_168 = arith.constant 0 : i32
      %cond3A_169 = arith.cmpi ne, %convert_element_type3A_167, %cond3A_168 : i32
      scf.if %cond3A_169 {
        %dma_wait3A_183 = arith.constant 0 : i32
        %dma_wait3A_184 = tpu.memref_slice %arg6[%mul3A_2, %dma_wait3A_183] : memref<4096x336xf32, #tpu.memory_space<hbm>> -> memref<8x336xf32, #tpu.memory_space<hbm>>
        %dma_wait3A_185 = arith.constant 0 : i32
        %dma_wait3A_186 = tpu.memref_slice %arg6[%mul3A_2, %dma_wait3A_185] : memref<4096x336xf32, #tpu.memory_space<hbm>> -> memref<8x336xf32, #tpu.memory_space<hbm>>
        tpu.wait_dma2 semaphore(%arg18 : memref<!tpu.dma_semaphore, #tpu.memory_space<semaphore_mem>>) src(%arg14 : memref<8x336xf32, #tpu.memory_space<vmem>>) dst(%dma_wait3A_186 : memref<8x336xf32, #tpu.memory_space<hbm>>)
      } else {
      }
      %scan3A_170 = arith.constant 0 : i32
      %scan3A_171 = arith.constant 0 : i32
      %scan3A_172 = arith.constant 8 : i32
      %scan3A_173 = arith.addi %scan3A_171, %scan3A_172 : i32
      %scan3A_174 = arith.constant 1 : i32
      scf.for %scan3A_183 = %scan3A_171 to %scan3A_173 step %scan3A_174  : i32 {
        %mul3A_184 = arith.constant 10 : i32
        %mul3A_185 = arith.muli %scan3A_183, %mul3A_184 : i32
        %get3A = arith.index_cast %mul3A_185 : i32 to index
        %get3A_186 = arith.constant 0 : index
        %get3A_187 = tpu.vector_load %arg11[%get3A, %get3A_186] {strides = array<i32>} : memref<80x128xf32, #tpu.memory_space<vmem>>, vector<1x16xf32>,
        %get3A_188 = vector.shape_cast %get3A_187 : vector<1x16xf32> to vector<16xf32>
        %mul3A_189 = arith.constant 10 : i32
        %mul3A_190 = arith.muli %scan3A_183, %mul3A_189 : i32
        %add3A_191 = arith.constant 1 : i32
        %add3A_192 = arith.addi %mul3A_190, %add3A_191 : i32
        %get3A_193 = arith.index_cast %add3A_192 : i32 to index
        %get3A_194 = arith.constant 0 : index
        %get3A_195 = tpu.vector_load %arg11[%get3A_193, %get3A_194] {strides = array<i32>} : memref<80x128xf32, #tpu.memory_space<vmem>>, vector<1x16xf32>,
        %get3A_196 = vector.shape_cast %get3A_195 : vector<1x16xf32> to vector<16xf32>
        %add3A_197 = arith.addf %get3A_188, %get3A_196 : vector<16xf32>
        %mul3A_198 = arith.constant 10 : i32
        %mul3A_199 = arith.muli %scan3A_183, %mul3A_198 : i32
        %add3A_200 = arith.constant 2 : i32
        %add3A_201 = arith.addi %mul3A_199, %add3A_200 : i32
        %get3A_202 = arith.index_cast %add3A_201 : i32 to index
        %get3A_203 = arith.constant 0 : index
        %get3A_204 = tpu.vector_load %arg11[%get3A_202, %get3A_203] {strides = array<i32>} : memref<80x128xf32, #tpu.memory_space<vmem>>, vector<1x16xf32>,
        %get3A_205 = vector.shape_cast %get3A_204 : vector<1x16xf32> to vector<16xf32>
        %add3A_206 = arith.addf %add3A_197, %get3A_205 : vector<16xf32>
        %mul3A_207 = arith.constant 10 : i32
        %mul3A_208 = arith.muli %scan3A_183, %mul3A_207 : i32
        %add3A_209 = arith.constant 3 : i32
        %add3A_210 = arith.addi %mul3A_208, %add3A_209 : i32
        %get3A_211 = arith.index_cast %add3A_210 : i32 to index
        %get3A_212 = arith.constant 0 : index
        %get3A_213 = tpu.vector_load %arg11[%get3A_211, %get3A_212] {strides = array<i32>} : memref<80x128xf32, #tpu.memory_space<vmem>>, vector<1x16xf32>,
        %get3A_214 = vector.shape_cast %get3A_213 : vector<1x16xf32> to vector<16xf32>
        %add3A_215 = arith.addf %add3A_206, %get3A_214 : vector<16xf32>
        %mul3A_216 = arith.constant 10 : i32
        %mul3A_217 = arith.muli %scan3A_183, %mul3A_216 : i32
        %add3A_218 = arith.constant 4 : i32
        %add3A_219 = arith.addi %mul3A_217, %add3A_218 : i32
        %get3A_220 = arith.index_cast %add3A_219 : i32 to index
        %get3A_221 = arith.constant 0 : index
        %get3A_222 = tpu.vector_load %arg11[%get3A_220, %get3A_221] {strides = array<i32>} : memref<80x128xf32, #tpu.memory_space<vmem>>, vector<1x16xf32>,
        %get3A_223 = vector.shape_cast %get3A_222 : vector<1x16xf32> to vector<16xf32>
        %add3A_224 = arith.addf %add3A_215, %get3A_223 : vector<16xf32>
        %mul3A_225 = arith.constant 10 : i32
        %mul3A_226 = arith.muli %scan3A_183, %mul3A_225 : i32
        %add3A_227 = arith.constant 5 : i32
        %add3A_228 = arith.addi %mul3A_226, %add3A_227 : i32
        %get3A_229 = arith.index_cast %add3A_228 : i32 to index
        %get3A_230 = arith.constant 0 : index
        %get3A_231 = tpu.vector_load %arg11[%get3A_229, %get3A_230] {strides = array<i32>} : memref<80x128xf32, #tpu.memory_space<vmem>>, vector<1x16xf32>,
        %get3A_232 = vector.shape_cast %get3A_231 : vector<1x16xf32> to vector<16xf32>
        %add3A_233 = arith.addf %add3A_224, %get3A_232 : vector<16xf32>
        %mul3A_234 = arith.constant 10 : i32
        %mul3A_235 = arith.muli %scan3A_183, %mul3A_234 : i32
        %add3A_236 = arith.constant 6 : i32
        %add3A_237 = arith.addi %mul3A_235, %add3A_236 : i32
        %get3A_238 = arith.index_cast %add3A_237 : i32 to index
        %get3A_239 = arith.constant 0 : index
        %get3A_240 = tpu.vector_load %arg11[%get3A_238, %get3A_239] {strides = array<i32>} : memref<80x128xf32, #tpu.memory_space<vmem>>, vector<1x16xf32>,
        %get3A_241 = vector.shape_cast %get3A_240 : vector<1x16xf32> to vector<16xf32>
        %add3A_242 = arith.addf %add3A_233, %get3A_241 : vector<16xf32>
        %mul3A_243 = arith.constant 10 : i32
        %mul3A_244 = arith.muli %scan3A_183, %mul3A_243 : i32
        %add3A_245 = arith.constant 7 : i32
        %add3A_246 = arith.addi %mul3A_244, %add3A_245 : i32
        %get3A_247 = arith.index_cast %add3A_246 : i32 to index
        %get3A_248 = arith.constant 0 : index
        %get3A_249 = tpu.vector_load %arg11[%get3A_247, %get3A_248] {strides = array<i32>} : memref<80x128xf32, #tpu.memory_space<vmem>>, vector<1x16xf32>,
        %get3A_250 = vector.shape_cast %get3A_249 : vector<1x16xf32> to vector<16xf32>
        %add3A_251 = arith.addf %add3A_242, %get3A_250 : vector<16xf32>
        %mul3A_252 = arith.constant 10 : i32
        %mul3A_253 = arith.muli %scan3A_183, %mul3A_252 : i32
        %add3A_254 = arith.constant 8 : i32
        %add3A_255 = arith.addi %mul3A_253, %add3A_254 : i32
        %get3A_256 = arith.index_cast %add3A_255 : i32 to index
        %get3A_257 = arith.constant 0 : index
        %get3A_258 = tpu.vector_load %arg11[%get3A_256, %get3A_257] {strides = array<i32>} : memref<80x128xf32, #tpu.memory_space<vmem>>, vector<1x16xf32>,
        %get3A_259 = vector.shape_cast %get3A_258 : vector<1x16xf32> to vector<16xf32>
        %add3A_260 = arith.addf %add3A_251, %get3A_259 : vector<16xf32>
        %mul3A_261 = arith.constant 10 : i32
        %mul3A_262 = arith.muli %scan3A_183, %mul3A_261 : i32
        %add3A_263 = arith.constant 9 : i32
        %add3A_264 = arith.addi %mul3A_262, %add3A_263 : i32
        %get3A_265 = arith.index_cast %add3A_264 : i32 to index
        %get3A_266 = arith.constant 0 : index
        %get3A_267 = tpu.vector_load %arg11[%get3A_265, %get3A_266] {strides = array<i32>} : memref<80x128xf32, #tpu.memory_space<vmem>>, vector<1x16xf32>,
        %get3A_268 = vector.shape_cast %get3A_267 : vector<1x16xf32> to vector<16xf32>
        %add3A_269 = arith.addf %add3A_260, %get3A_268 : vector<16xf32>
        %mul3A_270 = arith.constant 10 : i32
        %mul3A_271 = arith.muli %scan3A_183, %mul3A_270 : i32
        %get3A_272 = arith.index_cast %mul3A_271 : i32 to index
        %get3A_273 = arith.constant 16 : index
        %get3A_274 = tpu.vector_load %arg11[%get3A_272, %get3A_273] {strides = array<i32>} : memref<80x128xf32, #tpu.memory_space<vmem>>, vector<1x16xf32>,
        %get3A_275 = vector.shape_cast %get3A_274 : vector<1x16xf32> to vector<16xf32>
        %mul3A_276 = arith.constant 10 : i32
        %mul3A_277 = arith.muli %scan3A_183, %mul3A_276 : i32
        %add3A_278 = arith.constant 1 : i32
        %add3A_279 = arith.addi %mul3A_277, %add3A_278 : i32
        %get3A_280 = arith.index_cast %add3A_279 : i32 to index
        %get3A_281 = arith.constant 16 : index
        %get3A_282 = tpu.vector_load %arg11[%get3A_280, %get3A_281] {strides = array<i32>} : memref<80x128xf32, #tpu.memory_space<vmem>>, vector<1x16xf32>,
        %get3A_283 = vector.shape_cast %get3A_282 : vector<1x16xf32> to vector<16xf32>
        %add3A_284 = arith.addf %get3A_275, %get3A_283 : vector<16xf32>
        %mul3A_285 = arith.constant 10 : i32
        %mul3A_286 = arith.muli %scan3A_183, %mul3A_285 : i32
        %add3A_287 = arith.constant 2 : i32
        %add3A_288 = arith.addi %mul3A_286, %add3A_287 : i32
        %get3A_289 = arith.index_cast %add3A_288 : i32 to index
        %get3A_290 = arith.constant 16 : index
        %get3A_291 = tpu.vector_load %arg11[%get3A_289, %get3A_290] {strides = array<i32>} : memref<80x128xf32, #tpu.memory_space<vmem>>, vector<1x16xf32>,
        %get3A_292 = vector.shape_cast %get3A_291 : vector<1x16xf32> to vector<16xf32>
        %add3A_293 = arith.addf %add3A_284, %get3A_292 : vector<16xf32>
        %mul3A_294 = arith.constant 10 : i32
        %mul3A_295 = arith.muli %scan3A_183, %mul3A_294 : i32
        %add3A_296 = arith.constant 3 : i32
        %add3A_297 = arith.addi %mul3A_295, %add3A_296 : i32
        %get3A_298 = arith.index_cast %add3A_297 : i32 to index
        %get3A_299 = arith.constant 16 : index
        %get3A_300 = tpu.vector_load %arg11[%get3A_298, %get3A_299] {strides = array<i32>} : memref<80x128xf32, #tpu.memory_space<vmem>>, vector<1x16xf32>,
        %get3A_301 = vector.shape_cast %get3A_300 : vector<1x16xf32> to vector<16xf32>
        %add3A_302 = arith.addf %add3A_293, %get3A_301 : vector<16xf32>
        %mul3A_303 = arith.constant 10 : i32
        %mul3A_304 = arith.muli %scan3A_183, %mul3A_303 : i32
        %add3A_305 = arith.constant 4 : i32
        %add3A_306 = arith.addi %mul3A_304, %add3A_305 : i32
        %get3A_307 = arith.index_cast %add3A_306 : i32 to index
        %get3A_308 = arith.constant 16 : index
        %get3A_309 = tpu.vector_load %arg11[%get3A_307, %get3A_308] {strides = array<i32>} : memref<80x128xf32, #tpu.memory_space<vmem>>, vector<1x16xf32>,
        %get3A_310 = vector.shape_cast %get3A_309 : vector<1x16xf32> to vector<16xf32>
        %add3A_311 = arith.addf %add3A_302, %get3A_310 : vector<16xf32>
        %mul3A_312 = arith.constant 10 : i32
        %mul3A_313 = arith.muli %scan3A_183, %mul3A_312 : i32
        %add3A_314 = arith.constant 5 : i32
        %add3A_315 = arith.addi %mul3A_313, %add3A_314 : i32
        %get3A_316 = arith.index_cast %add3A_315 : i32 to index
        %get3A_317 = arith.constant 16 : index
        %get3A_318 = tpu.vector_load %arg11[%get3A_316, %get3A_317] {strides = array<i32>} : memref<80x128xf32, #tpu.memory_space<vmem>>, vector<1x16xf32>,
        %get3A_319 = vector.shape_cast %get3A_318 : vector<1x16xf32> to vector<16xf32>
        %add3A_320 = arith.addf %add3A_311, %get3A_319 : vector<16xf32>
        %mul3A_321 = arith.constant 10 : i32
        %mul3A_322 = arith.muli %scan3A_183, %mul3A_321 : i32
        %add3A_323 = arith.constant 6 : i32
        %add3A_324 = arith.addi %mul3A_322, %add3A_323 : i32
        %get3A_325 = arith.index_cast %add3A_324 : i32 to index
        %get3A_326 = arith.constant 16 : index
        %get3A_327 = tpu.vector_load %arg11[%get3A_325, %get3A_326] {strides = array<i32>} : memref<80x128xf32, #tpu.memory_space<vmem>>, vector<1x16xf32>,
        %get3A_328 = vector.shape_cast %get3A_327 : vector<1x16xf32> to vector<16xf32>
        %add3A_329 = arith.addf %add3A_320, %get3A_328 : vector<16xf32>
        %mul3A_330 = arith.constant 10 : i32
        %mul3A_331 = arith.muli %scan3A_183, %mul3A_330 : i32
        %add3A_332 = arith.constant 7 : i32
        %add3A_333 = arith.addi %mul3A_331, %add3A_332 : i32
        %get3A_334 = arith.index_cast %add3A_333 : i32 to index
        %get3A_335 = arith.constant 16 : index
        %get3A_336 = tpu.vector_load %arg11[%get3A_334, %get3A_335] {strides = array<i32>} : memref<80x128xf32, #tpu.memory_space<vmem>>, vector<1x16xf32>,
        %get3A_337 = vector.shape_cast %get3A_336 : vector<1x16xf32> to vector<16xf32>
        %add3A_338 = arith.addf %add3A_329, %get3A_337 : vector<16xf32>
        %mul3A_339 = arith.constant 10 : i32
        %mul3A_340 = arith.muli %scan3A_183, %mul3A_339 : i32
        %add3A_341 = arith.constant 8 : i32
        %add3A_342 = arith.addi %mul3A_340, %add3A_341 : i32
        %get3A_343 = arith.index_cast %add3A_342 : i32 to index
        %get3A_344 = arith.constant 16 : index
        %get3A_345 = tpu.vector_load %arg11[%get3A_343, %get3A_344] {strides = array<i32>} : memref<80x128xf32, #tpu.memory_space<vmem>>, vector<1x16xf32>,
        %get3A_346 = vector.shape_cast %get3A_345 : vector<1x16xf32> to vector<16xf32>
        %add3A_347 = arith.addf %add3A_338, %get3A_346 : vector<16xf32>
        %mul3A_348 = arith.constant 10 : i32
        %mul3A_349 = arith.muli %scan3A_183, %mul3A_348 : i32
        %add3A_350 = arith.constant 9 : i32
        %add3A_351 = arith.addi %mul3A_349, %add3A_350 : i32
        %get3A_352 = arith.index_cast %add3A_351 : i32 to index
        %get3A_353 = arith.constant 16 : index
        %get3A_354 = tpu.vector_load %arg11[%get3A_352, %get3A_353] {strides = array<i32>} : memref<80x128xf32, #tpu.memory_space<vmem>>, vector<1x16xf32>,
        %get3A_355 = vector.shape_cast %get3A_354 : vector<1x16xf32> to vector<16xf32>
        %add3A_356 = arith.addf %add3A_347, %get3A_355 : vector<16xf32>
        %mul3A_357 = arith.constant 10 : i32
        %mul3A_358 = arith.muli %scan3A_183, %mul3A_357 : i32
        %get3A_359 = arith.index_cast %mul3A_358 : i32 to index
        %get3A_360 = arith.constant 32 : index
        %get3A_361 = tpu.vector_load %arg11[%get3A_359, %get3A_360] {strides = array<i32>} : memref<80x128xf32, #tpu.memory_space<vmem>>, vector<1x16xf32>,
        %get3A_362 = vector.shape_cast %get3A_361 : vector<1x16xf32> to vector<16xf32>
        %mul3A_363 = arith.constant 10 : i32
        %mul3A_364 = arith.muli %scan3A_183, %mul3A_363 : i32
        %add3A_365 = arith.constant 1 : i32
        %add3A_366 = arith.addi %mul3A_364, %add3A_365 : i32
        %get3A_367 = arith.index_cast %add3A_366 : i32 to index
        %get3A_368 = arith.constant 32 : index
        %get3A_369 = tpu.vector_load %arg11[%get3A_367, %get3A_368] {strides = array<i32>} : memref<80x128xf32, #tpu.memory_space<vmem>>, vector<1x16xf32>,
        %get3A_370 = vector.shape_cast %get3A_369 : vector<1x16xf32> to vector<16xf32>
        %add3A_371 = arith.addf %get3A_362, %get3A_370 : vector<16xf32>
        %mul3A_372 = arith.constant 10 : i32
        %mul3A_373 = arith.muli %scan3A_183, %mul3A_372 : i32
        %add3A_374 = arith.constant 2 : i32
        %add3A_375 = arith.addi %mul3A_373, %add3A_374 : i32
        %get3A_376 = arith.index_cast %add3A_375 : i32 to index
        %get3A_377 = arith.constant 32 : index
        %get3A_378 = tpu.vector_load %arg11[%get3A_376, %get3A_377] {strides = array<i32>} : memref<80x128xf32, #tpu.memory_space<vmem>>, vector<1x16xf32>,
        %get3A_379 = vector.shape_cast %get3A_378 : vector<1x16xf32> to vector<16xf32>
        %add3A_380 = arith.addf %add3A_371, %get3A_379 : vector<16xf32>
        %mul3A_381 = arith.constant 10 : i32
        %mul3A_382 = arith.muli %scan3A_183, %mul3A_381 : i32
        %add3A_383 = arith.constant 3 : i32
        %add3A_384 = arith.addi %mul3A_382, %add3A_383 : i32
        %get3A_385 = arith.index_cast %add3A_384 : i32 to index
        %get3A_386 = arith.constant 32 : index
        %get3A_387 = tpu.vector_load %arg11[%get3A_385, %get3A_386] {strides = array<i32>} : memref<80x128xf32, #tpu.memory_space<vmem>>, vector<1x16xf32>,
        %get3A_388 = vector.shape_cast %get3A_387 : vector<1x16xf32> to vector<16xf32>
        %add3A_389 = arith.addf %add3A_380, %get3A_388 : vector<16xf32>
        %mul3A_390 = arith.constant 10 : i32
        %mul3A_391 = arith.muli %scan3A_183, %mul3A_390 : i32
        %add3A_392 = arith.constant 4 : i32
        %add3A_393 = arith.addi %mul3A_391, %add3A_392 : i32
        %get3A_394 = arith.index_cast %add3A_393 : i32 to index
        %get3A_395 = arith.constant 32 : index
        %get3A_396 = tpu.vector_load %arg11[%get3A_394, %get3A_395] {strides = array<i32>} : memref<80x128xf32, #tpu.memory_space<vmem>>, vector<1x16xf32>,
        %get3A_397 = vector.shape_cast %get3A_396 : vector<1x16xf32> to vector<16xf32>
        %add3A_398 = arith.addf %add3A_389, %get3A_397 : vector<16xf32>
        %mul3A_399 = arith.constant 10 : i32
        %mul3A_400 = arith.muli %scan3A_183, %mul3A_399 : i32
        %add3A_401 = arith.constant 5 : i32
        %add3A_402 = arith.addi %mul3A_400, %add3A_401 : i32
        %get3A_403 = arith.index_cast %add3A_402 : i32 to index
        %get3A_404 = arith.constant 32 : index
        %get3A_405 = tpu.vector_load %arg11[%get3A_403, %get3A_404] {strides = array<i32>} : memref<80x128xf32, #tpu.memory_space<vmem>>, vector<1x16xf32>,
        %get3A_406 = vector.shape_cast %get3A_405 : vector<1x16xf32> to vector<16xf32>
        %add3A_407 = arith.addf %add3A_398, %get3A_406 : vector<16xf32>
        %mul3A_408 = arith.constant 10 : i32
        %mul3A_409 = arith.muli %scan3A_183, %mul3A_408 : i32
        %add3A_410 = arith.constant 6 : i32
        %add3A_411 = arith.addi %mul3A_409, %add3A_410 : i32
        %get3A_412 = arith.index_cast %add3A_411 : i32 to index
        %get3A_413 = arith.constant 32 : index
        %get3A_414 = tpu.vector_load %arg11[%get3A_412, %get3A_413] {strides = array<i32>} : memref<80x128xf32, #tpu.memory_space<vmem>>, vector<1x16xf32>,
        %get3A_415 = vector.shape_cast %get3A_414 : vector<1x16xf32> to vector<16xf32>
        %add3A_416 = arith.addf %add3A_407, %get3A_415 : vector<16xf32>
        %mul3A_417 = arith.constant 10 : i32
        %mul3A_418 = arith.muli %scan3A_183, %mul3A_417 : i32
        %add3A_419 = arith.constant 7 : i32
        %add3A_420 = arith.addi %mul3A_418, %add3A_419 : i32
        %get3A_421 = arith.index_cast %add3A_420 : i32 to index
        %get3A_422 = arith.constant 32 : index
        %get3A_423 = tpu.vector_load %arg11[%get3A_421, %get3A_422] {strides = array<i32>} : memref<80x128xf32, #tpu.memory_space<vmem>>, vector<1x16xf32>,
        %get3A_424 = vector.shape_cast %get3A_423 : vector<1x16xf32> to vector<16xf32>
        %add3A_425 = arith.addf %add3A_416, %get3A_424 : vector<16xf32>
        %mul3A_426 = arith.constant 10 : i32
        %mul3A_427 = arith.muli %scan3A_183, %mul3A_426 : i32
        %add3A_428 = arith.constant 8 : i32
        %add3A_429 = arith.addi %mul3A_427, %add3A_428 : i32
        %get3A_430 = arith.index_cast %add3A_429 : i32 to index
        %get3A_431 = arith.constant 32 : index
        %get3A_432 = tpu.vector_load %arg11[%get3A_430, %get3A_431] {strides = array<i32>} : memref<80x128xf32, #tpu.memory_space<vmem>>, vector<1x16xf32>,
        %get3A_433 = vector.shape_cast %get3A_432 : vector<1x16xf32> to vector<16xf32>
        %add3A_434 = arith.addf %add3A_425, %get3A_433 : vector<16xf32>
        %mul3A_435 = arith.constant 10 : i32
        %mul3A_436 = arith.muli %scan3A_183, %mul3A_435 : i32
        %add3A_437 = arith.constant 9 : i32
        %add3A_438 = arith.addi %mul3A_436, %add3A_437 : i32
        %get3A_439 = arith.index_cast %add3A_438 : i32 to index
        %get3A_440 = arith.constant 32 : index
        %get3A_441 = tpu.vector_load %arg11[%get3A_439, %get3A_440] {strides = array<i32>} : memref<80x128xf32, #tpu.memory_space<vmem>>, vector<1x16xf32>,
        %get3A_442 = vector.shape_cast %get3A_441 : vector<1x16xf32> to vector<16xf32>
        %add3A_443 = arith.addf %add3A_434, %get3A_442 : vector<16xf32>
        %mul3A_444 = arith.constant 10 : i32
        %mul3A_445 = arith.muli %scan3A_183, %mul3A_444 : i32
        %get3A_446 = arith.index_cast %mul3A_445 : i32 to index
        %get3A_447 = arith.constant 48 : index
        %get3A_448 = tpu.vector_load %arg11[%get3A_446, %get3A_447] {strides = array<i32>} : memref<80x128xf32, #tpu.memory_space<vmem>>, vector<1x16xf32>,
        %get3A_449 = vector.shape_cast %get3A_448 : vector<1x16xf32> to vector<16xf32>
        %mul3A_450 = arith.constant 10 : i32
        %mul3A_451 = arith.muli %scan3A_183, %mul3A_450 : i32
        %add3A_452 = arith.constant 1 : i32
        %add3A_453 = arith.addi %mul3A_451, %add3A_452 : i32
        %get3A_454 = arith.index_cast %add3A_453 : i32 to index
        %get3A_455 = arith.constant 48 : index
        %get3A_456 = tpu.vector_load %arg11[%get3A_454, %get3A_455] {strides = array<i32>} : memref<80x128xf32, #tpu.memory_space<vmem>>, vector<1x16xf32>,
        %get3A_457 = vector.shape_cast %get3A_456 : vector<1x16xf32> to vector<16xf32>
        %add3A_458 = arith.addf %get3A_449, %get3A_457 : vector<16xf32>
        %mul3A_459 = arith.constant 10 : i32
        %mul3A_460 = arith.muli %scan3A_183, %mul3A_459 : i32
        %add3A_461 = arith.constant 2 : i32
        %add3A_462 = arith.addi %mul3A_460, %add3A_461 : i32
        %get3A_463 = arith.index_cast %add3A_462 : i32 to index
        %get3A_464 = arith.constant 48 : index
        %get3A_465 = tpu.vector_load %arg11[%get3A_463, %get3A_464] {strides = array<i32>} : memref<80x128xf32, #tpu.memory_space<vmem>>, vector<1x16xf32>,
        %get3A_466 = vector.shape_cast %get3A_465 : vector<1x16xf32> to vector<16xf32>
        %add3A_467 = arith.addf %add3A_458, %get3A_466 : vector<16xf32>
        %mul3A_468 = arith.constant 10 : i32
        %mul3A_469 = arith.muli %scan3A_183, %mul3A_468 : i32
        %add3A_470 = arith.constant 3 : i32
        %add3A_471 = arith.addi %mul3A_469, %add3A_470 : i32
        %get3A_472 = arith.index_cast %add3A_471 : i32 to index
        %get3A_473 = arith.constant 48 : index
        %get3A_474 = tpu.vector_load %arg11[%get3A_472, %get3A_473] {strides = array<i32>} : memref<80x128xf32, #tpu.memory_space<vmem>>, vector<1x16xf32>,
        %get3A_475 = vector.shape_cast %get3A_474 : vector<1x16xf32> to vector<16xf32>
        %add3A_476 = arith.addf %add3A_467, %get3A_475 : vector<16xf32>
        %mul3A_477 = arith.constant 10 : i32
        %mul3A_478 = arith.muli %scan3A_183, %mul3A_477 : i32
        %add3A_479 = arith.constant 4 : i32
        %add3A_480 = arith.addi %mul3A_478, %add3A_479 : i32
        %get3A_481 = arith.index_cast %add3A_480 : i32 to index
        %get3A_482 = arith.constant 48 : index
        %get3A_483 = tpu.vector_load %arg11[%get3A_481, %get3A_482] {strides = array<i32>} : memref<80x128xf32, #tpu.memory_space<vmem>>, vector<1x16xf32>,
        %get3A_484 = vector.shape_cast %get3A_483 : vector<1x16xf32> to vector<16xf32>
        %add3A_485 = arith.addf %add3A_476, %get3A_484 : vector<16xf32>
        %mul3A_486 = arith.constant 10 : i32
        %mul3A_487 = arith.muli %scan3A_183, %mul3A_486 : i32
        %add3A_488 = arith.constant 5 : i32
        %add3A_489 = arith.addi %mul3A_487, %add3A_488 : i32
        %get3A_490 = arith.index_cast %add3A_489 : i32 to index
        %get3A_491 = arith.constant 48 : index
        %get3A_492 = tpu.vector_load %arg11[%get3A_490, %get3A_491] {strides = array<i32>} : memref<80x128xf32, #tpu.memory_space<vmem>>, vector<1x16xf32>,
        %get3A_493 = vector.shape_cast %get3A_492 : vector<1x16xf32> to vector<16xf32>
        %add3A_494 = arith.addf %add3A_485, %get3A_493 : vector<16xf32>
        %mul3A_495 = arith.constant 10 : i32
        %mul3A_496 = arith.muli %scan3A_183, %mul3A_495 : i32
        %add3A_497 = arith.constant 6 : i32
        %add3A_498 = arith.addi %mul3A_496, %add3A_497 : i32
        %get3A_499 = arith.index_cast %add3A_498 : i32 to index
        %get3A_500 = arith.constant 48 : index
        %get3A_501 = tpu.vector_load %arg11[%get3A_499, %get3A_500] {strides = array<i32>} : memref<80x128xf32, #tpu.memory_space<vmem>>, vector<1x16xf32>,
        %get3A_502 = vector.shape_cast %get3A_501 : vector<1x16xf32> to vector<16xf32>
        %add3A_503 = arith.addf %add3A_494, %get3A_502 : vector<16xf32>
        %mul3A_504 = arith.constant 10 : i32
        %mul3A_505 = arith.muli %scan3A_183, %mul3A_504 : i32
        %add3A_506 = arith.constant 7 : i32
        %add3A_507 = arith.addi %mul3A_505, %add3A_506 : i32
        %get3A_508 = arith.index_cast %add3A_507 : i32 to index
        %get3A_509 = arith.constant 48 : index
        %get3A_510 = tpu.vector_load %arg11[%get3A_508, %get3A_509] {strides = array<i32>} : memref<80x128xf32, #tpu.memory_space<vmem>>, vector<1x16xf32>,
        %get3A_511 = vector.shape_cast %get3A_510 : vector<1x16xf32> to vector<16xf32>
        %add3A_512 = arith.addf %add3A_503, %get3A_511 : vector<16xf32>
        %mul3A_513 = arith.constant 10 : i32
        %mul3A_514 = arith.muli %scan3A_183, %mul3A_513 : i32
        %add3A_515 = arith.constant 8 : i32
        %add3A_516 = arith.addi %mul3A_514, %add3A_515 : i32
        %get3A_517 = arith.index_cast %add3A_516 : i32 to index
        %get3A_518 = arith.constant 48 : index
        %get3A_519 = tpu.vector_load %arg11[%get3A_517, %get3A_518] {strides = array<i32>} : memref<80x128xf32, #tpu.memory_space<vmem>>, vector<1x16xf32>,
        %get3A_520 = vector.shape_cast %get3A_519 : vector<1x16xf32> to vector<16xf32>
        %add3A_521 = arith.addf %add3A_512, %get3A_520 : vector<16xf32>
        %mul3A_522 = arith.constant 10 : i32
        %mul3A_523 = arith.muli %scan3A_183, %mul3A_522 : i32
        %add3A_524 = arith.constant 9 : i32
        %add3A_525 = arith.addi %mul3A_523, %add3A_524 : i32
        %get3A_526 = arith.index_cast %add3A_525 : i32 to index
        %get3A_527 = arith.constant 48 : index
        %get3A_528 = tpu.vector_load %arg11[%get3A_526, %get3A_527] {strides = array<i32>} : memref<80x128xf32, #tpu.memory_space<vmem>>, vector<1x16xf32>,
        %get3A_529 = vector.shape_cast %get3A_528 : vector<1x16xf32> to vector<16xf32>
        %add3A_530 = arith.addf %add3A_521, %get3A_529 : vector<16xf32>
        %mul3A_531 = arith.constant 10 : i32
        %mul3A_532 = arith.muli %scan3A_183, %mul3A_531 : i32
        %get3A_533 = arith.index_cast %mul3A_532 : i32 to index
        %get3A_534 = arith.constant 64 : index
        %get3A_535 = tpu.vector_load %arg11[%get3A_533, %get3A_534] {strides = array<i32>} : memref<80x128xf32, #tpu.memory_space<vmem>>, vector<1x16xf32>,
        %get3A_536 = vector.shape_cast %get3A_535 : vector<1x16xf32> to vector<16xf32>
        %mul3A_537 = arith.constant 10 : i32
        %mul3A_538 = arith.muli %scan3A_183, %mul3A_537 : i32
        %add3A_539 = arith.constant 1 : i32
        %add3A_540 = arith.addi %mul3A_538, %add3A_539 : i32
        %get3A_541 = arith.index_cast %add3A_540 : i32 to index
        %get3A_542 = arith.constant 64 : index
        %get3A_543 = tpu.vector_load %arg11[%get3A_541, %get3A_542] {strides = array<i32>} : memref<80x128xf32, #tpu.memory_space<vmem>>, vector<1x16xf32>,
        %get3A_544 = vector.shape_cast %get3A_543 : vector<1x16xf32> to vector<16xf32>
        %add3A_545 = arith.addf %get3A_536, %get3A_544 : vector<16xf32>
        %mul3A_546 = arith.constant 10 : i32
        %mul3A_547 = arith.muli %scan3A_183, %mul3A_546 : i32
        %add3A_548 = arith.constant 2 : i32
        %add3A_549 = arith.addi %mul3A_547, %add3A_548 : i32
        %get3A_550 = arith.index_cast %add3A_549 : i32 to index
        %get3A_551 = arith.constant 64 : index
        %get3A_552 = tpu.vector_load %arg11[%get3A_550, %get3A_551] {strides = array<i32>} : memref<80x128xf32, #tpu.memory_space<vmem>>, vector<1x16xf32>,
        %get3A_553 = vector.shape_cast %get3A_552 : vector<1x16xf32> to vector<16xf32>
        %add3A_554 = arith.addf %add3A_545, %get3A_553 : vector<16xf32>
        %mul3A_555 = arith.constant 10 : i32
        %mul3A_556 = arith.muli %scan3A_183, %mul3A_555 : i32
        %add3A_557 = arith.constant 3 : i32
        %add3A_558 = arith.addi %mul3A_556, %add3A_557 : i32
        %get3A_559 = arith.index_cast %add3A_558 : i32 to index
        %get3A_560 = arith.constant 64 : index
        %get3A_561 = tpu.vector_load %arg11[%get3A_559, %get3A_560] {strides = array<i32>} : memref<80x128xf32, #tpu.memory_space<vmem>>, vector<1x16xf32>,
        %get3A_562 = vector.shape_cast %get3A_561 : vector<1x16xf32> to vector<16xf32>
        %add3A_563 = arith.addf %add3A_554, %get3A_562 : vector<16xf32>
        %mul3A_564 = arith.constant 10 : i32
        %mul3A_565 = arith.muli %scan3A_183, %mul3A_564 : i32
        %add3A_566 = arith.constant 4 : i32
        %add3A_567 = arith.addi %mul3A_565, %add3A_566 : i32
        %get3A_568 = arith.index_cast %add3A_567 : i32 to index
        %get3A_569 = arith.constant 64 : index
        %get3A_570 = tpu.vector_load %arg11[%get3A_568, %get3A_569] {strides = array<i32>} : memref<80x128xf32, #tpu.memory_space<vmem>>, vector<1x16xf32>,
        %get3A_571 = vector.shape_cast %get3A_570 : vector<1x16xf32> to vector<16xf32>
        %add3A_572 = arith.addf %add3A_563, %get3A_571 : vector<16xf32>
        %mul3A_573 = arith.constant 10 : i32
        %mul3A_574 = arith.muli %scan3A_183, %mul3A_573 : i32
        %add3A_575 = arith.constant 5 : i32
        %add3A_576 = arith.addi %mul3A_574, %add3A_575 : i32
        %get3A_577 = arith.index_cast %add3A_576 : i32 to index
        %get3A_578 = arith.constant 64 : index
        %get3A_579 = tpu.vector_load %arg11[%get3A_577, %get3A_578] {strides = array<i32>} : memref<80x128xf32, #tpu.memory_space<vmem>>, vector<1x16xf32>,
        %get3A_580 = vector.shape_cast %get3A_579 : vector<1x16xf32> to vector<16xf32>
        %add3A_581 = arith.addf %add3A_572, %get3A_580 : vector<16xf32>
        %mul3A_582 = arith.constant 10 : i32
        %mul3A_583 = arith.muli %scan3A_183, %mul3A_582 : i32
        %add3A_584 = arith.constant 6 : i32
        %add3A_585 = arith.addi %mul3A_583, %add3A_584 : i32
        %get3A_586 = arith.index_cast %add3A_585 : i32 to index
        %get3A_587 = arith.constant 64 : index
        %get3A_588 = tpu.vector_load %arg11[%get3A_586, %get3A_587] {strides = array<i32>} : memref<80x128xf32, #tpu.memory_space<vmem>>, vector<1x16xf32>,
        %get3A_589 = vector.shape_cast %get3A_588 : vector<1x16xf32> to vector<16xf32>
        %add3A_590 = arith.addf %add3A_581, %get3A_589 : vector<16xf32>
        %mul3A_591 = arith.constant 10 : i32
        %mul3A_592 = arith.muli %scan3A_183, %mul3A_591 : i32
        %add3A_593 = arith.constant 7 : i32
        %add3A_594 = arith.addi %mul3A_592, %add3A_593 : i32
        %get3A_595 = arith.index_cast %add3A_594 : i32 to index
        %get3A_596 = arith.constant 64 : index
        %get3A_597 = tpu.vector_load %arg11[%get3A_595, %get3A_596] {strides = array<i32>} : memref<80x128xf32, #tpu.memory_space<vmem>>, vector<1x16xf32>,
        %get3A_598 = vector.shape_cast %get3A_597 : vector<1x16xf32> to vector<16xf32>
        %add3A_599 = arith.addf %add3A_590, %get3A_598 : vector<16xf32>
        %mul3A_600 = arith.constant 10 : i32
        %mul3A_601 = arith.muli %scan3A_183, %mul3A_600 : i32
        %add3A_602 = arith.constant 8 : i32
        %add3A_603 = arith.addi %mul3A_601, %add3A_602 : i32
        %get3A_604 = arith.index_cast %add3A_603 : i32 to index
        %get3A_605 = arith.constant 64 : index
        %get3A_606 = tpu.vector_load %arg11[%get3A_604, %get3A_605] {strides = array<i32>} : memref<80x128xf32, #tpu.memory_space<vmem>>, vector<1x16xf32>,
        %get3A_607 = vector.shape_cast %get3A_606 : vector<1x16xf32> to vector<16xf32>
        %add3A_608 = arith.addf %add3A_599, %get3A_607 : vector<16xf32>
        %mul3A_609 = arith.constant 10 : i32
        %mul3A_610 = arith.muli %scan3A_183, %mul3A_609 : i32
        %add3A_611 = arith.constant 9 : i32
        %add3A_612 = arith.addi %mul3A_610, %add3A_611 : i32
        %get3A_613 = arith.index_cast %add3A_612 : i32 to index
        %get3A_614 = arith.constant 64 : index
        %get3A_615 = tpu.vector_load %arg11[%get3A_613, %get3A_614] {strides = array<i32>} : memref<80x128xf32, #tpu.memory_space<vmem>>, vector<1x16xf32>,
        %get3A_616 = vector.shape_cast %get3A_615 : vector<1x16xf32> to vector<16xf32>
        %add3A_617 = arith.addf %add3A_608, %get3A_616 : vector<16xf32>
        %mul3A_618 = arith.constant 10 : i32
        %mul3A_619 = arith.muli %scan3A_183, %mul3A_618 : i32
        %get3A_620 = arith.index_cast %mul3A_619 : i32 to index
        %get3A_621 = arith.constant 80 : index
        %get3A_622 = tpu.vector_load %arg11[%get3A_620, %get3A_621] {strides = array<i32>} : memref<80x128xf32, #tpu.memory_space<vmem>>, vector<1x16xf32>,
        %get3A_623 = vector.shape_cast %get3A_622 : vector<1x16xf32> to vector<16xf32>
        %mul3A_624 = arith.constant 10 : i32
        %mul3A_625 = arith.muli %scan3A_183, %mul3A_624 : i32
        %add3A_626 = arith.constant 1 : i32
        %add3A_627 = arith.addi %mul3A_625, %add3A_626 : i32
        %get3A_628 = arith.index_cast %add3A_627 : i32 to index
        %get3A_629 = arith.constant 80 : index
        %get3A_630 = tpu.vector_load %arg11[%get3A_628, %get3A_629] {strides = array<i32>} : memref<80x128xf32, #tpu.memory_space<vmem>>, vector<1x16xf32>,
        %get3A_631 = vector.shape_cast %get3A_630 : vector<1x16xf32> to vector<16xf32>
        %add3A_632 = arith.addf %get3A_623, %get3A_631 : vector<16xf32>
        %mul3A_633 = arith.constant 10 : i32
        %mul3A_634 = arith.muli %scan3A_183, %mul3A_633 : i32
        %add3A_635 = arith.constant 2 : i32
        %add3A_636 = arith.addi %mul3A_634, %add3A_635 : i32
        %get3A_637 = arith.index_cast %add3A_636 : i32 to index
        %get3A_638 = arith.constant 80 : index
        %get3A_639 = tpu.vector_load %arg11[%get3A_637, %get3A_638] {strides = array<i32>} : memref<80x128xf32, #tpu.memory_space<vmem>>, vector<1x16xf32>,
        %get3A_640 = vector.shape_cast %get3A_639 : vector<1x16xf32> to vector<16xf32>
        %add3A_641 = arith.addf %add3A_632, %get3A_640 : vector<16xf32>
        %mul3A_642 = arith.constant 10 : i32
        %mul3A_643 = arith.muli %scan3A_183, %mul3A_642 : i32
        %add3A_644 = arith.constant 3 : i32
        %add3A_645 = arith.addi %mul3A_643, %add3A_644 : i32
        %get3A_646 = arith.index_cast %add3A_645 : i32 to index
        %get3A_647 = arith.constant 80 : index
        %get3A_648 = tpu.vector_load %arg11[%get3A_646, %get3A_647] {strides = array<i32>} : memref<80x128xf32, #tpu.memory_space<vmem>>, vector<1x16xf32>,
        %get3A_649 = vector.shape_cast %get3A_648 : vector<1x16xf32> to vector<16xf32>
        %add3A_650 = arith.addf %add3A_641, %get3A_649 : vector<16xf32>
        %mul3A_651 = arith.constant 10 : i32
        %mul3A_652 = arith.muli %scan3A_183, %mul3A_651 : i32
        %add3A_653 = arith.constant 4 : i32
        %add3A_654 = arith.addi %mul3A_652, %add3A_653 : i32
        %get3A_655 = arith.index_cast %add3A_654 : i32 to index
        %get3A_656 = arith.constant 80 : index
        %get3A_657 = tpu.vector_load %arg11[%get3A_655, %get3A_656] {strides = array<i32>} : memref<80x128xf32, #tpu.memory_space<vmem>>, vector<1x16xf32>,
        %get3A_658 = vector.shape_cast %get3A_657 : vector<1x16xf32> to vector<16xf32>
        %add3A_659 = arith.addf %add3A_650, %get3A_658 : vector<16xf32>
        %mul3A_660 = arith.constant 10 : i32
        %mul3A_661 = arith.muli %scan3A_183, %mul3A_660 : i32
        %add3A_662 = arith.constant 5 : i32
        %add3A_663 = arith.addi %mul3A_661, %add3A_662 : i32
        %get3A_664 = arith.index_cast %add3A_663 : i32 to index
        %get3A_665 = arith.constant 80 : index
        %get3A_666 = tpu.vector_load %arg11[%get3A_664, %get3A_665] {strides = array<i32>} : memref<80x128xf32, #tpu.memory_space<vmem>>, vector<1x16xf32>,
        %get3A_667 = vector.shape_cast %get3A_666 : vector<1x16xf32> to vector<16xf32>
        %add3A_668 = arith.addf %add3A_659, %get3A_667 : vector<16xf32>
        %mul3A_669 = arith.constant 10 : i32
        %mul3A_670 = arith.muli %scan3A_183, %mul3A_669 : i32
        %add3A_671 = arith.constant 6 : i32
        %add3A_672 = arith.addi %mul3A_670, %add3A_671 : i32
        %get3A_673 = arith.index_cast %add3A_672 : i32 to index
        %get3A_674 = arith.constant 80 : index
        %get3A_675 = tpu.vector_load %arg11[%get3A_673, %get3A_674] {strides = array<i32>} : memref<80x128xf32, #tpu.memory_space<vmem>>, vector<1x16xf32>,
        %get3A_676 = vector.shape_cast %get3A_675 : vector<1x16xf32> to vector<16xf32>
        %add3A_677 = arith.addf %add3A_668, %get3A_676 : vector<16xf32>
        %mul3A_678 = arith.constant 10 : i32
        %mul3A_679 = arith.muli %scan3A_183, %mul3A_678 : i32
        %add3A_680 = arith.constant 7 : i32
        %add3A_681 = arith.addi %mul3A_679, %add3A_680 : i32
        %get3A_682 = arith.index_cast %add3A_681 : i32 to index
        %get3A_683 = arith.constant 80 : index
        %get3A_684 = tpu.vector_load %arg11[%get3A_682, %get3A_683] {strides = array<i32>} : memref<80x128xf32, #tpu.memory_space<vmem>>, vector<1x16xf32>,
        %get3A_685 = vector.shape_cast %get3A_684 : vector<1x16xf32> to vector<16xf32>
        %add3A_686 = arith.addf %add3A_677, %get3A_685 : vector<16xf32>
        %mul3A_687 = arith.constant 10 : i32
        %mul3A_688 = arith.muli %scan3A_183, %mul3A_687 : i32
        %add3A_689 = arith.constant 8 : i32
        %add3A_690 = arith.addi %mul3A_688, %add3A_689 : i32
        %get3A_691 = arith.index_cast %add3A_690 : i32 to index
        %get3A_692 = arith.constant 80 : index
        %get3A_693 = tpu.vector_load %arg11[%get3A_691, %get3A_692] {strides = array<i32>} : memref<80x128xf32, #tpu.memory_space<vmem>>, vector<1x16xf32>,
        %get3A_694 = vector.shape_cast %get3A_693 : vector<1x16xf32> to vector<16xf32>
        %add3A_695 = arith.addf %add3A_686, %get3A_694 : vector<16xf32>
        %mul3A_696 = arith.constant 10 : i32
        %mul3A_697 = arith.muli %scan3A_183, %mul3A_696 : i32
        %add3A_698 = arith.constant 9 : i32
        %add3A_699 = arith.addi %mul3A_697, %add3A_698 : i32
        %get3A_700 = arith.index_cast %add3A_699 : i32 to index
        %get3A_701 = arith.constant 80 : index
        %get3A_702 = tpu.vector_load %arg11[%get3A_700, %get3A_701] {strides = array<i32>} : memref<80x128xf32, #tpu.memory_space<vmem>>, vector<1x16xf32>,
        %get3A_703 = vector.shape_cast %get3A_702 : vector<1x16xf32> to vector<16xf32>
        %add3A_704 = arith.addf %add3A_695, %get3A_703 : vector<16xf32>
        %mul3A_705 = arith.constant 10 : i32
        %mul3A_706 = arith.muli %scan3A_183, %mul3A_705 : i32
        %get3A_707 = arith.index_cast %mul3A_706 : i32 to index
        %get3A_708 = arith.constant 96 : index
        %get3A_709 = tpu.vector_load %arg11[%get3A_707, %get3A_708] {strides = array<i32>} : memref<80x128xf32, #tpu.memory_space<vmem>>, vector<1x16xf32>,
        %get3A_710 = vector.shape_cast %get3A_709 : vector<1x16xf32> to vector<16xf32>
        %mul3A_711 = arith.constant 10 : i32
        %mul3A_712 = arith.muli %scan3A_183, %mul3A_711 : i32
        %add3A_713 = arith.constant 1 : i32
        %add3A_714 = arith.addi %mul3A_712, %add3A_713 : i32
        %get3A_715 = arith.index_cast %add3A_714 : i32 to index
        %get3A_716 = arith.constant 96 : index
        %get3A_717 = tpu.vector_load %arg11[%get3A_715, %get3A_716] {strides = array<i32>} : memref<80x128xf32, #tpu.memory_space<vmem>>, vector<1x16xf32>,
        %get3A_718 = vector.shape_cast %get3A_717 : vector<1x16xf32> to vector<16xf32>
        %add3A_719 = arith.addf %get3A_710, %get3A_718 : vector<16xf32>
        %mul3A_720 = arith.constant 10 : i32
        %mul3A_721 = arith.muli %scan3A_183, %mul3A_720 : i32
        %add3A_722 = arith.constant 2 : i32
        %add3A_723 = arith.addi %mul3A_721, %add3A_722 : i32
        %get3A_724 = arith.index_cast %add3A_723 : i32 to index
        %get3A_725 = arith.constant 96 : index
        %get3A_726 = tpu.vector_load %arg11[%get3A_724, %get3A_725] {strides = array<i32>} : memref<80x128xf32, #tpu.memory_space<vmem>>, vector<1x16xf32>,
        %get3A_727 = vector.shape_cast %get3A_726 : vector<1x16xf32> to vector<16xf32>
        %add3A_728 = arith.addf %add3A_719, %get3A_727 : vector<16xf32>
        %mul3A_729 = arith.constant 10 : i32
        %mul3A_730 = arith.muli %scan3A_183, %mul3A_729 : i32
        %add3A_731 = arith.constant 3 : i32
        %add3A_732 = arith.addi %mul3A_730, %add3A_731 : i32
        %get3A_733 = arith.index_cast %add3A_732 : i32 to index
        %get3A_734 = arith.constant 96 : index
        %get3A_735 = tpu.vector_load %arg11[%get3A_733, %get3A_734] {strides = array<i32>} : memref<80x128xf32, #tpu.memory_space<vmem>>, vector<1x16xf32>,
        %get3A_736 = vector.shape_cast %get3A_735 : vector<1x16xf32> to vector<16xf32>
        %add3A_737 = arith.addf %add3A_728, %get3A_736 : vector<16xf32>
        %mul3A_738 = arith.constant 10 : i32
        %mul3A_739 = arith.muli %scan3A_183, %mul3A_738 : i32
        %add3A_740 = arith.constant 4 : i32
        %add3A_741 = arith.addi %mul3A_739, %add3A_740 : i32
        %get3A_742 = arith.index_cast %add3A_741 : i32 to index
        %get3A_743 = arith.constant 96 : index
        %get3A_744 = tpu.vector_load %arg11[%get3A_742, %get3A_743] {strides = array<i32>} : memref<80x128xf32, #tpu.memory_space<vmem>>, vector<1x16xf32>,
        %get3A_745 = vector.shape_cast %get3A_744 : vector<1x16xf32> to vector<16xf32>
        %add3A_746 = arith.addf %add3A_737, %get3A_745 : vector<16xf32>
        %mul3A_747 = arith.constant 10 : i32
        %mul3A_748 = arith.muli %scan3A_183, %mul3A_747 : i32
        %add3A_749 = arith.constant 5 : i32
        %add3A_750 = arith.addi %mul3A_748, %add3A_749 : i32
        %get3A_751 = arith.index_cast %add3A_750 : i32 to index
        %get3A_752 = arith.constant 96 : index
        %get3A_753 = tpu.vector_load %arg11[%get3A_751, %get3A_752] {strides = array<i32>} : memref<80x128xf32, #tpu.memory_space<vmem>>, vector<1x16xf32>,
        %get3A_754 = vector.shape_cast %get3A_753 : vector<1x16xf32> to vector<16xf32>
        %add3A_755 = arith.addf %add3A_746, %get3A_754 : vector<16xf32>
        %mul3A_756 = arith.constant 10 : i32
        %mul3A_757 = arith.muli %scan3A_183, %mul3A_756 : i32
        %add3A_758 = arith.constant 6 : i32
        %add3A_759 = arith.addi %mul3A_757, %add3A_758 : i32
        %get3A_760 = arith.index_cast %add3A_759 : i32 to index
        %get3A_761 = arith.constant 96 : index
        %get3A_762 = tpu.vector_load %arg11[%get3A_760, %get3A_761] {strides = array<i32>} : memref<80x128xf32, #tpu.memory_space<vmem>>, vector<1x16xf32>,
        %get3A_763 = vector.shape_cast %get3A_762 : vector<1x16xf32> to vector<16xf32>
        %add3A_764 = arith.addf %add3A_755, %get3A_763 : vector<16xf32>
        %mul3A_765 = arith.constant 10 : i32
        %mul3A_766 = arith.muli %scan3A_183, %mul3A_765 : i32
        %add3A_767 = arith.constant 7 : i32
        %add3A_768 = arith.addi %mul3A_766, %add3A_767 : i32
        %get3A_769 = arith.index_cast %add3A_768 : i32 to index
        %get3A_770 = arith.constant 96 : index
        %get3A_771 = tpu.vector_load %arg11[%get3A_769, %get3A_770] {strides = array<i32>} : memref<80x128xf32, #tpu.memory_space<vmem>>, vector<1x16xf32>,
        %get3A_772 = vector.shape_cast %get3A_771 : vector<1x16xf32> to vector<16xf32>
        %add3A_773 = arith.addf %add3A_764, %get3A_772 : vector<16xf32>
        %mul3A_774 = arith.constant 10 : i32
        %mul3A_775 = arith.muli %scan3A_183, %mul3A_774 : i32
        %add3A_776 = arith.constant 8 : i32
        %add3A_777 = arith.addi %mul3A_775, %add3A_776 : i32
        %get3A_778 = arith.index_cast %add3A_777 : i32 to index
        %get3A_779 = arith.constant 96 : index
        %get3A_780 = tpu.vector_load %arg11[%get3A_778, %get3A_779] {strides = array<i32>} : memref<80x128xf32, #tpu.memory_space<vmem>>, vector<1x16xf32>,
        %get3A_781 = vector.shape_cast %get3A_780 : vector<1x16xf32> to vector<16xf32>
        %add3A_782 = arith.addf %add3A_773, %get3A_781 : vector<16xf32>
        %mul3A_783 = arith.constant 10 : i32
        %mul3A_784 = arith.muli %scan3A_183, %mul3A_783 : i32
        %add3A_785 = arith.constant 9 : i32
        %add3A_786 = arith.addi %mul3A_784, %add3A_785 : i32
        %get3A_787 = arith.index_cast %add3A_786 : i32 to index
        %get3A_788 = arith.constant 96 : index
        %get3A_789 = tpu.vector_load %arg11[%get3A_787, %get3A_788] {strides = array<i32>} : memref<80x128xf32, #tpu.memory_space<vmem>>, vector<1x16xf32>,
        %get3A_790 = vector.shape_cast %get3A_789 : vector<1x16xf32> to vector<16xf32>
        %add3A_791 = arith.addf %add3A_782, %get3A_790 : vector<16xf32>
        %mul3A_792 = arith.constant 10 : i32
        %mul3A_793 = arith.muli %scan3A_183, %mul3A_792 : i32
        %get3A_794 = arith.index_cast %mul3A_793 : i32 to index
        %get3A_795 = arith.constant 112 : index
        %get3A_796 = tpu.vector_load %arg11[%get3A_794, %get3A_795] {strides = array<i32>} : memref<80x128xf32, #tpu.memory_space<vmem>>, vector<1x16xf32>,
        %get3A_797 = vector.shape_cast %get3A_796 : vector<1x16xf32> to vector<16xf32>
        %mul3A_798 = arith.constant 10 : i32
        %mul3A_799 = arith.muli %scan3A_183, %mul3A_798 : i32
        %add3A_800 = arith.constant 1 : i32
        %add3A_801 = arith.addi %mul3A_799, %add3A_800 : i32
        %get3A_802 = arith.index_cast %add3A_801 : i32 to index
        %get3A_803 = arith.constant 112 : index
        %get3A_804 = tpu.vector_load %arg11[%get3A_802, %get3A_803] {strides = array<i32>} : memref<80x128xf32, #tpu.memory_space<vmem>>, vector<1x16xf32>,
        %get3A_805 = vector.shape_cast %get3A_804 : vector<1x16xf32> to vector<16xf32>
        %add3A_806 = arith.addf %get3A_797, %get3A_805 : vector<16xf32>
        %mul3A_807 = arith.constant 10 : i32
        %mul3A_808 = arith.muli %scan3A_183, %mul3A_807 : i32
        %add3A_809 = arith.constant 2 : i32
        %add3A_810 = arith.addi %mul3A_808, %add3A_809 : i32
        %get3A_811 = arith.index_cast %add3A_810 : i32 to index
        %get3A_812 = arith.constant 112 : index
        %get3A_813 = tpu.vector_load %arg11[%get3A_811, %get3A_812] {strides = array<i32>} : memref<80x128xf32, #tpu.memory_space<vmem>>, vector<1x16xf32>,
        %get3A_814 = vector.shape_cast %get3A_813 : vector<1x16xf32> to vector<16xf32>
        %add3A_815 = arith.addf %add3A_806, %get3A_814 : vector<16xf32>
        %mul3A_816 = arith.constant 10 : i32
        %mul3A_817 = arith.muli %scan3A_183, %mul3A_816 : i32
        %add3A_818 = arith.constant 3 : i32
        %add3A_819 = arith.addi %mul3A_817, %add3A_818 : i32
        %get3A_820 = arith.index_cast %add3A_819 : i32 to index
        %get3A_821 = arith.constant 112 : index
        %get3A_822 = tpu.vector_load %arg11[%get3A_820, %get3A_821] {strides = array<i32>} : memref<80x128xf32, #tpu.memory_space<vmem>>, vector<1x16xf32>,
        %get3A_823 = vector.shape_cast %get3A_822 : vector<1x16xf32> to vector<16xf32>
        %add3A_824 = arith.addf %add3A_815, %get3A_823 : vector<16xf32>
        %mul3A_825 = arith.constant 10 : i32
        %mul3A_826 = arith.muli %scan3A_183, %mul3A_825 : i32
        %add3A_827 = arith.constant 4 : i32
        %add3A_828 = arith.addi %mul3A_826, %add3A_827 : i32
        %get3A_829 = arith.index_cast %add3A_828 : i32 to index
        %get3A_830 = arith.constant 112 : index
        %get3A_831 = tpu.vector_load %arg11[%get3A_829, %get3A_830] {strides = array<i32>} : memref<80x128xf32, #tpu.memory_space<vmem>>, vector<1x16xf32>,
        %get3A_832 = vector.shape_cast %get3A_831 : vector<1x16xf32> to vector<16xf32>
        %add3A_833 = arith.addf %add3A_824, %get3A_832 : vector<16xf32>
        %mul3A_834 = arith.constant 10 : i32
        %mul3A_835 = arith.muli %scan3A_183, %mul3A_834 : i32
        %add3A_836 = arith.constant 5 : i32
        %add3A_837 = arith.addi %mul3A_835, %add3A_836 : i32
        %get3A_838 = arith.index_cast %add3A_837 : i32 to index
        %get3A_839 = arith.constant 112 : index
        %get3A_840 = tpu.vector_load %arg11[%get3A_838, %get3A_839] {strides = array<i32>} : memref<80x128xf32, #tpu.memory_space<vmem>>, vector<1x16xf32>,
        %get3A_841 = vector.shape_cast %get3A_840 : vector<1x16xf32> to vector<16xf32>
        %add3A_842 = arith.addf %add3A_833, %get3A_841 : vector<16xf32>
        %mul3A_843 = arith.constant 10 : i32
        %mul3A_844 = arith.muli %scan3A_183, %mul3A_843 : i32
        %add3A_845 = arith.constant 6 : i32
        %add3A_846 = arith.addi %mul3A_844, %add3A_845 : i32
        %get3A_847 = arith.index_cast %add3A_846 : i32 to index
        %get3A_848 = arith.constant 112 : index
        %get3A_849 = tpu.vector_load %arg11[%get3A_847, %get3A_848] {strides = array<i32>} : memref<80x128xf32, #tpu.memory_space<vmem>>, vector<1x16xf32>,
        %get3A_850 = vector.shape_cast %get3A_849 : vector<1x16xf32> to vector<16xf32>
        %add3A_851 = arith.addf %add3A_842, %get3A_850 : vector<16xf32>
        %mul3A_852 = arith.constant 10 : i32
        %mul3A_853 = arith.muli %scan3A_183, %mul3A_852 : i32
        %add3A_854 = arith.constant 7 : i32
        %add3A_855 = arith.addi %mul3A_853, %add3A_854 : i32
        %get3A_856 = arith.index_cast %add3A_855 : i32 to index
        %get3A_857 = arith.constant 112 : index
        %get3A_858 = tpu.vector_load %arg11[%get3A_856, %get3A_857] {strides = array<i32>} : memref<80x128xf32, #tpu.memory_space<vmem>>, vector<1x16xf32>,
        %get3A_859 = vector.shape_cast %get3A_858 : vector<1x16xf32> to vector<16xf32>
        %add3A_860 = arith.addf %add3A_851, %get3A_859 : vector<16xf32>
        %mul3A_861 = arith.constant 10 : i32
        %mul3A_862 = arith.muli %scan3A_183, %mul3A_861 : i32
        %add3A_863 = arith.constant 8 : i32
        %add3A_864 = arith.addi %mul3A_862, %add3A_863 : i32
        %get3A_865 = arith.index_cast %add3A_864 : i32 to index
        %get3A_866 = arith.constant 112 : index
        %get3A_867 = tpu.vector_load %arg11[%get3A_865, %get3A_866] {strides = array<i32>} : memref<80x128xf32, #tpu.memory_space<vmem>>, vector<1x16xf32>,
        %get3A_868 = vector.shape_cast %get3A_867 : vector<1x16xf32> to vector<16xf32>
        %add3A_869 = arith.addf %add3A_860, %get3A_868 : vector<16xf32>
        %mul3A_870 = arith.constant 10 : i32
        %mul3A_871 = arith.muli %scan3A_183, %mul3A_870 : i32
        %add3A_872 = arith.constant 9 : i32
        %add3A_873 = arith.addi %mul3A_871, %add3A_872 : i32
        %get3A_874 = arith.index_cast %add3A_873 : i32 to index
        %get3A_875 = arith.constant 112 : index
        %get3A_876 = tpu.vector_load %arg11[%get3A_874, %get3A_875] {strides = array<i32>} : memref<80x128xf32, #tpu.memory_space<vmem>>, vector<1x16xf32>,
        %get3A_877 = vector.shape_cast %get3A_876 : vector<1x16xf32> to vector<16xf32>
        %add3A_878 = arith.addf %add3A_869, %get3A_877 : vector<16xf32>
        %get3A_879 = arith.index_cast %scan3A_183 : i32 to index
        %get3A_880 = arith.constant 0 : index
        %get3A_881 = tpu.vector_load %arg12[%get3A_879, %get3A_880] {strides = array<i32>} : memref<168x128xf32, #tpu.memory_space<vmem>>, vector<1x16xf32>,
        %get3A_882 = vector.shape_cast %get3A_881 : vector<1x16xf32> to vector<16xf32>
        %mul3A_883 = arith.mulf %add3A_269, %get3A_882 : vector<16xf32>
        %get3A_884 = arith.index_cast %scan3A_183 : i32 to index
        %get3A_885 = arith.constant 16 : index
        %get3A_886 = tpu.vector_load %arg12[%get3A_884, %get3A_885] {strides = array<i32>} : memref<168x128xf32, #tpu.memory_space<vmem>>, vector<1x16xf32>,
        %get3A_887 = vector.shape_cast %get3A_886 : vector<1x16xf32> to vector<16xf32>
        %mul3A_888 = arith.mulf %add3A_356, %get3A_887 : vector<16xf32>
        %add3A_889 = arith.addf %mul3A_883, %mul3A_888 : vector<16xf32>
        %get3A_890 = arith.index_cast %scan3A_183 : i32 to index
        %get3A_891 = arith.constant 32 : index
        %get3A_892 = tpu.vector_load %arg12[%get3A_890, %get3A_891] {strides = array<i32>} : memref<168x128xf32, #tpu.memory_space<vmem>>, vector<1x16xf32>,
        %get3A_893 = vector.shape_cast %get3A_892 : vector<1x16xf32> to vector<16xf32>
        %mul3A_894 = arith.mulf %add3A_443, %get3A_893 : vector<16xf32>
        %add3A_895 = arith.addf %add3A_889, %mul3A_894 : vector<16xf32>
        %get3A_896 = arith.index_cast %scan3A_183 : i32 to index
        %get3A_897 = arith.constant 48 : index
        %get3A_898 = tpu.vector_load %arg12[%get3A_896, %get3A_897] {strides = array<i32>} : memref<168x128xf32, #tpu.memory_space<vmem>>, vector<1x16xf32>,
        %get3A_899 = vector.shape_cast %get3A_898 : vector<1x16xf32> to vector<16xf32>
        %mul3A_900 = arith.mulf %add3A_530, %get3A_899 : vector<16xf32>
        %add3A_901 = arith.addf %add3A_895, %mul3A_900 : vector<16xf32>
        %get3A_902 = arith.index_cast %scan3A_183 : i32 to index
        %get3A_903 = arith.constant 64 : index
        %get3A_904 = tpu.vector_load %arg12[%get3A_902, %get3A_903] {strides = array<i32>} : memref<168x128xf32, #tpu.memory_space<vmem>>, vector<1x16xf32>,
        %get3A_905 = vector.shape_cast %get3A_904 : vector<1x16xf32> to vector<16xf32>
        %mul3A_906 = arith.mulf %add3A_617, %get3A_905 : vector<16xf32>
        %add3A_907 = arith.addf %add3A_901, %mul3A_906 : vector<16xf32>
        %get3A_908 = arith.index_cast %scan3A_183 : i32 to index
        %get3A_909 = arith.constant 80 : index
        %get3A_910 = tpu.vector_load %arg12[%get3A_908, %get3A_909] {strides = array<i32>} : memref<168x128xf32, #tpu.memory_space<vmem>>, vector<1x16xf32>,
        %get3A_911 = vector.shape_cast %get3A_910 : vector<1x16xf32> to vector<16xf32>
        %mul3A_912 = arith.mulf %add3A_704, %get3A_911 : vector<16xf32>
        %add3A_913 = arith.addf %add3A_907, %mul3A_912 : vector<16xf32>
        %get3A_914 = arith.index_cast %scan3A_183 : i32 to index
        %get3A_915 = arith.constant 96 : index
        %get3A_916 = tpu.vector_load %arg12[%get3A_914, %get3A_915] {strides = array<i32>} : memref<168x128xf32, #tpu.memory_space<vmem>>, vector<1x16xf32>,
        %get3A_917 = vector.shape_cast %get3A_916 : vector<1x16xf32> to vector<16xf32>
        %mul3A_918 = arith.mulf %add3A_791, %get3A_917 : vector<16xf32>
        %add3A_919 = arith.addf %add3A_913, %mul3A_918 : vector<16xf32>
        %get3A_920 = arith.index_cast %scan3A_183 : i32 to index
        %get3A_921 = arith.constant 112 : index
        %get3A_922 = tpu.vector_load %arg12[%get3A_920, %get3A_921] {strides = array<i32>} : memref<168x128xf32, #tpu.memory_space<vmem>>, vector<1x16xf32>,
        %get3A_923 = vector.shape_cast %get3A_922 : vector<1x16xf32> to vector<16xf32>
        %mul3A_924 = arith.mulf %add3A_878, %get3A_923 : vector<16xf32>
        %add3A_925 = arith.addf %add3A_919, %mul3A_924 : vector<16xf32>
        %swap3A = arith.index_cast %scan3A_183 : i32 to index
        %swap3A_926 = arith.constant 0 : index
        %swap3A_927 = tpu.vector_load %arg14[%swap3A, %swap3A_926] {strides = array<i32>} : memref<8x336xf32, #tpu.memory_space<vmem>>, vector<1x16xf32>,
        %swap3A_928 = vector.shape_cast %swap3A_927 : vector<1x16xf32> to vector<16xf32>
        %swap3A_929 = vector.shape_cast %add3A_925 : vector<16xf32> to vector<1x16xf32>
        tpu.vector_store %arg14[%swap3A, %swap3A_926], %swap3A_929 {strides = array<i32>} : memref<8x336xf32, #tpu.memory_space<vmem>>, vector<1x16xf32>,
        %mul3A_930 = arith.constant 20 : i32
        %mul3A_931 = arith.muli %scan3A_183, %mul3A_930 : i32
        %add3A_932 = arith.constant 8 : i32
        %add3A_933 = arith.addi %add3A_932, %mul3A_931 : i32
        %add3A_934 = arith.constant 0 : i32
        %add3A_935 = arith.addi %add3A_933, %add3A_934 : i32
        %get3A_936 = arith.index_cast %add3A_935 : i32 to index
        %get3A_937 = arith.constant 0 : index
        %get3A_938 = tpu.vector_load %arg12[%get3A_936, %get3A_937] {strides = array<i32>} : memref<168x128xf32, #tpu.memory_space<vmem>>, vector<1x16xf32>,
        %get3A_939 = vector.shape_cast %get3A_938 : vector<1x16xf32> to vector<16xf32>
        %mul3A_940 = arith.mulf %add3A_269, %get3A_939 : vector<16xf32>
        %get3A_941 = arith.index_cast %add3A_935 : i32 to index
        %get3A_942 = arith.constant 16 : index
        %get3A_943 = tpu.vector_load %arg12[%get3A_941, %get3A_942] {strides = array<i32>} : memref<168x128xf32, #tpu.memory_space<vmem>>, vector<1x16xf32>,
        %get3A_944 = vector.shape_cast %get3A_943 : vector<1x16xf32> to vector<16xf32>
        %mul3A_945 = arith.mulf %add3A_356, %get3A_944 : vector<16xf32>
        %add3A_946 = arith.addf %mul3A_940, %mul3A_945 : vector<16xf32>
        %get3A_947 = arith.index_cast %add3A_935 : i32 to index
        %get3A_948 = arith.constant 32 : index
        %get3A_949 = tpu.vector_load %arg12[%get3A_947, %get3A_948] {strides = array<i32>} : memref<168x128xf32, #tpu.memory_space<vmem>>, vector<1x16xf32>,
        %get3A_950 = vector.shape_cast %get3A_949 : vector<1x16xf32> to vector<16xf32>
        %mul3A_951 = arith.mulf %add3A_443, %get3A_950 : vector<16xf32>
        %add3A_952 = arith.addf %add3A_946, %mul3A_951 : vector<16xf32>
        %get3A_953 = arith.index_cast %add3A_935 : i32 to index
        %get3A_954 = arith.constant 48 : index
        %get3A_955 = tpu.vector_load %arg12[%get3A_953, %get3A_954] {strides = array<i32>} : memref<168x128xf32, #tpu.memory_space<vmem>>, vector<1x16xf32>,
        %get3A_956 = vector.shape_cast %get3A_955 : vector<1x16xf32> to vector<16xf32>
        %mul3A_957 = arith.mulf %add3A_530, %get3A_956 : vector<16xf32>
        %add3A_958 = arith.addf %add3A_952, %mul3A_957 : vector<16xf32>
        %get3A_959 = arith.index_cast %add3A_935 : i32 to index
        %get3A_960 = arith.constant 64 : index
        %get3A_961 = tpu.vector_load %arg12[%get3A_959, %get3A_960] {strides = array<i32>} : memref<168x128xf32, #tpu.memory_space<vmem>>, vector<1x16xf32>,
        %get3A_962 = vector.shape_cast %get3A_961 : vector<1x16xf32> to vector<16xf32>
        %mul3A_963 = arith.mulf %add3A_617, %get3A_962 : vector<16xf32>
        %add3A_964 = arith.addf %add3A_958, %mul3A_963 : vector<16xf32>
        %get3A_965 = arith.index_cast %add3A_935 : i32 to index
        %get3A_966 = arith.constant 80 : index
        %get3A_967 = tpu.vector_load %arg12[%get3A_965, %get3A_966] {strides = array<i32>} : memref<168x128xf32, #tpu.memory_space<vmem>>, vector<1x16xf32>,
        %get3A_968 = vector.shape_cast %get3A_967 : vector<1x16xf32> to vector<16xf32>
        %mul3A_969 = arith.mulf %add3A_704, %get3A_968 : vector<16xf32>
        %add3A_970 = arith.addf %add3A_964, %mul3A_969 : vector<16xf32>
        %get3A_971 = arith.index_cast %add3A_935 : i32 to index
        %get3A_972 = arith.constant 96 : index
        %get3A_973 = tpu.vector_load %arg12[%get3A_971, %get3A_972] {strides = array<i32>} : memref<168x128xf32, #tpu.memory_space<vmem>>, vector<1x16xf32>,
        %get3A_974 = vector.shape_cast %get3A_973 : vector<1x16xf32> to vector<16xf32>
        %mul3A_975 = arith.mulf %add3A_791, %get3A_974 : vector<16xf32>
        %add3A_976 = arith.addf %add3A_970, %mul3A_975 : vector<16xf32>
        %get3A_977 = arith.index_cast %add3A_935 : i32 to index
        %get3A_978 = arith.constant 112 : index
        %get3A_979 = tpu.vector_load %arg12[%get3A_977, %get3A_978] {strides = array<i32>} : memref<168x128xf32, #tpu.memory_space<vmem>>, vector<1x16xf32>,
        %get3A_980 = vector.shape_cast %get3A_979 : vector<1x16xf32> to vector<16xf32>
        %mul3A_981 = arith.mulf %add3A_878, %get3A_980 : vector<16xf32>
        %add3A_982 = arith.addf %add3A_976, %mul3A_981 : vector<16xf32>
        %swap3A_983 = arith.index_cast %scan3A_183 : i32 to index
        %swap3A_984 = arith.constant 16 : index
        %swap3A_985 = tpu.vector_load %arg14[%swap3A_983, %swap3A_984] {strides = array<i32>} : memref<8x336xf32, #tpu.memory_space<vmem>>, vector<1x16xf32>,
        %swap3A_986 = vector.shape_cast %swap3A_985 : vector<1x16xf32> to vector<16xf32>
        %swap3A_987 = vector.shape_cast %add3A_982 : vector<16xf32> to vector<1x16xf32>
        tpu.vector_store %arg14[%swap3A_983, %swap3A_984], %swap3A_987 {strides = array<i32>} : memref<8x336xf32, #tpu.memory_space<vmem>>, vector<1x16xf32>,
        %mul3A_988 = arith.constant 20 : i32
        %mul3A_989 = arith.muli %scan3A_183, %mul3A_988 : i32
        %add3A_990 = arith.constant 8 : i32
        %add3A_991 = arith.addi %add3A_990, %mul3A_989 : i32
        %add3A_992 = arith.constant 1 : i32
        %add3A_993 = arith.addi %add3A_991, %add3A_992 : i32
        %get3A_994 = arith.index_cast %add3A_993 : i32 to index
        %get3A_995 = arith.constant 0 : index
        %get3A_996 = tpu.vector_load %arg12[%get3A_994, %get3A_995] {strides = array<i32>} : memref<168x128xf32, #tpu.memory_space<vmem>>, vector<1x16xf32>,
        %get3A_997 = vector.shape_cast %get3A_996 : vector<1x16xf32> to vector<16xf32>
        %mul3A_998 = arith.mulf %add3A_269, %get3A_997 : vector<16xf32>
        %get3A_999 = arith.index_cast %add3A_993 : i32 to index
        %get3A_1000 = arith.constant 16 : index
        %get3A_1001 = tpu.vector_load %arg12[%get3A_999, %get3A_1000] {strides = array<i32>} : memref<168x128xf32, #tpu.memory_space<vmem>>, vector<1x16xf32>,
        %get3A_1002 = vector.shape_cast %get3A_1001 : vector<1x16xf32> to vector<16xf32>
        %mul3A_1003 = arith.mulf %add3A_356, %get3A_1002 : vector<16xf32>
        %add3A_1004 = arith.addf %mul3A_998, %mul3A_1003 : vector<16xf32>
        %get3A_1005 = arith.index_cast %add3A_993 : i32 to index
        %get3A_1006 = arith.constant 32 : index
        %get3A_1007 = tpu.vector_load %arg12[%get3A_1005, %get3A_1006] {strides = array<i32>} : memref<168x128xf32, #tpu.memory_space<vmem>>, vector<1x16xf32>,
        %get3A_1008 = vector.shape_cast %get3A_1007 : vector<1x16xf32> to vector<16xf32>
        %mul3A_1009 = arith.mulf %add3A_443, %get3A_1008 : vector<16xf32>
        %add3A_1010 = arith.addf %add3A_1004, %mul3A_1009 : vector<16xf32>
        %get3A_1011 = arith.index_cast %add3A_993 : i32 to index
        %get3A_1012 = arith.constant 48 : index
        %get3A_1013 = tpu.vector_load %arg12[%get3A_1011, %get3A_1012] {strides = array<i32>} : memref<168x128xf32, #tpu.memory_space<vmem>>, vector<1x16xf32>,
        %get3A_1014 = vector.shape_cast %get3A_1013 : vector<1x16xf32> to vector<16xf32>
        %mul3A_1015 = arith.mulf %add3A_530, %get3A_1014 : vector<16xf32>
        %add3A_1016 = arith.addf %add3A_1010, %mul3A_1015 : vector<16xf32>
        %get3A_1017 = arith.index_cast %add3A_993 : i32 to index
        %get3A_1018 = arith.constant 64 : index
        %get3A_1019 = tpu.vector_load %arg12[%get3A_1017, %get3A_1018] {strides = array<i32>} : memref<168x128xf32, #tpu.memory_space<vmem>>, vector<1x16xf32>,
        %get3A_1020 = vector.shape_cast %get3A_1019 : vector<1x16xf32> to vector<16xf32>
        %mul3A_1021 = arith.mulf %add3A_617, %get3A_1020 : vector<16xf32>
        %add3A_1022 = arith.addf %add3A_1016, %mul3A_1021 : vector<16xf32>
        %get3A_1023 = arith.index_cast %add3A_993 : i32 to index
        %get3A_1024 = arith.constant 80 : index
        %get3A_1025 = tpu.vector_load %arg12[%get3A_1023, %get3A_1024] {strides = array<i32>} : memref<168x128xf32, #tpu.memory_space<vmem>>, vector<1x16xf32>,
        %get3A_1026 = vector.shape_cast %get3A_1025 : vector<1x16xf32> to vector<16xf32>
        %mul3A_1027 = arith.mulf %add3A_704, %get3A_1026 : vector<16xf32>
        %add3A_1028 = arith.addf %add3A_1022, %mul3A_1027 : vector<16xf32>
        %get3A_1029 = arith.index_cast %add3A_993 : i32 to index
        %get3A_1030 = arith.constant 96 : index
        %get3A_1031 = tpu.vector_load %arg12[%get3A_1029, %get3A_1030] {strides = array<i32>} : memref<168x128xf32, #tpu.memory_space<vmem>>, vector<1x16xf32>,
        %get3A_1032 = vector.shape_cast %get3A_1031 : vector<1x16xf32> to vector<16xf32>
        %mul3A_1033 = arith.mulf %add3A_791, %get3A_1032 : vector<16xf32>
        %add3A_1034 = arith.addf %add3A_1028, %mul3A_1033 : vector<16xf32>
        %get3A_1035 = arith.index_cast %add3A_993 : i32 to index
        %get3A_1036 = arith.constant 112 : index
        %get3A_1037 = tpu.vector_load %arg12[%get3A_1035, %get3A_1036] {strides = array<i32>} : memref<168x128xf32, #tpu.memory_space<vmem>>, vector<1x16xf32>,
        %get3A_1038 = vector.shape_cast %get3A_1037 : vector<1x16xf32> to vector<16xf32>
        %mul3A_1039 = arith.mulf %add3A_878, %get3A_1038 : vector<16xf32>
        %add3A_1040 = arith.addf %add3A_1034, %mul3A_1039 : vector<16xf32>
        %swap3A_1041 = arith.index_cast %scan3A_183 : i32 to index
        %swap3A_1042 = arith.constant 32 : index
        %swap3A_1043 = tpu.vector_load %arg14[%swap3A_1041, %swap3A_1042] {strides = array<i32>} : memref<8x336xf32, #tpu.memory_space<vmem>>, vector<1x16xf32>,
        %swap3A_1044 = vector.shape_cast %swap3A_1043 : vector<1x16xf32> to vector<16xf32>
        %swap3A_1045 = vector.shape_cast %add3A_1040 : vector<16xf32> to vector<1x16xf32>
        tpu.vector_store %arg14[%swap3A_1041, %swap3A_1042], %swap3A_1045 {strides = array<i32>} : memref<8x336xf32, #tpu.memory_space<vmem>>, vector<1x16xf32>,
        %mul3A_1046 = arith.constant 20 : i32
        %mul3A_1047 = arith.muli %scan3A_183, %mul3A_1046 : i32
        %add3A_1048 = arith.constant 8 : i32
        %add3A_1049 = arith.addi %add3A_1048, %mul3A_1047 : i32
        %add3A_1050 = arith.constant 2 : i32
        %add3A_1051 = arith.addi %add3A_1049, %add3A_1050 : i32
        %get3A_1052 = arith.index_cast %add3A_1051 : i32 to index
        %get3A_1053 = arith.constant 0 : index
        %get3A_1054 = tpu.vector_load %arg12[%get3A_1052, %get3A_1053] {strides = array<i32>} : memref<168x128xf32, #tpu.memory_space<vmem>>, vector<1x16xf32>,
        %get3A_1055 = vector.shape_cast %get3A_1054 : vector<1x16xf32> to vector<16xf32>
        %mul3A_1056 = arith.mulf %add3A_269, %get3A_1055 : vector<16xf32>
        %get3A_1057 = arith.index_cast %add3A_1051 : i32 to index
        %get3A_1058 = arith.constant 16 : index
        %get3A_1059 = tpu.vector_load %arg12[%get3A_1057, %get3A_1058] {strides = array<i32>} : memref<168x128xf32, #tpu.memory_space<vmem>>, vector<1x16xf32>,
        %get3A_1060 = vector.shape_cast %get3A_1059 : vector<1x16xf32> to vector<16xf32>
        %mul3A_1061 = arith.mulf %add3A_356, %get3A_1060 : vector<16xf32>
        %add3A_1062 = arith.addf %mul3A_1056, %mul3A_1061 : vector<16xf32>
        %get3A_1063 = arith.index_cast %add3A_1051 : i32 to index
        %get3A_1064 = arith.constant 32 : index
        %get3A_1065 = tpu.vector_load %arg12[%get3A_1063, %get3A_1064] {strides = array<i32>} : memref<168x128xf32, #tpu.memory_space<vmem>>, vector<1x16xf32>,
        %get3A_1066 = vector.shape_cast %get3A_1065 : vector<1x16xf32> to vector<16xf32>
        %mul3A_1067 = arith.mulf %add3A_443, %get3A_1066 : vector<16xf32>
        %add3A_1068 = arith.addf %add3A_1062, %mul3A_1067 : vector<16xf32>
        %get3A_1069 = arith.index_cast %add3A_1051 : i32 to index
        %get3A_1070 = arith.constant 48 : index
        %get3A_1071 = tpu.vector_load %arg12[%get3A_1069, %get3A_1070] {strides = array<i32>} : memref<168x128xf32, #tpu.memory_space<vmem>>, vector<1x16xf32>,
        %get3A_1072 = vector.shape_cast %get3A_1071 : vector<1x16xf32> to vector<16xf32>
        %mul3A_1073 = arith.mulf %add3A_530, %get3A_1072 : vector<16xf32>
        %add3A_1074 = arith.addf %add3A_1068, %mul3A_1073 : vector<16xf32>
        %get3A_1075 = arith.index_cast %add3A_1051 : i32 to index
        %get3A_1076 = arith.constant 64 : index
        %get3A_1077 = tpu.vector_load %arg12[%get3A_1075, %get3A_1076] {strides = array<i32>} : memref<168x128xf32, #tpu.memory_space<vmem>>, vector<1x16xf32>,
        %get3A_1078 = vector.shape_cast %get3A_1077 : vector<1x16xf32> to vector<16xf32>
        %mul3A_1079 = arith.mulf %add3A_617, %get3A_1078 : vector<16xf32>
        %add3A_1080 = arith.addf %add3A_1074, %mul3A_1079 : vector<16xf32>
        %get3A_1081 = arith.index_cast %add3A_1051 : i32 to index
        %get3A_1082 = arith.constant 80 : index
        %get3A_1083 = tpu.vector_load %arg12[%get3A_1081, %get3A_1082] {strides = array<i32>} : memref<168x128xf32, #tpu.memory_space<vmem>>, vector<1x16xf32>,
        %get3A_1084 = vector.shape_cast %get3A_1083 : vector<1x16xf32> to vector<16xf32>
        %mul3A_1085 = arith.mulf %add3A_704, %get3A_1084 : vector<16xf32>
        %add3A_1086 = arith.addf %add3A_1080, %mul3A_1085 : vector<16xf32>
        %get3A_1087 = arith.index_cast %add3A_1051 : i32 to index
        %get3A_1088 = arith.constant 96 : index
        %get3A_1089 = tpu.vector_load %arg12[%get3A_1087, %get3A_1088] {strides = array<i32>} : memref<168x128xf32, #tpu.memory_space<vmem>>, vector<1x16xf32>,
        %get3A_1090 = vector.shape_cast %get3A_1089 : vector<1x16xf32> to vector<16xf32>
        %mul3A_1091 = arith.mulf %add3A_791, %get3A_1090 : vector<16xf32>
        %add3A_1092 = arith.addf %add3A_1086, %mul3A_1091 : vector<16xf32>
        %get3A_1093 = arith.index_cast %add3A_1051 : i32 to index
        %get3A_1094 = arith.constant 112 : index
        %get3A_1095 = tpu.vector_load %arg12[%get3A_1093, %get3A_1094] {strides = array<i32>} : memref<168x128xf32, #tpu.memory_space<vmem>>, vector<1x16xf32>,
        %get3A_1096 = vector.shape_cast %get3A_1095 : vector<1x16xf32> to vector<16xf32>
        %mul3A_1097 = arith.mulf %add3A_878, %get3A_1096 : vector<16xf32>
        %add3A_1098 = arith.addf %add3A_1092, %mul3A_1097 : vector<16xf32>
        %swap3A_1099 = arith.index_cast %scan3A_183 : i32 to index
        %swap3A_1100 = arith.constant 48 : index
        %swap3A_1101 = tpu.vector_load %arg14[%swap3A_1099, %swap3A_1100] {strides = array<i32>} : memref<8x336xf32, #tpu.memory_space<vmem>>, vector<1x16xf32>,
        %swap3A_1102 = vector.shape_cast %swap3A_1101 : vector<1x16xf32> to vector<16xf32>
        %swap3A_1103 = vector.shape_cast %add3A_1098 : vector<16xf32> to vector<1x16xf32>
        tpu.vector_store %arg14[%swap3A_1099, %swap3A_1100], %swap3A_1103 {strides = array<i32>} : memref<8x336xf32, #tpu.memory_space<vmem>>, vector<1x16xf32>,
        %mul3A_1104 = arith.constant 20 : i32
        %mul3A_1105 = arith.muli %scan3A_183, %mul3A_1104 : i32
        %add3A_1106 = arith.constant 8 : i32
        %add3A_1107 = arith.addi %add3A_1106, %mul3A_1105 : i32
        %add3A_1108 = arith.constant 3 : i32
        %add3A_1109 = arith.addi %add3A_1107, %add3A_1108 : i32
        %get3A_1110 = arith.index_cast %add3A_1109 : i32 to index
        %get3A_1111 = arith.constant 0 : index
        %get3A_1112 = tpu.vector_load %arg12[%get3A_1110, %get3A_1111] {strides = array<i32>} : memref<168x128xf32, #tpu.memory_space<vmem>>, vector<1x16xf32>,
        %get3A_1113 = vector.shape_cast %get3A_1112 : vector<1x16xf32> to vector<16xf32>
        %mul3A_1114 = arith.mulf %add3A_269, %get3A_1113 : vector<16xf32>
        %get3A_1115 = arith.index_cast %add3A_1109 : i32 to index
        %get3A_1116 = arith.constant 16 : index
        %get3A_1117 = tpu.vector_load %arg12[%get3A_1115, %get3A_1116] {strides = array<i32>} : memref<168x128xf32, #tpu.memory_space<vmem>>, vector<1x16xf32>,
        %get3A_1118 = vector.shape_cast %get3A_1117 : vector<1x16xf32> to vector<16xf32>
        %mul3A_1119 = arith.mulf %add3A_356, %get3A_1118 : vector<16xf32>
        %add3A_1120 = arith.addf %mul3A_1114, %mul3A_1119 : vector<16xf32>
        %get3A_1121 = arith.index_cast %add3A_1109 : i32 to index
        %get3A_1122 = arith.constant 32 : index
        %get3A_1123 = tpu.vector_load %arg12[%get3A_1121, %get3A_1122] {strides = array<i32>} : memref<168x128xf32, #tpu.memory_space<vmem>>, vector<1x16xf32>,
        %get3A_1124 = vector.shape_cast %get3A_1123 : vector<1x16xf32> to vector<16xf32>
        %mul3A_1125 = arith.mulf %add3A_443, %get3A_1124 : vector<16xf32>
        %add3A_1126 = arith.addf %add3A_1120, %mul3A_1125 : vector<16xf32>
        %get3A_1127 = arith.index_cast %add3A_1109 : i32 to index
        %get3A_1128 = arith.constant 48 : index
        %get3A_1129 = tpu.vector_load %arg12[%get3A_1127, %get3A_1128] {strides = array<i32>} : memref<168x128xf32, #tpu.memory_space<vmem>>, vector<1x16xf32>,
        %get3A_1130 = vector.shape_cast %get3A_1129 : vector<1x16xf32> to vector<16xf32>
        %mul3A_1131 = arith.mulf %add3A_530, %get3A_1130 : vector<16xf32>
        %add3A_1132 = arith.addf %add3A_1126, %mul3A_1131 : vector<16xf32>
        %get3A_1133 = arith.index_cast %add3A_1109 : i32 to index
        %get3A_1134 = arith.constant 64 : index
        %get3A_1135 = tpu.vector_load %arg12[%get3A_1133, %get3A_1134] {strides = array<i32>} : memref<168x128xf32, #tpu.memory_space<vmem>>, vector<1x16xf32>,
        %get3A_1136 = vector.shape_cast %get3A_1135 : vector<1x16xf32> to vector<16xf32>
        %mul3A_1137 = arith.mulf %add3A_617, %get3A_1136 : vector<16xf32>
        %add3A_1138 = arith.addf %add3A_1132, %mul3A_1137 : vector<16xf32>
        %get3A_1139 = arith.index_cast %add3A_1109 : i32 to index
        %get3A_1140 = arith.constant 80 : index
        %get3A_1141 = tpu.vector_load %arg12[%get3A_1139, %get3A_1140] {strides = array<i32>} : memref<168x128xf32, #tpu.memory_space<vmem>>, vector<1x16xf32>,
        %get3A_1142 = vector.shape_cast %get3A_1141 : vector<1x16xf32> to vector<16xf32>
        %mul3A_1143 = arith.mulf %add3A_704, %get3A_1142 : vector<16xf32>
        %add3A_1144 = arith.addf %add3A_1138, %mul3A_1143 : vector<16xf32>
        %get3A_1145 = arith.index_cast %add3A_1109 : i32 to index
        %get3A_1146 = arith.constant 96 : index
        %get3A_1147 = tpu.vector_load %arg12[%get3A_1145, %get3A_1146] {strides = array<i32>} : memref<168x128xf32, #tpu.memory_space<vmem>>, vector<1x16xf32>,
        %get3A_1148 = vector.shape_cast %get3A_1147 : vector<1x16xf32> to vector<16xf32>
        %mul3A_1149 = arith.mulf %add3A_791, %get3A_1148 : vector<16xf32>
        %add3A_1150 = arith.addf %add3A_1144, %mul3A_1149 : vector<16xf32>
        %get3A_1151 = arith.index_cast %add3A_1109 : i32 to index
        %get3A_1152 = arith.constant 112 : index
        %get3A_1153 = tpu.vector_load %arg12[%get3A_1151, %get3A_1152] {strides = array<i32>} : memref<168x128xf32, #tpu.memory_space<vmem>>, vector<1x16xf32>,
        %get3A_1154 = vector.shape_cast %get3A_1153 : vector<1x16xf32> to vector<16xf32>
        %mul3A_1155 = arith.mulf %add3A_878, %get3A_1154 : vector<16xf32>
        %add3A_1156 = arith.addf %add3A_1150, %mul3A_1155 : vector<16xf32>
        %swap3A_1157 = arith.index_cast %scan3A_183 : i32 to index
        %swap3A_1158 = arith.constant 64 : index
        %swap3A_1159 = tpu.vector_load %arg14[%swap3A_1157, %swap3A_1158] {strides = array<i32>} : memref<8x336xf32, #tpu.memory_space<vmem>>, vector<1x16xf32>,
        %swap3A_1160 = vector.shape_cast %swap3A_1159 : vector<1x16xf32> to vector<16xf32>
        %swap3A_1161 = vector.shape_cast %add3A_1156 : vector<16xf32> to vector<1x16xf32>
        tpu.vector_store %arg14[%swap3A_1157, %swap3A_1158], %swap3A_1161 {strides = array<i32>} : memref<8x336xf32, #tpu.memory_space<vmem>>, vector<1x16xf32>,
        %mul3A_1162 = arith.constant 20 : i32
        %mul3A_1163 = arith.muli %scan3A_183, %mul3A_1162 : i32
        %add3A_1164 = arith.constant 8 : i32
        %add3A_1165 = arith.addi %add3A_1164, %mul3A_1163 : i32
        %add3A_1166 = arith.constant 4 : i32
        %add3A_1167 = arith.addi %add3A_1165, %add3A_1166 : i32
        %get3A_1168 = arith.index_cast %add3A_1167 : i32 to index
        %get3A_1169 = arith.constant 0 : index
        %get3A_1170 = tpu.vector_load %arg12[%get3A_1168, %get3A_1169] {strides = array<i32>} : memref<168x128xf32, #tpu.memory_space<vmem>>, vector<1x16xf32>,
        %get3A_1171 = vector.shape_cast %get3A_1170 : vector<1x16xf32> to vector<16xf32>
        %mul3A_1172 = arith.mulf %add3A_269, %get3A_1171 : vector<16xf32>
        %get3A_1173 = arith.index_cast %add3A_1167 : i32 to index
        %get3A_1174 = arith.constant 16 : index
        %get3A_1175 = tpu.vector_load %arg12[%get3A_1173, %get3A_1174] {strides = array<i32>} : memref<168x128xf32, #tpu.memory_space<vmem>>, vector<1x16xf32>,
        %get3A_1176 = vector.shape_cast %get3A_1175 : vector<1x16xf32> to vector<16xf32>
        %mul3A_1177 = arith.mulf %add3A_356, %get3A_1176 : vector<16xf32>
        %add3A_1178 = arith.addf %mul3A_1172, %mul3A_1177 : vector<16xf32>
        %get3A_1179 = arith.index_cast %add3A_1167 : i32 to index
        %get3A_1180 = arith.constant 32 : index
        %get3A_1181 = tpu.vector_load %arg12[%get3A_1179, %get3A_1180] {strides = array<i32>} : memref<168x128xf32, #tpu.memory_space<vmem>>, vector<1x16xf32>,
        %get3A_1182 = vector.shape_cast %get3A_1181 : vector<1x16xf32> to vector<16xf32>
        %mul3A_1183 = arith.mulf %add3A_443, %get3A_1182 : vector<16xf32>
        %add3A_1184 = arith.addf %add3A_1178, %mul3A_1183 : vector<16xf32>
        %get3A_1185 = arith.index_cast %add3A_1167 : i32 to index
        %get3A_1186 = arith.constant 48 : index
        %get3A_1187 = tpu.vector_load %arg12[%get3A_1185, %get3A_1186] {strides = array<i32>} : memref<168x128xf32, #tpu.memory_space<vmem>>, vector<1x16xf32>,
        %get3A_1188 = vector.shape_cast %get3A_1187 : vector<1x16xf32> to vector<16xf32>
        %mul3A_1189 = arith.mulf %add3A_530, %get3A_1188 : vector<16xf32>
        %add3A_1190 = arith.addf %add3A_1184, %mul3A_1189 : vector<16xf32>
        %get3A_1191 = arith.index_cast %add3A_1167 : i32 to index
        %get3A_1192 = arith.constant 64 : index
        %get3A_1193 = tpu.vector_load %arg12[%get3A_1191, %get3A_1192] {strides = array<i32>} : memref<168x128xf32, #tpu.memory_space<vmem>>, vector<1x16xf32>,
        %get3A_1194 = vector.shape_cast %get3A_1193 : vector<1x16xf32> to vector<16xf32>
        %mul3A_1195 = arith.mulf %add3A_617, %get3A_1194 : vector<16xf32>
        %add3A_1196 = arith.addf %add3A_1190, %mul3A_1195 : vector<16xf32>
        %get3A_1197 = arith.index_cast %add3A_1167 : i32 to index
        %get3A_1198 = arith.constant 80 : index
        %get3A_1199 = tpu.vector_load %arg12[%get3A_1197, %get3A_1198] {strides = array<i32>} : memref<168x128xf32, #tpu.memory_space<vmem>>, vector<1x16xf32>,
        %get3A_1200 = vector.shape_cast %get3A_1199 : vector<1x16xf32> to vector<16xf32>
        %mul3A_1201 = arith.mulf %add3A_704, %get3A_1200 : vector<16xf32>
        %add3A_1202 = arith.addf %add3A_1196, %mul3A_1201 : vector<16xf32>
        %get3A_1203 = arith.index_cast %add3A_1167 : i32 to index
        %get3A_1204 = arith.constant 96 : index
        %get3A_1205 = tpu.vector_load %arg12[%get3A_1203, %get3A_1204] {strides = array<i32>} : memref<168x128xf32, #tpu.memory_space<vmem>>, vector<1x16xf32>,
        %get3A_1206 = vector.shape_cast %get3A_1205 : vector<1x16xf32> to vector<16xf32>
        %mul3A_1207 = arith.mulf %add3A_791, %get3A_1206 : vector<16xf32>
        %add3A_1208 = arith.addf %add3A_1202, %mul3A_1207 : vector<16xf32>
        %get3A_1209 = arith.index_cast %add3A_1167 : i32 to index
        %get3A_1210 = arith.constant 112 : index
        %get3A_1211 = tpu.vector_load %arg12[%get3A_1209, %get3A_1210] {strides = array<i32>} : memref<168x128xf32, #tpu.memory_space<vmem>>, vector<1x16xf32>,
        %get3A_1212 = vector.shape_cast %get3A_1211 : vector<1x16xf32> to vector<16xf32>
        %mul3A_1213 = arith.mulf %add3A_878, %get3A_1212 : vector<16xf32>
        %add3A_1214 = arith.addf %add3A_1208, %mul3A_1213 : vector<16xf32>
        %swap3A_1215 = arith.index_cast %scan3A_183 : i32 to index
        %swap3A_1216 = arith.constant 80 : index
        %swap3A_1217 = tpu.vector_load %arg14[%swap3A_1215, %swap3A_1216] {strides = array<i32>} : memref<8x336xf32, #tpu.memory_space<vmem>>, vector<1x16xf32>,
        %swap3A_1218 = vector.shape_cast %swap3A_1217 : vector<1x16xf32> to vector<16xf32>
        %swap3A_1219 = vector.shape_cast %add3A_1214 : vector<16xf32> to vector<1x16xf32>
        tpu.vector_store %arg14[%swap3A_1215, %swap3A_1216], %swap3A_1219 {strides = array<i32>} : memref<8x336xf32, #tpu.memory_space<vmem>>, vector<1x16xf32>,
        %mul3A_1220 = arith.constant 20 : i32
        %mul3A_1221 = arith.muli %scan3A_183, %mul3A_1220 : i32
        %add3A_1222 = arith.constant 8 : i32
        %add3A_1223 = arith.addi %add3A_1222, %mul3A_1221 : i32
        %add3A_1224 = arith.constant 5 : i32
        %add3A_1225 = arith.addi %add3A_1223, %add3A_1224 : i32
        %get3A_1226 = arith.index_cast %add3A_1225 : i32 to index
        %get3A_1227 = arith.constant 0 : index
        %get3A_1228 = tpu.vector_load %arg12[%get3A_1226, %get3A_1227] {strides = array<i32>} : memref<168x128xf32, #tpu.memory_space<vmem>>, vector<1x16xf32>,
        %get3A_1229 = vector.shape_cast %get3A_1228 : vector<1x16xf32> to vector<16xf32>
        %mul3A_1230 = arith.mulf %add3A_269, %get3A_1229 : vector<16xf32>
        %get3A_1231 = arith.index_cast %add3A_1225 : i32 to index
        %get3A_1232 = arith.constant 16 : index
        %get3A_1233 = tpu.vector_load %arg12[%get3A_1231, %get3A_1232] {strides = array<i32>} : memref<168x128xf32, #tpu.memory_space<vmem>>, vector<1x16xf32>,
        %get3A_1234 = vector.shape_cast %get3A_1233 : vector<1x16xf32> to vector<16xf32>
        %mul3A_1235 = arith.mulf %add3A_356, %get3A_1234 : vector<16xf32>
        %add3A_1236 = arith.addf %mul3A_1230, %mul3A_1235 : vector<16xf32>
        %get3A_1237 = arith.index_cast %add3A_1225 : i32 to index
        %get3A_1238 = arith.constant 32 : index
        %get3A_1239 = tpu.vector_load %arg12[%get3A_1237, %get3A_1238] {strides = array<i32>} : memref<168x128xf32, #tpu.memory_space<vmem>>, vector<1x16xf32>,
        %get3A_1240 = vector.shape_cast %get3A_1239 : vector<1x16xf32> to vector<16xf32>
        %mul3A_1241 = arith.mulf %add3A_443, %get3A_1240 : vector<16xf32>
        %add3A_1242 = arith.addf %add3A_1236, %mul3A_1241 : vector<16xf32>
        %get3A_1243 = arith.index_cast %add3A_1225 : i32 to index
        %get3A_1244 = arith.constant 48 : index
        %get3A_1245 = tpu.vector_load %arg12[%get3A_1243, %get3A_1244] {strides = array<i32>} : memref<168x128xf32, #tpu.memory_space<vmem>>, vector<1x16xf32>,
        %get3A_1246 = vector.shape_cast %get3A_1245 : vector<1x16xf32> to vector<16xf32>
        %mul3A_1247 = arith.mulf %add3A_530, %get3A_1246 : vector<16xf32>
        %add3A_1248 = arith.addf %add3A_1242, %mul3A_1247 : vector<16xf32>
        %get3A_1249 = arith.index_cast %add3A_1225 : i32 to index
        %get3A_1250 = arith.constant 64 : index
        %get3A_1251 = tpu.vector_load %arg12[%get3A_1249, %get3A_1250] {strides = array<i32>} : memref<168x128xf32, #tpu.memory_space<vmem>>, vector<1x16xf32>,
        %get3A_1252 = vector.shape_cast %get3A_1251 : vector<1x16xf32> to vector<16xf32>
        %mul3A_1253 = arith.mulf %add3A_617, %get3A_1252 : vector<16xf32>
        %add3A_1254 = arith.addf %add3A_1248, %mul3A_1253 : vector<16xf32>
        %get3A_1255 = arith.index_cast %add3A_1225 : i32 to index
        %get3A_1256 = arith.constant 80 : index
        %get3A_1257 = tpu.vector_load %arg12[%get3A_1255, %get3A_1256] {strides = array<i32>} : memref<168x128xf32, #tpu.memory_space<vmem>>, vector<1x16xf32>,
        %get3A_1258 = vector.shape_cast %get3A_1257 : vector<1x16xf32> to vector<16xf32>
        %mul3A_1259 = arith.mulf %add3A_704, %get3A_1258 : vector<16xf32>
        %add3A_1260 = arith.addf %add3A_1254, %mul3A_1259 : vector<16xf32>
        %get3A_1261 = arith.index_cast %add3A_1225 : i32 to index
        %get3A_1262 = arith.constant 96 : index
        %get3A_1263 = tpu.vector_load %arg12[%get3A_1261, %get3A_1262] {strides = array<i32>} : memref<168x128xf32, #tpu.memory_space<vmem>>, vector<1x16xf32>,
        %get3A_1264 = vector.shape_cast %get3A_1263 : vector<1x16xf32> to vector<16xf32>
        %mul3A_1265 = arith.mulf %add3A_791, %get3A_1264 : vector<16xf32>
        %add3A_1266 = arith.addf %add3A_1260, %mul3A_1265 : vector<16xf32>
        %get3A_1267 = arith.index_cast %add3A_1225 : i32 to index
        %get3A_1268 = arith.constant 112 : index
        %get3A_1269 = tpu.vector_load %arg12[%get3A_1267, %get3A_1268] {strides = array<i32>} : memref<168x128xf32, #tpu.memory_space<vmem>>, vector<1x16xf32>,
        %get3A_1270 = vector.shape_cast %get3A_1269 : vector<1x16xf32> to vector<16xf32>
        %mul3A_1271 = arith.mulf %add3A_878, %get3A_1270 : vector<16xf32>
        %add3A_1272 = arith.addf %add3A_1266, %mul3A_1271 : vector<16xf32>
        %swap3A_1273 = arith.index_cast %scan3A_183 : i32 to index
        %swap3A_1274 = arith.constant 96 : index
        %swap3A_1275 = tpu.vector_load %arg14[%swap3A_1273, %swap3A_1274] {strides = array<i32>} : memref<8x336xf32, #tpu.memory_space<vmem>>, vector<1x16xf32>,
        %swap3A_1276 = vector.shape_cast %swap3A_1275 : vector<1x16xf32> to vector<16xf32>
        %swap3A_1277 = vector.shape_cast %add3A_1272 : vector<16xf32> to vector<1x16xf32>
        tpu.vector_store %arg14[%swap3A_1273, %swap3A_1274], %swap3A_1277 {strides = array<i32>} : memref<8x336xf32, #tpu.memory_space<vmem>>, vector<1x16xf32>,
        %mul3A_1278 = arith.constant 20 : i32
        %mul3A_1279 = arith.muli %scan3A_183, %mul3A_1278 : i32
        %add3A_1280 = arith.constant 8 : i32
        %add3A_1281 = arith.addi %add3A_1280, %mul3A_1279 : i32
        %add3A_1282 = arith.constant 6 : i32
        %add3A_1283 = arith.addi %add3A_1281, %add3A_1282 : i32
        %get3A_1284 = arith.index_cast %add3A_1283 : i32 to index
        %get3A_1285 = arith.constant 0 : index
        %get3A_1286 = tpu.vector_load %arg12[%get3A_1284, %get3A_1285] {strides = array<i32>} : memref<168x128xf32, #tpu.memory_space<vmem>>, vector<1x16xf32>,
        %get3A_1287 = vector.shape_cast %get3A_1286 : vector<1x16xf32> to vector<16xf32>
        %mul3A_1288 = arith.mulf %add3A_269, %get3A_1287 : vector<16xf32>
        %get3A_1289 = arith.index_cast %add3A_1283 : i32 to index
        %get3A_1290 = arith.constant 16 : index
        %get3A_1291 = tpu.vector_load %arg12[%get3A_1289, %get3A_1290] {strides = array<i32>} : memref<168x128xf32, #tpu.memory_space<vmem>>, vector<1x16xf32>,
        %get3A_1292 = vector.shape_cast %get3A_1291 : vector<1x16xf32> to vector<16xf32>
        %mul3A_1293 = arith.mulf %add3A_356, %get3A_1292 : vector<16xf32>
        %add3A_1294 = arith.addf %mul3A_1288, %mul3A_1293 : vector<16xf32>
        %get3A_1295 = arith.index_cast %add3A_1283 : i32 to index
        %get3A_1296 = arith.constant 32 : index
        %get3A_1297 = tpu.vector_load %arg12[%get3A_1295, %get3A_1296] {strides = array<i32>} : memref<168x128xf32, #tpu.memory_space<vmem>>, vector<1x16xf32>,
        %get3A_1298 = vector.shape_cast %get3A_1297 : vector<1x16xf32> to vector<16xf32>
        %mul3A_1299 = arith.mulf %add3A_443, %get3A_1298 : vector<16xf32>
        %add3A_1300 = arith.addf %add3A_1294, %mul3A_1299 : vector<16xf32>
        %get3A_1301 = arith.index_cast %add3A_1283 : i32 to index
        %get3A_1302 = arith.constant 48 : index
        %get3A_1303 = tpu.vector_load %arg12[%get3A_1301, %get3A_1302] {strides = array<i32>} : memref<168x128xf32, #tpu.memory_space<vmem>>, vector<1x16xf32>,
        %get3A_1304 = vector.shape_cast %get3A_1303 : vector<1x16xf32> to vector<16xf32>
        %mul3A_1305 = arith.mulf %add3A_530, %get3A_1304 : vector<16xf32>
        %add3A_1306 = arith.addf %add3A_1300, %mul3A_1305 : vector<16xf32>
        %get3A_1307 = arith.index_cast %add3A_1283 : i32 to index
        %get3A_1308 = arith.constant 64 : index
        %get3A_1309 = tpu.vector_load %arg12[%get3A_1307, %get3A_1308] {strides = array<i32>} : memref<168x128xf32, #tpu.memory_space<vmem>>, vector<1x16xf32>,
        %get3A_1310 = vector.shape_cast %get3A_1309 : vector<1x16xf32> to vector<16xf32>
        %mul3A_1311 = arith.mulf %add3A_617, %get3A_1310 : vector<16xf32>
        %add3A_1312 = arith.addf %add3A_1306, %mul3A_1311 : vector<16xf32>
        %get3A_1313 = arith.index_cast %add3A_1283 : i32 to index
        %get3A_1314 = arith.constant 80 : index
        %get3A_1315 = tpu.vector_load %arg12[%get3A_1313, %get3A_1314] {strides = array<i32>} : memref<168x128xf32, #tpu.memory_space<vmem>>, vector<1x16xf32>,
        %get3A_1316 = vector.shape_cast %get3A_1315 : vector<1x16xf32> to vector<16xf32>
        %mul3A_1317 = arith.mulf %add3A_704, %get3A_1316 : vector<16xf32>
        %add3A_1318 = arith.addf %add3A_1312, %mul3A_1317 : vector<16xf32>
        %get3A_1319 = arith.index_cast %add3A_1283 : i32 to index
        %get3A_1320 = arith.constant 96 : index
        %get3A_1321 = tpu.vector_load %arg12[%get3A_1319, %get3A_1320] {strides = array<i32>} : memref<168x128xf32, #tpu.memory_space<vmem>>, vector<1x16xf32>,
        %get3A_1322 = vector.shape_cast %get3A_1321 : vector<1x16xf32> to vector<16xf32>
        %mul3A_1323 = arith.mulf %add3A_791, %get3A_1322 : vector<16xf32>
        %add3A_1324 = arith.addf %add3A_1318, %mul3A_1323 : vector<16xf32>
        %get3A_1325 = arith.index_cast %add3A_1283 : i32 to index
        %get3A_1326 = arith.constant 112 : index
        %get3A_1327 = tpu.vector_load %arg12[%get3A_1325, %get3A_1326] {strides = array<i32>} : memref<168x128xf32, #tpu.memory_space<vmem>>, vector<1x16xf32>,
        %get3A_1328 = vector.shape_cast %get3A_1327 : vector<1x16xf32> to vector<16xf32>
        %mul3A_1329 = arith.mulf %add3A_878, %get3A_1328 : vector<16xf32>
        %add3A_1330 = arith.addf %add3A_1324, %mul3A_1329 : vector<16xf32>
        %swap3A_1331 = arith.index_cast %scan3A_183 : i32 to index
        %swap3A_1332 = arith.constant 112 : index
        %swap3A_1333 = tpu.vector_load %arg14[%swap3A_1331, %swap3A_1332] {strides = array<i32>} : memref<8x336xf32, #tpu.memory_space<vmem>>, vector<1x16xf32>,
        %swap3A_1334 = vector.shape_cast %swap3A_1333 : vector<1x16xf32> to vector<16xf32>
        %swap3A_1335 = vector.shape_cast %add3A_1330 : vector<16xf32> to vector<1x16xf32>
        tpu.vector_store %arg14[%swap3A_1331, %swap3A_1332], %swap3A_1335 {strides = array<i32>} : memref<8x336xf32, #tpu.memory_space<vmem>>, vector<1x16xf32>,
        %mul3A_1336 = arith.constant 20 : i32
        %mul3A_1337 = arith.muli %scan3A_183, %mul3A_1336 : i32
        %add3A_1338 = arith.constant 8 : i32
        %add3A_1339 = arith.addi %add3A_1338, %mul3A_1337 : i32
        %add3A_1340 = arith.constant 7 : i32
        %add3A_1341 = arith.addi %add3A_1339, %add3A_1340 : i32
        %get3A_1342 = arith.index_cast %add3A_1341 : i32 to index
        %get3A_1343 = arith.constant 0 : index
        %get3A_1344 = tpu.vector_load %arg12[%get3A_1342, %get3A_1343] {strides = array<i32>} : memref<168x128xf32, #tpu.memory_space<vmem>>, vector<1x16xf32>,
        %get3A_1345 = vector.shape_cast %get3A_1344 : vector<1x16xf32> to vector<16xf32>
        %mul3A_1346 = arith.mulf %add3A_269, %get3A_1345 : vector<16xf32>
        %get3A_1347 = arith.index_cast %add3A_1341 : i32 to index
        %get3A_1348 = arith.constant 16 : index
        %get3A_1349 = tpu.vector_load %arg12[%get3A_1347, %get3A_1348] {strides = array<i32>} : memref<168x128xf32, #tpu.memory_space<vmem>>, vector<1x16xf32>,
        %get3A_1350 = vector.shape_cast %get3A_1349 : vector<1x16xf32> to vector<16xf32>
        %mul3A_1351 = arith.mulf %add3A_356, %get3A_1350 : vector<16xf32>
        %add3A_1352 = arith.addf %mul3A_1346, %mul3A_1351 : vector<16xf32>
        %get3A_1353 = arith.index_cast %add3A_1341 : i32 to index
        %get3A_1354 = arith.constant 32 : index
        %get3A_1355 = tpu.vector_load %arg12[%get3A_1353, %get3A_1354] {strides = array<i32>} : memref<168x128xf32, #tpu.memory_space<vmem>>, vector<1x16xf32>,
        %get3A_1356 = vector.shape_cast %get3A_1355 : vector<1x16xf32> to vector<16xf32>
        %mul3A_1357 = arith.mulf %add3A_443, %get3A_1356 : vector<16xf32>
        %add3A_1358 = arith.addf %add3A_1352, %mul3A_1357 : vector<16xf32>
        %get3A_1359 = arith.index_cast %add3A_1341 : i32 to index
        %get3A_1360 = arith.constant 48 : index
        %get3A_1361 = tpu.vector_load %arg12[%get3A_1359, %get3A_1360] {strides = array<i32>} : memref<168x128xf32, #tpu.memory_space<vmem>>, vector<1x16xf32>,
        %get3A_1362 = vector.shape_cast %get3A_1361 : vector<1x16xf32> to vector<16xf32>
        %mul3A_1363 = arith.mulf %add3A_530, %get3A_1362 : vector<16xf32>
        %add3A_1364 = arith.addf %add3A_1358, %mul3A_1363 : vector<16xf32>
        %get3A_1365 = arith.index_cast %add3A_1341 : i32 to index
        %get3A_1366 = arith.constant 64 : index
        %get3A_1367 = tpu.vector_load %arg12[%get3A_1365, %get3A_1366] {strides = array<i32>} : memref<168x128xf32, #tpu.memory_space<vmem>>, vector<1x16xf32>,
        %get3A_1368 = vector.shape_cast %get3A_1367 : vector<1x16xf32> to vector<16xf32>
        %mul3A_1369 = arith.mulf %add3A_617, %get3A_1368 : vector<16xf32>
        %add3A_1370 = arith.addf %add3A_1364, %mul3A_1369 : vector<16xf32>
        %get3A_1371 = arith.index_cast %add3A_1341 : i32 to index
        %get3A_1372 = arith.constant 80 : index
        %get3A_1373 = tpu.vector_load %arg12[%get3A_1371, %get3A_1372] {strides = array<i32>} : memref<168x128xf32, #tpu.memory_space<vmem>>, vector<1x16xf32>,
        %get3A_1374 = vector.shape_cast %get3A_1373 : vector<1x16xf32> to vector<16xf32>
        %mul3A_1375 = arith.mulf %add3A_704, %get3A_1374 : vector<16xf32>
        %add3A_1376 = arith.addf %add3A_1370, %mul3A_1375 : vector<16xf32>
        %get3A_1377 = arith.index_cast %add3A_1341 : i32 to index
        %get3A_1378 = arith.constant 96 : index
        %get3A_1379 = tpu.vector_load %arg12[%get3A_1377, %get3A_1378] {strides = array<i32>} : memref<168x128xf32, #tpu.memory_space<vmem>>, vector<1x16xf32>,
        %get3A_1380 = vector.shape_cast %get3A_1379 : vector<1x16xf32> to vector<16xf32>
        %mul3A_1381 = arith.mulf %add3A_791, %get3A_1380 : vector<16xf32>
        %add3A_1382 = arith.addf %add3A_1376, %mul3A_1381 : vector<16xf32>
        %get3A_1383 = arith.index_cast %add3A_1341 : i32 to index
        %get3A_1384 = arith.constant 112 : index
        %get3A_1385 = tpu.vector_load %arg12[%get3A_1383, %get3A_1384] {strides = array<i32>} : memref<168x128xf32, #tpu.memory_space<vmem>>, vector<1x16xf32>,
        %get3A_1386 = vector.shape_cast %get3A_1385 : vector<1x16xf32> to vector<16xf32>
        %mul3A_1387 = arith.mulf %add3A_878, %get3A_1386 : vector<16xf32>
        %add3A_1388 = arith.addf %add3A_1382, %mul3A_1387 : vector<16xf32>
        %swap3A_1389 = arith.index_cast %scan3A_183 : i32 to index
        %swap3A_1390 = arith.constant 128 : index
        %swap3A_1391 = tpu.vector_load %arg14[%swap3A_1389, %swap3A_1390] {strides = array<i32>} : memref<8x336xf32, #tpu.memory_space<vmem>>, vector<1x16xf32>,
        %swap3A_1392 = vector.shape_cast %swap3A_1391 : vector<1x16xf32> to vector<16xf32>
        %swap3A_1393 = vector.shape_cast %add3A_1388 : vector<16xf32> to vector<1x16xf32>
        tpu.vector_store %arg14[%swap3A_1389, %swap3A_1390], %swap3A_1393 {strides = array<i32>} : memref<8x336xf32, #tpu.memory_space<vmem>>, vector<1x16xf32>,
        %mul3A_1394 = arith.constant 20 : i32
        %mul3A_1395 = arith.muli %scan3A_183, %mul3A_1394 : i32
        %add3A_1396 = arith.constant 8 : i32
        %add3A_1397 = arith.addi %add3A_1396, %mul3A_1395 : i32
        %add3A_1398 = arith.constant 8 : i32
        %add3A_1399 = arith.addi %add3A_1397, %add3A_1398 : i32
        %get3A_1400 = arith.index_cast %add3A_1399 : i32 to index
        %get3A_1401 = arith.constant 0 : index
        %get3A_1402 = tpu.vector_load %arg12[%get3A_1400, %get3A_1401] {strides = array<i32>} : memref<168x128xf32, #tpu.memory_space<vmem>>, vector<1x16xf32>,
        %get3A_1403 = vector.shape_cast %get3A_1402 : vector<1x16xf32> to vector<16xf32>
        %mul3A_1404 = arith.mulf %add3A_269, %get3A_1403 : vector<16xf32>
        %get3A_1405 = arith.index_cast %add3A_1399 : i32 to index
        %get3A_1406 = arith.constant 16 : index
        %get3A_1407 = tpu.vector_load %arg12[%get3A_1405, %get3A_1406] {strides = array<i32>} : memref<168x128xf32, #tpu.memory_space<vmem>>, vector<1x16xf32>,
        %get3A_1408 = vector.shape_cast %get3A_1407 : vector<1x16xf32> to vector<16xf32>
        %mul3A_1409 = arith.mulf %add3A_356, %get3A_1408 : vector<16xf32>
        %add3A_1410 = arith.addf %mul3A_1404, %mul3A_1409 : vector<16xf32>
        %get3A_1411 = arith.index_cast %add3A_1399 : i32 to index
        %get3A_1412 = arith.constant 32 : index
        %get3A_1413 = tpu.vector_load %arg12[%get3A_1411, %get3A_1412] {strides = array<i32>} : memref<168x128xf32, #tpu.memory_space<vmem>>, vector<1x16xf32>,
        %get3A_1414 = vector.shape_cast %get3A_1413 : vector<1x16xf32> to vector<16xf32>
        %mul3A_1415 = arith.mulf %add3A_443, %get3A_1414 : vector<16xf32>
        %add3A_1416 = arith.addf %add3A_1410, %mul3A_1415 : vector<16xf32>
        %get3A_1417 = arith.index_cast %add3A_1399 : i32 to index
        %get3A_1418 = arith.constant 48 : index
        %get3A_1419 = tpu.vector_load %arg12[%get3A_1417, %get3A_1418] {strides = array<i32>} : memref<168x128xf32, #tpu.memory_space<vmem>>, vector<1x16xf32>,
        %get3A_1420 = vector.shape_cast %get3A_1419 : vector<1x16xf32> to vector<16xf32>
        %mul3A_1421 = arith.mulf %add3A_530, %get3A_1420 : vector<16xf32>
        %add3A_1422 = arith.addf %add3A_1416, %mul3A_1421 : vector<16xf32>
        %get3A_1423 = arith.index_cast %add3A_1399 : i32 to index
        %get3A_1424 = arith.constant 64 : index
        %get3A_1425 = tpu.vector_load %arg12[%get3A_1423, %get3A_1424] {strides = array<i32>} : memref<168x128xf32, #tpu.memory_space<vmem>>, vector<1x16xf32>,
        %get3A_1426 = vector.shape_cast %get3A_1425 : vector<1x16xf32> to vector<16xf32>
        %mul3A_1427 = arith.mulf %add3A_617, %get3A_1426 : vector<16xf32>
        %add3A_1428 = arith.addf %add3A_1422, %mul3A_1427 : vector<16xf32>
        %get3A_1429 = arith.index_cast %add3A_1399 : i32 to index
        %get3A_1430 = arith.constant 80 : index
        %get3A_1431 = tpu.vector_load %arg12[%get3A_1429, %get3A_1430] {strides = array<i32>} : memref<168x128xf32, #tpu.memory_space<vmem>>, vector<1x16xf32>,
        %get3A_1432 = vector.shape_cast %get3A_1431 : vector<1x16xf32> to vector<16xf32>
        %mul3A_1433 = arith.mulf %add3A_704, %get3A_1432 : vector<16xf32>
        %add3A_1434 = arith.addf %add3A_1428, %mul3A_1433 : vector<16xf32>
        %get3A_1435 = arith.index_cast %add3A_1399 : i32 to index
        %get3A_1436 = arith.constant 96 : index
        %get3A_1437 = tpu.vector_load %arg12[%get3A_1435, %get3A_1436] {strides = array<i32>} : memref<168x128xf32, #tpu.memory_space<vmem>>, vector<1x16xf32>,
        %get3A_1438 = vector.shape_cast %get3A_1437 : vector<1x16xf32> to vector<16xf32>
        %mul3A_1439 = arith.mulf %add3A_791, %get3A_1438 : vector<16xf32>
        %add3A_1440 = arith.addf %add3A_1434, %mul3A_1439 : vector<16xf32>
        %get3A_1441 = arith.index_cast %add3A_1399 : i32 to index
        %get3A_1442 = arith.constant 112 : index
        %get3A_1443 = tpu.vector_load %arg12[%get3A_1441, %get3A_1442] {strides = array<i32>} : memref<168x128xf32, #tpu.memory_space<vmem>>, vector<1x16xf32>,
        %get3A_1444 = vector.shape_cast %get3A_1443 : vector<1x16xf32> to vector<16xf32>
        %mul3A_1445 = arith.mulf %add3A_878, %get3A_1444 : vector<16xf32>
        %add3A_1446 = arith.addf %add3A_1440, %mul3A_1445 : vector<16xf32>
        %swap3A_1447 = arith.index_cast %scan3A_183 : i32 to index
        %swap3A_1448 = arith.constant 144 : index
        %swap3A_1449 = tpu.vector_load %arg14[%swap3A_1447, %swap3A_1448] {strides = array<i32>} : memref<8x336xf32, #tpu.memory_space<vmem>>, vector<1x16xf32>,
        %swap3A_1450 = vector.shape_cast %swap3A_1449 : vector<1x16xf32> to vector<16xf32>
        %swap3A_1451 = vector.shape_cast %add3A_1446 : vector<16xf32> to vector<1x16xf32>
        tpu.vector_store %arg14[%swap3A_1447, %swap3A_1448], %swap3A_1451 {strides = array<i32>} : memref<8x336xf32, #tpu.memory_space<vmem>>, vector<1x16xf32>,
        %mul3A_1452 = arith.constant 20 : i32
        %mul3A_1453 = arith.muli %scan3A_183, %mul3A_1452 : i32
        %add3A_1454 = arith.constant 8 : i32
        %add3A_1455 = arith.addi %add3A_1454, %mul3A_1453 : i32
        %add3A_1456 = arith.constant 9 : i32
        %add3A_1457 = arith.addi %add3A_1455, %add3A_1456 : i32
        %get3A_1458 = arith.index_cast %add3A_1457 : i32 to index
        %get3A_1459 = arith.constant 0 : index
        %get3A_1460 = tpu.vector_load %arg12[%get3A_1458, %get3A_1459] {strides = array<i32>} : memref<168x128xf32, #tpu.memory_space<vmem>>, vector<1x16xf32>,
        %get3A_1461 = vector.shape_cast %get3A_1460 : vector<1x16xf32> to vector<16xf32>
        %mul3A_1462 = arith.mulf %add3A_269, %get3A_1461 : vector<16xf32>
        %get3A_1463 = arith.index_cast %add3A_1457 : i32 to index
        %get3A_1464 = arith.constant 16 : index
        %get3A_1465 = tpu.vector_load %arg12[%get3A_1463, %get3A_1464] {strides = array<i32>} : memref<168x128xf32, #tpu.memory_space<vmem>>, vector<1x16xf32>,
        %get3A_1466 = vector.shape_cast %get3A_1465 : vector<1x16xf32> to vector<16xf32>
        %mul3A_1467 = arith.mulf %add3A_356, %get3A_1466 : vector<16xf32>
        %add3A_1468 = arith.addf %mul3A_1462, %mul3A_1467 : vector<16xf32>
        %get3A_1469 = arith.index_cast %add3A_1457 : i32 to index
        %get3A_1470 = arith.constant 32 : index
        %get3A_1471 = tpu.vector_load %arg12[%get3A_1469, %get3A_1470] {strides = array<i32>} : memref<168x128xf32, #tpu.memory_space<vmem>>, vector<1x16xf32>,
        %get3A_1472 = vector.shape_cast %get3A_1471 : vector<1x16xf32> to vector<16xf32>
        %mul3A_1473 = arith.mulf %add3A_443, %get3A_1472 : vector<16xf32>
        %add3A_1474 = arith.addf %add3A_1468, %mul3A_1473 : vector<16xf32>
        %get3A_1475 = arith.index_cast %add3A_1457 : i32 to index
        %get3A_1476 = arith.constant 48 : index
        %get3A_1477 = tpu.vector_load %arg12[%get3A_1475, %get3A_1476] {strides = array<i32>} : memref<168x128xf32, #tpu.memory_space<vmem>>, vector<1x16xf32>,
        %get3A_1478 = vector.shape_cast %get3A_1477 : vector<1x16xf32> to vector<16xf32>
        %mul3A_1479 = arith.mulf %add3A_530, %get3A_1478 : vector<16xf32>
        %add3A_1480 = arith.addf %add3A_1474, %mul3A_1479 : vector<16xf32>
        %get3A_1481 = arith.index_cast %add3A_1457 : i32 to index
        %get3A_1482 = arith.constant 64 : index
        %get3A_1483 = tpu.vector_load %arg12[%get3A_1481, %get3A_1482] {strides = array<i32>} : memref<168x128xf32, #tpu.memory_space<vmem>>, vector<1x16xf32>,
        %get3A_1484 = vector.shape_cast %get3A_1483 : vector<1x16xf32> to vector<16xf32>
        %mul3A_1485 = arith.mulf %add3A_617, %get3A_1484 : vector<16xf32>
        %add3A_1486 = arith.addf %add3A_1480, %mul3A_1485 : vector<16xf32>
        %get3A_1487 = arith.index_cast %add3A_1457 : i32 to index
        %get3A_1488 = arith.constant 80 : index
        %get3A_1489 = tpu.vector_load %arg12[%get3A_1487, %get3A_1488] {strides = array<i32>} : memref<168x128xf32, #tpu.memory_space<vmem>>, vector<1x16xf32>,
        %get3A_1490 = vector.shape_cast %get3A_1489 : vector<1x16xf32> to vector<16xf32>
        %mul3A_1491 = arith.mulf %add3A_704, %get3A_1490 : vector<16xf32>
        %add3A_1492 = arith.addf %add3A_1486, %mul3A_1491 : vector<16xf32>
        %get3A_1493 = arith.index_cast %add3A_1457 : i32 to index
        %get3A_1494 = arith.constant 96 : index
        %get3A_1495 = tpu.vector_load %arg12[%get3A_1493, %get3A_1494] {strides = array<i32>} : memref<168x128xf32, #tpu.memory_space<vmem>>, vector<1x16xf32>,
        %get3A_1496 = vector.shape_cast %get3A_1495 : vector<1x16xf32> to vector<16xf32>
        %mul3A_1497 = arith.mulf %add3A_791, %get3A_1496 : vector<16xf32>
        %add3A_1498 = arith.addf %add3A_1492, %mul3A_1497 : vector<16xf32>
        %get3A_1499 = arith.index_cast %add3A_1457 : i32 to index
        %get3A_1500 = arith.constant 112 : index
        %get3A_1501 = tpu.vector_load %arg12[%get3A_1499, %get3A_1500] {strides = array<i32>} : memref<168x128xf32, #tpu.memory_space<vmem>>, vector<1x16xf32>,
        %get3A_1502 = vector.shape_cast %get3A_1501 : vector<1x16xf32> to vector<16xf32>
        %mul3A_1503 = arith.mulf %add3A_878, %get3A_1502 : vector<16xf32>
        %add3A_1504 = arith.addf %add3A_1498, %mul3A_1503 : vector<16xf32>
        %swap3A_1505 = arith.index_cast %scan3A_183 : i32 to index
        %swap3A_1506 = arith.constant 160 : index
        %swap3A_1507 = tpu.vector_load %arg14[%swap3A_1505, %swap3A_1506] {strides = array<i32>} : memref<8x336xf32, #tpu.memory_space<vmem>>, vector<1x16xf32>,
        %swap3A_1508 = vector.shape_cast %swap3A_1507 : vector<1x16xf32> to vector<16xf32>
        %swap3A_1509 = vector.shape_cast %add3A_1504 : vector<16xf32> to vector<1x16xf32>
        tpu.vector_store %arg14[%swap3A_1505, %swap3A_1506], %swap3A_1509 {strides = array<i32>} : memref<8x336xf32, #tpu.memory_space<vmem>>, vector<1x16xf32>,
        %mul3A_1510 = arith.constant 20 : i32
        %mul3A_1511 = arith.muli %scan3A_183, %mul3A_1510 : i32
        %add3A_1512 = arith.constant 8 : i32
        %add3A_1513 = arith.addi %add3A_1512, %mul3A_1511 : i32
        %add3A_1514 = arith.constant 10 : i32
        %add3A_1515 = arith.addi %add3A_1513, %add3A_1514 : i32
        %get3A_1516 = arith.index_cast %add3A_1515 : i32 to index
        %get3A_1517 = arith.constant 0 : index
        %get3A_1518 = tpu.vector_load %arg12[%get3A_1516, %get3A_1517] {strides = array<i32>} : memref<168x128xf32, #tpu.memory_space<vmem>>, vector<1x16xf32>,
        %get3A_1519 = vector.shape_cast %get3A_1518 : vector<1x16xf32> to vector<16xf32>
        %mul3A_1520 = arith.mulf %add3A_269, %get3A_1519 : vector<16xf32>
        %get3A_1521 = arith.index_cast %add3A_1515 : i32 to index
        %get3A_1522 = arith.constant 16 : index
        %get3A_1523 = tpu.vector_load %arg12[%get3A_1521, %get3A_1522] {strides = array<i32>} : memref<168x128xf32, #tpu.memory_space<vmem>>, vector<1x16xf32>,
        %get3A_1524 = vector.shape_cast %get3A_1523 : vector<1x16xf32> to vector<16xf32>
        %mul3A_1525 = arith.mulf %add3A_356, %get3A_1524 : vector<16xf32>
        %add3A_1526 = arith.addf %mul3A_1520, %mul3A_1525 : vector<16xf32>
        %get3A_1527 = arith.index_cast %add3A_1515 : i32 to index
        %get3A_1528 = arith.constant 32 : index
        %get3A_1529 = tpu.vector_load %arg12[%get3A_1527, %get3A_1528] {strides = array<i32>} : memref<168x128xf32, #tpu.memory_space<vmem>>, vector<1x16xf32>,
        %get3A_1530 = vector.shape_cast %get3A_1529 : vector<1x16xf32> to vector<16xf32>
        %mul3A_1531 = arith.mulf %add3A_443, %get3A_1530 : vector<16xf32>
        %add3A_1532 = arith.addf %add3A_1526, %mul3A_1531 : vector<16xf32>
        %get3A_1533 = arith.index_cast %add3A_1515 : i32 to index
        %get3A_1534 = arith.constant 48 : index
        %get3A_1535 = tpu.vector_load %arg12[%get3A_1533, %get3A_1534] {strides = array<i32>} : memref<168x128xf32, #tpu.memory_space<vmem>>, vector<1x16xf32>,
        %get3A_1536 = vector.shape_cast %get3A_1535 : vector<1x16xf32> to vector<16xf32>
        %mul3A_1537 = arith.mulf %add3A_530, %get3A_1536 : vector<16xf32>
        %add3A_1538 = arith.addf %add3A_1532, %mul3A_1537 : vector<16xf32>
        %get3A_1539 = arith.index_cast %add3A_1515 : i32 to index
        %get3A_1540 = arith.constant 64 : index
        %get3A_1541 = tpu.vector_load %arg12[%get3A_1539, %get3A_1540] {strides = array<i32>} : memref<168x128xf32, #tpu.memory_space<vmem>>, vector<1x16xf32>,
        %get3A_1542 = vector.shape_cast %get3A_1541 : vector<1x16xf32> to vector<16xf32>
        %mul3A_1543 = arith.mulf %add3A_617, %get3A_1542 : vector<16xf32>
        %add3A_1544 = arith.addf %add3A_1538, %mul3A_1543 : vector<16xf32>
        %get3A_1545 = arith.index_cast %add3A_1515 : i32 to index
        %get3A_1546 = arith.constant 80 : index
        %get3A_1547 = tpu.vector_load %arg12[%get3A_1545, %get3A_1546] {strides = array<i32>} : memref<168x128xf32, #tpu.memory_space<vmem>>, vector<1x16xf32>,
        %get3A_1548 = vector.shape_cast %get3A_1547 : vector<1x16xf32> to vector<16xf32>
        %mul3A_1549 = arith.mulf %add3A_704, %get3A_1548 : vector<16xf32>
        %add3A_1550 = arith.addf %add3A_1544, %mul3A_1549 : vector<16xf32>
        %get3A_1551 = arith.index_cast %add3A_1515 : i32 to index
        %get3A_1552 = arith.constant 96 : index
        %get3A_1553 = tpu.vector_load %arg12[%get3A_1551, %get3A_1552] {strides = array<i32>} : memref<168x128xf32, #tpu.memory_space<vmem>>, vector<1x16xf32>,
        %get3A_1554 = vector.shape_cast %get3A_1553 : vector<1x16xf32> to vector<16xf32>
        %mul3A_1555 = arith.mulf %add3A_791, %get3A_1554 : vector<16xf32>
        %add3A_1556 = arith.addf %add3A_1550, %mul3A_1555 : vector<16xf32>
        %get3A_1557 = arith.index_cast %add3A_1515 : i32 to index
        %get3A_1558 = arith.constant 112 : index
        %get3A_1559 = tpu.vector_load %arg12[%get3A_1557, %get3A_1558] {strides = array<i32>} : memref<168x128xf32, #tpu.memory_space<vmem>>, vector<1x16xf32>,
        %get3A_1560 = vector.shape_cast %get3A_1559 : vector<1x16xf32> to vector<16xf32>
        %mul3A_1561 = arith.mulf %add3A_878, %get3A_1560 : vector<16xf32>
        %add3A_1562 = arith.addf %add3A_1556, %mul3A_1561 : vector<16xf32>
        %swap3A_1563 = arith.index_cast %scan3A_183 : i32 to index
        %swap3A_1564 = arith.constant 176 : index
        %swap3A_1565 = tpu.vector_load %arg14[%swap3A_1563, %swap3A_1564] {strides = array<i32>} : memref<8x336xf32, #tpu.memory_space<vmem>>, vector<1x16xf32>,
        %swap3A_1566 = vector.shape_cast %swap3A_1565 : vector<1x16xf32> to vector<16xf32>
        %swap3A_1567 = vector.shape_cast %add3A_1562 : vector<16xf32> to vector<1x16xf32>
        tpu.vector_store %arg14[%swap3A_1563, %swap3A_1564], %swap3A_1567 {strides = array<i32>} : memref<8x336xf32, #tpu.memory_space<vmem>>, vector<1x16xf32>,
        %mul3A_1568 = arith.constant 20 : i32
        %mul3A_1569 = arith.muli %scan3A_183, %mul3A_1568 : i32
        %add3A_1570 = arith.constant 8 : i32
        %add3A_1571 = arith.addi %add3A_1570, %mul3A_1569 : i32
        %add3A_1572 = arith.constant 11 : i32
        %add3A_1573 = arith.addi %add3A_1571, %add3A_1572 : i32
        %get3A_1574 = arith.index_cast %add3A_1573 : i32 to index
        %get3A_1575 = arith.constant 0 : index
        %get3A_1576 = tpu.vector_load %arg12[%get3A_1574, %get3A_1575] {strides = array<i32>} : memref<168x128xf32, #tpu.memory_space<vmem>>, vector<1x16xf32>,
        %get3A_1577 = vector.shape_cast %get3A_1576 : vector<1x16xf32> to vector<16xf32>
        %mul3A_1578 = arith.mulf %add3A_269, %get3A_1577 : vector<16xf32>
        %get3A_1579 = arith.index_cast %add3A_1573 : i32 to index
        %get3A_1580 = arith.constant 16 : index
        %get3A_1581 = tpu.vector_load %arg12[%get3A_1579, %get3A_1580] {strides = array<i32>} : memref<168x128xf32, #tpu.memory_space<vmem>>, vector<1x16xf32>,
        %get3A_1582 = vector.shape_cast %get3A_1581 : vector<1x16xf32> to vector<16xf32>
        %mul3A_1583 = arith.mulf %add3A_356, %get3A_1582 : vector<16xf32>
        %add3A_1584 = arith.addf %mul3A_1578, %mul3A_1583 : vector<16xf32>
        %get3A_1585 = arith.index_cast %add3A_1573 : i32 to index
        %get3A_1586 = arith.constant 32 : index
        %get3A_1587 = tpu.vector_load %arg12[%get3A_1585, %get3A_1586] {strides = array<i32>} : memref<168x128xf32, #tpu.memory_space<vmem>>, vector<1x16xf32>,
        %get3A_1588 = vector.shape_cast %get3A_1587 : vector<1x16xf32> to vector<16xf32>
        %mul3A_1589 = arith.mulf %add3A_443, %get3A_1588 : vector<16xf32>
        %add3A_1590 = arith.addf %add3A_1584, %mul3A_1589 : vector<16xf32>
        %get3A_1591 = arith.index_cast %add3A_1573 : i32 to index
        %get3A_1592 = arith.constant 48 : index
        %get3A_1593 = tpu.vector_load %arg12[%get3A_1591, %get3A_1592] {strides = array<i32>} : memref<168x128xf32, #tpu.memory_space<vmem>>, vector<1x16xf32>,
        %get3A_1594 = vector.shape_cast %get3A_1593 : vector<1x16xf32> to vector<16xf32>
        %mul3A_1595 = arith.mulf %add3A_530, %get3A_1594 : vector<16xf32>
        %add3A_1596 = arith.addf %add3A_1590, %mul3A_1595 : vector<16xf32>
        %get3A_1597 = arith.index_cast %add3A_1573 : i32 to index
        %get3A_1598 = arith.constant 64 : index
        %get3A_1599 = tpu.vector_load %arg12[%get3A_1597, %get3A_1598] {strides = array<i32>} : memref<168x128xf32, #tpu.memory_space<vmem>>, vector<1x16xf32>,
        %get3A_1600 = vector.shape_cast %get3A_1599 : vector<1x16xf32> to vector<16xf32>
        %mul3A_1601 = arith.mulf %add3A_617, %get3A_1600 : vector<16xf32>
        %add3A_1602 = arith.addf %add3A_1596, %mul3A_1601 : vector<16xf32>
        %get3A_1603 = arith.index_cast %add3A_1573 : i32 to index
        %get3A_1604 = arith.constant 80 : index
        %get3A_1605 = tpu.vector_load %arg12[%get3A_1603, %get3A_1604] {strides = array<i32>} : memref<168x128xf32, #tpu.memory_space<vmem>>, vector<1x16xf32>,
        %get3A_1606 = vector.shape_cast %get3A_1605 : vector<1x16xf32> to vector<16xf32>
        %mul3A_1607 = arith.mulf %add3A_704, %get3A_1606 : vector<16xf32>
        %add3A_1608 = arith.addf %add3A_1602, %mul3A_1607 : vector<16xf32>
        %get3A_1609 = arith.index_cast %add3A_1573 : i32 to index
        %get3A_1610 = arith.constant 96 : index
        %get3A_1611 = tpu.vector_load %arg12[%get3A_1609, %get3A_1610] {strides = array<i32>} : memref<168x128xf32, #tpu.memory_space<vmem>>, vector<1x16xf32>,
        %get3A_1612 = vector.shape_cast %get3A_1611 : vector<1x16xf32> to vector<16xf32>
        %mul3A_1613 = arith.mulf %add3A_791, %get3A_1612 : vector<16xf32>
        %add3A_1614 = arith.addf %add3A_1608, %mul3A_1613 : vector<16xf32>
        %get3A_1615 = arith.index_cast %add3A_1573 : i32 to index
        %get3A_1616 = arith.constant 112 : index
        %get3A_1617 = tpu.vector_load %arg12[%get3A_1615, %get3A_1616] {strides = array<i32>} : memref<168x128xf32, #tpu.memory_space<vmem>>, vector<1x16xf32>,
        %get3A_1618 = vector.shape_cast %get3A_1617 : vector<1x16xf32> to vector<16xf32>
        %mul3A_1619 = arith.mulf %add3A_878, %get3A_1618 : vector<16xf32>
        %add3A_1620 = arith.addf %add3A_1614, %mul3A_1619 : vector<16xf32>
        %swap3A_1621 = arith.index_cast %scan3A_183 : i32 to index
        %swap3A_1622 = arith.constant 192 : index
        %swap3A_1623 = tpu.vector_load %arg14[%swap3A_1621, %swap3A_1622] {strides = array<i32>} : memref<8x336xf32, #tpu.memory_space<vmem>>, vector<1x16xf32>,
        %swap3A_1624 = vector.shape_cast %swap3A_1623 : vector<1x16xf32> to vector<16xf32>
        %swap3A_1625 = vector.shape_cast %add3A_1620 : vector<16xf32> to vector<1x16xf32>
        tpu.vector_store %arg14[%swap3A_1621, %swap3A_1622], %swap3A_1625 {strides = array<i32>} : memref<8x336xf32, #tpu.memory_space<vmem>>, vector<1x16xf32>,
        %mul3A_1626 = arith.constant 20 : i32
        %mul3A_1627 = arith.muli %scan3A_183, %mul3A_1626 : i32
        %add3A_1628 = arith.constant 8 : i32
        %add3A_1629 = arith.addi %add3A_1628, %mul3A_1627 : i32
        %add3A_1630 = arith.constant 12 : i32
        %add3A_1631 = arith.addi %add3A_1629, %add3A_1630 : i32
        %get3A_1632 = arith.index_cast %add3A_1631 : i32 to index
        %get3A_1633 = arith.constant 0 : index
        %get3A_1634 = tpu.vector_load %arg12[%get3A_1632, %get3A_1633] {strides = array<i32>} : memref<168x128xf32, #tpu.memory_space<vmem>>, vector<1x16xf32>,
        %get3A_1635 = vector.shape_cast %get3A_1634 : vector<1x16xf32> to vector<16xf32>
        %mul3A_1636 = arith.mulf %add3A_269, %get3A_1635 : vector<16xf32>
        %get3A_1637 = arith.index_cast %add3A_1631 : i32 to index
        %get3A_1638 = arith.constant 16 : index
        %get3A_1639 = tpu.vector_load %arg12[%get3A_1637, %get3A_1638] {strides = array<i32>} : memref<168x128xf32, #tpu.memory_space<vmem>>, vector<1x16xf32>,
        %get3A_1640 = vector.shape_cast %get3A_1639 : vector<1x16xf32> to vector<16xf32>
        %mul3A_1641 = arith.mulf %add3A_356, %get3A_1640 : vector<16xf32>
        %add3A_1642 = arith.addf %mul3A_1636, %mul3A_1641 : vector<16xf32>
        %get3A_1643 = arith.index_cast %add3A_1631 : i32 to index
        %get3A_1644 = arith.constant 32 : index
        %get3A_1645 = tpu.vector_load %arg12[%get3A_1643, %get3A_1644] {strides = array<i32>} : memref<168x128xf32, #tpu.memory_space<vmem>>, vector<1x16xf32>,
        %get3A_1646 = vector.shape_cast %get3A_1645 : vector<1x16xf32> to vector<16xf32>
        %mul3A_1647 = arith.mulf %add3A_443, %get3A_1646 : vector<16xf32>
        %add3A_1648 = arith.addf %add3A_1642, %mul3A_1647 : vector<16xf32>
        %get3A_1649 = arith.index_cast %add3A_1631 : i32 to index
        %get3A_1650 = arith.constant 48 : index
        %get3A_1651 = tpu.vector_load %arg12[%get3A_1649, %get3A_1650] {strides = array<i32>} : memref<168x128xf32, #tpu.memory_space<vmem>>, vector<1x16xf32>,
        %get3A_1652 = vector.shape_cast %get3A_1651 : vector<1x16xf32> to vector<16xf32>
        %mul3A_1653 = arith.mulf %add3A_530, %get3A_1652 : vector<16xf32>
        %add3A_1654 = arith.addf %add3A_1648, %mul3A_1653 : vector<16xf32>
        %get3A_1655 = arith.index_cast %add3A_1631 : i32 to index
        %get3A_1656 = arith.constant 64 : index
        %get3A_1657 = tpu.vector_load %arg12[%get3A_1655, %get3A_1656] {strides = array<i32>} : memref<168x128xf32, #tpu.memory_space<vmem>>, vector<1x16xf32>,
        %get3A_1658 = vector.shape_cast %get3A_1657 : vector<1x16xf32> to vector<16xf32>
        %mul3A_1659 = arith.mulf %add3A_617, %get3A_1658 : vector<16xf32>
        %add3A_1660 = arith.addf %add3A_1654, %mul3A_1659 : vector<16xf32>
        %get3A_1661 = arith.index_cast %add3A_1631 : i32 to index
        %get3A_1662 = arith.constant 80 : index
        %get3A_1663 = tpu.vector_load %arg12[%get3A_1661, %get3A_1662] {strides = array<i32>} : memref<168x128xf32, #tpu.memory_space<vmem>>, vector<1x16xf32>,
        %get3A_1664 = vector.shape_cast %get3A_1663 : vector<1x16xf32> to vector<16xf32>
        %mul3A_1665 = arith.mulf %add3A_704, %get3A_1664 : vector<16xf32>
        %add3A_1666 = arith.addf %add3A_1660, %mul3A_1665 : vector<16xf32>
        %get3A_1667 = arith.index_cast %add3A_1631 : i32 to index
        %get3A_1668 = arith.constant 96 : index
        %get3A_1669 = tpu.vector_load %arg12[%get3A_1667, %get3A_1668] {strides = array<i32>} : memref<168x128xf32, #tpu.memory_space<vmem>>, vector<1x16xf32>,
        %get3A_1670 = vector.shape_cast %get3A_1669 : vector<1x16xf32> to vector<16xf32>
        %mul3A_1671 = arith.mulf %add3A_791, %get3A_1670 : vector<16xf32>
        %add3A_1672 = arith.addf %add3A_1666, %mul3A_1671 : vector<16xf32>
        %get3A_1673 = arith.index_cast %add3A_1631 : i32 to index
        %get3A_1674 = arith.constant 112 : index
        %get3A_1675 = tpu.vector_load %arg12[%get3A_1673, %get3A_1674] {strides = array<i32>} : memref<168x128xf32, #tpu.memory_space<vmem>>, vector<1x16xf32>,
        %get3A_1676 = vector.shape_cast %get3A_1675 : vector<1x16xf32> to vector<16xf32>
        %mul3A_1677 = arith.mulf %add3A_878, %get3A_1676 : vector<16xf32>
        %add3A_1678 = arith.addf %add3A_1672, %mul3A_1677 : vector<16xf32>
        %swap3A_1679 = arith.index_cast %scan3A_183 : i32 to index
        %swap3A_1680 = arith.constant 208 : index
        %swap3A_1681 = tpu.vector_load %arg14[%swap3A_1679, %swap3A_1680] {strides = array<i32>} : memref<8x336xf32, #tpu.memory_space<vmem>>, vector<1x16xf32>,
        %swap3A_1682 = vector.shape_cast %swap3A_1681 : vector<1x16xf32> to vector<16xf32>
        %swap3A_1683 = vector.shape_cast %add3A_1678 : vector<16xf32> to vector<1x16xf32>
        tpu.vector_store %arg14[%swap3A_1679, %swap3A_1680], %swap3A_1683 {strides = array<i32>} : memref<8x336xf32, #tpu.memory_space<vmem>>, vector<1x16xf32>,
        %mul3A_1684 = arith.constant 20 : i32
        %mul3A_1685 = arith.muli %scan3A_183, %mul3A_1684 : i32
        %add3A_1686 = arith.constant 8 : i32
        %add3A_1687 = arith.addi %add3A_1686, %mul3A_1685 : i32
        %add3A_1688 = arith.constant 13 : i32
        %add3A_1689 = arith.addi %add3A_1687, %add3A_1688 : i32
        %get3A_1690 = arith.index_cast %add3A_1689 : i32 to index
        %get3A_1691 = arith.constant 0 : index
        %get3A_1692 = tpu.vector_load %arg12[%get3A_1690, %get3A_1691] {strides = array<i32>} : memref<168x128xf32, #tpu.memory_space<vmem>>, vector<1x16xf32>,
        %get3A_1693 = vector.shape_cast %get3A_1692 : vector<1x16xf32> to vector<16xf32>
        %mul3A_1694 = arith.mulf %add3A_269, %get3A_1693 : vector<16xf32>
        %get3A_1695 = arith.index_cast %add3A_1689 : i32 to index
        %get3A_1696 = arith.constant 16 : index
        %get3A_1697 = tpu.vector_load %arg12[%get3A_1695, %get3A_1696] {strides = array<i32>} : memref<168x128xf32, #tpu.memory_space<vmem>>, vector<1x16xf32>,
        %get3A_1698 = vector.shape_cast %get3A_1697 : vector<1x16xf32> to vector<16xf32>
        %mul3A_1699 = arith.mulf %add3A_356, %get3A_1698 : vector<16xf32>
        %add3A_1700 = arith.addf %mul3A_1694, %mul3A_1699 : vector<16xf32>
        %get3A_1701 = arith.index_cast %add3A_1689 : i32 to index
        %get3A_1702 = arith.constant 32 : index
        %get3A_1703 = tpu.vector_load %arg12[%get3A_1701, %get3A_1702] {strides = array<i32>} : memref<168x128xf32, #tpu.memory_space<vmem>>, vector<1x16xf32>,
        %get3A_1704 = vector.shape_cast %get3A_1703 : vector<1x16xf32> to vector<16xf32>
        %mul3A_1705 = arith.mulf %add3A_443, %get3A_1704 : vector<16xf32>
        %add3A_1706 = arith.addf %add3A_1700, %mul3A_1705 : vector<16xf32>
        %get3A_1707 = arith.index_cast %add3A_1689 : i32 to index
        %get3A_1708 = arith.constant 48 : index
        %get3A_1709 = tpu.vector_load %arg12[%get3A_1707, %get3A_1708] {strides = array<i32>} : memref<168x128xf32, #tpu.memory_space<vmem>>, vector<1x16xf32>,
        %get3A_1710 = vector.shape_cast %get3A_1709 : vector<1x16xf32> to vector<16xf32>
        %mul3A_1711 = arith.mulf %add3A_530, %get3A_1710 : vector<16xf32>
        %add3A_1712 = arith.addf %add3A_1706, %mul3A_1711 : vector<16xf32>
        %get3A_1713 = arith.index_cast %add3A_1689 : i32 to index
        %get3A_1714 = arith.constant 64 : index
        %get3A_1715 = tpu.vector_load %arg12[%get3A_1713, %get3A_1714] {strides = array<i32>} : memref<168x128xf32, #tpu.memory_space<vmem>>, vector<1x16xf32>,
        %get3A_1716 = vector.shape_cast %get3A_1715 : vector<1x16xf32> to vector<16xf32>
        %mul3A_1717 = arith.mulf %add3A_617, %get3A_1716 : vector<16xf32>
        %add3A_1718 = arith.addf %add3A_1712, %mul3A_1717 : vector<16xf32>
        %get3A_1719 = arith.index_cast %add3A_1689 : i32 to index
        %get3A_1720 = arith.constant 80 : index
        %get3A_1721 = tpu.vector_load %arg12[%get3A_1719, %get3A_1720] {strides = array<i32>} : memref<168x128xf32, #tpu.memory_space<vmem>>, vector<1x16xf32>,
        %get3A_1722 = vector.shape_cast %get3A_1721 : vector<1x16xf32> to vector<16xf32>
        %mul3A_1723 = arith.mulf %add3A_704, %get3A_1722 : vector<16xf32>
        %add3A_1724 = arith.addf %add3A_1718, %mul3A_1723 : vector<16xf32>
        %get3A_1725 = arith.index_cast %add3A_1689 : i32 to index
        %get3A_1726 = arith.constant 96 : index
        %get3A_1727 = tpu.vector_load %arg12[%get3A_1725, %get3A_1726] {strides = array<i32>} : memref<168x128xf32, #tpu.memory_space<vmem>>, vector<1x16xf32>,
        %get3A_1728 = vector.shape_cast %get3A_1727 : vector<1x16xf32> to vector<16xf32>
        %mul3A_1729 = arith.mulf %add3A_791, %get3A_1728 : vector<16xf32>
        %add3A_1730 = arith.addf %add3A_1724, %mul3A_1729 : vector<16xf32>
        %get3A_1731 = arith.index_cast %add3A_1689 : i32 to index
        %get3A_1732 = arith.constant 112 : index
        %get3A_1733 = tpu.vector_load %arg12[%get3A_1731, %get3A_1732] {strides = array<i32>} : memref<168x128xf32, #tpu.memory_space<vmem>>, vector<1x16xf32>,
        %get3A_1734 = vector.shape_cast %get3A_1733 : vector<1x16xf32> to vector<16xf32>
        %mul3A_1735 = arith.mulf %add3A_878, %get3A_1734 : vector<16xf32>
        %add3A_1736 = arith.addf %add3A_1730, %mul3A_1735 : vector<16xf32>
        %swap3A_1737 = arith.index_cast %scan3A_183 : i32 to index
        %swap3A_1738 = arith.constant 224 : index
        %swap3A_1739 = tpu.vector_load %arg14[%swap3A_1737, %swap3A_1738] {strides = array<i32>} : memref<8x336xf32, #tpu.memory_space<vmem>>, vector<1x16xf32>,
        %swap3A_1740 = vector.shape_cast %swap3A_1739 : vector<1x16xf32> to vector<16xf32>
        %swap3A_1741 = vector.shape_cast %add3A_1736 : vector<16xf32> to vector<1x16xf32>
        tpu.vector_store %arg14[%swap3A_1737, %swap3A_1738], %swap3A_1741 {strides = array<i32>} : memref<8x336xf32, #tpu.memory_space<vmem>>, vector<1x16xf32>,
        %mul3A_1742 = arith.constant 20 : i32
        %mul3A_1743 = arith.muli %scan3A_183, %mul3A_1742 : i32
        %add3A_1744 = arith.constant 8 : i32
        %add3A_1745 = arith.addi %add3A_1744, %mul3A_1743 : i32
        %add3A_1746 = arith.constant 14 : i32
        %add3A_1747 = arith.addi %add3A_1745, %add3A_1746 : i32
        %get3A_1748 = arith.index_cast %add3A_1747 : i32 to index
        %get3A_1749 = arith.constant 0 : index
        %get3A_1750 = tpu.vector_load %arg12[%get3A_1748, %get3A_1749] {strides = array<i32>} : memref<168x128xf32, #tpu.memory_space<vmem>>, vector<1x16xf32>,
        %get3A_1751 = vector.shape_cast %get3A_1750 : vector<1x16xf32> to vector<16xf32>
        %mul3A_1752 = arith.mulf %add3A_269, %get3A_1751 : vector<16xf32>
        %get3A_1753 = arith.index_cast %add3A_1747 : i32 to index
        %get3A_1754 = arith.constant 16 : index
        %get3A_1755 = tpu.vector_load %arg12[%get3A_1753, %get3A_1754] {strides = array<i32>} : memref<168x128xf32, #tpu.memory_space<vmem>>, vector<1x16xf32>,
        %get3A_1756 = vector.shape_cast %get3A_1755 : vector<1x16xf32> to vector<16xf32>
        %mul3A_1757 = arith.mulf %add3A_356, %get3A_1756 : vector<16xf32>
        %add3A_1758 = arith.addf %mul3A_1752, %mul3A_1757 : vector<16xf32>
        %get3A_1759 = arith.index_cast %add3A_1747 : i32 to index
        %get3A_1760 = arith.constant 32 : index
        %get3A_1761 = tpu.vector_load %arg12[%get3A_1759, %get3A_1760] {strides = array<i32>} : memref<168x128xf32, #tpu.memory_space<vmem>>, vector<1x16xf32>,
        %get3A_1762 = vector.shape_cast %get3A_1761 : vector<1x16xf32> to vector<16xf32>
        %mul3A_1763 = arith.mulf %add3A_443, %get3A_1762 : vector<16xf32>
        %add3A_1764 = arith.addf %add3A_1758, %mul3A_1763 : vector<16xf32>
        %get3A_1765 = arith.index_cast %add3A_1747 : i32 to index
        %get3A_1766 = arith.constant 48 : index
        %get3A_1767 = tpu.vector_load %arg12[%get3A_1765, %get3A_1766] {strides = array<i32>} : memref<168x128xf32, #tpu.memory_space<vmem>>, vector<1x16xf32>,
        %get3A_1768 = vector.shape_cast %get3A_1767 : vector<1x16xf32> to vector<16xf32>
        %mul3A_1769 = arith.mulf %add3A_530, %get3A_1768 : vector<16xf32>
        %add3A_1770 = arith.addf %add3A_1764, %mul3A_1769 : vector<16xf32>
        %get3A_1771 = arith.index_cast %add3A_1747 : i32 to index
        %get3A_1772 = arith.constant 64 : index
        %get3A_1773 = tpu.vector_load %arg12[%get3A_1771, %get3A_1772] {strides = array<i32>} : memref<168x128xf32, #tpu.memory_space<vmem>>, vector<1x16xf32>,
        %get3A_1774 = vector.shape_cast %get3A_1773 : vector<1x16xf32> to vector<16xf32>
        %mul3A_1775 = arith.mulf %add3A_617, %get3A_1774 : vector<16xf32>
        %add3A_1776 = arith.addf %add3A_1770, %mul3A_1775 : vector<16xf32>
        %get3A_1777 = arith.index_cast %add3A_1747 : i32 to index
        %get3A_1778 = arith.constant 80 : index
        %get3A_1779 = tpu.vector_load %arg12[%get3A_1777, %get3A_1778] {strides = array<i32>} : memref<168x128xf32, #tpu.memory_space<vmem>>, vector<1x16xf32>,
        %get3A_1780 = vector.shape_cast %get3A_1779 : vector<1x16xf32> to vector<16xf32>
        %mul3A_1781 = arith.mulf %add3A_704, %get3A_1780 : vector<16xf32>
        %add3A_1782 = arith.addf %add3A_1776, %mul3A_1781 : vector<16xf32>
        %get3A_1783 = arith.index_cast %add3A_1747 : i32 to index
        %get3A_1784 = arith.constant 96 : index
        %get3A_1785 = tpu.vector_load %arg12[%get3A_1783, %get3A_1784] {strides = array<i32>} : memref<168x128xf32, #tpu.memory_space<vmem>>, vector<1x16xf32>,
        %get3A_1786 = vector.shape_cast %get3A_1785 : vector<1x16xf32> to vector<16xf32>
        %mul3A_1787 = arith.mulf %add3A_791, %get3A_1786 : vector<16xf32>
        %add3A_1788 = arith.addf %add3A_1782, %mul3A_1787 : vector<16xf32>
        %get3A_1789 = arith.index_cast %add3A_1747 : i32 to index
        %get3A_1790 = arith.constant 112 : index
        %get3A_1791 = tpu.vector_load %arg12[%get3A_1789, %get3A_1790] {strides = array<i32>} : memref<168x128xf32, #tpu.memory_space<vmem>>, vector<1x16xf32>,
        %get3A_1792 = vector.shape_cast %get3A_1791 : vector<1x16xf32> to vector<16xf32>
        %mul3A_1793 = arith.mulf %add3A_878, %get3A_1792 : vector<16xf32>
        %add3A_1794 = arith.addf %add3A_1788, %mul3A_1793 : vector<16xf32>
        %swap3A_1795 = arith.index_cast %scan3A_183 : i32 to index
        %swap3A_1796 = arith.constant 240 : index
        %swap3A_1797 = tpu.vector_load %arg14[%swap3A_1795, %swap3A_1796] {strides = array<i32>} : memref<8x336xf32, #tpu.memory_space<vmem>>, vector<1x16xf32>,
        %swap3A_1798 = vector.shape_cast %swap3A_1797 : vector<1x16xf32> to vector<16xf32>
        %swap3A_1799 = vector.shape_cast %add3A_1794 : vector<16xf32> to vector<1x16xf32>
        tpu.vector_store %arg14[%swap3A_1795, %swap3A_1796], %swap3A_1799 {strides = array<i32>} : memref<8x336xf32, #tpu.memory_space<vmem>>, vector<1x16xf32>,
        %mul3A_1800 = arith.constant 20 : i32
        %mul3A_1801 = arith.muli %scan3A_183, %mul3A_1800 : i32
        %add3A_1802 = arith.constant 8 : i32
        %add3A_1803 = arith.addi %add3A_1802, %mul3A_1801 : i32
        %add3A_1804 = arith.constant 15 : i32
        %add3A_1805 = arith.addi %add3A_1803, %add3A_1804 : i32
        %get3A_1806 = arith.index_cast %add3A_1805 : i32 to index
        %get3A_1807 = arith.constant 0 : index
        %get3A_1808 = tpu.vector_load %arg12[%get3A_1806, %get3A_1807] {strides = array<i32>} : memref<168x128xf32, #tpu.memory_space<vmem>>, vector<1x16xf32>,
        %get3A_1809 = vector.shape_cast %get3A_1808 : vector<1x16xf32> to vector<16xf32>
        %mul3A_1810 = arith.mulf %add3A_269, %get3A_1809 : vector<16xf32>
        %get3A_1811 = arith.index_cast %add3A_1805 : i32 to index
        %get3A_1812 = arith.constant 16 : index
        %get3A_1813 = tpu.vector_load %arg12[%get3A_1811, %get3A_1812] {strides = array<i32>} : memref<168x128xf32, #tpu.memory_space<vmem>>, vector<1x16xf32>,
        %get3A_1814 = vector.shape_cast %get3A_1813 : vector<1x16xf32> to vector<16xf32>
        %mul3A_1815 = arith.mulf %add3A_356, %get3A_1814 : vector<16xf32>
        %add3A_1816 = arith.addf %mul3A_1810, %mul3A_1815 : vector<16xf32>
        %get3A_1817 = arith.index_cast %add3A_1805 : i32 to index
        %get3A_1818 = arith.constant 32 : index
        %get3A_1819 = tpu.vector_load %arg12[%get3A_1817, %get3A_1818] {strides = array<i32>} : memref<168x128xf32, #tpu.memory_space<vmem>>, vector<1x16xf32>,
        %get3A_1820 = vector.shape_cast %get3A_1819 : vector<1x16xf32> to vector<16xf32>
        %mul3A_1821 = arith.mulf %add3A_443, %get3A_1820 : vector<16xf32>
        %add3A_1822 = arith.addf %add3A_1816, %mul3A_1821 : vector<16xf32>
        %get3A_1823 = arith.index_cast %add3A_1805 : i32 to index
        %get3A_1824 = arith.constant 48 : index
        %get3A_1825 = tpu.vector_load %arg12[%get3A_1823, %get3A_1824] {strides = array<i32>} : memref<168x128xf32, #tpu.memory_space<vmem>>, vector<1x16xf32>,
        %get3A_1826 = vector.shape_cast %get3A_1825 : vector<1x16xf32> to vector<16xf32>
        %mul3A_1827 = arith.mulf %add3A_530, %get3A_1826 : vector<16xf32>
        %add3A_1828 = arith.addf %add3A_1822, %mul3A_1827 : vector<16xf32>
        %get3A_1829 = arith.index_cast %add3A_1805 : i32 to index
        %get3A_1830 = arith.constant 64 : index
        %get3A_1831 = tpu.vector_load %arg12[%get3A_1829, %get3A_1830] {strides = array<i32>} : memref<168x128xf32, #tpu.memory_space<vmem>>, vector<1x16xf32>,
        %get3A_1832 = vector.shape_cast %get3A_1831 : vector<1x16xf32> to vector<16xf32>
        %mul3A_1833 = arith.mulf %add3A_617, %get3A_1832 : vector<16xf32>
        %add3A_1834 = arith.addf %add3A_1828, %mul3A_1833 : vector<16xf32>
        %get3A_1835 = arith.index_cast %add3A_1805 : i32 to index
        %get3A_1836 = arith.constant 80 : index
        %get3A_1837 = tpu.vector_load %arg12[%get3A_1835, %get3A_1836] {strides = array<i32>} : memref<168x128xf32, #tpu.memory_space<vmem>>, vector<1x16xf32>,
        %get3A_1838 = vector.shape_cast %get3A_1837 : vector<1x16xf32> to vector<16xf32>
        %mul3A_1839 = arith.mulf %add3A_704, %get3A_1838 : vector<16xf32>
        %add3A_1840 = arith.addf %add3A_1834, %mul3A_1839 : vector<16xf32>
        %get3A_1841 = arith.index_cast %add3A_1805 : i32 to index
        %get3A_1842 = arith.constant 96 : index
        %get3A_1843 = tpu.vector_load %arg12[%get3A_1841, %get3A_1842] {strides = array<i32>} : memref<168x128xf32, #tpu.memory_space<vmem>>, vector<1x16xf32>,
        %get3A_1844 = vector.shape_cast %get3A_1843 : vector<1x16xf32> to vector<16xf32>
        %mul3A_1845 = arith.mulf %add3A_791, %get3A_1844 : vector<16xf32>
        %add3A_1846 = arith.addf %add3A_1840, %mul3A_1845 : vector<16xf32>
        %get3A_1847 = arith.index_cast %add3A_1805 : i32 to index
        %get3A_1848 = arith.constant 112 : index
        %get3A_1849 = tpu.vector_load %arg12[%get3A_1847, %get3A_1848] {strides = array<i32>} : memref<168x128xf32, #tpu.memory_space<vmem>>, vector<1x16xf32>,
        %get3A_1850 = vector.shape_cast %get3A_1849 : vector<1x16xf32> to vector<16xf32>
        %mul3A_1851 = arith.mulf %add3A_878, %get3A_1850 : vector<16xf32>
        %add3A_1852 = arith.addf %add3A_1846, %mul3A_1851 : vector<16xf32>
        %swap3A_1853 = arith.index_cast %scan3A_183 : i32 to index
        %swap3A_1854 = arith.constant 256 : index
        %swap3A_1855 = tpu.vector_load %arg14[%swap3A_1853, %swap3A_1854] {strides = array<i32>} : memref<8x336xf32, #tpu.memory_space<vmem>>, vector<1x16xf32>,
        %swap3A_1856 = vector.shape_cast %swap3A_1855 : vector<1x16xf32> to vector<16xf32>
        %swap3A_1857 = vector.shape_cast %add3A_1852 : vector<16xf32> to vector<1x16xf32>
        tpu.vector_store %arg14[%swap3A_1853, %swap3A_1854], %swap3A_1857 {strides = array<i32>} : memref<8x336xf32, #tpu.memory_space<vmem>>, vector<1x16xf32>,
        %mul3A_1858 = arith.constant 20 : i32
        %mul3A_1859 = arith.muli %scan3A_183, %mul3A_1858 : i32
        %add3A_1860 = arith.constant 8 : i32
        %add3A_1861 = arith.addi %add3A_1860, %mul3A_1859 : i32
        %add3A_1862 = arith.constant 16 : i32
        %add3A_1863 = arith.addi %add3A_1861, %add3A_1862 : i32
        %get3A_1864 = arith.index_cast %add3A_1863 : i32 to index
        %get3A_1865 = arith.constant 0 : index
        %get3A_1866 = tpu.vector_load %arg12[%get3A_1864, %get3A_1865] {strides = array<i32>} : memref<168x128xf32, #tpu.memory_space<vmem>>, vector<1x16xf32>,
        %get3A_1867 = vector.shape_cast %get3A_1866 : vector<1x16xf32> to vector<16xf32>
        %mul3A_1868 = arith.mulf %add3A_269, %get3A_1867 : vector<16xf32>
        %get3A_1869 = arith.index_cast %add3A_1863 : i32 to index
        %get3A_1870 = arith.constant 16 : index
        %get3A_1871 = tpu.vector_load %arg12[%get3A_1869, %get3A_1870] {strides = array<i32>} : memref<168x128xf32, #tpu.memory_space<vmem>>, vector<1x16xf32>,
        %get3A_1872 = vector.shape_cast %get3A_1871 : vector<1x16xf32> to vector<16xf32>
        %mul3A_1873 = arith.mulf %add3A_356, %get3A_1872 : vector<16xf32>
        %add3A_1874 = arith.addf %mul3A_1868, %mul3A_1873 : vector<16xf32>
        %get3A_1875 = arith.index_cast %add3A_1863 : i32 to index
        %get3A_1876 = arith.constant 32 : index
        %get3A_1877 = tpu.vector_load %arg12[%get3A_1875, %get3A_1876] {strides = array<i32>} : memref<168x128xf32, #tpu.memory_space<vmem>>, vector<1x16xf32>,
        %get3A_1878 = vector.shape_cast %get3A_1877 : vector<1x16xf32> to vector<16xf32>
        %mul3A_1879 = arith.mulf %add3A_443, %get3A_1878 : vector<16xf32>
        %add3A_1880 = arith.addf %add3A_1874, %mul3A_1879 : vector<16xf32>
        %get3A_1881 = arith.index_cast %add3A_1863 : i32 to index
        %get3A_1882 = arith.constant 48 : index
        %get3A_1883 = tpu.vector_load %arg12[%get3A_1881, %get3A_1882] {strides = array<i32>} : memref<168x128xf32, #tpu.memory_space<vmem>>, vector<1x16xf32>,
        %get3A_1884 = vector.shape_cast %get3A_1883 : vector<1x16xf32> to vector<16xf32>
        %mul3A_1885 = arith.mulf %add3A_530, %get3A_1884 : vector<16xf32>
        %add3A_1886 = arith.addf %add3A_1880, %mul3A_1885 : vector<16xf32>
        %get3A_1887 = arith.index_cast %add3A_1863 : i32 to index
        %get3A_1888 = arith.constant 64 : index
        %get3A_1889 = tpu.vector_load %arg12[%get3A_1887, %get3A_1888] {strides = array<i32>} : memref<168x128xf32, #tpu.memory_space<vmem>>, vector<1x16xf32>,
        %get3A_1890 = vector.shape_cast %get3A_1889 : vector<1x16xf32> to vector<16xf32>
        %mul3A_1891 = arith.mulf %add3A_617, %get3A_1890 : vector<16xf32>
        %add3A_1892 = arith.addf %add3A_1886, %mul3A_1891 : vector<16xf32>
        %get3A_1893 = arith.index_cast %add3A_1863 : i32 to index
        %get3A_1894 = arith.constant 80 : index
        %get3A_1895 = tpu.vector_load %arg12[%get3A_1893, %get3A_1894] {strides = array<i32>} : memref<168x128xf32, #tpu.memory_space<vmem>>, vector<1x16xf32>,
        %get3A_1896 = vector.shape_cast %get3A_1895 : vector<1x16xf32> to vector<16xf32>
        %mul3A_1897 = arith.mulf %add3A_704, %get3A_1896 : vector<16xf32>
        %add3A_1898 = arith.addf %add3A_1892, %mul3A_1897 : vector<16xf32>
        %get3A_1899 = arith.index_cast %add3A_1863 : i32 to index
        %get3A_1900 = arith.constant 96 : index
        %get3A_1901 = tpu.vector_load %arg12[%get3A_1899, %get3A_1900] {strides = array<i32>} : memref<168x128xf32, #tpu.memory_space<vmem>>, vector<1x16xf32>,
        %get3A_1902 = vector.shape_cast %get3A_1901 : vector<1x16xf32> to vector<16xf32>
        %mul3A_1903 = arith.mulf %add3A_791, %get3A_1902 : vector<16xf32>
        %add3A_1904 = arith.addf %add3A_1898, %mul3A_1903 : vector<16xf32>
        %get3A_1905 = arith.index_cast %add3A_1863 : i32 to index
        %get3A_1906 = arith.constant 112 : index
        %get3A_1907 = tpu.vector_load %arg12[%get3A_1905, %get3A_1906] {strides = array<i32>} : memref<168x128xf32, #tpu.memory_space<vmem>>, vector<1x16xf32>,
        %get3A_1908 = vector.shape_cast %get3A_1907 : vector<1x16xf32> to vector<16xf32>
        %mul3A_1909 = arith.mulf %add3A_878, %get3A_1908 : vector<16xf32>
        %add3A_1910 = arith.addf %add3A_1904, %mul3A_1909 : vector<16xf32>
        %swap3A_1911 = arith.index_cast %scan3A_183 : i32 to index
        %swap3A_1912 = arith.constant 272 : index
        %swap3A_1913 = tpu.vector_load %arg14[%swap3A_1911, %swap3A_1912] {strides = array<i32>} : memref<8x336xf32, #tpu.memory_space<vmem>>, vector<1x16xf32>,
        %swap3A_1914 = vector.shape_cast %swap3A_1913 : vector<1x16xf32> to vector<16xf32>
        %swap3A_1915 = vector.shape_cast %add3A_1910 : vector<16xf32> to vector<1x16xf32>
        tpu.vector_store %arg14[%swap3A_1911, %swap3A_1912], %swap3A_1915 {strides = array<i32>} : memref<8x336xf32, #tpu.memory_space<vmem>>, vector<1x16xf32>,
        %mul3A_1916 = arith.constant 20 : i32
        %mul3A_1917 = arith.muli %scan3A_183, %mul3A_1916 : i32
        %add3A_1918 = arith.constant 8 : i32
        %add3A_1919 = arith.addi %add3A_1918, %mul3A_1917 : i32
        %add3A_1920 = arith.constant 17 : i32
        %add3A_1921 = arith.addi %add3A_1919, %add3A_1920 : i32
        %get3A_1922 = arith.index_cast %add3A_1921 : i32 to index
        %get3A_1923 = arith.constant 0 : index
        %get3A_1924 = tpu.vector_load %arg12[%get3A_1922, %get3A_1923] {strides = array<i32>} : memref<168x128xf32, #tpu.memory_space<vmem>>, vector<1x16xf32>,
        %get3A_1925 = vector.shape_cast %get3A_1924 : vector<1x16xf32> to vector<16xf32>
        %mul3A_1926 = arith.mulf %add3A_269, %get3A_1925 : vector<16xf32>
        %get3A_1927 = arith.index_cast %add3A_1921 : i32 to index
        %get3A_1928 = arith.constant 16 : index
        %get3A_1929 = tpu.vector_load %arg12[%get3A_1927, %get3A_1928] {strides = array<i32>} : memref<168x128xf32, #tpu.memory_space<vmem>>, vector<1x16xf32>,
        %get3A_1930 = vector.shape_cast %get3A_1929 : vector<1x16xf32> to vector<16xf32>
        %mul3A_1931 = arith.mulf %add3A_356, %get3A_1930 : vector<16xf32>
        %add3A_1932 = arith.addf %mul3A_1926, %mul3A_1931 : vector<16xf32>
        %get3A_1933 = arith.index_cast %add3A_1921 : i32 to index
        %get3A_1934 = arith.constant 32 : index
        %get3A_1935 = tpu.vector_load %arg12[%get3A_1933, %get3A_1934] {strides = array<i32>} : memref<168x128xf32, #tpu.memory_space<vmem>>, vector<1x16xf32>,
        %get3A_1936 = vector.shape_cast %get3A_1935 : vector<1x16xf32> to vector<16xf32>
        %mul3A_1937 = arith.mulf %add3A_443, %get3A_1936 : vector<16xf32>
        %add3A_1938 = arith.addf %add3A_1932, %mul3A_1937 : vector<16xf32>
        %get3A_1939 = arith.index_cast %add3A_1921 : i32 to index
        %get3A_1940 = arith.constant 48 : index
        %get3A_1941 = tpu.vector_load %arg12[%get3A_1939, %get3A_1940] {strides = array<i32>} : memref<168x128xf32, #tpu.memory_space<vmem>>, vector<1x16xf32>,
        %get3A_1942 = vector.shape_cast %get3A_1941 : vector<1x16xf32> to vector<16xf32>
        %mul3A_1943 = arith.mulf %add3A_530, %get3A_1942 : vector<16xf32>
        %add3A_1944 = arith.addf %add3A_1938, %mul3A_1943 : vector<16xf32>
        %get3A_1945 = arith.index_cast %add3A_1921 : i32 to index
        %get3A_1946 = arith.constant 64 : index
        %get3A_1947 = tpu.vector_load %arg12[%get3A_1945, %get3A_1946] {strides = array<i32>} : memref<168x128xf32, #tpu.memory_space<vmem>>, vector<1x16xf32>,
        %get3A_1948 = vector.shape_cast %get3A_1947 : vector<1x16xf32> to vector<16xf32>
        %mul3A_1949 = arith.mulf %add3A_617, %get3A_1948 : vector<16xf32>
        %add3A_1950 = arith.addf %add3A_1944, %mul3A_1949 : vector<16xf32>
        %get3A_1951 = arith.index_cast %add3A_1921 : i32 to index
        %get3A_1952 = arith.constant 80 : index
        %get3A_1953 = tpu.vector_load %arg12[%get3A_1951, %get3A_1952] {strides = array<i32>} : memref<168x128xf32, #tpu.memory_space<vmem>>, vector<1x16xf32>,
        %get3A_1954 = vector.shape_cast %get3A_1953 : vector<1x16xf32> to vector<16xf32>
        %mul3A_1955 = arith.mulf %add3A_704, %get3A_1954 : vector<16xf32>
        %add3A_1956 = arith.addf %add3A_1950, %mul3A_1955 : vector<16xf32>
        %get3A_1957 = arith.index_cast %add3A_1921 : i32 to index
        %get3A_1958 = arith.constant 96 : index
        %get3A_1959 = tpu.vector_load %arg12[%get3A_1957, %get3A_1958] {strides = array<i32>} : memref<168x128xf32, #tpu.memory_space<vmem>>, vector<1x16xf32>,
        %get3A_1960 = vector.shape_cast %get3A_1959 : vector<1x16xf32> to vector<16xf32>
        %mul3A_1961 = arith.mulf %add3A_791, %get3A_1960 : vector<16xf32>
        %add3A_1962 = arith.addf %add3A_1956, %mul3A_1961 : vector<16xf32>
        %get3A_1963 = arith.index_cast %add3A_1921 : i32 to index
        %get3A_1964 = arith.constant 112 : index
        %get3A_1965 = tpu.vector_load %arg12[%get3A_1963, %get3A_1964] {strides = array<i32>} : memref<168x128xf32, #tpu.memory_space<vmem>>, vector<1x16xf32>,
        %get3A_1966 = vector.shape_cast %get3A_1965 : vector<1x16xf32> to vector<16xf32>
        %mul3A_1967 = arith.mulf %add3A_878, %get3A_1966 : vector<16xf32>
        %add3A_1968 = arith.addf %add3A_1962, %mul3A_1967 : vector<16xf32>
        %swap3A_1969 = arith.index_cast %scan3A_183 : i32 to index
        %swap3A_1970 = arith.constant 288 : index
        %swap3A_1971 = tpu.vector_load %arg14[%swap3A_1969, %swap3A_1970] {strides = array<i32>} : memref<8x336xf32, #tpu.memory_space<vmem>>, vector<1x16xf32>,
        %swap3A_1972 = vector.shape_cast %swap3A_1971 : vector<1x16xf32> to vector<16xf32>
        %swap3A_1973 = vector.shape_cast %add3A_1968 : vector<16xf32> to vector<1x16xf32>
        tpu.vector_store %arg14[%swap3A_1969, %swap3A_1970], %swap3A_1973 {strides = array<i32>} : memref<8x336xf32, #tpu.memory_space<vmem>>, vector<1x16xf32>,
        %mul3A_1974 = arith.constant 20 : i32
        %mul3A_1975 = arith.muli %scan3A_183, %mul3A_1974 : i32
        %add3A_1976 = arith.constant 8 : i32
        %add3A_1977 = arith.addi %add3A_1976, %mul3A_1975 : i32
        %add3A_1978 = arith.constant 18 : i32
        %add3A_1979 = arith.addi %add3A_1977, %add3A_1978 : i32
        %get3A_1980 = arith.index_cast %add3A_1979 : i32 to index
        %get3A_1981 = arith.constant 0 : index
        %get3A_1982 = tpu.vector_load %arg12[%get3A_1980, %get3A_1981] {strides = array<i32>} : memref<168x128xf32, #tpu.memory_space<vmem>>, vector<1x16xf32>,
        %get3A_1983 = vector.shape_cast %get3A_1982 : vector<1x16xf32> to vector<16xf32>
        %mul3A_1984 = arith.mulf %add3A_269, %get3A_1983 : vector<16xf32>
        %get3A_1985 = arith.index_cast %add3A_1979 : i32 to index
        %get3A_1986 = arith.constant 16 : index
        %get3A_1987 = tpu.vector_load %arg12[%get3A_1985, %get3A_1986] {strides = array<i32>} : memref<168x128xf32, #tpu.memory_space<vmem>>, vector<1x16xf32>,
        %get3A_1988 = vector.shape_cast %get3A_1987 : vector<1x16xf32> to vector<16xf32>
        %mul3A_1989 = arith.mulf %add3A_356, %get3A_1988 : vector<16xf32>
        %add3A_1990 = arith.addf %mul3A_1984, %mul3A_1989 : vector<16xf32>
        %get3A_1991 = arith.index_cast %add3A_1979 : i32 to index
        %get3A_1992 = arith.constant 32 : index
        %get3A_1993 = tpu.vector_load %arg12[%get3A_1991, %get3A_1992] {strides = array<i32>} : memref<168x128xf32, #tpu.memory_space<vmem>>, vector<1x16xf32>,
        %get3A_1994 = vector.shape_cast %get3A_1993 : vector<1x16xf32> to vector<16xf32>
        %mul3A_1995 = arith.mulf %add3A_443, %get3A_1994 : vector<16xf32>
        %add3A_1996 = arith.addf %add3A_1990, %mul3A_1995 : vector<16xf32>
        %get3A_1997 = arith.index_cast %add3A_1979 : i32 to index
        %get3A_1998 = arith.constant 48 : index
        %get3A_1999 = tpu.vector_load %arg12[%get3A_1997, %get3A_1998] {strides = array<i32>} : memref<168x128xf32, #tpu.memory_space<vmem>>, vector<1x16xf32>,
        %get3A_2000 = vector.shape_cast %get3A_1999 : vector<1x16xf32> to vector<16xf32>
        %mul3A_2001 = arith.mulf %add3A_530, %get3A_2000 : vector<16xf32>
        %add3A_2002 = arith.addf %add3A_1996, %mul3A_2001 : vector<16xf32>
        %get3A_2003 = arith.index_cast %add3A_1979 : i32 to index
        %get3A_2004 = arith.constant 64 : index
        %get3A_2005 = tpu.vector_load %arg12[%get3A_2003, %get3A_2004] {strides = array<i32>} : memref<168x128xf32, #tpu.memory_space<vmem>>, vector<1x16xf32>,
        %get3A_2006 = vector.shape_cast %get3A_2005 : vector<1x16xf32> to vector<16xf32>
        %mul3A_2007 = arith.mulf %add3A_617, %get3A_2006 : vector<16xf32>
        %add3A_2008 = arith.addf %add3A_2002, %mul3A_2007 : vector<16xf32>
        %get3A_2009 = arith.index_cast %add3A_1979 : i32 to index
        %get3A_2010 = arith.constant 80 : index
        %get3A_2011 = tpu.vector_load %arg12[%get3A_2009, %get3A_2010] {strides = array<i32>} : memref<168x128xf32, #tpu.memory_space<vmem>>, vector<1x16xf32>,
        %get3A_2012 = vector.shape_cast %get3A_2011 : vector<1x16xf32> to vector<16xf32>
        %mul3A_2013 = arith.mulf %add3A_704, %get3A_2012 : vector<16xf32>
        %add3A_2014 = arith.addf %add3A_2008, %mul3A_2013 : vector<16xf32>
        %get3A_2015 = arith.index_cast %add3A_1979 : i32 to index
        %get3A_2016 = arith.constant 96 : index
        %get3A_2017 = tpu.vector_load %arg12[%get3A_2015, %get3A_2016] {strides = array<i32>} : memref<168x128xf32, #tpu.memory_space<vmem>>, vector<1x16xf32>,
        %get3A_2018 = vector.shape_cast %get3A_2017 : vector<1x16xf32> to vector<16xf32>
        %mul3A_2019 = arith.mulf %add3A_791, %get3A_2018 : vector<16xf32>
        %add3A_2020 = arith.addf %add3A_2014, %mul3A_2019 : vector<16xf32>
        %get3A_2021 = arith.index_cast %add3A_1979 : i32 to index
        %get3A_2022 = arith.constant 112 : index
        %get3A_2023 = tpu.vector_load %arg12[%get3A_2021, %get3A_2022] {strides = array<i32>} : memref<168x128xf32, #tpu.memory_space<vmem>>, vector<1x16xf32>,
        %get3A_2024 = vector.shape_cast %get3A_2023 : vector<1x16xf32> to vector<16xf32>
        %mul3A_2025 = arith.mulf %add3A_878, %get3A_2024 : vector<16xf32>
        %add3A_2026 = arith.addf %add3A_2020, %mul3A_2025 : vector<16xf32>
        %swap3A_2027 = arith.index_cast %scan3A_183 : i32 to index
        %swap3A_2028 = arith.constant 304 : index
        %swap3A_2029 = tpu.vector_load %arg14[%swap3A_2027, %swap3A_2028] {strides = array<i32>} : memref<8x336xf32, #tpu.memory_space<vmem>>, vector<1x16xf32>,
        %swap3A_2030 = vector.shape_cast %swap3A_2029 : vector<1x16xf32> to vector<16xf32>
        %swap3A_2031 = vector.shape_cast %add3A_2026 : vector<16xf32> to vector<1x16xf32>
        tpu.vector_store %arg14[%swap3A_2027, %swap3A_2028], %swap3A_2031 {strides = array<i32>} : memref<8x336xf32, #tpu.memory_space<vmem>>, vector<1x16xf32>,
        %mul3A_2032 = arith.constant 20 : i32
        %mul3A_2033 = arith.muli %scan3A_183, %mul3A_2032 : i32
        %add3A_2034 = arith.constant 8 : i32
        %add3A_2035 = arith.addi %add3A_2034, %mul3A_2033 : i32
        %add3A_2036 = arith.constant 19 : i32
        %add3A_2037 = arith.addi %add3A_2035, %add3A_2036 : i32
        %get3A_2038 = arith.index_cast %add3A_2037 : i32 to index
        %get3A_2039 = arith.constant 0 : index
        %get3A_2040 = tpu.vector_load %arg12[%get3A_2038, %get3A_2039] {strides = array<i32>} : memref<168x128xf32, #tpu.memory_space<vmem>>, vector<1x16xf32>,
        %get3A_2041 = vector.shape_cast %get3A_2040 : vector<1x16xf32> to vector<16xf32>
        %mul3A_2042 = arith.mulf %add3A_269, %get3A_2041 : vector<16xf32>
        %get3A_2043 = arith.index_cast %add3A_2037 : i32 to index
        %get3A_2044 = arith.constant 16 : index
        %get3A_2045 = tpu.vector_load %arg12[%get3A_2043, %get3A_2044] {strides = array<i32>} : memref<168x128xf32, #tpu.memory_space<vmem>>, vector<1x16xf32>,
        %get3A_2046 = vector.shape_cast %get3A_2045 : vector<1x16xf32> to vector<16xf32>
        %mul3A_2047 = arith.mulf %add3A_356, %get3A_2046 : vector<16xf32>
        %add3A_2048 = arith.addf %mul3A_2042, %mul3A_2047 : vector<16xf32>
        %get3A_2049 = arith.index_cast %add3A_2037 : i32 to index
        %get3A_2050 = arith.constant 32 : index
        %get3A_2051 = tpu.vector_load %arg12[%get3A_2049, %get3A_2050] {strides = array<i32>} : memref<168x128xf32, #tpu.memory_space<vmem>>, vector<1x16xf32>,
        %get3A_2052 = vector.shape_cast %get3A_2051 : vector<1x16xf32> to vector<16xf32>
        %mul3A_2053 = arith.mulf %add3A_443, %get3A_2052 : vector<16xf32>
        %add3A_2054 = arith.addf %add3A_2048, %mul3A_2053 : vector<16xf32>
        %get3A_2055 = arith.index_cast %add3A_2037 : i32 to index
        %get3A_2056 = arith.constant 48 : index
        %get3A_2057 = tpu.vector_load %arg12[%get3A_2055, %get3A_2056] {strides = array<i32>} : memref<168x128xf32, #tpu.memory_space<vmem>>, vector<1x16xf32>,
        %get3A_2058 = vector.shape_cast %get3A_2057 : vector<1x16xf32> to vector<16xf32>
        %mul3A_2059 = arith.mulf %add3A_530, %get3A_2058 : vector<16xf32>
        %add3A_2060 = arith.addf %add3A_2054, %mul3A_2059 : vector<16xf32>
        %get3A_2061 = arith.index_cast %add3A_2037 : i32 to index
        %get3A_2062 = arith.constant 64 : index
        %get3A_2063 = tpu.vector_load %arg12[%get3A_2061, %get3A_2062] {strides = array<i32>} : memref<168x128xf32, #tpu.memory_space<vmem>>, vector<1x16xf32>,
        %get3A_2064 = vector.shape_cast %get3A_2063 : vector<1x16xf32> to vector<16xf32>
        %mul3A_2065 = arith.mulf %add3A_617, %get3A_2064 : vector<16xf32>
        %add3A_2066 = arith.addf %add3A_2060, %mul3A_2065 : vector<16xf32>
        %get3A_2067 = arith.index_cast %add3A_2037 : i32 to index
        %get3A_2068 = arith.constant 80 : index
        %get3A_2069 = tpu.vector_load %arg12[%get3A_2067, %get3A_2068] {strides = array<i32>} : memref<168x128xf32, #tpu.memory_space<vmem>>, vector<1x16xf32>,
        %get3A_2070 = vector.shape_cast %get3A_2069 : vector<1x16xf32> to vector<16xf32>
        %mul3A_2071 = arith.mulf %add3A_704, %get3A_2070 : vector<16xf32>
        %add3A_2072 = arith.addf %add3A_2066, %mul3A_2071 : vector<16xf32>
        %get3A_2073 = arith.index_cast %add3A_2037 : i32 to index
        %get3A_2074 = arith.constant 96 : index
        %get3A_2075 = tpu.vector_load %arg12[%get3A_2073, %get3A_2074] {strides = array<i32>} : memref<168x128xf32, #tpu.memory_space<vmem>>, vector<1x16xf32>,
        %get3A_2076 = vector.shape_cast %get3A_2075 : vector<1x16xf32> to vector<16xf32>
        %mul3A_2077 = arith.mulf %add3A_791, %get3A_2076 : vector<16xf32>
        %add3A_2078 = arith.addf %add3A_2072, %mul3A_2077 : vector<16xf32>
        %get3A_2079 = arith.index_cast %add3A_2037 : i32 to index
        %get3A_2080 = arith.constant 112 : index
        %get3A_2081 = tpu.vector_load %arg12[%get3A_2079, %get3A_2080] {strides = array<i32>} : memref<168x128xf32, #tpu.memory_space<vmem>>, vector<1x16xf32>,
        %get3A_2082 = vector.shape_cast %get3A_2081 : vector<1x16xf32> to vector<16xf32>
        %mul3A_2083 = arith.mulf %add3A_878, %get3A_2082 : vector<16xf32>
        %add3A_2084 = arith.addf %add3A_2078, %mul3A_2083 : vector<16xf32>
        %swap3A_2085 = arith.index_cast %scan3A_183 : i32 to index
        %swap3A_2086 = arith.constant 320 : index
        %swap3A_2087 = tpu.vector_load %arg14[%swap3A_2085, %swap3A_2086] {strides = array<i32>} : memref<8x336xf32, #tpu.memory_space<vmem>>, vector<1x16xf32>,
        %swap3A_2088 = vector.shape_cast %swap3A_2087 : vector<1x16xf32> to vector<16xf32>
        %swap3A_2089 = vector.shape_cast %add3A_2084 : vector<16xf32> to vector<1x16xf32>
        tpu.vector_store %arg14[%swap3A_2085, %swap3A_2086], %swap3A_2089 {strides = array<i32>} : memref<8x336xf32, #tpu.memory_space<vmem>>, vector<1x16xf32>,
      }
      %scan3A_175 = arith.constant 8 : i32
      %mul3A_176 = arith.constant 8 : i32
      %mul3A_177 = arith.muli %add3A_53, %mul3A_176 : i32
      %add3A_178 = arith.addi %mul3A_2, %mul3A_177 : i32
      %dma_start3A_179 = arith.constant 0 : i32
      %dma_start3A_180 = tpu.memref_slice %arg6[%add3A_178, %dma_start3A_179] : memref<4096x336xf32, #tpu.memory_space<hbm>> -> memref<8x336xf32, #tpu.memory_space<hbm>>
      %dma_start3A_181 = arith.constant 0 : i32
      %dma_start3A_182 = tpu.memref_slice %arg6[%add3A_178, %dma_start3A_181] : memref<4096x336xf32, #tpu.memory_space<hbm>> -> memref<8x336xf32, #tpu.memory_space<hbm>>
      tpu.enqueue_dma source(%arg14 : memref<8x336xf32, #tpu.memory_space<vmem>>) target(%dma_start3A_182 : memref<8x336xf32, #tpu.memory_space<hbm>>) target_semaphore(%arg18 : memref<!tpu.dma_semaphore, #tpu.memory_space<semaphore_mem>>)
    }
    %scan3A_39 = arith.constant 8 : i32
    %dma_wait3A = arith.constant 0 : i32
    %dma_wait3A_40 = tpu.memref_slice %arg6[%mul3A_2, %dma_wait3A] : memref<4096x336xf32, #tpu.memory_space<hbm>> -> memref<8x336xf32, #tpu.memory_space<hbm>>
    %dma_wait3A_41 = arith.constant 0 : i32
    %dma_wait3A_42 = tpu.memref_slice %arg6[%mul3A_2, %dma_wait3A_41] : memref<4096x336xf32, #tpu.memory_space<hbm>> -> memref<8x336xf32, #tpu.memory_space<hbm>>
    tpu.wait_dma2 semaphore(%arg17 : memref<!tpu.dma_semaphore, #tpu.memory_space<semaphore_mem>>) src(%arg13 : memref<8x336xf32, #tpu.memory_space<vmem>>) dst(%dma_wait3A_42 : memref<8x336xf32, #tpu.memory_space<hbm>>)
    %dma_wait3A_43 = arith.constant 0 : i32
    %dma_wait3A_44 = tpu.memref_slice %arg6[%mul3A_2, %dma_wait3A_43] : memref<4096x336xf32, #tpu.memory_space<hbm>> -> memref<8x336xf32, #tpu.memory_space<hbm>>
    %dma_wait3A_45 = arith.constant 0 : i32
    %dma_wait3A_46 = tpu.memref_slice %arg6[%mul3A_2, %dma_wait3A_45] : memref<4096x336xf32, #tpu.memory_space<hbm>> -> memref<8x336xf32, #tpu.memory_space<hbm>>
    tpu.wait_dma2 semaphore(%arg18 : memref<!tpu.dma_semaphore, #tpu.memory_space<semaphore_mem>>) src(%arg14 : memref<8x336xf32, #tpu.memory_space<vmem>>) dst(%dma_wait3A_46 : memref<8x336xf32, #tpu.memory_space<hbm>>)
    return
  }
}

module attributes {stable_mosaic.version = 14 : i64} {
  func.func @_tc_loss_kernel(%arg0: memref<4096x336xf32, #tpu.memory_space<vmem>>, %arg1: memref<1x1xf32, #tpu.memory_space<smem>>) attributes {dimension_semantics = [], scalar_prefetch = 0 : i64, scratch_operands = 0 : i64, tpu.core_type = #tpu.core_type<tc>} {
    %get3A = arith.constant 0 : index
    %get3A_0 = arith.constant 0 : index
    %get3A_1 = vector.load %arg0[%get3A, %get3A_0] : memref<4096x336xf32, #tpu.memory_space<vmem>>, vector<4096x336xf32>
    %iota3A = tpu.iota {dimensions = array<i32: 0>} : vector<336x21xi32>
    %jit3A = arith.constant 16 : i32
    %div3A = vector.broadcast %jit3A : i32 to vector<336x21xi32>
    %div3A_2 = arith.divsi %iota3A, %div3A : vector<336x21xi32>
    %sign3A = arith.constant 0 : i32
    %sign3A_3 = vector.broadcast %sign3A : i32 to vector<336x21xi32>
    %sign3A_4 = arith.cmpi sgt, %iota3A, %sign3A_3 : vector<336x21xi32>
    %sign3A_5 = arith.extui %sign3A_4 : vector<336x21xi1> to vector<336x21xi32>
    %sign3A_6 = arith.constant 0 : i32
    %sign3A_7 = vector.broadcast %sign3A_6 : i32 to vector<336x21xi32>
    %sign3A_8 = arith.cmpi slt, %iota3A, %sign3A_7 : vector<336x21xi32>
    %sign3A_9 = arith.extui %sign3A_8 : vector<336x21xi1> to vector<336x21xi32>
    %sign3A_10 = arith.subi %sign3A_5, %sign3A_9 : vector<336x21xi32>
    %sign3A_11 = arith.constant 0 : i32
    %sign3A_12 = arith.cmpi sgt, %jit3A, %sign3A_11 : i32
    %sign3A_13 = arith.extui %sign3A_12 : i1 to i32
    %sign3A_14 = arith.constant 0 : i32
    %sign3A_15 = arith.cmpi slt, %jit3A, %sign3A_14 : i32
    %sign3A_16 = arith.extui %sign3A_15 : i1 to i32
    %sign3A_17 = arith.subi %sign3A_13, %sign3A_16 : i32
    %ne3A = vector.broadcast %sign3A_17 : i32 to vector<336x21xi32>
    %ne3A_18 = arith.cmpi ne, %sign3A_10, %ne3A : vector<336x21xi32>
    %rem3A = vector.broadcast %jit3A : i32 to vector<336x21xi32>
    %rem3A_19 = arith.remsi %iota3A, %rem3A : vector<336x21xi32>
    %ne3A_20 = arith.constant 0 : i32
    %ne3A_21 = vector.broadcast %ne3A_20 : i32 to vector<336x21xi32>
    %ne3A_22 = arith.cmpi ne, %rem3A_19, %ne3A_21 : vector<336x21xi32>
    %and3A = arith.andi %ne3A_18, %ne3A_22 : vector<336x21xi1>
    %sub3A = arith.constant 1 : i32
    %sub3A_23 = vector.broadcast %sub3A : i32 to vector<336x21xi32>
    %sub3A_24 = arith.subi %div3A_2, %sub3A_23 : vector<336x21xi32>
    %select_n3A = arith.select %and3A, %sub3A_24, %div3A_2 : vector<336x21xi1>, vector<336x21xi32>
    %iota3A_25 = tpu.iota {dimensions = array<i32: 1>} : vector<336x21xi32>
    %eq3A = arith.constant 0 : i32
    %eq3A_26 = vector.broadcast %eq3A : i32 to vector<336x21xi32>
    %eq3A_27 = arith.cmpi eq, %iota3A_25, %eq3A_26 : vector<336x21xi32>
    %jit3A_28 = arith.constant 1.000000e-01 : f32
    %jit3A_29 = arith.constant -1.000000e-01 : f32
    %broadcast_in_dim3A = vector.broadcast %jit3A_28 : f32 to vector<336x21xf32>
    %broadcast_in_dim3A_30 = vector.broadcast %jit3A_29 : f32 to vector<336x21xf32>
    %select_n3A_31 = arith.select %eq3A_27, %broadcast_in_dim3A, %broadcast_in_dim3A_30 : vector<336x21xi1>, vector<336x21xf32>
    %eq3A_32 = arith.cmpi eq, %select_n3A, %iota3A_25 : vector<336x21xi32>
    %jit3A_33 = arith.constant 0.000000e+00 : f32
    %broadcast_in_dim3A_34 = vector.broadcast %jit3A_33 : f32 to vector<336x21xf32>
    %select_n3A_35 = arith.select %eq3A_32, %select_n3A_31, %broadcast_in_dim3A_34 : vector<336x21xi1>, vector<336x21xf32>
    %dot_general3A = arith.constant dense<0.000000e+00> : vector<4096x21xf32>
    %dot_general3A_36 = tpu.matmul %get3A_1, %select_n3A_35, %dot_general3A {dimension_numbers = #tpu.dot_dimension_numbers<[1], [0], [0], [1], [0, 0, 1, 1], [], []>, precision = #tpu.contract_precision<fp32>, transpose_lhs_hint = false} : vector<4096x336xf32>, vector<336x21xf32>, vector<4096x21xf32> -> vector<4096x21xf32>
    %neg3A = arith.constant 0.000000e+00 : f32
    %neg3A_37 = vector.broadcast %neg3A : f32 to vector<4096x21xf32>
    %neg3A_38 = arith.subf %neg3A_37, %dot_general3A_36 : vector<4096x21xf32>
    %exp3A = math.exp %neg3A_38 : vector<4096x21xf32>
    %add3A = arith.constant 1.000000e+00 : f32
    %add3A_39 = vector.broadcast %add3A : f32 to vector<4096x21xf32>
    %add3A_40 = arith.addf %add3A_39, %exp3A : vector<4096x21xf32>
    %div3A_41 = arith.constant 1.000000e+00 : f32
    %div3A_42 = vector.broadcast %div3A_41 : f32 to vector<4096x21xf32>
    %div3A_43 = arith.divf %div3A_42, %add3A_40 : vector<4096x21xf32>
    %add3A_44 = arith.constant 1.000000e-10 : f32
    %add3A_45 = vector.broadcast %add3A_44 : f32 to vector<4096x21xf32>
    %add3A_46 = arith.addf %div3A_43, %add3A_45 : vector<4096x21xf32>
    %log3A = math.log %add3A_46 : vector<4096x21xf32>
    %reduce_sum3A = vector.shape_cast %log3A : vector<4096x21xf32> to vector<1x4096x21xf32>
    %reduce_sum3A_47 = arith.constant dense<0.000000e+00> : vector<1xf32>
    %reduce_sum3A_48 = vector.multi_reduction <add>, %reduce_sum3A, %reduce_sum3A_47 [1, 2] : vector<1x4096x21xf32> to vector<1xf32>
    %reduce_sum3A_49 = vector.shape_cast %reduce_sum3A_48 : vector<1xf32> to vector<1x1x1xf32>
    %reduce_sum3A_50 = vector.extract %reduce_sum3A_49[0, 0, 0] : f32 from vector<1x1x1xf32>
    %neg3A_51 = arith.constant 0.000000e+00 : f32
    %neg3A_52 = arith.subf %neg3A_51, %reduce_sum3A_50 : f32
    %div3A_53 = arith.constant 4.096000e+03 : f32
    %div3A_54 = arith.divf %neg3A_52, %div3A_53 : f32
    %swap3A = arith.constant 0 : index
    %swap3A_55 = arith.constant 0 : index
    %swap3A_56 = memref.load %arg1[%swap3A, %swap3A_55] : memref<1x1xf32, #tpu.memory_space<smem>>
    memref.store %div3A_54, %arg1[%swap3A, %swap3A_55] : memref<1x1xf32, #tpu.memory_space<smem>>
    return
  }
}

</mosaic_0001>

<sc_bundles>
// kernel: kernel.4.cloned.1.call-start
scs
__scs_entry_jumppad:
0x0: {  	(pc) =	sbr.rel $0x88, $3  }
0x1: {  	(tag) =	ssettag $0x0;
	lr =	simm.s32 $0x1  }
0x2: {  	[smem:$0x3F9C] =	sst lr;
	_ =	strace $0xD0000000  }
0x3: {  	_ = 	snop  }
0x4: {  	_ = 	snop  }
0x5: {  	_ = 	snop  }
0x6: {  	_ = 	snop  }
0x7: {  	_ = 	snop  }
__scs_overlays_trampoline_lowered:
0x8: {  	[smem:$0x3FAB] =	sst s0  }
0x9: {  	[smem:$0x3FAC] =	sst s1  }
0xa: {  	[smem:$0x3FAD] =	sst s2  }
0xb: {  	[smem:$0x3FAE] =	sst s3  }
0xc: {  	[smem:$0x3FAF] =	sst s4  }
0xd: {  	[smem:$0x3FB0] =	sst s5  }
0xe: {  	[smem:$0x3FB1] =	sst s6  }
0xf: {  	[smem:$0x3FB2] =	sst s7  }
0x10: {  	[smem:$0x3FB3] =	sst s8  }
0x11: {  	[smem:$0x3FB4] =	sst s9;
	s0 =	simm.s32 @!p0 $0x0  }
0x12: {  	s1 =	sld [smem:$0x3F9A];
	s0 =	simm.s32 @p0 $0x1  }
0x13: {  	[smem:$0x3FB5] =	sst s0;
	s0 =	simm.s32 @!p1 $0x0  }
0x14: {  	s2 =	sld [smem:$0x3F99];
	s0 =	simm.s32 @p1 $0x1  }
0x15: {  	[smem:$0x3FB6] =	sst s0;
	s0 =	simm.s32 @!p2 $0x0  }
0x16: {  	s3 =	sld [smem:$0x3FDB];
	s0 =	simm.s32 @p2 $0x1  }
0x17: {  	s4 =	simm.s32 $0x1BF5;
	[smem:$0x3FB8] =	sst s0  }
0x18: {  	s0 =	sld [smem:$0x3F9B];
	_ =	swait.ge [sflag:s4], $0x0  }
0x19: {  	s7 =	sld [smem:$0x3F9C]  }
0x1a: {  	s8 =	sadd.s32 $0xFFFFE003, lr  }
0x1b: {  	s9 =	sadd.s32 $0xFFFFFEF7, lr;
	s5 =	simm.s32 $0xFFFFFFFF;
	p2 =	slt.u32 s8, $0xFFFFF086  }
0x1c: {  	p1 =	slt.u32 s9, $0xF7A;
	s5 =	simm.s32 @!p2 $0x0  }
0x1d: {  	s5 =	simm.s32 @p1 $0x1;
	p0 =	seq.s32 s7, s2  }
0x1e: {  	s7 =	smul.u32 @!p0 $0xF7A, s2;
	p2 =	seq.s32 @!p0 s5, $0x0  }
0x1f: {  	s9 =	smul.u32 $0xF7A, s1;
	s8 =	simm.s32 @!p0 $0x1BF5;
	p2 =	por !p2, p0  }
0x20: {  	[sflag:s8] =	ssyncset.s32 @!p0 $0xFFFFF086;
	s6 =	sadd.s32 @!p0 s3, s7;
	s7 =	simm.s32 @!p0 $0x108  }
0x21: {  	s3 =	sadd.s32 s3, s9;
	s6 =	sadd.s32 @!p0 $0x88, s6;
	s7 =	simm.s32 @p2 $0x1082  }
0x22: {  	[simem:s7], [sflag:s8] =	dma.local @!p0 [hbm:s6], $0xF7A  }
0x23: {  	s9 =	sor.u32 $0xD0000000, s2;
	s6 =	simm.s32 $0x108;
	_ =	swait.ge @!p0 [sflag:s8], $0x0  }
0x24: {  	s3 =	sadd.s32 $0x88, s3;
	s6 =	simm.s32 @!p1 $0x1082;
	[sflag:s4] =	ssyncset.s32 $0xFFFFF086  }
0x25: {  	[simem:s6], [sflag:s4] =	dma.local [hbm:s3], $0xF7A  }
0x26: {  	[smem:$0x3F9C] =	sst s1;
	(tag) =	ssettag s2;
	_ =	strace s9  }
0x27: {  	s1 =	sld [smem:$0x3FAC]  }
0x28: {  	s2 =	sld [smem:$0x3FAD]  }
0x29: {  	s4 =	sld [smem:$0x3FAF]  }
0x2a: {  	p0 =	seq.s32 s5, $0x0;
	s5 =	sld [smem:$0x3FB0]  }
0x2b: {  	s6 =	sld [smem:$0x3FB1]  }
0x2c: {  	s7 =	sld [smem:$0x3FB2]  }
0x2d: {  	s3 =	simm.s32 $0x108;
	s8 =	sld [smem:$0x3FB3]  }
0x2e: {  	s3 =	simm.s32 @!p0 $0x1082;
	s9 =	sld [smem:$0x3FB4]  }
0x2f: {  	lr =	sadd.s32 s0, s3;
	s0 =	sld [smem:$0x3FAB]  }
0x30: {  	s3 =	sld [smem:$0x3FAE]  }
0x31: {  	[smem:$0x3FB7] =	sst s10  }
0x32: {  	s10 =	sld [smem:$0x3FB5];
	_ =	sdelay $0x3  }
0x33: {  	p0 =	seq.s32 s10, $0x1;
	s10 =	sld [smem:$0x3FB7];
	_ =	sdelay $0x3  }
0x34: {  	[smem:$0x3FB7] =	sst s10  }
0x35: {  	s10 =	sld [smem:$0x3FB6];
	_ =	sdelay $0x3  }
0x36: {  	p1 =	seq.s32 s10, $0x1;
	s10 =	sld [smem:$0x3FB7];
	_ =	sdelay $0x3  }
0x37: {  	[smem:$0x3FB7] =	sst s10  }
0x38: {  	s10 =	sld [smem:$0x3FB8]  }
0x39: {  	_ = 	snop;
	(pc) =	sbr.ind lr, $3  }
0x3a: {  	_ = 	snop  }
0x3b: {  	_ = 	snop  }
0x3c: {  	p2 =	seq.s32 s10, $0x1;
	s10 =	sld [smem:$0x3FB7]  }
0x3d: {  	_ =	shalt  }
0x3e: {  	_ =	shalt  }
0x3f: {  	_ =	shalt  }
0x40: {  	_ =	shalt  }
0x41: {  	_ =	shalt  }
0x42: {  	_ =	shalt  }
0x43: {  	_ =	shalt  }
0x44: {  	_ =	shalt  }
0x45: {  	_ =	shalt  }
0x46: {  	_ =	shalt  }
0x47: {  	_ =	shalt  }
0x48: {  	_ =	shalt  }
0x49: {  	_ =	shalt  }
0x4a: {  	_ =	shalt  }
0x4b: {  	_ =	shalt  }
0x4c: {  	_ =	shalt  }
0x4d: {  	_ =	shalt  }
0x4e: {  	_ =	shalt  }
0x4f: {  	_ =	shalt  }
0x50: {  	_ =	shalt  }
0x51: {  	_ =	shalt  }
0x52: {  	_ =	shalt  }
0x53: {  	_ =	shalt  }
0x54: {  	_ =	shalt  }
0x55: {  	_ =	shalt  }
0x56: {  	_ =	shalt  }
0x57: {  	_ =	shalt  }
0x58: {  	_ =	shalt  }
0x59: {  	_ =	shalt  }
0x5a: {  	_ =	shalt  }
0x5b: {  	_ =	shalt  }
0x5c: {  	_ =	shalt  }
0x5d: {  	_ =	shalt  }
0x5e: {  	_ =	shalt  }
0x5f: {  	_ =	shalt  }
0x60: {  	_ =	shalt  }
0x61: {  	_ =	shalt  }
0x62: {  	_ =	shalt  }
0x63: {  	_ =	shalt  }
0x64: {  	_ =	shalt  }
0x65: {  	_ =	shalt  }
0x66: {  	_ =	shalt  }
0x67: {  	_ =	shalt  }
0x68: {  	_ =	shalt  }
0x69: {  	_ =	shalt  }
0x6a: {  	_ =	shalt  }
0x6b: {  	_ =	shalt  }
0x6c: {  	_ =	shalt  }
0x6d: {  	_ =	shalt  }
0x6e: {  	_ =	shalt  }
0x6f: {  	_ =	shalt  }
0x70: {  	_ =	shalt  }
0x71: {  	_ =	shalt  }
0x72: {  	_ =	shalt  }
0x73: {  	_ =	shalt  }
0x74: {  	_ =	shalt  }
0x75: {  	_ =	shalt  }
0x76: {  	_ =	shalt  }
0x77: {  	_ =	shalt  }
0x78: {  	_ =	shalt  }
0x79: {  	_ =	shalt  }
0x7a: {  	_ =	shalt  }
0x7b: {  	_ =	shalt  }
0x7c: {  	_ =	shalt  }
0x7d: {  	_ =	shalt  }
0x7e: {  	_ =	shalt  }
0x7f: {  	_ =	shalt  }
0x80: {  	_ =	shalt  }
0x81: {  	_ =	shalt  }
0x82: {  	_ =	shalt  }
0x83: {  	_ =	shalt  }
0x84: {  	_ =	shalt  }
0x85: {  	_ =	shalt  }
0x86: {  	_ =	shalt  }
0x87: {  	_ =	shalt  }
.Lfunc_end0:
.L_simem_size_0:
called_computation_lowered:
.L_overlay_start_0:
0x88: {  	s2 =	sld [smem:$0x3FD9]  }
0x89: {  	s3 =	sld [smem:$0x3FFE];
	_ =	sdelay $0x1  }
0x8a: {  	s1 =	srdreg.scid  }
0x8b: {  	s0 =	sand.u32 $0x1, s1  }
0x8c: {  	s17 =	sshll.u32 s0, $0xA;
	s2 =	sadd.s32 s3, s2  }
0x8d: {  	s2 =	sadd.s32 s2, s17  }
0x8e: {  	[smem:$0x3FC3] =	sst s2  }
0x8f: {  	_ = 	snop  }
0x90: {  	s2 =	sld [smem:$0x3FC6]  }
0x91: {  	s18 =	sld [smem:$0x3FC5];
	(tm) =	ssettm $0x1  }
0x92: {  	s4 =	sld [smem:$0x3FFB];
	_ =	sdelay $0x3  }
0x93: {  	_ =	strace s4  }
0x94: {  	s4 =	sld [smem:$0x3FFC];
	_ =	sdelay $0x3  }
0x95: {  	_ =	strace s4  }
0x96: {  	s4 =	sld [smem:$0x3FFD];
	_ =	sdelay $0x3  }
0x97: {  	_ =	strace s4  }
0x98: {  	_ =	strace $0x8FFFFFFF  }
0x99: {  	s19 =	sld [smem:$0x3FDB];
	_ =	sdelay $0x1  }
0x9a: {  	s5 =	simm.s32 $_scs_section_size  }
0x9b: {  	s6 =	simm.s32 $_size__tile_overlayer_lowered;
	s7 =	simm.s32 $_tile_overlayer_lowered  }
0x9c: {  	s22 =	simm.s32 $0x1BFF;
	s21 =	sshll.u32 s7, $0x1;
	s4 =	sadd.s32 s5, s19  }
0x9d: {  	s8 =	simm.s32 $0x0;
	s20 =	sshll.u32 s6, $0x1;
	s6 =	sadd.s32 s21, s4  }
0x9e: {  	[timem:s8], [sflag:s22] =	dma.local [hbm:s6], s20  }
0x9f: {  	_ =	swait.ge [sflag:s22], s20  }
0xa0: {  	s5 =	ssub.s32 $0x0, s20;
	[sflag:s22] =	ssyncset.done $0x0  }
0xa1: {  	[sflag:s22] =	ssyncadd.s32 s5;
	_ =	sdelay $0x1  }
0xa2: {  	s23 =	simm.s32 $0x1B8B  }
0xa3: {  	_ =	swait.ge [sflag:s23], $0x1  }
0xa4: {  	[sflag:s23] =	ssyncset.done $0x0  }
0xa5: {  	s25 =	simm.s32 $0x1B8E;
	s24 =	sld [smem:$0x3FFE];
	[sflag:s23] =	ssyncadd.s32 $0xFFFFFFFF  }
0xa6: {  	s26 =	simm.s32 $execute0_lowered;
	[smem:$0x3FD2] =	sst s25  }
0xa7: {  	s6 =	sshll.u32 s26, $0x1;
	_ =	strace $0x80000046;
	[dreg:$0x1] =	wrdreg $0xFFFFFFFF  }
0xa8: {  	s28 =	simm.s32 $_size_execute0_lowered;
	s4 =	sadd.s32 s4, s6;
	[dreg:$0x0] =	wrdreg $0x0  }
0xa9: {  	s6 =	sshll.u32 s28, $0x1;
	[dreg:$0x2] =	wrdreg s4  }
0xaa: {  	[dreg:$0x3] =	wrdreg s6  }
0xab: {  	[dreg:$0x4] =	wrdreg $0xC0  }
0xac: {  	_ =	task [dreg:s8], $0x5FFFF  }
0xad: {  	[dreg:$0x1] =	wrdreg $0xFFFFFFFF  }
0xae: {  	[dreg:$0x0] =	wrdreg $0x60  }
0xaf: {  	[dreg:$0x2] =	wrdreg s24  }
0xb0: {  	[dreg:$0x3] =	wrdreg s2  }
0xb1: {  	[dreg:$0x4] =	wrdreg s18  }
0xb2: {  	[dreg:$0x5] =	wrdreg $0x9  }
0xb3: {  	_ =	task.clear_ibuf [dreg:s8], $0x6FFFF;
	_ =	strace $0x90000046  }
0xb4: {  	s29 =	simm.s32 $0x9;
	_ =	strace $0x80000048  }
0xb5: {  	_ =	swait.ge [sflag:s29], $0x1  }
0xb6: {  	[sflag:s29] =	ssyncadd.s32 $0xFFFFFFFF  }
0xb7: {  	_ =	strace $0x90000048  }
0xb8: {  	_ =	sfence  }
0xb9: {  	s30 =	sld [smem:$0x0];
	_ =	sdelay $0x2  }
0xba: {  	s31 =	sshll.u32 s1, $0xD;
	s1 =	sshrl.u32 s1, $0x2  }
0xbb: {  	s3 =	sand.u32 $0x4000, s31;
	s1 =	sadd.s32 s1, s30  }
0xbc: {  	s0 =	sor.u32 s3, s0;
	s1 =	sshll.u32 s1, $0x11  }
0xbd: {  	s0 =	sor.u32 s1, s0  }
0xbe: {  	s0 =	sadd.s32 $0x8F2B, s0  }
0xbf: {  	[sflag:s0] =	ssyncadd.remote.s32 $0x1  }
0xc0: {  	_ =	sfence.sel $0xFFFF  }
0xc1: {  	[dreg:$0x0] =	wrdreg $0xFFFFFFFF;
	(pc) =	sbr.abs _section_cstart, $3  }
0xc2: {  	[dreg:$0x1] =	wrdreg $0xFFFFFFFF  }
0xc3: {  	_ =	task.clear_ibuf [dreg:s8], $0x2FFFF;
	_ =	strace $0x9FFFFFFF  }
0xc4: {  	(tm) =	ssettm $0x7FFFFFFF  }
0xc5: {  	_ =	shalt  }
tec
execute0_lowered:
.L_overlay_start_1:
0x0: {  	(tag) =	ssettag $0x1  }
0x1: {  	s0 =	rddreg [dreg:$0x0]  }
0x2: {  	s1 =	rddreg [dreg:$0x1]  }
0x3: {  	s3 =	rddreg [dreg:$0x2];
	s4 =	simm.s32 $0x0  }
0x4: {  	s2 =	srdreg.scid;
	s5 =	stileid.u32;
	s10 =	simm.s32 $0x5  }
0x5: {  	s11 =	simm.s32 $0x800;
	s12 =	simm.s32 $0x50;
	s14 =	simm.s32 $0x54  }
0x6: {  	s15 =	simm.s32 $0x4000;
	s16 =	simm.s32 $0x880;
	s17 =	simm.s32 $0x6A00  }
0x7: {  	s18 =	simm.s32 $0x9400;
	s19 =	simm.s32 $0xBC00;
	s20 =	simm.s32 $0xE600  }
0x8: {  	s21 =	simm.s32 $0x1;
	s22 =	simm.s32 $0x11000;
	s23 =	simm.s32 $0x2  }
0x9: {  	s24 =	simm.s32 $0x11C00;
	s25 =	simm.s32 $0x3;
	s26 =	simm.s32 $0x4  }
0xa: {  	[smem:$0x7FF] =	sst s4;
	s2 =	sand.u32 $0x1, s2;
	s5 =	sshll.u32 s5, $0x1  }
0xb: {  	s28 =	simm.s32 $0x0;
	_ =	strace $0x80000047;
	s6 =	sor.u32 s2, s5  }
0xc: {  	s2 =	ssub.s32 $0x2, s2;
	s5 =	sshll.u32 s6, $0x8;
	s7 =	sshll.u32 s6, $0x9  }
0xd: {  	s30 =	sshrl.u32 s2, $0x1;
	s6 =	sshll.u32 s6, $0x4;
	s8 =	sadd.s32 s5, s0  }
0xe: {  	s9 =	sadd.s32 s7, s0;
	s5 =	sadd.s32 $0x6600, s0;
	s31 =	ssub.s32 s2, s30  }
0xf: {  	s7 =	sadd.s32 $0x600, s8;
	s8 =	sadd.s32 $0x2600, s9;
	s9 =	smax.u32 s31, $0x1  }
.LBB2_1:
0x10: {  	[tilespmem:s4], [sflag:$0x5] =	stream.linear.gather [hbm4b:s7+s4], $0x800, $0x38;
	[tilespmem:$0x12800] =	vst v63  }
0x11: {  	_ =	swait.ge [sflag:s10], $0x800  }
0x12: {  	[sflag:s10] =	ssyncset.done $0x0  }
0x13: {  	[sflag:s10] =	ssyncadd.s32 $0xFFFFF800  }
0x14: {  	[tilespmem:s11], [sflag:$0x5] =	stream.linear.gather [hbm4b:s8+s4], $0x1000, $0x38;
	[tilespmem:$0x12800] =	vst v63  }
0x15: {  	_ =	swait.ge [sflag:s10], $0x1000  }
0x16: {  	[sflag:s10] =	ssyncset.done $0x0  }
0x17: {  	s0 =	simm.s32 $0x1800;
	[sflag:s10] =	ssyncadd.s32 $0xFFFFF000  }
0x18: {  	[tilespmem:s0], [sflag:$0x1] =	stream.indirect.gather [hbm4b:s1+s12], $0x80, s4, s12, $0xb8;
	[tilespmem:$0x12800] =	vst v63  }
0x19: {  	_ = 	snop  }
0x1a: {  	[tilespmem:s15], [sflag:$0x1] =	stream.indirect.gather [hbm4b:s3+s14], $0x80, s11, s14, $0xb8;
	[tilespmem:$0x12800] =	vst v63  }
0x1b: {  	s29 =	simm.s32 $0x0  }
0x1c: {  	[tilespmem:s17], [sflag:$0x1] =	stream.indirect.gather [hbm4b:s3+s14], $0x80, s16, s14, $0xb8;
	[tilespmem:$0x12800] =	vst v63  }
.LBB2_2:
0x1d: {  	s30 =	sshllo.u32 s29, $0x1  }
0x1e: {  	s0 =	sshll.u32 s30, $0x7  }
0x1f: {  	s13 =	sshll.u32 s30, $0x8;
	s0 =	sand.u32 $0x3FFFFF80, s0  }
0x20: {  	[tilespmem:s18], [sflag:$0x2] =	stream.indirect.gather [hbm4b:s1+s12], $0x80, s0, s12, $0xb8;
	[tilespmem:$0x12800] =	vst v63  }
0x21: {  	s0 =	sand.u32 $0x3FFFFF00, s13  }
0x22: {  	s2 =	sadd.s32 $0x800, s0  }
0x23: {  	[tilespmem:s19], [sflag:$0x2] =	stream.indirect.gather [hbm4b:s3+s14], $0x80, s2, s14, $0xb8;
	[tilespmem:$0x12800] =	vst v63  }
0x24: {  	s0 =	sadd.s32 $0x880, s0  }
0x25: {  	[tilespmem:s20], [sflag:$0x2] =	stream.indirect.gather [hbm4b:s3+s14], $0x80, s0, s14, $0xb8;
	[tilespmem:$0x12800] =	vst v63  }
0x26: {  	_ =	swait.ge [sflag:s21], $0x2800  }
0x27: {  	[sflag:s21] =	ssyncset.done $0x0  }
0x28: {  	[sflag:s21] =	ssyncadd.s32 $0xFFFFD800  }
0x29: {  	_ =	swait.ge [sflag:s21], $0x2A00  }
0x2a: {  	[sflag:s21] =	ssyncset.done $0x0  }
0x2b: {  	[sflag:s21] =	ssyncadd.s32 $0xFFFFD600  }
0x2c: {  	_ =	swait.ge [sflag:s21], $0x2A00  }
0x2d: {  	p0 =	seq.s32 s29, $0x0;
	[sflag:s21] =	ssyncset.done $0x0  }
0x2e: {  	s0 =	simm.s32 @!p0 $0x3;
	[sflag:s21] =	ssyncadd.s32 $0xFFFFD600  }
0x2f: {  	_ =	swait.ge @!p0 [sflag:s0], $0xC00  }
0x30: {  	[sflag:s0] =	ssyncset.done @!p0 $0x0  }
0x31: {  	s31 =	sshll.u32 s29, $0x1;
	[sflag:s0] =	ssyncadd.s32 @!p0 $0xFFFFF400;
	s0 =	simm.s32 $0x0  }
.LBB2_3:
0x32: {  	s2 =	smul.u32 $0x1400, s0;
	_ =	sdelay $0x1  }
0x33: {  	s13 =	sshra.s32 s2, $0x2  }
0x34: {  	v0 =	vld [tilespmem:s13+$0x1800]  }
0x35: {  	v1 =	vld [tilespmem:s13+$0x1880]  }
0x36: {  	v2 =	vld [tilespmem:s13+$0x1900]  }
0x37: {  	v3 =	vld [tilespmem:s13+$0x1980]  }
0x38: {  	v4 =	vld [tilespmem:s13+$0x1A00]  }
0x39: {  	v5 =	vld [tilespmem:s13+$0x1A80]  }
0x3a: {  	v6 =	vld [tilespmem:s13+$0x1B00]  }
0x3b: {  	v7 =	vld [tilespmem:s13+$0x1B80]  }
0x3c: {  	v8 =	vld [tilespmem:s13+$0x1C00]  }
0x3d: {  	v9 =	vld [tilespmem:s13+$0x1C80]  }
0x3e: {  	v10 =	vld [tilespmem:s13+$0x1810]  }
0x3f: {  	v11 =	vld [tilespmem:s13+$0x1890]  }
0x40: {  	v12 =	vld [tilespmem:s13+$0x1910]  }
0x41: {  	v13 =	vld [tilespmem:s13+$0x1990]  }
0x42: {  	v14 =	vld [tilespmem:s13+$0x1A10]  }
0x43: {  	v15 =	vld [tilespmem:s13+$0x1A90]  }
0x44: {  	v16 =	vld [tilespmem:s13+$0x1B10]  }
0x45: {  	v17 =	vld [tilespmem:s13+$0x1B90]  }
0x46: {  	v18 =	vld [tilespmem:s13+$0x1C10]  }
0x47: {  	v19 =	vld [tilespmem:s13+$0x1C90]  }
0x48: {  	v20 =	vld [tilespmem:s13+$0x1820]  }
0x49: {  	v21 =	vld [tilespmem:s13+$0x18A0]  }
0x4a: {  	v22 =	vld [tilespmem:s13+$0x1920]  }
0x4b: {  	v23 =	vld [tilespmem:s13+$0x19A0]  }
0x4c: {  	v24 =	vld [tilespmem:s13+$0x1A20]  }
0x4d: {  	v25 =	vld [tilespmem:s13+$0x1AA0]  }
0x4e: {  	v26 =	vld [tilespmem:s13+$0x1B20]  }
0x4f: {  	v27 =	vld [tilespmem:s13+$0x1BA0]  }
0x50: {  	v28 =	vld [tilespmem:s13+$0x1C20]  }
0x51: {  	v29 =	vld [tilespmem:s13+$0x1CA0]  }
0x52: {  	v30 =	vld [tilespmem:s13+$0x1830]  }
0x53: {  	v31 =	vld [tilespmem:s13+$0x18B0]  }
0x54: {  	v32 =	vld [tilespmem:s13+$0x1930]  }
0x55: {  	v33 =	vld [tilespmem:s13+$0x19B0]  }
0x56: {  	v34 =	vld [tilespmem:s13+$0x1A30]  }
0x57: {  	v35 =	vld [tilespmem:s13+$0x1AB0]  }
0x58: {  	v36 =	vld [tilespmem:s13+$0x1B30]  }
0x59: {  	v37 =	vld [tilespmem:s13+$0x1BB0]  }
0x5a: {  	v38 =	vld [tilespmem:s13+$0x1C30]  }
0x5b: {  	v39 =	vld [tilespmem:s13+$0x1CB0]  }
0x5c: {  	v40 =	vld [tilespmem:s13+$0x1840]  }
0x5d: {  	v41 =	vld [tilespmem:s13+$0x18C0]  }
0x5e: {  	v42 =	vld [tilespmem:s13+$0x1940]  }
0x5f: {  	v43 =	vld [tilespmem:s13+$0x19C0]  }
0x60: {  	v44 =	vld [tilespmem:s13+$0x1A40]  }
0x61: {  	v45 =	vld [tilespmem:s13+$0x1AC0]  }
0x62: {  	v46 =	vld [tilespmem:s13+$0x1B40]  }
0x63: {  	v47 =	vld [tilespmem:s13+$0x1BC0]  }
0x64: {  	v48 =	vld [tilespmem:s13+$0x1C40]  }
0x65: {  	v49 =	vld [tilespmem:s13+$0x1CC0]  }
0x66: {  	v62 =	vld [tilespmem:s13+$0x18D0]  }
0x67: {  	v50 =	vld [tilespmem:s13+$0x1CD0];
	v0 =	vadd.f32 v1, v0  }
0x68: {  	v51 =	vld [tilespmem:s13+$0x1860];
	v63 =	vadd.f32 v11, v10  }
0x69: {  	v52 =	vld [tilespmem:s13+$0x18E0];
	v21 =	vadd.f32 v21, v20;
	v0 =	vadd.f32 v2, v0  }
0x6a: {  	v53 =	vld [tilespmem:s13+$0x1960];
	v31 =	vadd.f32 v31, v30;
	v54 =	vadd.f32 v41, v40  }
0x6b: {  	v55 =	vld [tilespmem:s13+$0x19E0];
	v1 =	vadd.f32 v12, v63;
	v0 =	vadd.f32 v3, v0  }
0x6c: {  	v56 =	vld [tilespmem:s13+$0x1A60];
	v2 =	vadd.f32 v22, v21;
	v20 =	vadd.f32 v42, v54  }
0x6d: {  	v57 =	vld [tilespmem:s13+$0x1AE0];
	v1 =	vadd.f32 v13, v1;
	v0 =	vadd.f32 v4, v0  }
0x6e: {  	v58 =	vld [tilespmem:s13+$0x1B60];
	v2 =	vadd.f32 v23, v2;
	v20 =	vadd.f32 v43, v20  }
0x6f: {  	v3 =	vld [tilespmem:s13+$0x1850];
	v1 =	vadd.f32 v14, v1;
	v0 =	vadd.f32 v5, v0  }
0x70: {  	v59 =	vld [tilespmem:s13+$0x1BE0];
	v2 =	vadd.f32 v24, v2;
	v20 =	vadd.f32 v44, v20  }
0x71: {  	v10 =	vld [tilespmem:s13+$0x1950];
	v1 =	vadd.f32 v15, v1;
	v0 =	vadd.f32 v6, v0  }
0x72: {  	v60 =	vld [tilespmem:s13+$0x1C60];
	v2 =	vadd.f32 v25, v2;
	v20 =	vadd.f32 v45, v20  }
0x73: {  	v5 =	vld [tilespmem:s13+$0x19D0];
	v0 =	vadd.f32 v7, v0;
	v7 =	vadd.f32 v32, v31  }
0x74: {  	v61 =	vld [tilespmem:s13+$0x1870];
	v3 =	vadd.f32 v62, v3;
	v1 =	vadd.f32 v16, v1  }
0x75: {  	v11 =	vld [tilespmem:s13+$0x1A50];
	v2 =	vadd.f32 v26, v2;
	v7 =	vadd.f32 v33, v7  }
0x76: {  	v62 =	vld [tilespmem:s13+$0x18F0];
	v10 =	vadd.f32 v10, v3;
	v1 =	vadd.f32 v17, v1  }
0x77: {  	s2 =	sshll.u32 s0, $0x7;
	v30 =	vld [tilespmem:s13+$0x1A70];
	v2 =	vadd.f32 v27, v2;
	v7 =	vadd.f32 v34, v7  }
0x78: {  	v40 =	vld [tilespmem:s2+$0x4040];
	v5 =	vadd.f32 v5, v10;
	v0 =	vadd.f32 v8, v0  }
0x79: {  	v12 =	vld [tilespmem:s13+$0x1B50];
	v1 =	vadd.f32 v18, v1;
	v7 =	vadd.f32 v35, v7  }
0x7a: {  	v13 =	vld [tilespmem:s13+$0x1BD0];
	v2 =	vadd.f32 v28, v2;
	v28 =	vadd.f32 v46, v20  }
0x7b: {  	v27 =	vld [tilespmem:s13+$0x1970];
	v4 =	vadd.f32 v62, v61;
	v7 =	vadd.f32 v36, v7  }
0x7c: {  	v14 =	vld [tilespmem:s13+$0x1C50];
	v0 =	vadd.f32 v9, v0;
	v9 =	vadd.f32 v52, v51  }
0x7d: {  	v6 =	vld [tilespmem:s13+$0x1AD0];
	v5 =	vadd.f32 v11, v5;
	v7 =	vadd.f32 v37, v7  }
0x7e: {  	v2 =	vadd.f32 v29, v2;
	v29 =	vld [tilespmem:s13+$0x19F0];
	v9 =	vadd.f32 v53, v9  }
0x7f: {  	v31 =	vld [tilespmem:s2+$0x4000];
	v1 =	vadd.f32 v19, v1;
	v7 =	vadd.f32 v38, v7  }
0x80: {  	v32 =	vld [tilespmem:s2+$0x4010];
	v15 =	vadd.f32 v27, v4;
	v9 =	vadd.f32 v55, v9  }
0x81: {  	v33 =	vld [tilespmem:s13+$0x1AF0];
	v3 =	vadd.f32 v39, v7;
	v7 =	vadd.f32 v47, v28  }
0x82: {  	v5 =	vadd.f32 v6, v5;
	v35 =	vld [tilespmem:s2+$0x4020];
	v34 =	vadd.f32 v56, v9  }
0x83: {  	v36 =	vadd.f32 v29, v15;
	v37 =	vld [tilespmem:s13+$0x1B70];
	v7 =	vadd.f32 v48, v7  }
0x84: {  	v16 =	vmul.f32 v31, v0;
	v5 =	vadd.f32 v12, v5;
	v6 =	vadd.f32 v57, v34;
	v38 =	vld [tilespmem:s2+$0x4030]  }
0x85: {  	v41 =	vld [tilespmem:s13+$0x1C70];
	v11 =	vmul.f32 v32, v1;
	v4 =	vadd.f32 v49, v7;
	v7 =	vadd.f32 v30, v36  }
0x86: {  	v5 =	vadd.f32 v13, v5;
	v39 =	vld [tilespmem:s13+$0x1BF0];
	v6 =	vadd.f32 v58, v6  }
0x87: {  	v63 =	vld [tilespmem:s13+$0x1CE0];
	v11 =	vadd.f32 v11, v16;
	v9 =	vmul.f32 v35, v2;
	v7 =	vadd.f32 v33, v7  }
0x88: {  	v42 =	vld [tilespmem:s2+$0x4050];
	v5 =	vadd.f32 v14, v5;
	v6 =	vadd.f32 v59, v6  }
0x89: {  	v43 =	vld [tilespmem:s13+$0x1CF0];
	v9 =	vadd.f32 v9, v11;
	v12 =	vmul.f32 v38, v3;
	v7 =	vadd.f32 v37, v7  }
0x8a: {  	v44 =	vld [tilespmem:s2+$0x4060];
	v5 =	vadd.f32 v50, v5;
	v6 =	vadd.f32 v60, v6  }
0x8b: {  	v9 =	vadd.f32 v12, v9;
	v45 =	vmul.f32 v40, v4;
	v7 =	vadd.f32 v39, v7  }
0x8c: {  	v46 =	vld [tilespmem:s2+$0x4070];
	v6 =	vadd.f32 v63, v6  }
0x8d: {  	v47 =	vmul.f32 v42, v5;
	v9 =	vadd.f32 v45, v9;
	v7 =	vadd.f32 v41, v7;
	_ =	sdelay $0x1  }
0x8e: {  	v8 =	vmul.f32 v44, v6;
	v9 =	vadd.f32 v47, v9;
	v7 =	vadd.f32 v43, v7;
	_ =	sdelay $0x1  }
0x8f: {  	v8 =	vadd.f32 v8, v9;
	v48 =	vmul.f32 v46, v7;
	_ =	sdelay $0x1  }
0x90: {  	s13 =	smul.u32 $0x2800, s0;
	v8 =	vadd.f32 v48, v8;
	_ =	sdelay $0x1  }
0x91: {  	s13 =	sshra.s32 s13, $0x2;
	[tilespmem:s2+$0x11000] =	vst v8  }
0x92: {  	v8 =	vld [tilespmem:s13+$0x4400]  }
0x93: {  	v49 =	vld [tilespmem:s13+$0x4410];
	_ =	sdelay $0x1  }
0x94: {  	v50 =	vld [tilespmem:s13+$0x4420];
	_ =	sdelay $0x1  }
0x95: {  	v51 =	vld [tilespmem:s13+$0x4430]  }
0x96: {  	v8 =	vmul.f32 v8, v0;
	v9 =	vmul.f32 v49, v1  }
0x97: {  	v52 =	vld [tilespmem:s13+$0x4440]  }
0x98: {  	v53 =	vmul.f32 v50, v2;
	v8 =	vadd.f32 v9, v8  }
0x99: {  	v54 =	vld [tilespmem:s13+$0x4450]  }
0x9a: {  	v55 =	vmul.f32 v51, v3;
	v8 =	vadd.f32 v53, v8  }
0x9b: {  	v56 =	vld [tilespmem:s13+$0x4460]  }
0x9c: {  	v57 =	vmul.f32 v52, v4;
	v8 =	vadd.f32 v55, v8  }
0x9d: {  	v58 =	vld [tilespmem:s13+$0x4470]  }
0x9e: {  	v59 =	vmul.f32 v54, v5;
	v8 =	vadd.f32 v57, v8;
	_ =	sdelay $0x1  }
0x9f: {  	v60 =	vmul.f32 v56, v6;
	v8 =	vadd.f32 v59, v8;
	_ =	sdelay $0x1  }
0xa0: {  	v61 =	vmul.f32 v58, v7;
	v8 =	vadd.f32 v60, v8;
	_ =	sdelay $0x1  }
0xa1: {  	v8 =	vadd.f32 v61, v8;
	_ =	sdelay $0x1  }
0xa2: {  	[tilespmem:s2+$0x11010] =	vst v8  }
0xa3: {  	v8 =	vld [tilespmem:s13+$0x4480]  }
0xa4: {  	v62 =	vld [tilespmem:s13+$0x4490];
	_ =	sdelay $0x1  }
0xa5: {  	v63 =	vld [tilespmem:s13+$0x44A0];
	_ =	sdelay $0x1  }
0xa6: {  	v16 =	vld [tilespmem:s13+$0x44B0]  }
0xa7: {  	v8 =	vmul.f32 v8, v0;
	v9 =	vmul.f32 v62, v1  }
0xa8: {  	v17 =	vld [tilespmem:s13+$0x44C0]  }
0xa9: {  	v18 =	vmul.f32 v63, v2;
	v8 =	vadd.f32 v9, v8  }
0xaa: {  	v19 =	vld [tilespmem:s13+$0x44D0]  }
0xab: {  	v20 =	vmul.f32 v16, v3;
	v8 =	vadd.f32 v18, v8  }
0xac: {  	v21 =	vld [tilespmem:s13+$0x44E0]  }
0xad: {  	v22 =	vmul.f32 v17, v4;
	v8 =	vadd.f32 v20, v8  }
0xae: {  	v23 =	vld [tilespmem:s13+$0x44F0]  }
0xaf: {  	v24 =	vmul.f32 v19, v5;
	v8 =	vadd.f32 v22, v8;
	_ =	sdelay $0x1  }
0xb0: {  	v25 =	vmul.f32 v21, v6;
	v8 =	vadd.f32 v24, v8;
	_ =	sdelay $0x1  }
0xb1: {  	v26 =	vmul.f32 v23, v7;
	v8 =	vadd.f32 v25, v8;
	_ =	sdelay $0x1  }
0xb2: {  	v8 =	vadd.f32 v26, v8;
	_ =	sdelay $0x1  }
0xb3: {  	[tilespmem:s2+$0x11020] =	vst v8  }
0xb4: {  	v8 =	vld [tilespmem:s13+$0x4500]  }
0xb5: {  	v27 =	vld [tilespmem:s13+$0x4510];
	_ =	sdelay $0x1  }
0xb6: {  	v28 =	vld [tilespmem:s13+$0x4520];
	_ =	sdelay $0x1  }
0xb7: {  	v29 =	vld [tilespmem:s13+$0x4530]  }
0xb8: {  	v8 =	vmul.f32 v8, v0;
	v9 =	vmul.f32 v27, v1  }
0xb9: {  	v30 =	vld [tilespmem:s13+$0x4540]  }
0xba: {  	v31 =	vmul.f32 v28, v2;
	v8 =	vadd.f32 v9, v8  }
0xbb: {  	v32 =	vld [tilespmem:s13+$0x4550]  }
0xbc: {  	v33 =	vmul.f32 v29, v3;
	v8 =	vadd.f32 v31, v8  }
0xbd: {  	v34 =	vld [tilespmem:s13+$0x4560]  }
0xbe: {  	v35 =	vmul.f32 v30, v4;
	v8 =	vadd.f32 v33, v8  }
0xbf: {  	v36 =	vld [tilespmem:s13+$0x4570]  }
0xc0: {  	v37 =	vmul.f32 v32, v5;
	v8 =	vadd.f32 v35, v8;
	_ =	sdelay $0x1  }
0xc1: {  	v38 =	vmul.f32 v34, v6;
	v8 =	vadd.f32 v37, v8;
	_ =	sdelay $0x1  }
0xc2: {  	v39 =	vmul.f32 v36, v7;
	v8 =	vadd.f32 v38, v8;
	_ =	sdelay $0x1  }
0xc3: {  	v8 =	vadd.f32 v39, v8;
	_ =	sdelay $0x1  }
0xc4: {  	[tilespmem:s2+$0x11030] =	vst v8  }
0xc5: {  	v8 =	vld [tilespmem:s13+$0x4580]  }
0xc6: {  	v40 =	vld [tilespmem:s13+$0x4590];
	_ =	sdelay $0x1  }
0xc7: {  	v41 =	vld [tilespmem:s13+$0x45A0];
	_ =	sdelay $0x1  }
0xc8: {  	v42 =	vld [tilespmem:s13+$0x45B0]  }
0xc9: {  	v8 =	vmul.f32 v8, v0;
	v9 =	vmul.f32 v40, v1  }
0xca: {  	v43 =	vld [tilespmem:s13+$0x45C0]  }
0xcb: {  	v44 =	vmul.f32 v41, v2;
	v8 =	vadd.f32 v9, v8  }
0xcc: {  	v45 =	vld [tilespmem:s13+$0x45D0]  }
0xcd: {  	v46 =	vmul.f32 v42, v3;
	v8 =	vadd.f32 v44, v8  }
0xce: {  	v47 =	vld [tilespmem:s13+$0x45E0]  }
0xcf: {  	v48 =	vmul.f32 v43, v4;
	v8 =	vadd.f32 v46, v8  }
0xd0: {  	v49 =	vld [tilespmem:s13+$0x45F0]  }
0xd1: {  	v50 =	vmul.f32 v45, v5;
	v8 =	vadd.f32 v48, v8;
	_ =	sdelay $0x1  }
0xd2: {  	v51 =	vmul.f32 v47, v6;
	v8 =	vadd.f32 v50, v8;
	_ =	sdelay $0x1  }
0xd3: {  	v52 =	vmul.f32 v49, v7;
	v8 =	vadd.f32 v51, v8;
	_ =	sdelay $0x1  }
0xd4: {  	v8 =	vadd.f32 v52, v8;
	_ =	sdelay $0x1  }
0xd5: {  	[tilespmem:s2+$0x11040] =	vst v8  }
0xd6: {  	v8 =	vld [tilespmem:s13+$0x4600]  }
0xd7: {  	v53 =	vld [tilespmem:s13+$0x4610];
	_ =	sdelay $0x1  }
0xd8: {  	v54 =	vld [tilespmem:s13+$0x4620];
	_ =	sdelay $0x1  }
0xd9: {  	v55 =	vld [tilespmem:s13+$0x4630]  }
0xda: {  	v8 =	vmul.f32 v8, v0;
	v9 =	vmul.f32 v53, v1  }
0xdb: {  	v56 =	vld [tilespmem:s13+$0x4640]  }
0xdc: {  	v57 =	vmul.f32 v54, v2;
	v8 =	vadd.f32 v9, v8  }
0xdd: {  	v58 =	vld [tilespmem:s13+$0x4650]  }
0xde: {  	v59 =	vmul.f32 v55, v3;
	v8 =	vadd.f32 v57, v8  }
0xdf: {  	v60 =	vld [tilespmem:s13+$0x4660]  }
0xe0: {  	v61 =	vmul.f32 v56, v4;
	v8 =	vadd.f32 v59, v8  }
0xe1: {  	v62 =	vld [tilespmem:s13+$0x4670]  }
0xe2: {  	v63 =	vmul.f32 v58, v5;
	v8 =	vadd.f32 v61, v8;
	_ =	sdelay $0x1  }
0xe3: {  	v13 =	vmul.f32 v60, v6;
	v8 =	vadd.f32 v63, v8;
	_ =	sdelay $0x1  }
0xe4: {  	v14 =	vmul.f32 v62, v7;
	v8 =	vadd.f32 v13, v8;
	_ =	sdelay $0x1  }
0xe5: {  	v8 =	vadd.f32 v14, v8;
	_ =	sdelay $0x1  }
0xe6: {  	[tilespmem:s2+$0x11050] =	vst v8  }
0xe7: {  	v8 =	vld [tilespmem:s13+$0x4680]  }
0xe8: {  	v15 =	vld [tilespmem:s13+$0x4690];
	_ =	sdelay $0x1  }
0xe9: {  	v16 =	vld [tilespmem:s13+$0x46A0];
	_ =	sdelay $0x1  }
0xea: {  	v17 =	vld [tilespmem:s13+$0x46B0]  }
0xeb: {  	v8 =	vmul.f32 v8, v0;
	v9 =	vmul.f32 v15, v1  }
0xec: {  	v18 =	vld [tilespmem:s13+$0x46C0]  }
0xed: {  	v19 =	vmul.f32 v16, v2;
	v8 =	vadd.f32 v9, v8  }
0xee: {  	v20 =	vld [tilespmem:s13+$0x46D0]  }
0xef: {  	v21 =	vmul.f32 v17, v3;
	v8 =	vadd.f32 v19, v8  }
0xf0: {  	v22 =	vld [tilespmem:s13+$0x46E0]  }
0xf1: {  	v23 =	vmul.f32 v18, v4;
	v8 =	vadd.f32 v21, v8  }
0xf2: {  	v24 =	vld [tilespmem:s13+$0x46F0]  }
0xf3: {  	v25 =	vmul.f32 v20, v5;
	v8 =	vadd.f32 v23, v8;
	_ =	sdelay $0x1  }
0xf4: {  	v26 =	vmul.f32 v22, v6;
	v8 =	vadd.f32 v25, v8;
	_ =	sdelay $0x1  }
0xf5: {  	v27 =	vmul.f32 v24, v7;
	v8 =	vadd.f32 v26, v8;
	_ =	sdelay $0x1  }
0xf6: {  	v8 =	vadd.f32 v27, v8;
	_ =	sdelay $0x1  }
0xf7: {  	[tilespmem:s2+$0x11060] =	vst v8  }
0xf8: {  	v8 =	vld [tilespmem:s13+$0x4700]  }
0xf9: {  	v28 =	vld [tilespmem:s13+$0x4710];
	_ =	sdelay $0x1  }
0xfa: {  	v29 =	vld [tilespmem:s13+$0x4720];
	_ =	sdelay $0x1  }
0xfb: {  	v30 =	vld [tilespmem:s13+$0x4730]  }
0xfc: {  	v8 =	vmul.f32 v8, v0;
	v9 =	vmul.f32 v28, v1  }
0xfd: {  	v31 =	vld [tilespmem:s13+$0x4740]  }
0xfe: {  	v32 =	vmul.f32 v29, v2;
	v8 =	vadd.f32 v9, v8  }
0xff: {  	v33 =	vld [tilespmem:s13+$0x4750]  }
0x100: {  	v34 =	vmul.f32 v30, v3;
	v8 =	vadd.f32 v32, v8  }
0x101: {  	v35 =	vld [tilespmem:s13+$0x4760]  }
0x102: {  	v36 =	vmul.f32 v31, v4;
	v8 =	vadd.f32 v34, v8  }
0x103: {  	v37 =	vld [tilespmem:s13+$0x4770]  }
0x104: {  	v38 =	vmul.f32 v33, v5;
	v8 =	vadd.f32 v36, v8;
	_ =	sdelay $0x1  }
0x105: {  	v39 =	vmul.f32 v35, v6;
	v8 =	vadd.f32 v38, v8;
	_ =	sdelay $0x1  }
0x106: {  	v40 =	vmul.f32 v37, v7;
	v8 =	vadd.f32 v39, v8;
	_ =	sdelay $0x1  }
0x107: {  	v8 =	vadd.f32 v40, v8;
	_ =	sdelay $0x1  }
0x108: {  	[tilespmem:s2+$0x11070] =	vst v8  }
0x109: {  	v8 =	vld [tilespmem:s13+$0x4780]  }
0x10a: {  	v41 =	vld [tilespmem:s13+$0x4790];
	_ =	sdelay $0x1  }
0x10b: {  	v42 =	vld [tilespmem:s13+$0x47A0];
	_ =	sdelay $0x1  }
0x10c: {  	v43 =	vld [tilespmem:s13+$0x47B0]  }
0x10d: {  	v8 =	vmul.f32 v8, v0;
	v9 =	vmul.f32 v41, v1  }
0x10e: {  	v44 =	vld [tilespmem:s13+$0x47C0]  }
0x10f: {  	v45 =	vmul.f32 v42, v2;
	v8 =	vadd.f32 v9, v8  }
0x110: {  	v46 =	vld [tilespmem:s13+$0x47D0]  }
0x111: {  	v47 =	vmul.f32 v43, v3;
	v8 =	vadd.f32 v45, v8  }
0x112: {  	v48 =	vld [tilespmem:s13+$0x47E0]  }
0x113: {  	v49 =	vmul.f32 v44, v4;
	v8 =	vadd.f32 v47, v8  }
0x114: {  	v50 =	vld [tilespmem:s13+$0x47F0]  }
0x115: {  	v51 =	vmul.f32 v46, v5;
	v8 =	vadd.f32 v49, v8;
	_ =	sdelay $0x1  }
0x116: {  	v52 =	vmul.f32 v48, v6;
	v8 =	vadd.f32 v51, v8;
	_ =	sdelay $0x1  }
0x117: {  	v53 =	vmul.f32 v50, v7;
	v8 =	vadd.f32 v52, v8;
	_ =	sdelay $0x1  }
0x118: {  	v8 =	vadd.f32 v53, v8;
	_ =	sdelay $0x1  }
0x119: {  	[tilespmem:s2+$0x11400] =	vst v8  }
0x11a: {  	v8 =	vld [tilespmem:s13+$0x4800]  }
0x11b: {  	v54 =	vld [tilespmem:s13+$0x4810];
	_ =	sdelay $0x1  }
0x11c: {  	v55 =	vld [tilespmem:s13+$0x4820];
	_ =	sdelay $0x1  }
0x11d: {  	v56 =	vld [tilespmem:s13+$0x4830]  }
0x11e: {  	v8 =	vmul.f32 v8, v0;
	v9 =	vmul.f32 v54, v1  }
0x11f: {  	v57 =	vld [tilespmem:s13+$0x4840]  }
0x120: {  	v58 =	vmul.f32 v55, v2;
	v8 =	vadd.f32 v9, v8  }
0x121: {  	v59 =	vld [tilespmem:s13+$0x4850]  }
0x122: {  	v60 =	vmul.f32 v56, v3;
	v8 =	vadd.f32 v58, v8  }
0x123: {  	v61 =	vld [tilespmem:s13+$0x4860]  }
0x124: {  	v62 =	vmul.f32 v57, v4;
	v8 =	vadd.f32 v60, v8  }
0x125: {  	v63 =	vld [tilespmem:s13+$0x4870]  }
0x126: {  	v14 =	vmul.f32 v59, v5;
	v8 =	vadd.f32 v62, v8;
	_ =	sdelay $0x1  }
0x127: {  	v15 =	vmul.f32 v61, v6;
	v8 =	vadd.f32 v14, v8;
	_ =	sdelay $0x1  }
0x128: {  	v16 =	vmul.f32 v63, v7;
	v8 =	vadd.f32 v15, v8;
	_ =	sdelay $0x1  }
0x129: {  	v8 =	vadd.f32 v16, v8;
	_ =	sdelay $0x1  }
0x12a: {  	[tilespmem:s2+$0x11410] =	vst v8  }
0x12b: {  	v8 =	vld [tilespmem:s13+$0x4880]  }
0x12c: {  	v17 =	vld [tilespmem:s13+$0x4890];
	_ =	sdelay $0x1  }
0x12d: {  	v18 =	vld [tilespmem:s13+$0x48A0];
	_ =	sdelay $0x1  }
0x12e: {  	v19 =	vld [tilespmem:s13+$0x48B0]  }
0x12f: {  	v8 =	vmul.f32 v8, v0;
	v9 =	vmul.f32 v17, v1  }
0x130: {  	v20 =	vld [tilespmem:s13+$0x48C0]  }
0x131: {  	v21 =	vmul.f32 v18, v2;
	v8 =	vadd.f32 v9, v8  }
0x132: {  	v22 =	vld [tilespmem:s13+$0x48D0]  }
0x133: {  	v23 =	vmul.f32 v19, v3;
	v8 =	vadd.f32 v21, v8  }
0x134: {  	v24 =	vld [tilespmem:s13+$0x48E0]  }
0x135: {  	v25 =	vmul.f32 v20, v4;
	v8 =	vadd.f32 v23, v8  }
0x136: {  	v26 =	vld [tilespmem:s13+$0x48F0]  }
0x137: {  	v27 =	vmul.f32 v22, v5;
	v8 =	vadd.f32 v25, v8;
	_ =	sdelay $0x1  }
0x138: {  	v28 =	vmul.f32 v24, v6;
	v8 =	vadd.f32 v27, v8;
	_ =	sdelay $0x1  }
0x139: {  	v29 =	vmul.f32 v26, v7;
	v8 =	vadd.f32 v28, v8;
	_ =	sdelay $0x1  }
0x13a: {  	v8 =	vadd.f32 v29, v8;
	_ =	sdelay $0x1  }
0x13b: {  	[tilespmem:s2+$0x11420] =	vst v8  }
0x13c: {  	v8 =	vld [tilespmem:s13+$0x4900]  }
0x13d: {  	v30 =	vld [tilespmem:s13+$0x4910];
	_ =	sdelay $0x1  }
0x13e: {  	v31 =	vld [tilespmem:s13+$0x4920];
	_ =	sdelay $0x1  }
0x13f: {  	v32 =	vld [tilespmem:s13+$0x4930]  }
0x140: {  	v8 =	vmul.f32 v8, v0;
	v9 =	vmul.f32 v30, v1  }
0x141: {  	v33 =	vld [tilespmem:s13+$0x4940]  }
0x142: {  	v34 =	vmul.f32 v31, v2;
	v8 =	vadd.f32 v9, v8  }
0x143: {  	v35 =	vld [tilespmem:s13+$0x4950]  }
0x144: {  	v36 =	vmul.f32 v32, v3;
	v8 =	vadd.f32 v34, v8  }
0x145: {  	v37 =	vld [tilespmem:s13+$0x4960]  }
0x146: {  	v38 =	vmul.f32 v33, v4;
	v8 =	vadd.f32 v36, v8  }
0x147: {  	v39 =	vld [tilespmem:s13+$0x4970]  }
0x148: {  	v40 =	vmul.f32 v35, v5;
	v8 =	vadd.f32 v38, v8;
	_ =	sdelay $0x1  }
0x149: {  	v41 =	vmul.f32 v37, v6;
	v8 =	vadd.f32 v40, v8;
	_ =	sdelay $0x1  }
0x14a: {  	v42 =	vmul.f32 v39, v7;
	v8 =	vadd.f32 v41, v8;
	_ =	sdelay $0x1  }
0x14b: {  	v8 =	vadd.f32 v42, v8;
	_ =	sdelay $0x1  }
0x14c: {  	[tilespmem:s2+$0x11430] =	vst v8  }
0x14d: {  	v8 =	vld [tilespmem:s13+$0x4980]  }
0x14e: {  	v43 =	vld [tilespmem:s13+$0x4990];
	_ =	sdelay $0x1  }
0x14f: {  	v44 =	vld [tilespmem:s13+$0x49A0];
	_ =	sdelay $0x1  }
0x150: {  	v45 =	vld [tilespmem:s13+$0x49B0]  }
0x151: {  	v8 =	vmul.f32 v8, v0;
	v9 =	vmul.f32 v43, v1  }
0x152: {  	v46 =	vld [tilespmem:s13+$0x49C0]  }
0x153: {  	v47 =	vmul.f32 v44, v2;
	v8 =	vadd.f32 v9, v8  }
0x154: {  	v48 =	vld [tilespmem:s13+$0x49D0]  }
0x155: {  	v49 =	vmul.f32 v45, v3;
	v8 =	vadd.f32 v47, v8  }
0x156: {  	v50 =	vld [tilespmem:s13+$0x49E0]  }
0x157: {  	v51 =	vmul.f32 v46, v4;
	v8 =	vadd.f32 v49, v8  }
0x158: {  	v52 =	vld [tilespmem:s13+$0x49F0]  }
0x159: {  	v53 =	vmul.f32 v48, v5;
	v8 =	vadd.f32 v51, v8;
	_ =	sdelay $0x1  }
0x15a: {  	v54 =	vmul.f32 v50, v6;
	v8 =	vadd.f32 v53, v8;
	_ =	sdelay $0x1  }
0x15b: {  	v55 =	vmul.f32 v52, v7;
	v8 =	vadd.f32 v54, v8;
	_ =	sdelay $0x1  }
0x15c: {  	v8 =	vadd.f32 v55, v8;
	_ =	sdelay $0x1  }
0x15d: {  	[tilespmem:s2+$0x11440] =	vst v8  }
0x15e: {  	v8 =	vld [tilespmem:s13+$0x4A00]  }
0x15f: {  	v56 =	vld [tilespmem:s13+$0x4A10];
	_ =	sdelay $0x1  }
0x160: {  	v57 =	vld [tilespmem:s13+$0x4A20];
	_ =	sdelay $0x1  }
0x161: {  	v58 =	vld [tilespmem:s13+$0x4A30]  }
0x162: {  	v8 =	vmul.f32 v8, v0;
	v9 =	vmul.f32 v56, v1  }
0x163: {  	v59 =	vld [tilespmem:s13+$0x4A40]  }
0x164: {  	v60 =	vmul.f32 v57, v2;
	v8 =	vadd.f32 v9, v8  }
0x165: {  	v61 =	vld [tilespmem:s13+$0x4A50]  }
0x166: {  	v62 =	vmul.f32 v58, v3;
	v8 =	vadd.f32 v60, v8  }
0x167: {  	v63 =	vld [tilespmem:s13+$0x4A60]  }
0x168: {  	v16 =	vmul.f32 v59, v4;
	v8 =	vadd.f32 v62, v8  }
0x169: {  	v17 =	vld [tilespmem:s13+$0x4A70]  }
0x16a: {  	v18 =	vmul.f32 v61, v5;
	v8 =	vadd.f32 v16, v8;
	_ =	sdelay $0x1  }
0x16b: {  	v19 =	vmul.f32 v63, v6;
	v8 =	vadd.f32 v18, v8;
	_ =	sdelay $0x1  }
0x16c: {  	v20 =	vmul.f32 v17, v7;
	v8 =	vadd.f32 v19, v8;
	_ =	sdelay $0x1  }
0x16d: {  	v8 =	vadd.f32 v20, v8;
	_ =	sdelay $0x1  }
0x16e: {  	[tilespmem:s2+$0x11450] =	vst v8  }
0x16f: {  	v8 =	vld [tilespmem:s13+$0x4A80]  }
0x170: {  	v21 =	vld [tilespmem:s13+$0x4A90];
	_ =	sdelay $0x1  }
0x171: {  	v22 =	vld [tilespmem:s13+$0x4AA0];
	_ =	sdelay $0x1  }
0x172: {  	v23 =	vld [tilespmem:s13+$0x4AB0]  }
0x173: {  	v8 =	vmul.f32 v8, v0;
	v9 =	vmul.f32 v21, v1  }
0x174: {  	v24 =	vld [tilespmem:s13+$0x4AC0]  }
0x175: {  	v25 =	vmul.f32 v22, v2;
	v8 =	vadd.f32 v9, v8  }
0x176: {  	v26 =	vld [tilespmem:s13+$0x4AD0]  }
0x177: {  	v27 =	vmul.f32 v23, v3;
	v8 =	vadd.f32 v25, v8  }
0x178: {  	v28 =	vld [tilespmem:s13+$0x4AE0]  }
0x179: {  	v29 =	vmul.f32 v24, v4;
	v8 =	vadd.f32 v27, v8  }
0x17a: {  	v30 =	vld [tilespmem:s13+$0x4AF0]  }
0x17b: {  	v31 =	vmul.f32 v26, v5;
	v8 =	vadd.f32 v29, v8;
	_ =	sdelay $0x1  }
0x17c: {  	v32 =	vmul.f32 v28, v6;
	v8 =	vadd.f32 v31, v8;
	_ =	sdelay $0x1  }
0x17d: {  	v33 =	vmul.f32 v30, v7;
	v8 =	vadd.f32 v32, v8;
	_ =	sdelay $0x1  }
0x17e: {  	v8 =	vadd.f32 v33, v8;
	_ =	sdelay $0x1  }
0x17f: {  	[tilespmem:s2+$0x11460] =	vst v8  }
0x180: {  	v8 =	vld [tilespmem:s13+$0x4B00]  }
0x181: {  	v34 =	vld [tilespmem:s13+$0x4B10];
	_ =	sdelay $0x1  }
0x182: {  	v35 =	vld [tilespmem:s13+$0x4B20];
	_ =	sdelay $0x1  }
0x183: {  	v36 =	vld [tilespmem:s13+$0x4B30]  }
0x184: {  	v8 =	vmul.f32 v8, v0;
	v9 =	vmul.f32 v34, v1  }
0x185: {  	v37 =	vld [tilespmem:s13+$0x4B40]  }
0x186: {  	v38 =	vmul.f32 v35, v2;
	v8 =	vadd.f32 v9, v8  }
0x187: {  	v39 =	vld [tilespmem:s13+$0x4B50]  }
0x188: {  	v40 =	vmul.f32 v36, v3;
	v8 =	vadd.f32 v38, v8  }
0x189: {  	v41 =	vld [tilespmem:s13+$0x4B60]  }
0x18a: {  	v42 =	vmul.f32 v37, v4;
	v8 =	vadd.f32 v40, v8  }
0x18b: {  	v43 =	vld [tilespmem:s13+$0x4B70]  }
0x18c: {  	v44 =	vmul.f32 v39, v5;
	v8 =	vadd.f32 v42, v8;
	_ =	sdelay $0x1  }
0x18d: {  	v45 =	vmul.f32 v41, v6;
	v8 =	vadd.f32 v44, v8;
	_ =	sdelay $0x1  }
0x18e: {  	v46 =	vmul.f32 v43, v7;
	v8 =	vadd.f32 v45, v8;
	_ =	sdelay $0x1  }
0x18f: {  	v8 =	vadd.f32 v46, v8;
	_ =	sdelay $0x1  }
0x190: {  	[tilespmem:s2+$0x11470] =	vst v8  }
0x191: {  	v8 =	vld [tilespmem:s13+$0x4B80]  }
0x192: {  	v47 =	vld [tilespmem:s13+$0x4B90];
	_ =	sdelay $0x1  }
0x193: {  	v48 =	vld [tilespmem:s13+$0x4BA0];
	_ =	sdelay $0x1  }
0x194: {  	v49 =	vld [tilespmem:s13+$0x4BB0]  }
0x195: {  	v8 =	vmul.f32 v8, v0;
	v9 =	vmul.f32 v47, v1  }
0x196: {  	v50 =	vld [tilespmem:s13+$0x4BC0]  }
0x197: {  	v51 =	vmul.f32 v48, v2;
	v8 =	vadd.f32 v9, v8  }
0x198: {  	v52 =	vld [tilespmem:s13+$0x4BD0]  }
0x199: {  	v53 =	vmul.f32 v49, v3;
	v8 =	vadd.f32 v51, v8  }
0x19a: {  	v54 =	vld [tilespmem:s13+$0x4BE0]  }
0x19b: {  	v55 =	vmul.f32 v50, v4;
	v8 =	vadd.f32 v53, v8  }
0x19c: {  	v56 =	vld [tilespmem:s13+$0x4BF0]  }
0x19d: {  	v57 =	vmul.f32 v52, v5;
	v8 =	vadd.f32 v55, v8;
	_ =	sdelay $0x1  }
0x19e: {  	v58 =	vmul.f32 v54, v6;
	v8 =	vadd.f32 v57, v8;
	_ =	sdelay $0x1  }
0x19f: {  	v59 =	vmul.f32 v56, v7;
	v8 =	vadd.f32 v58, v8;
	_ =	sdelay $0x1  }
0x1a0: {  	v8 =	vadd.f32 v59, v8;
	_ =	sdelay $0x1  }
0x1a1: {  	[tilespmem:s2+$0x11800] =	vst v8  }
0x1a2: {  	v8 =	vld [tilespmem:s13+$0x4C00]  }
0x1a3: {  	v60 =	vld [tilespmem:s13+$0x4C10];
	_ =	sdelay $0x1  }
0x1a4: {  	v61 =	vld [tilespmem:s13+$0x4C20];
	_ =	sdelay $0x1  }
0x1a5: {  	v62 =	vld [tilespmem:s13+$0x4C30]  }
0x1a6: {  	v8 =	vmul.f32 v8, v0;
	v9 =	vmul.f32 v60, v1  }
0x1a7: {  	v63 =	vld [tilespmem:s13+$0x4C40]  }
0x1a8: {  	v16 =	vmul.f32 v61, v2;
	v8 =	vadd.f32 v9, v8  }
0x1a9: {  	v17 =	vld [tilespmem:s13+$0x4C50]  }
0x1aa: {  	v18 =	vmul.f32 v62, v3;
	v8 =	vadd.f32 v16, v8  }
0x1ab: {  	v19 =	vld [tilespmem:s13+$0x4C60]  }
0x1ac: {  	v20 =	vmul.f32 v63, v4;
	v8 =	vadd.f32 v18, v8  }
0x1ad: {  	v21 =	vld [tilespmem:s13+$0x4C70]  }
0x1ae: {  	v22 =	vmul.f32 v17, v5;
	v8 =	vadd.f32 v20, v8;
	_ =	sdelay $0x1  }
0x1af: {  	v23 =	vmul.f32 v19, v6;
	v8 =	vadd.f32 v22, v8;
	_ =	sdelay $0x1  }
0x1b0: {  	v24 =	vmul.f32 v21, v7;
	v8 =	vadd.f32 v23, v8;
	_ =	sdelay $0x1  }
0x1b1: {  	v8 =	vadd.f32 v24, v8;
	_ =	sdelay $0x1  }
0x1b2: {  	[tilespmem:s2+$0x11810] =	vst v8  }
0x1b3: {  	v8 =	vld [tilespmem:s13+$0x4C80]  }
0x1b4: {  	v25 =	vld [tilespmem:s13+$0x4C90];
	_ =	sdelay $0x1  }
0x1b5: {  	v26 =	vld [tilespmem:s13+$0x4CA0];
	_ =	sdelay $0x1  }
0x1b6: {  	v27 =	vld [tilespmem:s13+$0x4CB0]  }
0x1b7: {  	v8 =	vmul.f32 v8, v0;
	v9 =	vmul.f32 v25, v1  }
0x1b8: {  	v28 =	vld [tilespmem:s13+$0x4CC0]  }
0x1b9: {  	v29 =	vmul.f32 v26, v2;
	v8 =	vadd.f32 v9, v8  }
0x1ba: {  	v30 =	vld [tilespmem:s13+$0x4CD0]  }
0x1bb: {  	v31 =	vmul.f32 v27, v3;
	v8 =	vadd.f32 v29, v8  }
0x1bc: {  	v32 =	vld [tilespmem:s13+$0x4CE0]  }
0x1bd: {  	v33 =	vmul.f32 v28, v4;
	v8 =	vadd.f32 v31, v8  }
0x1be: {  	v34 =	vld [tilespmem:s13+$0x4CF0]  }
0x1bf: {  	v35 =	vmul.f32 v30, v5;
	v8 =	vadd.f32 v33, v8;
	_ =	sdelay $0x1  }
0x1c0: {  	v36 =	vmul.f32 v32, v6;
	v8 =	vadd.f32 v35, v8;
	_ =	sdelay $0x1  }
0x1c1: {  	v37 =	vmul.f32 v34, v7;
	v8 =	vadd.f32 v36, v8;
	_ =	sdelay $0x1  }
0x1c2: {  	v8 =	vadd.f32 v37, v8;
	_ =	sdelay $0x1  }
0x1c3: {  	[tilespmem:s2+$0x11820] =	vst v8  }
0x1c4: {  	v8 =	vld [tilespmem:s13+$0x4D00]  }
0x1c5: {  	v38 =	vld [tilespmem:s13+$0x4D10];
	_ =	sdelay $0x1  }
0x1c6: {  	v39 =	vld [tilespmem:s13+$0x4D20];
	_ =	sdelay $0x1  }
0x1c7: {  	v40 =	vld [tilespmem:s13+$0x4D30]  }
0x1c8: {  	v8 =	vmul.f32 v8, v0;
	v9 =	vmul.f32 v38, v1  }
0x1c9: {  	v41 =	vld [tilespmem:s13+$0x4D40]  }
0x1ca: {  	v42 =	vmul.f32 v39, v2;
	v8 =	vadd.f32 v9, v8  }
0x1cb: {  	v43 =	vld [tilespmem:s13+$0x4D50]  }
0x1cc: {  	v44 =	vmul.f32 v40, v3;
	v8 =	vadd.f32 v42, v8  }
0x1cd: {  	v45 =	vld [tilespmem:s13+$0x4D60]  }
0x1ce: {  	v46 =	vmul.f32 v41, v4;
	v8 =	vadd.f32 v44, v8  }
0x1cf: {  	v47 =	vld [tilespmem:s13+$0x4D70]  }
0x1d0: {  	v48 =	vmul.f32 v43, v5;
	v8 =	vadd.f32 v46, v8;
	_ =	sdelay $0x1  }
0x1d1: {  	v49 =	vmul.f32 v45, v6;
	v8 =	vadd.f32 v48, v8;
	_ =	sdelay $0x1  }
0x1d2: {  	v50 =	vmul.f32 v47, v7;
	v8 =	vadd.f32 v49, v8;
	_ =	sdelay $0x1  }
0x1d3: {  	v8 =	vadd.f32 v50, v8;
	_ =	sdelay $0x1  }
0x1d4: {  	[tilespmem:s2+$0x11830] =	vst v8  }
0x1d5: {  	v8 =	vld [tilespmem:s13+$0x4D80]  }
0x1d6: {  	v51 =	vld [tilespmem:s13+$0x4D90];
	_ =	sdelay $0x1  }
0x1d7: {  	v52 =	vld [tilespmem:s13+$0x4DA0];
	_ =	sdelay $0x1  }
0x1d8: {  	v53 =	vld [tilespmem:s13+$0x4DB0]  }
0x1d9: {  	v0 =	vmul.f32 v8, v0;
	v1 =	vmul.f32 v51, v1  }
0x1da: {  	v54 =	vld [tilespmem:s13+$0x4DC0]  }
0x1db: {  	v55 =	vmul.f32 v52, v2;
	v0 =	vadd.f32 v1, v0  }
0x1dc: {  	v56 =	vld [tilespmem:s13+$0x4DD0]  }
0x1dd: {  	v57 =	vmul.f32 v53, v3;
	v0 =	vadd.f32 v55, v0  }
0x1de: {  	v58 =	vld [tilespmem:s13+$0x4DE0]  }
0x1df: {  	v59 =	vmul.f32 v54, v4;
	v0 =	vadd.f32 v57, v0  }
0x1e0: {  	v60 =	vld [tilespmem:s13+$0x4DF0]  }
0x1e1: {  	v61 =	vmul.f32 v56, v5;
	v0 =	vadd.f32 v59, v0;
	_ =	sdelay $0x1  }
0x1e2: {  	v62 =	vmul.f32 v58, v6;
	v0 =	vadd.f32 v61, v0  }
0x1e3: {  	p1 =	sne.s32 s0, $0x7  }
.Ltmp0:
0x1e4: {  	v63 =	vmul.f32 v60, v7;
	v0 =	vadd.f32 v62, v0;
	(pc) =	sbr.rel @p1 .LBB2_3-.Ltmp0, $3  }
0x1e5: {  	_ = 	snop  }
0x1e6: {  	v0 =	vadd.f32 v63, v0;
	_ =	sdelay $0x1  }
0x1e7: {  	s0 =	sadd.s32 $0x1, s0;
	[tilespmem:s2+$0x11840] =	vst v0  }
0x1e8: {  	s0 =	sadd.s32 s6, s31  }
0x1e9: {  	s0 =	smul.u32 $0x180, s0;
	_ =	sdelay $0x1  }
0x1ea: {  	p1 =	seq.s32 s29, $0x7;
	s0 =	sadd.s32 s5, s0  }
0x1eb: {  	[hbm4b:s0+s4] =	stream.linear.scatter [tilespmem:s22], [sflag:$0x3], $0xC00, $0x38;
	[tilespmem:$0x12800] =	vst v63  }
0x1ec: {  	s13 =	simm.s32 @!p1 $0x50;
	s0 =	sadd.s32 @!p1 $0x2, s31  }
0x1ed: {  	s31 =	simm.s32 @!p1 $0x1800;
	s2 =	sshll.u32 @!p1 s0, $0x7;
	s0 =	sshll.u32 @!p1 s0, $0x8  }
0x1ee: {  	s2 =	sand.u32 @!p1 $0x3FFFFF80, s2;
	s0 =	sand.u32 @!p1 $0x3FFFFF00, s0  }
0x1ef: {  	[tilespmem:s31], [sflag:$0x1] =	stream.indirect.gather @!p1 [hbm4b:s1+s13], $0x80, s2, s13, $0xb8;
	[tilespmem:$0x12800] =	vst v63  }
0x1f0: {  	s2 =	sadd.s32 @!p1 $0x800, s0;
	s13 =	simm.s32 @!p1 $0x54;
	s31 =	simm.s32 @!p1 $0x4000  }
0x1f1: {  	[tilespmem:s31], [sflag:$0x1] =	stream.indirect.gather @!p1 [hbm4b:s3+s13], $0x80, s2, s13, $0xb8;
	[tilespmem:$0x12800] =	vst v63  }
0x1f2: {  	s0 =	sadd.s32 @!p1 $0x880, s0;
	s2 =	simm.s32 @!p1 $0x6A00  }
0x1f3: {  	[tilespmem:s2], [sflag:$0x1] =	stream.indirect.gather @!p1 [hbm4b:s3+s13], $0x80, s0, s13, $0xb8;
	[tilespmem:$0x12800] =	vst v63  }
0x1f4: {  	_ =	swait.ge [sflag:s23], $0x2800  }
0x1f5: {  	[sflag:s23] =	ssyncset.done $0x0  }
0x1f6: {  	[sflag:s23] =	ssyncadd.s32 $0xFFFFD800  }
0x1f7: {  	_ =	swait.ge [sflag:s23], $0x2A00  }
0x1f8: {  	[sflag:s23] =	ssyncset.done $0x0  }
0x1f9: {  	[sflag:s23] =	ssyncadd.s32 $0xFFFFD600  }
0x1fa: {  	_ =	swait.ge [sflag:s23], $0x2A00  }
0x1fb: {  	[sflag:s23] =	ssyncset.done $0x0  }
0x1fc: {  	s0 =	simm.s32 @!p0 $0x4;
	[sflag:s23] =	ssyncadd.s32 $0xFFFFD600  }
0x1fd: {  	_ =	swait.ge @!p0 [sflag:s0], $0xC00  }
0x1fe: {  	[sflag:s0] =	ssyncset.done @!p0 $0x0  }
0x1ff: {  	[sflag:s0] =	ssyncadd.s32 @!p0 $0xFFFFF400;
	s0 =	simm.s32 $0x0  }
.LBB2_5:
0x200: {  	s2 =	smul.u32 $0x1400, s0;
	_ =	sdelay $0x1  }
0x201: {  	s13 =	sshra.s32 s2, $0x2  }
0x202: {  	v0 =	vld [tilespmem:s13+$0x9400]  }
0x203: {  	v1 =	vld [tilespmem:s13+$0x9480]  }
0x204: {  	v2 =	vld [tilespmem:s13+$0x9500]  }
0x205: {  	v3 =	vld [tilespmem:s13+$0x9580]  }
0x206: {  	v4 =	vld [tilespmem:s13+$0x9600]  }
0x207: {  	v5 =	vld [tilespmem:s13+$0x9680]  }
0x208: {  	v6 =	vld [tilespmem:s13+$0x9700]  }
0x209: {  	v7 =	vld [tilespmem:s13+$0x9780]  }
0x20a: {  	v8 =	vld [tilespmem:s13+$0x9800]  }
0x20b: {  	v9 =	vld [tilespmem:s13+$0x9880]  }
0x20c: {  	v10 =	vld [tilespmem:s13+$0x9410]  }
0x20d: {  	v11 =	vld [tilespmem:s13+$0x9490]  }
0x20e: {  	v12 =	vld [tilespmem:s13+$0x9510]  }
0x20f: {  	v13 =	vld [tilespmem:s13+$0x9590]  }
0x210: {  	v14 =	vld [tilespmem:s13+$0x9610]  }
0x211: {  	v15 =	vld [tilespmem:s13+$0x9690]  }
0x212: {  	v16 =	vld [tilespmem:s13+$0x9710]  }
0x213: {  	v17 =	vld [tilespmem:s13+$0x9790]  }
0x214: {  	v18 =	vld [tilespmem:s13+$0x9810]  }
0x215: {  	v19 =	vld [tilespmem:s13+$0x9890]  }
0x216: {  	v20 =	vld [tilespmem:s13+$0x9420]  }
0x217: {  	v21 =	vld [tilespmem:s13+$0x94A0]  }
0x218: {  	v22 =	vld [tilespmem:s13+$0x9520]  }
0x219: {  	v23 =	vld [tilespmem:s13+$0x95A0]  }
0x21a: {  	v24 =	vld [tilespmem:s13+$0x9620]  }
0x21b: {  	v25 =	vld [tilespmem:s13+$0x96A0]  }
0x21c: {  	v26 =	vld [tilespmem:s13+$0x9720]  }
0x21d: {  	v27 =	vld [tilespmem:s13+$0x97A0]  }
0x21e: {  	v28 =	vld [tilespmem:s13+$0x9820]  }
0x21f: {  	v29 =	vld [tilespmem:s13+$0x98A0]  }
0x220: {  	v30 =	vld [tilespmem:s13+$0x9430]  }
0x221: {  	v31 =	vld [tilespmem:s13+$0x94B0]  }
0x222: {  	v32 =	vld [tilespmem:s13+$0x9530]  }
0x223: {  	v33 =	vld [tilespmem:s13+$0x95B0]  }
0x224: {  	v34 =	vld [tilespmem:s13+$0x9630]  }
0x225: {  	v35 =	vld [tilespmem:s13+$0x96B0]  }
0x226: {  	v36 =	vld [tilespmem:s13+$0x9730]  }
0x227: {  	v37 =	vld [tilespmem:s13+$0x97B0]  }
0x228: {  	v38 =	vld [tilespmem:s13+$0x9830]  }
0x229: {  	v39 =	vld [tilespmem:s13+$0x98B0]  }
0x22a: {  	v40 =	vld [tilespmem:s13+$0x9440]  }
0x22b: {  	v41 =	vld [tilespmem:s13+$0x94C0]  }
0x22c: {  	v42 =	vld [tilespmem:s13+$0x9540]  }
0x22d: {  	v43 =	vld [tilespmem:s13+$0x95C0]  }
0x22e: {  	v44 =	vld [tilespmem:s13+$0x9640]  }
0x22f: {  	v45 =	vld [tilespmem:s13+$0x96C0]  }
0x230: {  	v46 =	vld [tilespmem:s13+$0x9740]  }
0x231: {  	v47 =	vld [tilespmem:s13+$0x97C0]  }
0x232: {  	v48 =	vld [tilespmem:s13+$0x9840]  }
0x233: {  	v49 =	vld [tilespmem:s13+$0x98C0]  }
0x234: {  	v62 =	vld [tilespmem:s13+$0x94D0]  }
0x235: {  	v50 =	vld [tilespmem:s13+$0x98D0];
	v0 =	vadd.f32 v1, v0  }
0x236: {  	v51 =	vld [tilespmem:s13+$0x9460];
	v63 =	vadd.f32 v11, v10  }
0x237: {  	v52 =	vld [tilespmem:s13+$0x94E0];
	v21 =	vadd.f32 v21, v20;
	v0 =	vadd.f32 v2, v0  }
0x238: {  	v53 =	vld [tilespmem:s13+$0x9560];
	v31 =	vadd.f32 v31, v30;
	v54 =	vadd.f32 v41, v40  }
0x239: {  	v55 =	vld [tilespmem:s13+$0x95E0];
	v1 =	vadd.f32 v12, v63;
	v0 =	vadd.f32 v3, v0  }
0x23a: {  	v56 =	vld [tilespmem:s13+$0x9660];
	v2 =	vadd.f32 v22, v21;
	v20 =	vadd.f32 v42, v54  }
0x23b: {  	v57 =	vld [tilespmem:s13+$0x96E0];
	v1 =	vadd.f32 v13, v1;
	v0 =	vadd.f32 v4, v0  }
0x23c: {  	v58 =	vld [tilespmem:s13+$0x9760];
	v2 =	vadd.f32 v23, v2;
	v20 =	vadd.f32 v43, v20  }
0x23d: {  	v3 =	vld [tilespmem:s13+$0x9450];
	v1 =	vadd.f32 v14, v1;
	v0 =	vadd.f32 v5, v0  }
0x23e: {  	v59 =	vld [tilespmem:s13+$0x97E0];
	v2 =	vadd.f32 v24, v2;
	v20 =	vadd.f32 v44, v20  }
0x23f: {  	v10 =	vld [tilespmem:s13+$0x9550];
	v1 =	vadd.f32 v15, v1;
	v0 =	vadd.f32 v6, v0  }
0x240: {  	v60 =	vld [tilespmem:s13+$0x9860];
	v2 =	vadd.f32 v25, v2;
	v20 =	vadd.f32 v45, v20  }
0x241: {  	v5 =	vld [tilespmem:s13+$0x95D0];
	v0 =	vadd.f32 v7, v0;
	v7 =	vadd.f32 v32, v31  }
0x242: {  	v61 =	vld [tilespmem:s13+$0x9470];
	v3 =	vadd.f32 v62, v3;
	v1 =	vadd.f32 v16, v1  }
0x243: {  	v11 =	vld [tilespmem:s13+$0x9650];
	v2 =	vadd.f32 v26, v2;
	v7 =	vadd.f32 v33, v7  }
0x244: {  	v62 =	vld [tilespmem:s13+$0x94F0];
	v10 =	vadd.f32 v10, v3;
	v1 =	vadd.f32 v17, v1  }
0x245: {  	s2 =	sshll.u32 s0, $0x7;
	v30 =	vld [tilespmem:s13+$0x9670];
	v2 =	vadd.f32 v27, v2;
	v7 =	vadd.f32 v34, v7  }
0x246: {  	v40 =	vld [tilespmem:s2+$0xBC40];
	v5 =	vadd.f32 v5, v10;
	v0 =	vadd.f32 v8, v0  }
0x247: {  	v12 =	vld [tilespmem:s13+$0x9750];
	v1 =	vadd.f32 v18, v1;
	v7 =	vadd.f32 v35, v7  }
0x248: {  	v13 =	vld [tilespmem:s13+$0x97D0];
	v2 =	vadd.f32 v28, v2;
	v28 =	vadd.f32 v46, v20  }
0x249: {  	v27 =	vld [tilespmem:s13+$0x9570];
	v4 =	vadd.f32 v62, v61;
	v7 =	vadd.f32 v36, v7  }
0x24a: {  	v14 =	vld [tilespmem:s13+$0x9850];
	v0 =	vadd.f32 v9, v0;
	v9 =	vadd.f32 v52, v51  }
0x24b: {  	v6 =	vld [tilespmem:s13+$0x96D0];
	v5 =	vadd.f32 v11, v5;
	v7 =	vadd.f32 v37, v7  }
0x24c: {  	v2 =	vadd.f32 v29, v2;
	v29 =	vld [tilespmem:s13+$0x95F0];
	v9 =	vadd.f32 v53, v9  }
0x24d: {  	v31 =	vld [tilespmem:s2+$0xBC00];
	v1 =	vadd.f32 v19, v1;
	v7 =	vadd.f32 v38, v7  }
0x24e: {  	v32 =	vld [tilespmem:s2+$0xBC10];
	v15 =	vadd.f32 v27, v4;
	v9 =	vadd.f32 v55, v9  }
0x24f: {  	v33 =	vld [tilespmem:s13+$0x96F0];
	v3 =	vadd.f32 v39, v7;
	v7 =	vadd.f32 v47, v28  }
0x250: {  	v5 =	vadd.f32 v6, v5;
	v35 =	vld [tilespmem:s2+$0xBC20];
	v34 =	vadd.f32 v56, v9  }
0x251: {  	v36 =	vadd.f32 v29, v15;
	v37 =	vld [tilespmem:s13+$0x9770];
	v7 =	vadd.f32 v48, v7  }
0x252: {  	v16 =	vmul.f32 v31, v0;
	v5 =	vadd.f32 v12, v5;
	v6 =	vadd.f32 v57, v34;
	v38 =	vld [tilespmem:s2+$0xBC30]  }
0x253: {  	v41 =	vld [tilespmem:s13+$0x9870];
	v11 =	vmul.f32 v32, v1;
	v4 =	vadd.f32 v49, v7;
	v7 =	vadd.f32 v30, v36  }
0x254: {  	v5 =	vadd.f32 v13, v5;
	v39 =	vld [tilespmem:s13+$0x97F0];
	v6 =	vadd.f32 v58, v6  }
0x255: {  	v63 =	vld [tilespmem:s13+$0x98E0];
	v11 =	vadd.f32 v11, v16;
	v9 =	vmul.f32 v35, v2;
	v7 =	vadd.f32 v33, v7  }
0x256: {  	v42 =	vld [tilespmem:s2+$0xBC50];
	v5 =	vadd.f32 v14, v5;
	v6 =	vadd.f32 v59, v6  }
0x257: {  	v43 =	vld [tilespmem:s13+$0x98F0];
	v9 =	vadd.f32 v9, v11;
	v12 =	vmul.f32 v38, v3;
	v7 =	vadd.f32 v37, v7  }
0x258: {  	v44 =	vld [tilespmem:s2+$0xBC60];
	v5 =	vadd.f32 v50, v5;
	v6 =	vadd.f32 v60, v6  }
0x259: {  	v9 =	vadd.f32 v12, v9;
	v45 =	vmul.f32 v40, v4;
	v7 =	vadd.f32 v39, v7  }
0x25a: {  	v46 =	vld [tilespmem:s2+$0xBC70];
	v6 =	vadd.f32 v63, v6  }
0x25b: {  	v47 =	vmul.f32 v42, v5;
	v9 =	vadd.f32 v45, v9;
	v7 =	vadd.f32 v41, v7;
	_ =	sdelay $0x1  }
0x25c: {  	v8 =	vmul.f32 v44, v6;
	v9 =	vadd.f32 v47, v9;
	v7 =	vadd.f32 v43, v7;
	_ =	sdelay $0x1  }
0x25d: {  	v8 =	vadd.f32 v8, v9;
	v48 =	vmul.f32 v46, v7;
	_ =	sdelay $0x1  }
0x25e: {  	s31 =	smul.u32 $0x2800, s0;
	v8 =	vadd.f32 v48, v8;
	_ =	sdelay $0x1  }
0x25f: {  	s13 =	sshra.s32 s31, $0x2;
	[tilespmem:s2+$0x11C00] =	vst v8  }
0x260: {  	v8 =	vld [tilespmem:s13+$0xC000]  }
0x261: {  	v49 =	vld [tilespmem:s13+$0xC010];
	_ =	sdelay $0x1  }
0x262: {  	v50 =	vld [tilespmem:s13+$0xC020];
	_ =	sdelay $0x1  }
0x263: {  	v51 =	vld [tilespmem:s13+$0xC030]  }
0x264: {  	v8 =	vmul.f32 v8, v0;
	v9 =	vmul.f32 v49, v1  }
0x265: {  	v52 =	vld [tilespmem:s13+$0xC040]  }
0x266: {  	v53 =	vmul.f32 v50, v2;
	v8 =	vadd.f32 v9, v8  }
0x267: {  	v54 =	vld [tilespmem:s13+$0xC050]  }
0x268: {  	v55 =	vmul.f32 v51, v3;
	v8 =	vadd.f32 v53, v8  }
0x269: {  	v56 =	vld [tilespmem:s13+$0xC060]  }
0x26a: {  	v57 =	vmul.f32 v52, v4;
	v8 =	vadd.f32 v55, v8  }
0x26b: {  	v58 =	vld [tilespmem:s13+$0xC070]  }
0x26c: {  	v59 =	vmul.f32 v54, v5;
	v8 =	vadd.f32 v57, v8;
	_ =	sdelay $0x1  }
0x26d: {  	v60 =	vmul.f32 v56, v6;
	v8 =	vadd.f32 v59, v8;
	_ =	sdelay $0x1  }
0x26e: {  	v61 =	vmul.f32 v58, v7;
	v8 =	vadd.f32 v60, v8;
	_ =	sdelay $0x1  }
0x26f: {  	v8 =	vadd.f32 v61, v8;
	_ =	sdelay $0x1  }
0x270: {  	[tilespmem:s2+$0x11C10] =	vst v8  }
0x271: {  	v8 =	vld [tilespmem:s13+$0xC080]  }
0x272: {  	v62 =	vld [tilespmem:s13+$0xC090];
	_ =	sdelay $0x1  }
0x273: {  	v63 =	vld [tilespmem:s13+$0xC0A0];
	_ =	sdelay $0x1  }
0x274: {  	v16 =	vld [tilespmem:s13+$0xC0B0]  }
0x275: {  	v8 =	vmul.f32 v8, v0;
	v9 =	vmul.f32 v62, v1  }
0x276: {  	v17 =	vld [tilespmem:s13+$0xC0C0]  }
0x277: {  	v18 =	vmul.f32 v63, v2;
	v8 =	vadd.f32 v9, v8  }
0x278: {  	v19 =	vld [tilespmem:s13+$0xC0D0]  }
0x279: {  	v20 =	vmul.f32 v16, v3;
	v8 =	vadd.f32 v18, v8  }
0x27a: {  	v21 =	vld [tilespmem:s13+$0xC0E0]  }
0x27b: {  	v22 =	vmul.f32 v17, v4;
	v8 =	vadd.f32 v20, v8  }
0x27c: {  	v23 =	vld [tilespmem:s13+$0xC0F0]  }
0x27d: {  	v24 =	vmul.f32 v19, v5;
	v8 =	vadd.f32 v22, v8;
	_ =	sdelay $0x1  }
0x27e: {  	v25 =	vmul.f32 v21, v6;
	v8 =	vadd.f32 v24, v8;
	_ =	sdelay $0x1  }
0x27f: {  	v26 =	vmul.f32 v23, v7;
	v8 =	vadd.f32 v25, v8;
	_ =	sdelay $0x1  }
0x280: {  	v8 =	vadd.f32 v26, v8;
	_ =	sdelay $0x1  }
0x281: {  	[tilespmem:s2+$0x11C20] =	vst v8  }
0x282: {  	v8 =	vld [tilespmem:s13+$0xC100]  }
0x283: {  	v27 =	vld [tilespmem:s13+$0xC110];
	_ =	sdelay $0x1  }
0x284: {  	v28 =	vld [tilespmem:s13+$0xC120];
	_ =	sdelay $0x1  }
0x285: {  	v29 =	vld [tilespmem:s13+$0xC130]  }
0x286: {  	v8 =	vmul.f32 v8, v0;
	v9 =	vmul.f32 v27, v1  }
0x287: {  	v30 =	vld [tilespmem:s13+$0xC140]  }
0x288: {  	v31 =	vmul.f32 v28, v2;
	v8 =	vadd.f32 v9, v8  }
0x289: {  	v32 =	vld [tilespmem:s13+$0xC150]  }
0x28a: {  	v33 =	vmul.f32 v29, v3;
	v8 =	vadd.f32 v31, v8  }
0x28b: {  	v34 =	vld [tilespmem:s13+$0xC160]  }
0x28c: {  	v35 =	vmul.f32 v30, v4;
	v8 =	vadd.f32 v33, v8  }
0x28d: {  	v36 =	vld [tilespmem:s13+$0xC170]  }
0x28e: {  	v37 =	vmul.f32 v32, v5;
	v8 =	vadd.f32 v35, v8;
	_ =	sdelay $0x1  }
0x28f: {  	v38 =	vmul.f32 v34, v6;
	v8 =	vadd.f32 v37, v8;
	_ =	sdelay $0x1  }
0x290: {  	v39 =	vmul.f32 v36, v7;
	v8 =	vadd.f32 v38, v8;
	_ =	sdelay $0x1  }
0x291: {  	v8 =	vadd.f32 v39, v8;
	_ =	sdelay $0x1  }
0x292: {  	[tilespmem:s2+$0x11C30] =	vst v8  }
0x293: {  	v8 =	vld [tilespmem:s13+$0xC180]  }
0x294: {  	v40 =	vld [tilespmem:s13+$0xC190];
	_ =	sdelay $0x1  }
0x295: {  	v41 =	vld [tilespmem:s13+$0xC1A0];
	_ =	sdelay $0x1  }
0x296: {  	v42 =	vld [tilespmem:s13+$0xC1B0]  }
0x297: {  	v8 =	vmul.f32 v8, v0;
	v9 =	vmul.f32 v40, v1  }
0x298: {  	v43 =	vld [tilespmem:s13+$0xC1C0]  }
0x299: {  	v44 =	vmul.f32 v41, v2;
	v8 =	vadd.f32 v9, v8  }
0x29a: {  	v45 =	vld [tilespmem:s13+$0xC1D0]  }
0x29b: {  	v46 =	vmul.f32 v42, v3;
	v8 =	vadd.f32 v44, v8  }
0x29c: {  	v47 =	vld [tilespmem:s13+$0xC1E0]  }
0x29d: {  	v48 =	vmul.f32 v43, v4;
	v8 =	vadd.f32 v46, v8  }
0x29e: {  	v49 =	vld [tilespmem:s13+$0xC1F0]  }
0x29f: {  	v50 =	vmul.f32 v45, v5;
	v8 =	vadd.f32 v48, v8;
	_ =	sdelay $0x1  }
0x2a0: {  	v51 =	vmul.f32 v47, v6;
	v8 =	vadd.f32 v50, v8;
	_ =	sdelay $0x1  }
0x2a1: {  	v52 =	vmul.f32 v49, v7;
	v8 =	vadd.f32 v51, v8;
	_ =	sdelay $0x1  }
0x2a2: {  	v8 =	vadd.f32 v52, v8;
	_ =	sdelay $0x1  }
0x2a3: {  	[tilespmem:s2+$0x11C40] =	vst v8  }
0x2a4: {  	v8 =	vld [tilespmem:s13+$0xC200]  }
0x2a5: {  	v53 =	vld [tilespmem:s13+$0xC210];
	_ =	sdelay $0x1  }
0x2a6: {  	v54 =	vld [tilespmem:s13+$0xC220];
	_ =	sdelay $0x1  }
0x2a7: {  	v55 =	vld [tilespmem:s13+$0xC230]  }
0x2a8: {  	v8 =	vmul.f32 v8, v0;
	v9 =	vmul.f32 v53, v1  }
0x2a9: {  	v56 =	vld [tilespmem:s13+$0xC240]  }
0x2aa: {  	v57 =	vmul.f32 v54, v2;
	v8 =	vadd.f32 v9, v8  }
0x2ab: {  	v58 =	vld [tilespmem:s13+$0xC250]  }
0x2ac: {  	v59 =	vmul.f32 v55, v3;
	v8 =	vadd.f32 v57, v8  }
0x2ad: {  	v60 =	vld [tilespmem:s13+$0xC260]  }
0x2ae: {  	v61 =	vmul.f32 v56, v4;
	v8 =	vadd.f32 v59, v8  }
0x2af: {  	v62 =	vld [tilespmem:s13+$0xC270]  }
0x2b0: {  	v63 =	vmul.f32 v58, v5;
	v8 =	vadd.f32 v61, v8;
	_ =	sdelay $0x1  }
0x2b1: {  	v13 =	vmul.f32 v60, v6;
	v8 =	vadd.f32 v63, v8;
	_ =	sdelay $0x1  }
0x2b2: {  	v14 =	vmul.f32 v62, v7;
	v8 =	vadd.f32 v13, v8;
	_ =	sdelay $0x1  }
0x2b3: {  	v8 =	vadd.f32 v14, v8;
	_ =	sdelay $0x1  }
0x2b4: {  	[tilespmem:s2+$0x11C50] =	vst v8  }
0x2b5: {  	v8 =	vld [tilespmem:s13+$0xC280]  }
0x2b6: {  	v15 =	vld [tilespmem:s13+$0xC290];
	_ =	sdelay $0x1  }
0x2b7: {  	v16 =	vld [tilespmem:s13+$0xC2A0];
	_ =	sdelay $0x1  }
0x2b8: {  	v17 =	vld [tilespmem:s13+$0xC2B0]  }
0x2b9: {  	v8 =	vmul.f32 v8, v0;
	v9 =	vmul.f32 v15, v1  }
0x2ba: {  	v18 =	vld [tilespmem:s13+$0xC2C0]  }
0x2bb: {  	v19 =	vmul.f32 v16, v2;
	v8 =	vadd.f32 v9, v8  }
0x2bc: {  	v20 =	vld [tilespmem:s13+$0xC2D0]  }
0x2bd: {  	v21 =	vmul.f32 v17, v3;
	v8 =	vadd.f32 v19, v8  }
0x2be: {  	v22 =	vld [tilespmem:s13+$0xC2E0]  }
0x2bf: {  	v23 =	vmul.f32 v18, v4;
	v8 =	vadd.f32 v21, v8  }
0x2c0: {  	v24 =	vld [tilespmem:s13+$0xC2F0]  }
0x2c1: {  	v25 =	vmul.f32 v20, v5;
	v8 =	vadd.f32 v23, v8;
	_ =	sdelay $0x1  }
0x2c2: {  	v26 =	vmul.f32 v22, v6;
	v8 =	vadd.f32 v25, v8;
	_ =	sdelay $0x1  }
0x2c3: {  	v27 =	vmul.f32 v24, v7;
	v8 =	vadd.f32 v26, v8;
	_ =	sdelay $0x1  }
0x2c4: {  	v8 =	vadd.f32 v27, v8;
	_ =	sdelay $0x1  }
0x2c5: {  	[tilespmem:s2+$0x11C60] =	vst v8  }
0x2c6: {  	v8 =	vld [tilespmem:s13+$0xC300]  }
0x2c7: {  	v28 =	vld [tilespmem:s13+$0xC310];
	_ =	sdelay $0x1  }
0x2c8: {  	v29 =	vld [tilespmem:s13+$0xC320];
	_ =	sdelay $0x1  }
0x2c9: {  	v30 =	vld [tilespmem:s13+$0xC330]  }
0x2ca: {  	v8 =	vmul.f32 v8, v0;
	v9 =	vmul.f32 v28, v1  }
0x2cb: {  	v31 =	vld [tilespmem:s13+$0xC340]  }
0x2cc: {  	v32 =	vmul.f32 v29, v2;
	v8 =	vadd.f32 v9, v8  }
0x2cd: {  	v33 =	vld [tilespmem:s13+$0xC350]  }
0x2ce: {  	v34 =	vmul.f32 v30, v3;
	v8 =	vadd.f32 v32, v8  }
0x2cf: {  	v35 =	vld [tilespmem:s13+$0xC360]  }
0x2d0: {  	v36 =	vmul.f32 v31, v4;
	v8 =	vadd.f32 v34, v8  }
0x2d1: {  	v37 =	vld [tilespmem:s13+$0xC370]  }
0x2d2: {  	v38 =	vmul.f32 v33, v5;
	v8 =	vadd.f32 v36, v8;
	_ =	sdelay $0x1  }
0x2d3: {  	v39 =	vmul.f32 v35, v6;
	v8 =	vadd.f32 v38, v8;
	_ =	sdelay $0x1  }
0x2d4: {  	v40 =	vmul.f32 v37, v7;
	v8 =	vadd.f32 v39, v8;
	_ =	sdelay $0x1  }
0x2d5: {  	v8 =	vadd.f32 v40, v8;
	_ =	sdelay $0x1  }
0x2d6: {  	[tilespmem:s2+$0x11C70] =	vst v8  }
0x2d7: {  	v8 =	vld [tilespmem:s13+$0xC380]  }
0x2d8: {  	v41 =	vld [tilespmem:s13+$0xC390];
	_ =	sdelay $0x1  }
0x2d9: {  	v42 =	vld [tilespmem:s13+$0xC3A0];
	_ =	sdelay $0x1  }
0x2da: {  	v43 =	vld [tilespmem:s13+$0xC3B0]  }
0x2db: {  	v8 =	vmul.f32 v8, v0;
	v9 =	vmul.f32 v41, v1  }
0x2dc: {  	v44 =	vld [tilespmem:s13+$0xC3C0]  }
0x2dd: {  	v45 =	vmul.f32 v42, v2;
	v8 =	vadd.f32 v9, v8  }
0x2de: {  	v46 =	vld [tilespmem:s13+$0xC3D0]  }
0x2df: {  	v47 =	vmul.f32 v43, v3;
	v8 =	vadd.f32 v45, v8  }
0x2e0: {  	v48 =	vld [tilespmem:s13+$0xC3E0]  }
0x2e1: {  	v49 =	vmul.f32 v44, v4;
	v8 =	vadd.f32 v47, v8  }
0x2e2: {  	v50 =	vld [tilespmem:s13+$0xC3F0]  }
0x2e3: {  	v51 =	vmul.f32 v46, v5;
	v8 =	vadd.f32 v49, v8;
	_ =	sdelay $0x1  }
0x2e4: {  	v52 =	vmul.f32 v48, v6;
	v8 =	vadd.f32 v51, v8;
	_ =	sdelay $0x1  }
0x2e5: {  	v53 =	vmul.f32 v50, v7;
	v8 =	vadd.f32 v52, v8;
	_ =	sdelay $0x1  }
0x2e6: {  	v8 =	vadd.f32 v53, v8;
	_ =	sdelay $0x1  }
0x2e7: {  	[tilespmem:s2+$0x12000] =	vst v8  }
0x2e8: {  	v8 =	vld [tilespmem:s13+$0xC400]  }
0x2e9: {  	v54 =	vld [tilespmem:s13+$0xC410];
	_ =	sdelay $0x1  }
0x2ea: {  	v55 =	vld [tilespmem:s13+$0xC420];
	_ =	sdelay $0x1  }
0x2eb: {  	v56 =	vld [tilespmem:s13+$0xC430]  }
0x2ec: {  	v8 =	vmul.f32 v8, v0;
	v9 =	vmul.f32 v54, v1  }
0x2ed: {  	v57 =	vld [tilespmem:s13+$0xC440]  }
0x2ee: {  	v58 =	vmul.f32 v55, v2;
	v8 =	vadd.f32 v9, v8  }
0x2ef: {  	v59 =	vld [tilespmem:s13+$0xC450]  }
0x2f0: {  	v60 =	vmul.f32 v56, v3;
	v8 =	vadd.f32 v58, v8  }
0x2f1: {  	v61 =	vld [tilespmem:s13+$0xC460]  }
0x2f2: {  	v62 =	vmul.f32 v57, v4;
	v8 =	vadd.f32 v60, v8  }
0x2f3: {  	v63 =	vld [tilespmem:s13+$0xC470]  }
0x2f4: {  	v14 =	vmul.f32 v59, v5;
	v8 =	vadd.f32 v62, v8;
	_ =	sdelay $0x1  }
0x2f5: {  	v15 =	vmul.f32 v61, v6;
	v8 =	vadd.f32 v14, v8;
	_ =	sdelay $0x1  }
0x2f6: {  	v16 =	vmul.f32 v63, v7;
	v8 =	vadd.f32 v15, v8;
	_ =	sdelay $0x1  }
0x2f7: {  	v8 =	vadd.f32 v16, v8;
	_ =	sdelay $0x1  }
0x2f8: {  	[tilespmem:s2+$0x12010] =	vst v8  }
0x2f9: {  	v8 =	vld [tilespmem:s13+$0xC480]  }
0x2fa: {  	v17 =	vld [tilespmem:s13+$0xC490];
	_ =	sdelay $0x1  }
0x2fb: {  	v18 =	vld [tilespmem:s13+$0xC4A0];
	_ =	sdelay $0x1  }
0x2fc: {  	v19 =	vld [tilespmem:s13+$0xC4B0]  }
0x2fd: {  	v8 =	vmul.f32 v8, v0;
	v9 =	vmul.f32 v17, v1  }
0x2fe: {  	v20 =	vld [tilespmem:s13+$0xC4C0]  }
0x2ff: {  	v21 =	vmul.f32 v18, v2;
	v8 =	vadd.f32 v9, v8  }
0x300: {  	v22 =	vld [tilespmem:s13+$0xC4D0]  }
0x301: {  	v23 =	vmul.f32 v19, v3;
	v8 =	vadd.f32 v21, v8  }
0x302: {  	v24 =	vld [tilespmem:s13+$0xC4E0]  }
0x303: {  	v25 =	vmul.f32 v20, v4;
	v8 =	vadd.f32 v23, v8  }
0x304: {  	v26 =	vld [tilespmem:s13+$0xC4F0]  }
0x305: {  	v27 =	vmul.f32 v22, v5;
	v8 =	vadd.f32 v25, v8;
	_ =	sdelay $0x1  }
0x306: {  	v28 =	vmul.f32 v24, v6;
	v8 =	vadd.f32 v27, v8;
	_ =	sdelay $0x1  }
0x307: {  	v29 =	vmul.f32 v26, v7;
	v8 =	vadd.f32 v28, v8;
	_ =	sdelay $0x1  }
0x308: {  	v8 =	vadd.f32 v29, v8;
	_ =	sdelay $0x1  }
0x309: {  	[tilespmem:s2+$0x12020] =	vst v8  }
0x30a: {  	v8 =	vld [tilespmem:s13+$0xC500]  }
0x30b: {  	v30 =	vld [tilespmem:s13+$0xC510];
	_ =	sdelay $0x1  }
0x30c: {  	v31 =	vld [tilespmem:s13+$0xC520];
	_ =	sdelay $0x1  }
0x30d: {  	v32 =	vld [tilespmem:s13+$0xC530]  }
0x30e: {  	v8 =	vmul.f32 v8, v0;
	v9 =	vmul.f32 v30, v1  }
0x30f: {  	v33 =	vld [tilespmem:s13+$0xC540]  }
0x310: {  	v34 =	vmul.f32 v31, v2;
	v8 =	vadd.f32 v9, v8  }
0x311: {  	v35 =	vld [tilespmem:s13+$0xC550]  }
0x312: {  	v36 =	vmul.f32 v32, v3;
	v8 =	vadd.f32 v34, v8  }
0x313: {  	v37 =	vld [tilespmem:s13+$0xC560]  }
0x314: {  	v38 =	vmul.f32 v33, v4;
	v8 =	vadd.f32 v36, v8  }
0x315: {  	v39 =	vld [tilespmem:s13+$0xC570]  }
0x316: {  	v40 =	vmul.f32 v35, v5;
	v8 =	vadd.f32 v38, v8;
	_ =	sdelay $0x1  }
0x317: {  	v41 =	vmul.f32 v37, v6;
	v8 =	vadd.f32 v40, v8;
	_ =	sdelay $0x1  }
0x318: {  	v42 =	vmul.f32 v39, v7;
	v8 =	vadd.f32 v41, v8;
	_ =	sdelay $0x1  }
0x319: {  	v8 =	vadd.f32 v42, v8;
	_ =	sdelay $0x1  }
0x31a: {  	[tilespmem:s2+$0x12030] =	vst v8  }
0x31b: {  	v8 =	vld [tilespmem:s13+$0xC580]  }
0x31c: {  	v43 =	vld [tilespmem:s13+$0xC590];
	_ =	sdelay $0x1  }
0x31d: {  	v44 =	vld [tilespmem:s13+$0xC5A0];
	_ =	sdelay $0x1  }
0x31e: {  	v45 =	vld [tilespmem:s13+$0xC5B0]  }
0x31f: {  	v8 =	vmul.f32 v8, v0;
	v9 =	vmul.f32 v43, v1  }
0x320: {  	v46 =	vld [tilespmem:s13+$0xC5C0]  }
0x321: {  	v47 =	vmul.f32 v44, v2;
	v8 =	vadd.f32 v9, v8  }
0x322: {  	v48 =	vld [tilespmem:s13+$0xC5D0]  }
0x323: {  	v49 =	vmul.f32 v45, v3;
	v8 =	vadd.f32 v47, v8  }
0x324: {  	v50 =	vld [tilespmem:s13+$0xC5E0]  }
0x325: {  	v51 =	vmul.f32 v46, v4;
	v8 =	vadd.f32 v49, v8  }
0x326: {  	v52 =	vld [tilespmem:s13+$0xC5F0]  }
0x327: {  	v53 =	vmul.f32 v48, v5;
	v8 =	vadd.f32 v51, v8;
	_ =	sdelay $0x1  }
0x328: {  	v54 =	vmul.f32 v50, v6;
	v8 =	vadd.f32 v53, v8;
	_ =	sdelay $0x1  }
0x329: {  	v55 =	vmul.f32 v52, v7;
	v8 =	vadd.f32 v54, v8;
	_ =	sdelay $0x1  }
0x32a: {  	v8 =	vadd.f32 v55, v8;
	_ =	sdelay $0x1  }
0x32b: {  	[tilespmem:s2+$0x12040] =	vst v8  }
0x32c: {  	v8 =	vld [tilespmem:s13+$0xC600]  }
0x32d: {  	v56 =	vld [tilespmem:s13+$0xC610];
	_ =	sdelay $0x1  }
0x32e: {  	v57 =	vld [tilespmem:s13+$0xC620];
	_ =	sdelay $0x1  }
0x32f: {  	v58 =	vld [tilespmem:s13+$0xC630]  }
0x330: {  	v8 =	vmul.f32 v8, v0;
	v9 =	vmul.f32 v56, v1  }
0x331: {  	v59 =	vld [tilespmem:s13+$0xC640]  }
0x332: {  	v60 =	vmul.f32 v57, v2;
	v8 =	vadd.f32 v9, v8  }
0x333: {  	v61 =	vld [tilespmem:s13+$0xC650]  }
0x334: {  	v62 =	vmul.f32 v58, v3;
	v8 =	vadd.f32 v60, v8  }
0x335: {  	v63 =	vld [tilespmem:s13+$0xC660]  }
0x336: {  	v16 =	vmul.f32 v59, v4;
	v8 =	vadd.f32 v62, v8  }
0x337: {  	v17 =	vld [tilespmem:s13+$0xC670]  }
0x338: {  	v18 =	vmul.f32 v61, v5;
	v8 =	vadd.f32 v16, v8;
	_ =	sdelay $0x1  }
0x339: {  	v19 =	vmul.f32 v63, v6;
	v8 =	vadd.f32 v18, v8;
	_ =	sdelay $0x1  }
0x33a: {  	v20 =	vmul.f32 v17, v7;
	v8 =	vadd.f32 v19, v8;
	_ =	sdelay $0x1  }
0x33b: {  	v8 =	vadd.f32 v20, v8;
	_ =	sdelay $0x1  }
0x33c: {  	[tilespmem:s2+$0x12050] =	vst v8  }
0x33d: {  	v8 =	vld [tilespmem:s13+$0xC680]  }
0x33e: {  	v21 =	vld [tilespmem:s13+$0xC690];
	_ =	sdelay $0x1  }
0x33f: {  	v22 =	vld [tilespmem:s13+$0xC6A0];
	_ =	sdelay $0x1  }
0x340: {  	v23 =	vld [tilespmem:s13+$0xC6B0]  }
0x341: {  	v8 =	vmul.f32 v8, v0;
	v9 =	vmul.f32 v21, v1  }
0x342: {  	v24 =	vld [tilespmem:s13+$0xC6C0]  }
0x343: {  	v25 =	vmul.f32 v22, v2;
	v8 =	vadd.f32 v9, v8  }
0x344: {  	v26 =	vld [tilespmem:s13+$0xC6D0]  }
0x345: {  	v27 =	vmul.f32 v23, v3;
	v8 =	vadd.f32 v25, v8  }
0x346: {  	v28 =	vld [tilespmem:s13+$0xC6E0]  }
0x347: {  	v29 =	vmul.f32 v24, v4;
	v8 =	vadd.f32 v27, v8  }
0x348: {  	v30 =	vld [tilespmem:s13+$0xC6F0]  }
0x349: {  	v31 =	vmul.f32 v26, v5;
	v8 =	vadd.f32 v29, v8;
	_ =	sdelay $0x1  }
0x34a: {  	v32 =	vmul.f32 v28, v6;
	v8 =	vadd.f32 v31, v8;
	_ =	sdelay $0x1  }
0x34b: {  	v33 =	vmul.f32 v30, v7;
	v8 =	vadd.f32 v32, v8;
	_ =	sdelay $0x1  }
0x34c: {  	v8 =	vadd.f32 v33, v8;
	_ =	sdelay $0x1  }
0x34d: {  	[tilespmem:s2+$0x12060] =	vst v8  }
0x34e: {  	v8 =	vld [tilespmem:s13+$0xC700]  }
0x34f: {  	v34 =	vld [tilespmem:s13+$0xC710];
	_ =	sdelay $0x1  }
0x350: {  	v35 =	vld [tilespmem:s13+$0xC720];
	_ =	sdelay $0x1  }
0x351: {  	v36 =	vld [tilespmem:s13+$0xC730]  }
0x352: {  	v8 =	vmul.f32 v8, v0;
	v9 =	vmul.f32 v34, v1  }
0x353: {  	v37 =	vld [tilespmem:s13+$0xC740]  }
0x354: {  	v38 =	vmul.f32 v35, v2;
	v8 =	vadd.f32 v9, v8  }
0x355: {  	v39 =	vld [tilespmem:s13+$0xC750]  }
0x356: {  	v40 =	vmul.f32 v36, v3;
	v8 =	vadd.f32 v38, v8  }
0x357: {  	v41 =	vld [tilespmem:s13+$0xC760]  }
0x358: {  	v42 =	vmul.f32 v37, v4;
	v8 =	vadd.f32 v40, v8  }
0x359: {  	v43 =	vld [tilespmem:s13+$0xC770]  }
0x35a: {  	v44 =	vmul.f32 v39, v5;
	v8 =	vadd.f32 v42, v8;
	_ =	sdelay $0x1  }
0x35b: {  	v45 =	vmul.f32 v41, v6;
	v8 =	vadd.f32 v44, v8;
	_ =	sdelay $0x1  }
0x35c: {  	v46 =	vmul.f32 v43, v7;
	v8 =	vadd.f32 v45, v8;
	_ =	sdelay $0x1  }
0x35d: {  	v8 =	vadd.f32 v46, v8;
	_ =	sdelay $0x1  }
0x35e: {  	[tilespmem:s2+$0x12070] =	vst v8  }
0x35f: {  	v8 =	vld [tilespmem:s13+$0xC780]  }
0x360: {  	v47 =	vld [tilespmem:s13+$0xC790];
	_ =	sdelay $0x1  }
0x361: {  	v48 =	vld [tilespmem:s13+$0xC7A0];
	_ =	sdelay $0x1  }
0x362: {  	v49 =	vld [tilespmem:s13+$0xC7B0]  }
0x363: {  	v8 =	vmul.f32 v8, v0;
	v9 =	vmul.f32 v47, v1  }
0x364: {  	v50 =	vld [tilespmem:s13+$0xC7C0]  }
0x365: {  	v51 =	vmul.f32 v48, v2;
	v8 =	vadd.f32 v9, v8  }
0x366: {  	v52 =	vld [tilespmem:s13+$0xC7D0]  }
0x367: {  	v53 =	vmul.f32 v49, v3;
	v8 =	vadd.f32 v51, v8  }
0x368: {  	v54 =	vld [tilespmem:s13+$0xC7E0]  }
0x369: {  	v55 =	vmul.f32 v50, v4;
	v8 =	vadd.f32 v53, v8  }
0x36a: {  	v56 =	vld [tilespmem:s13+$0xC7F0]  }
0x36b: {  	v57 =	vmul.f32 v52, v5;
	v8 =	vadd.f32 v55, v8;
	_ =	sdelay $0x1  }
0x36c: {  	v58 =	vmul.f32 v54, v6;
	v8 =	vadd.f32 v57, v8;
	_ =	sdelay $0x1  }
0x36d: {  	v59 =	vmul.f32 v56, v7;
	v8 =	vadd.f32 v58, v8;
	_ =	sdelay $0x1  }
0x36e: {  	v8 =	vadd.f32 v59, v8;
	_ =	sdelay $0x1  }
0x36f: {  	[tilespmem:s2+$0x12400] =	vst v8  }
0x370: {  	v8 =	vld [tilespmem:s13+$0xC800]  }
0x371: {  	v60 =	vld [tilespmem:s13+$0xC810];
	_ =	sdelay $0x1  }
0x372: {  	v61 =	vld [tilespmem:s13+$0xC820];
	_ =	sdelay $0x1  }
0x373: {  	v62 =	vld [tilespmem:s13+$0xC830]  }
0x374: {  	v8 =	vmul.f32 v8, v0;
	v9 =	vmul.f32 v60, v1  }
0x375: {  	v63 =	vld [tilespmem:s13+$0xC840]  }
0x376: {  	v16 =	vmul.f32 v61, v2;
	v8 =	vadd.f32 v9, v8  }
0x377: {  	v17 =	vld [tilespmem:s13+$0xC850]  }
0x378: {  	v18 =	vmul.f32 v62, v3;
	v8 =	vadd.f32 v16, v8  }
0x379: {  	v19 =	vld [tilespmem:s13+$0xC860]  }
0x37a: {  	v20 =	vmul.f32 v63, v4;
	v8 =	vadd.f32 v18, v8  }
0x37b: {  	v21 =	vld [tilespmem:s13+$0xC870]  }
0x37c: {  	v22 =	vmul.f32 v17, v5;
	v8 =	vadd.f32 v20, v8;
	_ =	sdelay $0x1  }
0x37d: {  	v23 =	vmul.f32 v19, v6;
	v8 =	vadd.f32 v22, v8;
	_ =	sdelay $0x1  }
0x37e: {  	v24 =	vmul.f32 v21, v7;
	v8 =	vadd.f32 v23, v8;
	_ =	sdelay $0x1  }
0x37f: {  	v8 =	vadd.f32 v24, v8;
	_ =	sdelay $0x1  }
0x380: {  	[tilespmem:s2+$0x12410] =	vst v8  }
0x381: {  	v8 =	vld [tilespmem:s13+$0xC880]  }
0x382: {  	v25 =	vld [tilespmem:s13+$0xC890];
	_ =	sdelay $0x1  }
0x383: {  	v26 =	vld [tilespmem:s13+$0xC8A0];
	_ =	sdelay $0x1  }
0x384: {  	v27 =	vld [tilespmem:s13+$0xC8B0]  }
0x385: {  	v8 =	vmul.f32 v8, v0;
	v9 =	vmul.f32 v25, v1  }
0x386: {  	v28 =	vld [tilespmem:s13+$0xC8C0]  }
0x387: {  	v29 =	vmul.f32 v26, v2;
	v8 =	vadd.f32 v9, v8  }
0x388: {  	v30 =	vld [tilespmem:s13+$0xC8D0]  }
0x389: {  	v31 =	vmul.f32 v27, v3;
	v8 =	vadd.f32 v29, v8  }
0x38a: {  	v32 =	vld [tilespmem:s13+$0xC8E0]  }
0x38b: {  	v33 =	vmul.f32 v28, v4;
	v8 =	vadd.f32 v31, v8  }
0x38c: {  	v34 =	vld [tilespmem:s13+$0xC8F0]  }
0x38d: {  	v35 =	vmul.f32 v30, v5;
	v8 =	vadd.f32 v33, v8;
	_ =	sdelay $0x1  }
0x38e: {  	v36 =	vmul.f32 v32, v6;
	v8 =	vadd.f32 v35, v8;
	_ =	sdelay $0x1  }
0x38f: {  	v37 =	vmul.f32 v34, v7;
	v8 =	vadd.f32 v36, v8;
	_ =	sdelay $0x1  }
0x390: {  	v8 =	vadd.f32 v37, v8;
	_ =	sdelay $0x1  }
0x391: {  	[tilespmem:s2+$0x12420] =	vst v8  }
0x392: {  	v8 =	vld [tilespmem:s13+$0xC900]  }
0x393: {  	v38 =	vld [tilespmem:s13+$0xC910];
	_ =	sdelay $0x1  }
0x394: {  	v39 =	vld [tilespmem:s13+$0xC920];
	_ =	sdelay $0x1  }
0x395: {  	v40 =	vld [tilespmem:s13+$0xC930]  }
0x396: {  	v8 =	vmul.f32 v8, v0;
	v9 =	vmul.f32 v38, v1  }
0x397: {  	v41 =	vld [tilespmem:s13+$0xC940]  }
0x398: {  	v42 =	vmul.f32 v39, v2;
	v8 =	vadd.f32 v9, v8  }
0x399: {  	v43 =	vld [tilespmem:s13+$0xC950]  }
0x39a: {  	v44 =	vmul.f32 v40, v3;
	v8 =	vadd.f32 v42, v8  }
0x39b: {  	v45 =	vld [tilespmem:s13+$0xC960]  }
0x39c: {  	v46 =	vmul.f32 v41, v4;
	v8 =	vadd.f32 v44, v8  }
0x39d: {  	v47 =	vld [tilespmem:s13+$0xC970]  }
0x39e: {  	v48 =	vmul.f32 v43, v5;
	v8 =	vadd.f32 v46, v8;
	_ =	sdelay $0x1  }
0x39f: {  	v49 =	vmul.f32 v45, v6;
	v8 =	vadd.f32 v48, v8;
	_ =	sdelay $0x1  }
0x3a0: {  	v50 =	vmul.f32 v47, v7;
	v8 =	vadd.f32 v49, v8;
	_ =	sdelay $0x1  }
0x3a1: {  	v8 =	vadd.f32 v50, v8;
	_ =	sdelay $0x1  }
0x3a2: {  	[tilespmem:s2+$0x12430] =	vst v8  }
0x3a3: {  	v8 =	vld [tilespmem:s13+$0xC980]  }
0x3a4: {  	v51 =	vld [tilespmem:s13+$0xC990];
	_ =	sdelay $0x1  }
0x3a5: {  	v52 =	vld [tilespmem:s13+$0xC9A0];
	_ =	sdelay $0x1  }
0x3a6: {  	v53 =	vld [tilespmem:s13+$0xC9B0]  }
0x3a7: {  	v0 =	vmul.f32 v8, v0;
	v1 =	vmul.f32 v51, v1  }
0x3a8: {  	v54 =	vld [tilespmem:s13+$0xC9C0]  }
0x3a9: {  	v55 =	vmul.f32 v52, v2;
	v0 =	vadd.f32 v1, v0  }
0x3aa: {  	v56 =	vld [tilespmem:s13+$0xC9D0]  }
0x3ab: {  	v57 =	vmul.f32 v53, v3;
	v0 =	vadd.f32 v55, v0  }
0x3ac: {  	v58 =	vld [tilespmem:s13+$0xC9E0]  }
0x3ad: {  	v59 =	vmul.f32 v54, v4;
	v0 =	vadd.f32 v57, v0  }
0x3ae: {  	v60 =	vld [tilespmem:s13+$0xC9F0]  }
0x3af: {  	v61 =	vmul.f32 v56, v5;
	v0 =	vadd.f32 v59, v0;
	_ =	sdelay $0x1  }
0x3b0: {  	v62 =	vmul.f32 v58, v6;
	v0 =	vadd.f32 v61, v0  }
0x3b1: {  	p0 =	sne.s32 s0, $0x7  }
.Ltmp1:
0x3b2: {  	v63 =	vmul.f32 v60, v7;
	v0 =	vadd.f32 v62, v0;
	(pc) =	sbr.rel @p0 .LBB2_5-.Ltmp1, $3  }
0x3b3: {  	_ = 	snop  }
0x3b4: {  	v0 =	vadd.f32 v63, v0;
	_ =	sdelay $0x1  }
0x3b5: {  	s0 =	sadd.s32 $0x1, s0;
	[tilespmem:s2+$0x12440] =	vst v0  }
0x3b6: {  	s29 =	sadd.s32 $0x1, s29  }
0x3b7: {  	p0 =	sne.s32 s29, $0x8  }
.Ltmp2:
0x3b8: {  	s0 =	sadd.s32 s6, s30;
	(pc) =	sbr.rel @p0 .LBB2_2-.Ltmp2, $3  }
0x3b9: {  	s0 =	smul.u32 $0x180, s0;
	_ =	sdelay $0x1  }
0x3ba: {  	s0 =	sadd.s32 s5, s0  }
0x3bb: {  	[hbm4b:s0+s4] =	stream.linear.scatter [tilespmem:s24], [sflag:$0x4], $0xC00, $0x38;
	[tilespmem:$0x12800] =	vst v63  }
0x3bc: {  	s28 =	sadd.s32 $0x1, s28  }
0x3bd: {  	_ =	swait.ge [sflag:s25], $0xC00;
	p0 =	sne.s32 s28, s9  }
.Ltmp3:
0x3be: {  	[sflag:s25] =	ssyncset.done $0x0;
	(pc) =	sbr.rel @p0 .LBB2_1-.Ltmp3, $4  }
0x3bf: {  	[sflag:s25] =	ssyncadd.s32 $0xFFFFF400  }
0x3c0: {  	_ =	swait.ge [sflag:s26], $0xC00  }
0x3c1: {  	[sflag:s26] =	ssyncset.done $0x0  }
0x3c2: {  	[sflag:s26] =	ssyncadd.s32 $0xFFFFF400  }
0x3c3: {  	_ =	sfence.sel $0x180000  }
0x3c4: {  	[bflag:$0x0] =	sbarrier.arrive $0xFFFF  }
0x3c5: {  	_ =	strace $0x90000047  }
0x3c6: {  	s0 =	stileid.u32;
	[bflag:$0x2] =	sbarrier.arrive $0xFFFF  }
0x3c7: {  	p0 =	sne.s32 s0, $0x0;
	s0 =	rddreg [dreg:$0x3]  }
0x3c8: {  	s0 =	sadd.s32 @!p0 $0x100000, s0  }
0x3c9: {  	[sflag:s0] =	ssyncadd.tile.s32 @!p0 $0x1;
	_ =	shalt  }
.Lfunc_end2:
_tile_overlayer_lowered:
.L_overlay_start_2:
0x3ca: {  	(tag) =	ssettag $0x2  }
0x3cb: {  	s0 =	rddreg [dreg:$0x0];
	s2 =	stileid.u32  }
0x3cc: {  	s1 =	rddreg [dreg:$0x1];
	p0 =	sne.s32 s2, $0x0  }
0x3cd: {  	s3 =	rddreg [dreg:$0x2];
	[bflag:$0x3] =	sbarrier.arrive $0xFFFF;
	s2 =	simm.s32 @!p0 $0x1C05  }
0x3ce: {  	[timem:s3], [sflag:s2] =	dma.local @!p0 [hbm:s0], s1  }
0x3cf: {  	s0 =	simm.s32 @!p0 $0x5  }
0x3d0: {  	_ =	swait.ge @!p0 [sflag:s0], s1  }
0x3d1: {  	s1 =	ssub.s32 @!p0 $0x0, s1;
	[sflag:s0] =	ssyncset.done @!p0 $0x0  }
0x3d2: {  	[sflag:s0] =	ssyncadd.s32 @!p0 s1  }
0x3d3: {  	[bflag:$0x3] =	sbarrier.arrive $0xFFFF  }
0x3d4: {  	_ =	shalt  }

</sc_bundles>
